<compile_context>
chip_gen: v7x
topology: tpu7x:2x2x1
jax: 0.10.2.dev20260603
libtpu: 0.0.44.dev20260713+nightly
codegen_flags: <defaults>
</compile_context>

<pallas_src>
import jax
import jax.numpy as jnp
from jax import lax
from jax.experimental import pallas as pl
from jax.experimental.pallas import tpu as pltpu
from jax.experimental.pallas import tpu_sc as plsc

N = 10000
E = 160000
D_IN = 256
D_OUT = 768
NC = 2
DCH = D_OUT // NC
NGRP = DCH // 32
NW = 32
NPW = 320
NP = NW * NPW
RB = 1024
EB = 2000
NB = E // EB
G = 64
GQ = G // 16
C_CAP = 8192
LIST_SZ = C_CAP + ((EB + 16 + G - 1) // G + 1) * G
DUMMY = NPW


def _lin_body(x_ref, w_ref, b_ref, *y_refs):
    y = lax.dot_general(x_ref[...], w_ref[...], (((1,), (1,)), ((), ())),
                        preferred_element_type=jnp.float32)
    y = jnp.maximum(y + b_ref[0, :], 0.0)
    for c in range(NC):
        y_refs[c][...] = y[:, c * DCH:(c + 1) * DCH].astype(jnp.bfloat16)


def _msg_linear(x_pad, W_lin, b2):
    return pl.pallas_call(
        _lin_body,
        grid=(NP // RB,),
        in_specs=[
            pl.BlockSpec((RB, D_IN), lambda i: (i, 0)),
            pl.BlockSpec((D_OUT, D_IN), lambda i: (0, 0)),
            pl.BlockSpec((1, D_OUT), lambda i: (0, 0)),
        ],
        out_specs=[pl.BlockSpec((RB, DCH), lambda i: (i, 0))] * NC,
        out_shape=[jax.ShapeDtypeStruct((NP, DCH), jnp.bfloat16)] * NC,
    )(x_pad, W_lin, b2)


def _segmax_body(y0, y1, src_hbm, dst_hbm,
                 o0, o1,
                 acc, lst, srcb0, dstb0, srcb1, dstb1, rb0, rb1, ix0, ix1,
                 sg0, sg1, ss0, ss1):
    wid = lax.axis_index("s") * 2 + lax.axis_index("c")
    base = wid * NPW
    iota = lax.broadcasted_iota(jnp.int32, (16,), 0)

    def zero_body(i, _):
        lst[pl.ds(i * 16, 16)] = jnp.full((16,), DUMMY, jnp.int32)
        return 0
    lax.fori_loop(0, LIST_SZ // 16, zero_body, 0)

    def stage_start(b, sb, db, sem):
        off = b * EB
        pltpu.make_async_copy(src_hbm.at[pl.ds(off, EB)], sb, sem).start()
        pltpu.make_async_copy(dst_hbm.at[pl.ds(off, EB)], db, sem).start()

    def stage_wait(b, sb, db, sem):
        off = b * EB
        pltpu.make_async_copy(src_hbm.at[pl.ds(off, EB)], sb, sem).wait()
        pltpu.make_async_copy(dst_hbm.at[pl.ds(off, EB)], db, sem).wait()

    def filt(sb, db, lbase, cnt):
        def fb(i, cn):
            d = db[pl.ds(i * 16, 16)]
            s = sb[pl.ds(i * 16, 16)]
            ldl = d - base
            m = (ldl >= 0) & (ldl < NPW)
            mi = jnp.where(m, 1, 0).astype(jnp.int32)
            incl = plsc.cumsum(mi)
            pos = (lbase + cn - 1) + incl
            plsc.store_scatter(lst, [pos], s * 512 + ldl, mask=m)
            return cn + incl[15]
        return lax.fori_loop(0, EB // 16, fb, cnt)

    def pad16(lbase, cnt):
        pos = lbase + cnt + iota
        plsc.store_scatter(lst, [pos], jnp.full((16,), DUMMY, jnp.int32))

    stage_start(0, srcb0, dstb0, ss0)

    def p1_body(p, carry):
        cnt, spill = carry

        def half(b, sb, db, sem, cnt, spill):
            newcnt = filt(sb, db, 0, cnt)
            ok = newcnt <= C_CAP
            cnt = jnp.where(ok, newcnt, cnt)
            spill = jnp.where((~ok) & (spill == NB), b, spill)
            return cnt, spill

        b0 = p * 2
        stage_start(b0 + 1, srcb1, dstb1, ss1)
        stage_wait(b0, srcb0, dstb0, ss0)
        cnt, spill = half(b0, srcb0, dstb0, ss0, cnt, spill)

        @pl.when(b0 + 2 < NB)
        def _():
            stage_start(b0 + 2, srcb0, dstb0, ss0)
        stage_wait(b0 + 1, srcb1, dstb1, ss1)
        cnt, spill = half(b0 + 1, srcb1, dstb1, ss1, cnt, spill)
        return cnt, spill

    cnt, spill = lax.fori_loop(0, NB // 2, p1_body,
                               (jnp.int32(0), jnp.int32(NB)))
    pad16(0, cnt)
    nq_main = (cnt + 15) // 16

    def run_waves(yc, ebase, nq):
        nw = (nq + GQ - 1) // GQ

        def issue(w, rbk, ixk, semk):
            def ub(i, _):
                pv = lst[pl.ds(ebase + w * G + i * 16, 16)]
                ixk[pl.ds(i * 16, 16)] = jnp.right_shift(pv, 9)
                return 0
            lax.fori_loop(0, G // 16, ub, 0)
            pltpu.make_async_copy(yc.at[ixk], rbk, semk).start()

        def wait_g(yc, rbk, ixk, semk):
            pltpu.make_async_copy(yc.at[ixk], rbk, semk).wait()

        def process(w, rbk):
            ne = jnp.minimum(nq - w * GQ, GQ) * 16

            def eb_body(j, _):
                pk = lst[pl.ds(ebase + w * G + j, 16)][0]
                ld = lax.rem(pk, 512)

                @plsc.parallel_loop(0, NGRP, unroll=NGRP)
                def cb(g, ld=ld, j=j):
                    sl = pl.ds(g * 32, 32)
                    acc[ld, sl] = jnp.maximum(acc[ld, sl], rbk[j, sl])
                return 0
            lax.fori_loop(0, ne, eb_body, 0)

        @pl.when(nw > 0)
        def _():
            issue(jnp.int32(0), rb0, ix0, sg0)

        def pair_body(p2, _):
            w0 = p2 * 2
            w1 = w0 + 1

            @pl.when(w1 < nw)
            def _():
                issue(w1, rb1, ix1, sg1)
            wait_g(yc, rb0, ix0, sg0)
            process(w0, rb0)

            @pl.when(w0 + 2 < nw)
            def _():
                issue(w0 + 2, rb0, ix0, sg0)

            @pl.when(w1 < nw)
            def _():
                wait_g(yc, rb1, ix1, sg1)
                process(w1, rb1)
            return 0
        lax.fori_loop(0, (nw + 1) // 2, pair_body, 0)

    for yc, oc in ((y0, o0), (y1, o1)):
        pltpu.sync_copy(yc.at[pl.ds(base, NPW)], acc.at[pl.ds(0, NPW)])
        run_waves(yc, 0, nq_main)

        def spill_body(b, _, yc=yc):
            off = b * EB
            pltpu.sync_copy(src_hbm.at[pl.ds(off, EB)], srcb0)
            pltpu.sync_copy(dst_hbm.at[pl.ds(off, EB)], dstb0)
            tcnt = filt(srcb0, dstb0, C_CAP, jnp.int32(0))
            pad16(C_CAP, tcnt)
            run_waves(yc, C_CAP, (tcnt + 15) // 16)
            return 0
        lax.fori_loop(spill, NB, spill_body, 0)

        pltpu.sync_copy(acc.at[pl.ds(0, NPW)], oc.at[pl.ds(base, NPW)])


def _segment_max(Y4, src, dst):
    mesh = plsc.VectorSubcoreMesh(core_axis_name="c", subcore_axis_name="s")
    f = pl.kernel(
        _segmax_body,
        out_type=[jax.ShapeDtypeStruct((NP, DCH), jnp.bfloat16)] * NC,
        mesh=mesh,
        compiler_params=pltpu.CompilerParams(use_tc_tiling_on_sc=False,
                                             needs_layout_passes=False),
        scratch_types=[
            pltpu.VMEM((NPW + 1, DCH), jnp.bfloat16),
            pltpu.VMEM((LIST_SZ,), jnp.int32),
            pltpu.VMEM((EB,), jnp.int32),
            pltpu.VMEM((EB,), jnp.int32),
            pltpu.VMEM((EB,), jnp.int32),
            pltpu.VMEM((EB,), jnp.int32),
            pltpu.VMEM((G, DCH), jnp.bfloat16),
            pltpu.VMEM((G, DCH), jnp.bfloat16),
            pltpu.VMEM((G,), jnp.int32),
            pltpu.VMEM((G,), jnp.int32),
            pltpu.SemaphoreType.DMA,
            pltpu.SemaphoreType.DMA,
            pltpu.SemaphoreType.DMA,
            pltpu.SemaphoreType.DMA,
        ],
    )
    return f(Y4[0], Y4[1], src, dst)


def _update_body(a0_ref, a1_ref, x_ref, wua_ref, wux_ref, o_ref):
    h = lax.dot_general(x_ref[...], wux_ref[...], (((1,), (1,)), ((), ())),
                        preferred_element_type=jnp.float32)
    for c, a_ref in enumerate((a0_ref, a1_ref)):
        h = h + lax.dot_general(a_ref[...].astype(jnp.float32), wua_ref[c],
                                (((1,), (1,)), ((), ())),
                                preferred_element_type=jnp.float32)
    h = jnp.maximum(h, 0.0)
    m = jnp.max(h, axis=1, keepdims=True)
    s = jnp.sum(jnp.exp(h - m), axis=1, keepdims=True)
    o_ref[...] = h - m - jnp.log(s)


def _update(aggr4, x_pad, Wua4, Wux):
    return pl.pallas_call(
        _update_body,
        grid=(NP // RB,),
        in_specs=[pl.BlockSpec((RB, DCH), lambda i: (i, 0))] * NC + [
            pl.BlockSpec((RB, D_IN), lambda i: (i, 0)),
            pl.BlockSpec((NC, D_IN, DCH), lambda i: (0, 0, 0)),
            pl.BlockSpec((D_IN, D_IN), lambda i: (0, 0)),
        ],
        out_specs=pl.BlockSpec((RB, D_IN), lambda i: (i, 0)),
        out_shape=jax.ShapeDtypeStruct((NP, D_IN), jnp.float32),
    )(*aggr4, x_pad, Wua4, Wux)


def kernel(x, edge_index, W_lin, b_lin, W_up):
    src, dst = edge_index[0], edge_index[1]
    x_pad = jnp.pad(x, ((0, NP - N), (0, 0)))
    b2 = b_lin.reshape(1, D_OUT)
    Wua4 = W_up[:, :D_OUT].reshape(D_IN, NC, DCH).transpose(1, 0, 2)
    Wux = W_up[:, D_OUT:]

    Y4 = _msg_linear(x_pad, W_lin, b2)
    aggr4 = _segment_max(Y4, src, dst)
    out = _update(aggr4, x_pad, Wua4, Wux)
    return out[:N]

# --- scband reference (transcript-rebuilt; emitter-appended) ---
"""Pipeline reference for scband-net3-41944650612847 (READ-ONLY COPY).

The authoritative reference and input builder live on the scoring server;
editing this copy changes nothing except your own understanding.
"""

import jax, jax.numpy as jnp
import numpy as np

N = 10000
E = 160000
D_IN = 256
D_OUT = 768


def setup_inputs(seed: int = 0) -> dict:
    key = jax.random.key(seed)
    k1, k2, k3, k4, k5 = jax.random.split(key, 5)
    x = jax.random.normal(k1, (N, D_IN), dtype=jnp.float32)
    edge_index = jax.random.randint(k2, (2, E), 0, N, dtype=jnp.int32)
    W_lin = jax.random.normal(k3, (D_OUT, D_IN), dtype=jnp.float32) / np.sqrt(D_IN)
    b_lin = jax.random.normal(k4, (D_OUT,), dtype=jnp.float32) * 0.01
    W_up = jax.random.normal(k5, (D_IN, D_IN + D_OUT), dtype=jnp.float32) / np.sqrt(D_IN + D_OUT)
    return {"x": x, "edge_index": edge_index, "W_lin": W_lin, "b_lin": b_lin, "W_up": W_up}


def reference(x, edge_index, W_lin, b_lin, W_up):
    n = x.shape[0]
    src, dst = edge_index[0], edge_index[1]
    # remove_self_loops (fixed-shape): route self-loop edges to dummy segment n
    mask = src != dst
    dst_routed = jnp.where(mask, dst, n)
    # add_self_loops
    loops = jnp.arange(n, dtype=src.dtype)
    src = jnp.concatenate([src, loops])
    dst_routed = jnp.concatenate([dst_routed, loops])
    # message: relu(lin(x_j))
    msg = jax.nn.relu(x[src] @ W_lin.T + b_lin)
    # aggregate: max over destination nodes (dummy segment n discarded)
    aggr = jax.ops.segment_max(msg, dst_routed, num_segments=n + 1)[:n]
    aggr = jnp.where(jnp.isfinite(aggr), aggr, 0.0)  # PyG fills empty segments with 0
    # update: relu(update_lin(cat([aggr_out, x])))
    h = jax.nn.relu(jnp.concatenate([aggr, x], axis=1) @ W_up.T)
    # Net3.forward: relu -> dropout (identity in eval) -> log_softmax
    h = jax.nn.relu(h)
    return jax.nn.log_softmax(h, axis=1)

if __name__ == "__main__":
    import jax
    _d = setup_inputs()
    print(jax.jit(kernel)(*tuple(_d.values())))

</pallas_src>

<mosaic_0001>
#map = affine_map<(d0, d1) -> (0, 0)>
#map1 = affine_map<(d0, d1) -> (0)>
module attributes {stable_mosaic.version = 14 : i64} {
  func.func @_segmax_body(%arg0: i32, %arg1: i32, %arg2: memref<10240x384xbf16, #tpu.memory_space<hbm>>, %arg3: memref<10240x384xbf16, #tpu.memory_space<hbm>>, %arg4: memref<160000xi32, #tpu.memory_space<hbm>>, %arg5: memref<160000xi32, #tpu.memory_space<hbm>>, %arg6: memref<10240x384xbf16, #tpu.memory_space<hbm>>, %arg7: memref<10240x384xbf16, #tpu.memory_space<hbm>>, %arg8: memref<321x384xbf16, #tpu.memory_space<vmem>>, %arg9: memref<10304xi32, #tpu.memory_space<vmem>>, %arg10: memref<2000xi32, #tpu.memory_space<vmem>>, %arg11: memref<2000xi32, #tpu.memory_space<vmem>>, %arg12: memref<2000xi32, #tpu.memory_space<vmem>>, %arg13: memref<2000xi32, #tpu.memory_space<vmem>>, %arg14: memref<64x384xbf16, #tpu.memory_space<vmem>>, %arg15: memref<64x384xbf16, #tpu.memory_space<vmem>>, %arg16: memref<64xi32, #tpu.memory_space<vmem>>, %arg17: memref<64xi32, #tpu.memory_space<vmem>>, %arg18: memref<!tpu.dma_semaphore, #tpu.memory_space<semaphore_mem>>, %arg19: memref<!tpu.dma_semaphore, #tpu.memory_space<semaphore_mem>>, %arg20: memref<!tpu.dma_semaphore, #tpu.memory_space<semaphore_mem>>, %arg21: memref<!tpu.dma_semaphore, #tpu.memory_space<semaphore_mem>>) attributes {dimension_semantics = [#tpu.dimension_semantics<core_parallel>, #tpu.dimension_semantics<subcore_parallel>], iteration_bounds = array<i64: 2, 16>, scalar_prefetch = 0 : i64, scratch_operands = 14 : i64, tpu.core_type = #tpu.core_type<sc_vector_subcore>, window_params = [{transform_indices = #map}, {transform_indices = #map}, {transform_indices = #map1}, {transform_indices = #map1}, {transform_indices = #map}, {transform_indices = #map}]} {
    %mul3A = arith.constant 2 : i32
    %mul3A_0 = arith.muli %arg1, %mul3A : i32
    %add3A = arith.addi %mul3A_0, %arg0 : i32
    %mul3A_1 = arith.constant 320 : i32
    %mul3A_2 = arith.muli %add3A, %mul3A_1 : i32
    %iota3A = tpu.iota {dimensions = array<i32: 0>} : vector<16xi32>
    %scan3A = arith.constant 0 : i32
    %scan3A_3 = arith.constant 0 : i32
    %scan3A_4 = arith.constant 644 : i32
    %scan3A_5 = arith.addi %scan3A_3, %scan3A_4 : i32
    %scan3A_6 = arith.constant 1 : i32
    %scan3A_7 = scf.for %scan3A_209 = %scan3A_3 to %scan3A_5 step %scan3A_6 iter_args(%scan3A_210 = %scan3A) -> (i32)  : i32 {
      %broadcast_in_dim3A_211 = arith.constant 320 : i32
      %broadcast_in_dim3A_212 = vector.broadcast %broadcast_in_dim3A_211 : i32 to vector<16xi32>
      %mul3A_213 = arith.constant 16 : i32
      %mul3A_214 = arith.muli %scan3A_209, %mul3A_213 : i32
      %swap3A = arith.index_cast %mul3A_214 : i32 to index
      %swap3A_215 = tpu.vector_load %arg9[%swap3A] {strides = array<i32>} : memref<10304xi32, #tpu.memory_space<vmem>>, vector<16xi32>,
      tpu.vector_store %arg9[%swap3A], %broadcast_in_dim3A_212 {strides = array<i32>} : memref<10304xi32, #tpu.memory_space<vmem>>, vector<16xi32>,
      %scan3A_216 = arith.constant 0 : i32
      scf.yield %scan3A_216 : i32
    }
    %scan3A_8 = arith.constant 644 : i32
    %dma_start3A = arith.constant 0 : i32
    %dma_start3A_9 = tpu.memref_slice %arg4[%dma_start3A] : memref<160000xi32, #tpu.memory_space<hbm>> -> memref<2000xi32, #tpu.memory_space<hbm>>
    %dma_start3A_10 = arith.constant 0 : i32
    %dma_start3A_11 = tpu.memref_slice %arg4[%dma_start3A_10] : memref<160000xi32, #tpu.memory_space<hbm>> -> memref<2000xi32, #tpu.memory_space<hbm>>
    tpu.enqueue_dma source(%dma_start3A_11 : memref<2000xi32, #tpu.memory_space<hbm>>) target(%arg10 : memref<2000xi32, #tpu.memory_space<vmem>>) target_semaphore(%arg20 : memref<!tpu.dma_semaphore, #tpu.memory_space<semaphore_mem>>)
    %dma_start3A_12 = arith.constant 0 : i32
    %dma_start3A_13 = tpu.memref_slice %arg5[%dma_start3A_12] : memref<160000xi32, #tpu.memory_space<hbm>> -> memref<2000xi32, #tpu.memory_space<hbm>>
    %dma_start3A_14 = arith.constant 0 : i32
    %dma_start3A_15 = tpu.memref_slice %arg5[%dma_start3A_14] : memref<160000xi32, #tpu.memory_space<hbm>> -> memref<2000xi32, #tpu.memory_space<hbm>>
    tpu.enqueue_dma source(%dma_start3A_15 : memref<2000xi32, #tpu.memory_space<hbm>>) target(%arg11 : memref<2000xi32, #tpu.memory_space<vmem>>) target_semaphore(%arg20 : memref<!tpu.dma_semaphore, #tpu.memory_space<semaphore_mem>>)
    %scan3A_16 = arith.constant 0 : i32
    %scan3A_17 = arith.constant 80 : i32
    %scan3A_18 = arith.constant 0 : i32
    %scan3A_19 = arith.constant 40 : i32
    %scan3A_20 = arith.addi %scan3A_18, %scan3A_19 : i32
    %scan3A_21 = arith.constant 1 : i32
    %scan3A_22:2 = scf.for %scan3A_209 = %scan3A_18 to %scan3A_20 step %scan3A_21 iter_args(%scan3A_210 = %scan3A_16, %scan3A_211 = %scan3A_17) -> (i32, i32)  : i32 {
      %mul3A_212 = arith.constant 2 : i32
      %mul3A_213 = arith.muli %scan3A_209, %mul3A_212 : i32
      %add3A_214 = arith.constant 1 : i32
      %add3A_215 = arith.addi %mul3A_213, %add3A_214 : i32
      %mul3A_216 = arith.constant 2000 : i32
      %mul3A_217 = arith.muli %add3A_215, %mul3A_216 : i32
      %dma_start3A_218 = tpu.memref_slice %arg4[%mul3A_217] : memref<160000xi32, #tpu.memory_space<hbm>> -> memref<2000xi32, #tpu.memory_space<hbm>>
      %dma_start3A_219 = tpu.memref_slice %arg4[%mul3A_217] : memref<160000xi32, #tpu.memory_space<hbm>> -> memref<2000xi32, #tpu.memory_space<hbm>>
      tpu.enqueue_dma source(%dma_start3A_219 : memref<2000xi32, #tpu.memory_space<hbm>>) target(%arg12 : memref<2000xi32, #tpu.memory_space<vmem>>) target_semaphore(%arg21 : memref<!tpu.dma_semaphore, #tpu.memory_space<semaphore_mem>>)
      %dma_start3A_220 = tpu.memref_slice %arg5[%mul3A_217] : memref<160000xi32, #tpu.memory_space<hbm>> -> memref<2000xi32, #tpu.memory_space<hbm>>
      %dma_start3A_221 = tpu.memref_slice %arg5[%mul3A_217] : memref<160000xi32, #tpu.memory_space<hbm>> -> memref<2000xi32, #tpu.memory_space<hbm>>
      tpu.enqueue_dma source(%dma_start3A_221 : memref<2000xi32, #tpu.memory_space<hbm>>) target(%arg13 : memref<2000xi32, #tpu.memory_space<vmem>>) target_semaphore(%arg21 : memref<!tpu.dma_semaphore, #tpu.memory_space<semaphore_mem>>)
      %mul3A_222 = arith.constant 2000 : i32
      %mul3A_223 = arith.muli %mul3A_213, %mul3A_222 : i32
      %dma_wait3A = tpu.memref_slice %arg4[%mul3A_223] : memref<160000xi32, #tpu.memory_space<hbm>> -> memref<2000xi32, #tpu.memory_space<hbm>>
      %dma_wait3A_224 = tpu.memref_slice %arg4[%mul3A_223] : memref<160000xi32, #tpu.memory_space<hbm>> -> memref<2000xi32, #tpu.memory_space<hbm>>
      tpu.wait_dma2 semaphore(%arg20 : memref<!tpu.dma_semaphore, #tpu.memory_space<semaphore_mem>>) src(%dma_wait3A_224 : memref<2000xi32, #tpu.memory_space<hbm>>) dst(%arg10 : memref<2000xi32, #tpu.memory_space<vmem>>)
      %dma_wait3A_225 = tpu.memref_slice %arg5[%mul3A_223] : memref<160000xi32, #tpu.memory_space<hbm>> -> memref<2000xi32, #tpu.memory_space<hbm>>
      %dma_wait3A_226 = tpu.memref_slice %arg5[%mul3A_223] : memref<160000xi32, #tpu.memory_space<hbm>> -> memref<2000xi32, #tpu.memory_space<hbm>>
      tpu.wait_dma2 semaphore(%arg20 : memref<!tpu.dma_semaphore, #tpu.memory_space<semaphore_mem>>) src(%dma_wait3A_226 : memref<2000xi32, #tpu.memory_space<hbm>>) dst(%arg11 : memref<2000xi32, #tpu.memory_space<vmem>>)
      %scan3A_227 = arith.constant 0 : i32
      %scan3A_228 = arith.constant 125 : i32
      %scan3A_229 = arith.addi %scan3A_227, %scan3A_228 : i32
      %scan3A_230 = arith.constant 1 : i32
      %scan3A_231 = scf.for %scan3A_270 = %scan3A_227 to %scan3A_229 step %scan3A_230 iter_args(%scan3A_271 = %scan3A_210) -> (i32)  : i32 {
        %mul3A_272 = arith.constant 16 : i32
        %mul3A_273 = arith.muli %scan3A_270, %mul3A_272 : i32
        %get3A = arith.index_cast %mul3A_273 : i32 to index
        %get3A_274 = tpu.vector_load %arg11[%get3A] {strides = array<i32>} : memref<2000xi32, #tpu.memory_space<vmem>>, vector<16xi32>,
        %mul3A_275 = arith.constant 16 : i32
        %mul3A_276 = arith.muli %scan3A_270, %mul3A_275 : i32
        %get3A_277 = arith.index_cast %mul3A_276 : i32 to index
        %get3A_278 = tpu.vector_load %arg10[%get3A_277] {strides = array<i32>} : memref<2000xi32, #tpu.memory_space<vmem>>, vector<16xi32>,
        %sub3A_279 = vector.broadcast %mul3A_2 : i32 to vector<16xi32>
        %sub3A_280 = arith.subi %get3A_274, %sub3A_279 : vector<16xi32>
        %ge3A = arith.constant 0 : i32
        %ge3A_281 = vector.broadcast %ge3A : i32 to vector<16xi32>
        %ge3A_282 = arith.cmpi sge, %sub3A_280, %ge3A_281 : vector<16xi32>
        %lt3A_283 = arith.constant 320 : i32
        %lt3A_284 = vector.broadcast %lt3A_283 : i32 to vector<16xi32>
        %lt3A_285 = arith.cmpi slt, %sub3A_280, %lt3A_284 : vector<16xi32>
        %and3A_286 = arith.andi %ge3A_282, %lt3A_285 : vector<16xi1>
        %jit3A_287 = arith.constant 1 : i32
        %jit3A_288 = arith.constant 0 : i32
        %broadcast_in_dim3A_289 = vector.broadcast %jit3A_287 : i32 to vector<16xi32>
        %broadcast_in_dim3A_290 = vector.broadcast %jit3A_288 : i32 to vector<16xi32>
        %select_n3A_291 = arith.select %and3A_286, %broadcast_in_dim3A_289, %broadcast_in_dim3A_290 : vector<16xi1>, vector<16xi32>
        %broadcast_in_dim3A_292 = arith.constant true
        %broadcast_in_dim3A_293 = vector.broadcast %broadcast_in_dim3A_292 : i1 to vector<16xi1>
        %masked_cumsum3A = tpu.scan <sum>, %select_n3A_291 masked %broadcast_in_dim3A_293 : vector<16xi32>, vector<16xi1> -> vector<16xi32>
        %add3A_294 = arith.constant 0 : i32
        %add3A_295 = arith.addi %add3A_294, %scan3A_271 : i32
        %sub3A_296 = arith.constant 1 : i32
        %sub3A_297 = arith.subi %add3A_295, %sub3A_296 : i32
        %add3A_298 = vector.broadcast %sub3A_297 : i32 to vector<16xi32>
        %add3A_299 = arith.addi %add3A_298, %masked_cumsum3A : vector<16xi32>
        %mul3A_300 = arith.constant 512 : i32
        %mul3A_301 = vector.broadcast %mul3A_300 : i32 to vector<16xi32>
        %mul3A_302 = arith.muli %get3A_278, %mul3A_301 : vector<16xi32>
        %add3A_303 = arith.addi %mul3A_302, %sub3A_280 : vector<16xi32>
        tpu.vector_store_idx %arg9[%add3A_299], %add3A_303 masked %and3A_286 : memref<10304xi32, #tpu.memory_space<vmem>>[vector<16xi32>], vector<16xi32>, vector<16xi1>
        %slice3A = vector.extract_strided_slice %masked_cumsum3A {offsets = [15], sizes = [1], strides = [1]} : vector<16xi32> to vector<1xi32>
        %squeeze3A = vector.extract %slice3A[0] : i32 from vector<1xi32>
        %add3A_304 = arith.addi %scan3A_271, %squeeze3A : i32
        scf.yield %add3A_304 : i32
      }
      %scan3A_232 = arith.constant 125 : i32
      %le3A = arith.constant 8192 : i32
      %le3A_233 = arith.cmpi sle, %scan3A_231, %le3A : i32
      %select_n3A_234 = arith.select %le3A_233, %scan3A_231, %scan3A_210 : i32
      %not3A = arith.constant true
      %not3A_235 = arith.xori %le3A_233, %not3A : i1
      %eq3A = arith.constant 80 : i32
      %eq3A_236 = arith.cmpi eq, %scan3A_211, %eq3A : i32
      %and3A_237 = arith.andi %not3A_235, %eq3A_236 : i1
      %select_n3A_238 = arith.select %and3A_237, %mul3A_213, %scan3A_211 : i32
      %add3A_239 = arith.constant 2 : i32
      %add3A_240 = arith.addi %mul3A_213, %add3A_239 : i32
      %lt3A = arith.constant 80 : i32
      %lt3A_241 = arith.cmpi slt, %add3A_240, %lt3A : i32
      %convert_element_type3A_242 = arith.extui %lt3A_241 : i1 to i32
      %cond3A_243 = arith.constant 0 : i32
      %cond3A_244 = arith.cmpi ne, %convert_element_type3A_242, %cond3A_243 : i32
      scf.if %cond3A_244 {
        %add3A_270 = arith.constant 2 : i32
        %add3A_271 = arith.addi %mul3A_213, %add3A_270 : i32
        %mul3A_272 = arith.constant 2000 : i32
        %mul3A_273 = arith.muli %add3A_271, %mul3A_272 : i32
        %dma_start3A_274 = tpu.memref_slice %arg4[%mul3A_273] : memref<160000xi32, #tpu.memory_space<hbm>> -> memref<2000xi32, #tpu.memory_space<hbm>>
        %dma_start3A_275 = tpu.memref_slice %arg4[%mul3A_273] : memref<160000xi32, #tpu.memory_space<hbm>> -> memref<2000xi32, #tpu.memory_space<hbm>>
        tpu.enqueue_dma source(%dma_start3A_275 : memref<2000xi32, #tpu.memory_space<hbm>>) target(%arg10 : memref<2000xi32, #tpu.memory_space<vmem>>) target_semaphore(%arg20 : memref<!tpu.dma_semaphore, #tpu.memory_space<semaphore_mem>>)
        %dma_start3A_276 = tpu.memref_slice %arg5[%mul3A_273] : memref<160000xi32, #tpu.memory_space<hbm>> -> memref<2000xi32, #tpu.memory_space<hbm>>
        %dma_start3A_277 = tpu.memref_slice %arg5[%mul3A_273] : memref<160000xi32, #tpu.memory_space<hbm>> -> memref<2000xi32, #tpu.memory_space<hbm>>
        tpu.enqueue_dma source(%dma_start3A_277 : memref<2000xi32, #tpu.memory_space<hbm>>) target(%arg11 : memref<2000xi32, #tpu.memory_space<vmem>>) target_semaphore(%arg20 : memref<!tpu.dma_semaphore, #tpu.memory_space<semaphore_mem>>)
      } else {
      }
      %add3A_245 = arith.constant 1 : i32
      %add3A_246 = arith.addi %mul3A_213, %add3A_245 : i32
      %mul3A_247 = arith.constant 2000 : i32
      %mul3A_248 = arith.muli %add3A_246, %mul3A_247 : i32
      %dma_wait3A_249 = tpu.memref_slice %arg4[%mul3A_248] : memref<160000xi32, #tpu.memory_space<hbm>> -> memref<2000xi32, #tpu.memory_space<hbm>>
      %dma_wait3A_250 = tpu.memref_slice %arg4[%mul3A_248] : memref<160000xi32, #tpu.memory_space<hbm>> -> memref<2000xi32, #tpu.memory_space<hbm>>
      tpu.wait_dma2 semaphore(%arg21 : memref<!tpu.dma_semaphore, #tpu.memory_space<semaphore_mem>>) src(%dma_wait3A_250 : memref<2000xi32, #tpu.memory_space<hbm>>) dst(%arg12 : memref<2000xi32, #tpu.memory_space<vmem>>)
      %dma_wait3A_251 = tpu.memref_slice %arg5[%mul3A_248] : memref<160000xi32, #tpu.memory_space<hbm>> -> memref<2000xi32, #tpu.memory_space<hbm>>
      %dma_wait3A_252 = tpu.memref_slice %arg5[%mul3A_248] : memref<160000xi32, #tpu.memory_space<hbm>> -> memref<2000xi32, #tpu.memory_space<hbm>>
      tpu.wait_dma2 semaphore(%arg21 : memref<!tpu.dma_semaphore, #tpu.memory_space<semaphore_mem>>) src(%dma_wait3A_252 : memref<2000xi32, #tpu.memory_space<hbm>>) dst(%arg13 : memref<2000xi32, #tpu.memory_space<vmem>>)
      %add3A_253 = arith.constant 1 : i32
      %add3A_254 = arith.addi %mul3A_213, %add3A_253 : i32
      %scan3A_255 = arith.constant 0 : i32
      %scan3A_256 = arith.constant 125 : i32
      %scan3A_257 = arith.addi %scan3A_255, %scan3A_256 : i32
      %scan3A_258 = arith.constant 1 : i32
      %scan3A_259 = scf.for %scan3A_270 = %scan3A_255 to %scan3A_257 step %scan3A_258 iter_args(%scan3A_271 = %select_n3A_234) -> (i32)  : i32 {
        %mul3A_272 = arith.constant 16 : i32
        %mul3A_273 = arith.muli %scan3A_270, %mul3A_272 : i32
        %get3A = arith.index_cast %mul3A_273 : i32 to index
        %get3A_274 = tpu.vector_load %arg13[%get3A] {strides = array<i32>} : memref<2000xi32, #tpu.memory_space<vmem>>, vector<16xi32>,
        %mul3A_275 = arith.constant 16 : i32
        %mul3A_276 = arith.muli %scan3A_270, %mul3A_275 : i32
        %get3A_277 = arith.index_cast %mul3A_276 : i32 to index
        %get3A_278 = tpu.vector_load %arg12[%get3A_277] {strides = array<i32>} : memref<2000xi32, #tpu.memory_space<vmem>>, vector<16xi32>,
        %sub3A_279 = vector.broadcast %mul3A_2 : i32 to vector<16xi32>
        %sub3A_280 = arith.subi %get3A_274, %sub3A_279 : vector<16xi32>
        %ge3A = arith.constant 0 : i32
        %ge3A_281 = vector.broadcast %ge3A : i32 to vector<16xi32>
        %ge3A_282 = arith.cmpi sge, %sub3A_280, %ge3A_281 : vector<16xi32>
        %lt3A_283 = arith.constant 320 : i32
        %lt3A_284 = vector.broadcast %lt3A_283 : i32 to vector<16xi32>
        %lt3A_285 = arith.cmpi slt, %sub3A_280, %lt3A_284 : vector<16xi32>
        %and3A_286 = arith.andi %ge3A_282, %lt3A_285 : vector<16xi1>
        %jit3A_287 = arith.constant 1 : i32
        %jit3A_288 = arith.constant 0 : i32
        %broadcast_in_dim3A_289 = vector.broadcast %jit3A_287 : i32 to vector<16xi32>
        %broadcast_in_dim3A_290 = vector.broadcast %jit3A_288 : i32 to vector<16xi32>
        %select_n3A_291 = arith.select %and3A_286, %broadcast_in_dim3A_289, %broadcast_in_dim3A_290 : vector<16xi1>, vector<16xi32>
        %broadcast_in_dim3A_292 = arith.constant true
        %broadcast_in_dim3A_293 = vector.broadcast %broadcast_in_dim3A_292 : i1 to vector<16xi1>
        %masked_cumsum3A = tpu.scan <sum>, %select_n3A_291 masked %broadcast_in_dim3A_293 : vector<16xi32>, vector<16xi1> -> vector<16xi32>
        %add3A_294 = arith.constant 0 : i32
        %add3A_295 = arith.addi %add3A_294, %scan3A_271 : i32
        %sub3A_296 = arith.constant 1 : i32
        %sub3A_297 = arith.subi %add3A_295, %sub3A_296 : i32
        %add3A_298 = vector.broadcast %sub3A_297 : i32 to vector<16xi32>
        %add3A_299 = arith.addi %add3A_298, %masked_cumsum3A : vector<16xi32>
        %mul3A_300 = arith.constant 512 : i32
        %mul3A_301 = vector.broadcast %mul3A_300 : i32 to vector<16xi32>
        %mul3A_302 = arith.muli %get3A_278, %mul3A_301 : vector<16xi32>
        %add3A_303 = arith.addi %mul3A_302, %sub3A_280 : vector<16xi32>
        tpu.vector_store_idx %arg9[%add3A_299], %add3A_303 masked %and3A_286 : memref<10304xi32, #tpu.memory_space<vmem>>[vector<16xi32>], vector<16xi32>, vector<16xi1>
        %slice3A = vector.extract_strided_slice %masked_cumsum3A {offsets = [15], sizes = [1], strides = [1]} : vector<16xi32> to vector<1xi32>
        %squeeze3A = vector.extract %slice3A[0] : i32 from vector<1xi32>
        %add3A_304 = arith.addi %scan3A_271, %squeeze3A : i32
        scf.yield %add3A_304 : i32
      }
      %scan3A_260 = arith.constant 125 : i32
      %le3A_261 = arith.constant 8192 : i32
      %le3A_262 = arith.cmpi sle, %scan3A_259, %le3A_261 : i32
      %select_n3A_263 = arith.select %le3A_262, %scan3A_259, %select_n3A_234 : i32
      %not3A_264 = arith.constant true
      %not3A_265 = arith.xori %le3A_262, %not3A_264 : i1
      %eq3A_266 = arith.constant 80 : i32
      %eq3A_267 = arith.cmpi eq, %select_n3A_238, %eq3A_266 : i32
      %and3A_268 = arith.andi %not3A_265, %eq3A_267 : i1
      %select_n3A_269 = arith.select %and3A_268, %add3A_254, %select_n3A_238 : i32
      scf.yield %select_n3A_263, %select_n3A_269 : i32, i32
    }
    %scan3A_23 = arith.constant 40 : i32
    %add3A_24 = arith.constant 0 : i32
    %add3A_25 = arith.addi %add3A_24, %scan3A_22#0 : i32
    %add3A_26 = vector.broadcast %add3A_25 : i32 to vector<16xi32>
    %add3A_27 = arith.addi %add3A_26, %iota3A : vector<16xi32>
    %broadcast_in_dim3A = arith.constant 320 : i32
    %broadcast_in_dim3A_28 = vector.broadcast %broadcast_in_dim3A : i32 to vector<16xi32>
    tpu.vector_store_idx %arg9[%add3A_27], %broadcast_in_dim3A_28 : memref<10304xi32, #tpu.memory_space<vmem>>[vector<16xi32>], vector<16xi32>,
    %add3A_29 = arith.constant 15 : i32
    %add3A_30 = arith.addi %scan3A_22#0, %add3A_29 : i32
    %jit3A = arith.constant 16 : i32
    %div3A = arith.divsi %add3A_30, %jit3A : i32
    %sign3A = arith.constant 0 : i32
    %sign3A_31 = arith.cmpi sgt, %add3A_30, %sign3A : i32
    %sign3A_32 = arith.extui %sign3A_31 : i1 to i32
    %sign3A_33 = arith.constant 0 : i32
    %sign3A_34 = arith.cmpi slt, %add3A_30, %sign3A_33 : i32
    %sign3A_35 = arith.extui %sign3A_34 : i1 to i32
    %sign3A_36 = arith.subi %sign3A_32, %sign3A_35 : i32
    %sign3A_37 = arith.constant 0 : i32
    %sign3A_38 = arith.cmpi sgt, %jit3A, %sign3A_37 : i32
    %sign3A_39 = arith.extui %sign3A_38 : i1 to i32
    %sign3A_40 = arith.constant 0 : i32
    %sign3A_41 = arith.cmpi slt, %jit3A, %sign3A_40 : i32
    %sign3A_42 = arith.extui %sign3A_41 : i1 to i32
    %sign3A_43 = arith.subi %sign3A_39, %sign3A_42 : i32
    %ne3A = arith.cmpi ne, %sign3A_36, %sign3A_43 : i32
    %rem3A = arith.remsi %add3A_30, %jit3A : i32
    %ne3A_44 = arith.constant 0 : i32
    %ne3A_45 = arith.cmpi ne, %rem3A, %ne3A_44 : i32
    %and3A = arith.andi %ne3A, %ne3A_45 : i1
    %sub3A = arith.constant 1 : i32
    %sub3A_46 = arith.subi %div3A, %sub3A : i32
    %select_n3A = arith.select %and3A, %sub3A_46, %div3A : i32
    "tpu.region"() ({
      %run_scoped3A = tpu.sem_alloc : memref<!tpu.dma_semaphore, #tpu.memory_space<semaphore_mem>>
      %dma_start3A_209 = arith.constant 0 : i32
      %dma_start3A_210 = arith.constant 0 : i32
      %dma_start3A_211 = tpu.memref_slice %arg8[%dma_start3A_209, %dma_start3A_210] : memref<321x384xbf16, #tpu.memory_space<vmem>> -> memref<320x384xbf16, #tpu.memory_space<vmem>>
      %dma_start3A_212 = arith.constant 0 : i32
      %dma_start3A_213 = tpu.memref_slice %arg2[%mul3A_2, %dma_start3A_212] : memref<10240x384xbf16, #tpu.memory_space<hbm>> -> memref<320x384xbf16, #tpu.memory_space<hbm>>
      %dma_start3A_214 = arith.constant 0 : i32
      %dma_start3A_215 = arith.constant 0 : i32
      %dma_start3A_216 = tpu.memref_slice %arg8[%dma_start3A_214, %dma_start3A_215] : memref<321x384xbf16, #tpu.memory_space<vmem>> -> memref<320x384xbf16, #tpu.memory_space<vmem>>
      %dma_start3A_217 = arith.constant 0 : i32
      %dma_start3A_218 = tpu.memref_slice %arg2[%mul3A_2, %dma_start3A_217] : memref<10240x384xbf16, #tpu.memory_space<hbm>> -> memref<320x384xbf16, #tpu.memory_space<hbm>>
      tpu.enqueue_dma source(%dma_start3A_218 : memref<320x384xbf16, #tpu.memory_space<hbm>>) target(%dma_start3A_216 : memref<320x384xbf16, #tpu.memory_space<vmem>>) target_semaphore(%run_scoped3A : memref<!tpu.dma_semaphore, #tpu.memory_space<semaphore_mem>>)
      %dma_wait3A = arith.constant 0 : i32
      %dma_wait3A_219 = arith.constant 0 : i32
      %dma_wait3A_220 = tpu.memref_slice %arg8[%dma_wait3A, %dma_wait3A_219] : memref<321x384xbf16, #tpu.memory_space<vmem>> -> memref<320x384xbf16, #tpu.memory_space<vmem>>
      %dma_wait3A_221 = arith.constant 0 : i32
      %dma_wait3A_222 = tpu.memref_slice %arg2[%mul3A_2, %dma_wait3A_221] : memref<10240x384xbf16, #tpu.memory_space<hbm>> -> memref<320x384xbf16, #tpu.memory_space<hbm>>
      %dma_wait3A_223 = arith.constant 0 : i32
      %dma_wait3A_224 = arith.constant 0 : i32
      %dma_wait3A_225 = tpu.memref_slice %arg8[%dma_wait3A_223, %dma_wait3A_224] : memref<321x384xbf16, #tpu.memory_space<vmem>> -> memref<320x384xbf16, #tpu.memory_space<vmem>>
      %dma_wait3A_226 = arith.constant 0 : i32
      %dma_wait3A_227 = tpu.memref_slice %arg2[%mul3A_2, %dma_wait3A_226] : memref<10240x384xbf16, #tpu.memory_space<hbm>> -> memref<320x384xbf16, #tpu.memory_space<hbm>>
      tpu.wait_dma2 semaphore(%run_scoped3A : memref<!tpu.dma_semaphore, #tpu.memory_space<semaphore_mem>>) src(%dma_wait3A_227 : memref<320x384xbf16, #tpu.memory_space<hbm>>) dst(%dma_wait3A_225 : memref<320x384xbf16, #tpu.memory_space<vmem>>)
      tpu.yield
    }) : () -> ()
    %add3A_47 = arith.constant 4 : i32
    %add3A_48 = arith.addi %select_n3A, %add3A_47 : i32
    %sub3A_49 = arith.constant 1 : i32
    %sub3A_50 = arith.subi %add3A_48, %sub3A_49 : i32
    %jit3A_51 = arith.constant 4 : i32
    %div3A_52 = arith.divsi %sub3A_50, %jit3A_51 : i32
    %sign3A_53 = arith.constant 0 : i32
    %sign3A_54 = arith.cmpi sgt, %sub3A_50, %sign3A_53 : i32
    %sign3A_55 = arith.extui %sign3A_54 : i1 to i32
    %sign3A_56 = arith.constant 0 : i32
    %sign3A_57 = arith.cmpi slt, %sub3A_50, %sign3A_56 : i32
    %sign3A_58 = arith.extui %sign3A_57 : i1 to i32
    %sign3A_59 = arith.subi %sign3A_55, %sign3A_58 : i32
    %sign3A_60 = arith.constant 0 : i32
    %sign3A_61 = arith.cmpi sgt, %jit3A_51, %sign3A_60 : i32
    %sign3A_62 = arith.extui %sign3A_61 : i1 to i32
    %sign3A_63 = arith.constant 0 : i32
    %sign3A_64 = arith.cmpi slt, %jit3A_51, %sign3A_63 : i32
    %sign3A_65 = arith.extui %sign3A_64 : i1 to i32
    %sign3A_66 = arith.subi %sign3A_62, %sign3A_65 : i32
    %ne3A_67 = arith.cmpi ne, %sign3A_59, %sign3A_66 : i32
    %rem3A_68 = arith.remsi %sub3A_50, %jit3A_51 : i32
    %ne3A_69 = arith.constant 0 : i32
    %ne3A_70 = arith.cmpi ne, %rem3A_68, %ne3A_69 : i32
    %and3A_71 = arith.andi %ne3A_67, %ne3A_70 : i1
    %sub3A_72 = arith.constant 1 : i32
    %sub3A_73 = arith.subi %div3A_52, %sub3A_72 : i32
    %select_n3A_74 = arith.select %and3A_71, %sub3A_73, %div3A_52 : i32
    %gt3A = arith.constant 0 : i32
    %gt3A_75 = arith.cmpi sgt, %select_n3A_74, %gt3A : i32
    %convert_element_type3A = arith.extui %gt3A_75 : i1 to i32
    %cond3A = arith.constant 0 : i32
    %cond3A_76 = arith.cmpi ne, %convert_element_type3A, %cond3A : i32
    scf.if %cond3A_76 {
      %scan3A_209 = arith.constant 0 : i32
      %scan3A_210 = arith.constant 0 : i32
      %scan3A_211 = arith.constant 0 : i32
      %scan3A_212 = arith.constant 4 : i32
      %scan3A_213 = arith.addi %scan3A_211, %scan3A_212 : i32
      %scan3A_214 = arith.constant 1 : i32
      %scan3A_215 = scf.for %scan3A_220 = %scan3A_211 to %scan3A_213 step %scan3A_214 iter_args(%scan3A_221 = %scan3A_210) -> (i32)  : i32 {
        %mul3A_222 = arith.constant 64 : i32
        %mul3A_223 = arith.muli %scan3A_209, %mul3A_222 : i32
        %add3A_224 = arith.constant 0 : i32
        %add3A_225 = arith.addi %add3A_224, %mul3A_223 : i32
        %mul3A_226 = arith.constant 16 : i32
        %mul3A_227 = arith.muli %scan3A_220, %mul3A_226 : i32
        %add3A_228 = arith.addi %add3A_225, %mul3A_227 : i32
        %get3A = arith.index_cast %add3A_228 : i32 to index
        %get3A_229 = tpu.vector_load %arg9[%get3A] {strides = array<i32>} : memref<10304xi32, #tpu.memory_space<vmem>>, vector<16xi32>,
        %shift_right_arithmetic3A = arith.constant 9 : i32
        %shift_right_arithmetic3A_230 = vector.broadcast %shift_right_arithmetic3A : i32 to vector<16xi32>
        %shift_right_arithmetic3A_231 = arith.shrsi %get3A_229, %shift_right_arithmetic3A_230 : vector<16xi32>
        %mul3A_232 = arith.constant 16 : i32
        %mul3A_233 = arith.muli %scan3A_220, %mul3A_232 : i32
        %swap3A = arith.index_cast %mul3A_233 : i32 to index
        %swap3A_234 = tpu.vector_load %arg16[%swap3A] {strides = array<i32>} : memref<64xi32, #tpu.memory_space<vmem>>, vector<16xi32>,
        tpu.vector_store %arg16[%swap3A], %shift_right_arithmetic3A_231 {strides = array<i32>} : memref<64xi32, #tpu.memory_space<vmem>>, vector<16xi32>,
        %scan3A_235 = arith.constant 0 : i32
        scf.yield %scan3A_235 : i32
      }
      %scan3A_216 = arith.constant 4 : i32
      %dma_start3A_217 = arith.constant 0 : i32
      %dma_start3A_218 = arith.constant 0 : i32
      %dma_start3A_219 = tpu.memref_slice %arg2[%dma_start3A_217, %dma_start3A_218] : memref<10240x384xbf16, #tpu.memory_space<hbm>> -> memref<10240x384xbf16, #tpu.memory_space<hbm>>
      tpu.enqueue_indirect_dma source(%dma_start3A_219 : memref<10240x384xbf16, #tpu.memory_space<hbm>>) target(%arg14 : memref<64x384xbf16, #tpu.memory_space<vmem>>) offsets(%arg16 : memref<64xi32, #tpu.memory_space<vmem>>) semaphore(%arg18 : memref<!tpu.dma_semaphore, #tpu.memory_space<semaphore_mem>>)
    } else {
    }
    %add3A_77 = arith.constant 1 : i32
    %add3A_78 = arith.addi %select_n3A_74, %add3A_77 : i32
    %jit3A_79 = arith.constant 2 : i32
    %div3A_80 = arith.divsi %add3A_78, %jit3A_79 : i32
    %sign3A_81 = arith.constant 0 : i32
    %sign3A_82 = arith.cmpi sgt, %add3A_78, %sign3A_81 : i32
    %sign3A_83 = arith.extui %sign3A_82 : i1 to i32
    %sign3A_84 = arith.constant 0 : i32
    %sign3A_85 = arith.cmpi slt, %add3A_78, %sign3A_84 : i32
    %sign3A_86 = arith.extui %sign3A_85 : i1 to i32
    %sign3A_87 = arith.subi %sign3A_83, %sign3A_86 : i32
    %sign3A_88 = arith.constant 0 : i32
    %sign3A_89 = arith.cmpi sgt, %jit3A_79, %sign3A_88 : i32
    %sign3A_90 = arith.extui %sign3A_89 : i1 to i32
    %sign3A_91 = arith.constant 0 : i32
    %sign3A_92 = arith.cmpi slt, %jit3A_79, %sign3A_91 : i32
    %sign3A_93 = arith.extui %sign3A_92 : i1 to i32
    %sign3A_94 = arith.subi %sign3A_90, %sign3A_93 : i32
    %ne3A_95 = arith.cmpi ne, %sign3A_87, %sign3A_94 : i32
    %rem3A_96 = arith.remsi %add3A_78, %jit3A_79 : i32
    %ne3A_97 = arith.constant 0 : i32
    %ne3A_98 = arith.cmpi ne, %rem3A_96, %ne3A_97 : i32
    %and3A_99 = arith.andi %ne3A_95, %ne3A_98 : i1
    %sub3A_100 = arith.constant 1 : i32
    %sub3A_101 = arith.subi %div3A_80, %sub3A_100 : i32
    %select_n3A_102 = arith.select %and3A_99, %sub3A_101, %div3A_80 : i32
    %while3A = arith.constant 0 : i32
    %while3A_103 = arith.constant 0 : i32
    %while3A_104 = arith.subi %select_n3A_102, %while3A : i32
    %while3A_105 = arith.addi %while3A, %while3A_104 : i32
    %while3A_106 = arith.constant 1 : i32
    %while3A_107 = arith.divsi %while3A_104, %while3A_106 : i32
    %while3A_108 = arith.muli %while3A_107, %while3A_106 : i32
    %while3A_109 = arith.addi %while3A, %while3A_108 : i32
    %while3A_110 = arith.constant 1 : i32
    %while3A_111 = scf.for %while3A_209 = %while3A to %while3A_109 step %while3A_110 iter_args(%while3A_210 = %while3A_103) -> (i32)  : i32 {
      %mul3A_211 = arith.constant 2 : i32
      %mul3A_212 = arith.muli %while3A_209, %mul3A_211 : i32
      %add3A_213 = arith.constant 1 : i32
      %add3A_214 = arith.addi %mul3A_212, %add3A_213 : i32
      %lt3A = arith.cmpi slt, %add3A_214, %select_n3A_74 : i32
      %convert_element_type3A_215 = arith.extui %lt3A : i1 to i32
      %cond3A_216 = arith.constant 0 : i32
      %cond3A_217 = arith.cmpi ne, %convert_element_type3A_215, %cond3A_216 : i32
      scf.if %cond3A_217 {
        %scan3A_249 = arith.constant 0 : i32
        %scan3A_250 = arith.constant 0 : i32
        %scan3A_251 = arith.constant 4 : i32
        %scan3A_252 = arith.addi %scan3A_250, %scan3A_251 : i32
        %scan3A_253 = arith.constant 1 : i32
        %scan3A_254 = scf.for %scan3A_259 = %scan3A_250 to %scan3A_252 step %scan3A_253 iter_args(%scan3A_260 = %scan3A_249) -> (i32)  : i32 {
          %mul3A_261 = arith.constant 64 : i32
          %mul3A_262 = arith.muli %add3A_214, %mul3A_261 : i32
          %add3A_263 = arith.constant 0 : i32
          %add3A_264 = arith.addi %add3A_263, %mul3A_262 : i32
          %mul3A_265 = arith.constant 16 : i32
          %mul3A_266 = arith.muli %scan3A_259, %mul3A_265 : i32
          %add3A_267 = arith.addi %add3A_264, %mul3A_266 : i32
          %get3A = arith.index_cast %add3A_267 : i32 to index
          %get3A_268 = tpu.vector_load %arg9[%get3A] {strides = array<i32>} : memref<10304xi32, #tpu.memory_space<vmem>>, vector<16xi32>,
          %shift_right_arithmetic3A = arith.constant 9 : i32
          %shift_right_arithmetic3A_269 = vector.broadcast %shift_right_arithmetic3A : i32 to vector<16xi32>
          %shift_right_arithmetic3A_270 = arith.shrsi %get3A_268, %shift_right_arithmetic3A_269 : vector<16xi32>
          %mul3A_271 = arith.constant 16 : i32
          %mul3A_272 = arith.muli %scan3A_259, %mul3A_271 : i32
          %swap3A = arith.index_cast %mul3A_272 : i32 to index
          %swap3A_273 = tpu.vector_load %arg17[%swap3A] {strides = array<i32>} : memref<64xi32, #tpu.memory_space<vmem>>, vector<16xi32>,
          tpu.vector_store %arg17[%swap3A], %shift_right_arithmetic3A_270 {strides = array<i32>} : memref<64xi32, #tpu.memory_space<vmem>>, vector<16xi32>,
          %scan3A_274 = arith.constant 0 : i32
          scf.yield %scan3A_274 : i32
        }
        %scan3A_255 = arith.constant 4 : i32
        %dma_start3A_256 = arith.constant 0 : i32
        %dma_start3A_257 = arith.constant 0 : i32
        %dma_start3A_258 = tpu.memref_slice %arg2[%dma_start3A_256, %dma_start3A_257] : memref<10240x384xbf16, #tpu.memory_space<hbm>> -> memref<10240x384xbf16, #tpu.memory_space<hbm>>
        tpu.enqueue_indirect_dma source(%dma_start3A_258 : memref<10240x384xbf16, #tpu.memory_space<hbm>>) target(%arg15 : memref<64x384xbf16, #tpu.memory_space<vmem>>) offsets(%arg17 : memref<64xi32, #tpu.memory_space<vmem>>) semaphore(%arg19 : memref<!tpu.dma_semaphore, #tpu.memory_space<semaphore_mem>>)
      } else {
      }
      %dma_wait3A = arith.constant 0 : i32
      %dma_wait3A_218 = arith.constant 0 : i32
      %dma_wait3A_219 = tpu.memref_slice %arg2[%dma_wait3A, %dma_wait3A_218] : memref<10240x384xbf16, #tpu.memory_space<hbm>> -> memref<10240x384xbf16, #tpu.memory_space<hbm>>
      tpu.wait_indirect_dma semaphore(%arg18 : memref<!tpu.dma_semaphore, #tpu.memory_space<semaphore_mem>>) src(%dma_wait3A_219 : memref<10240x384xbf16, #tpu.memory_space<hbm>>) dst(%arg14 : memref<64x384xbf16, #tpu.memory_space<vmem>>)
      %mul3A_220 = arith.constant 4 : i32
      %mul3A_221 = arith.muli %mul3A_212, %mul3A_220 : i32
      %sub3A_222 = arith.subi %select_n3A, %mul3A_221 : i32
      %min3A = arith.constant 4 : i32
      %min3A_223 = arith.minsi %sub3A_222, %min3A : i32
      %mul3A_224 = arith.constant 16 : i32
      %mul3A_225 = arith.muli %min3A_223, %mul3A_224 : i32
      %while3A_226 = arith.constant 0 : i32
      %while3A_227 = arith.constant 0 : i32
      %while3A_228 = arith.subi %mul3A_225, %while3A_226 : i32
      %while3A_229 = arith.addi %while3A_226, %while3A_228 : i32
      %while3A_230 = arith.constant 1 : i32
      %while3A_231 = arith.divsi %while3A_228, %while3A_230 : i32
      %while3A_232 = arith.muli %while3A_231, %while3A_230 : i32
      %while3A_233 = arith.addi %while3A_226, %while3A_232 : i32
      %while3A_234 = arith.constant 1 : i32
      %while3A_235 = scf.for %while3A_249 = %while3A_226 to %while3A_233 step %while3A_234 iter_args(%while3A_250 = %while3A_227) -> (i32)  : i32 {
        %mul3A_251 = arith.constant 64 : i32
        %mul3A_252 = arith.muli %mul3A_212, %mul3A_251 : i32
        %add3A_253 = arith.constant 0 : i32
        %add3A_254 = arith.addi %add3A_253, %mul3A_252 : i32
        %add3A_255 = arith.addi %add3A_254, %while3A_249 : i32
        %get3A = arith.index_cast %add3A_255 : i32 to index
        %get3A_256 = tpu.vector_load %arg9[%get3A] {strides = array<i32>} : memref<10304xi32, #tpu.memory_space<vmem>>, vector<16xi32>,
        %slice3A = vector.extract_strided_slice %get3A_256 {offsets = [0], sizes = [1], strides = [1]} : vector<16xi32> to vector<1xi32>
        %squeeze3A = vector.extract %slice3A[0] : i32 from vector<1xi32>
        %rem3A_257 = arith.constant 512 : i32
        %rem3A_258 = arith.remsi %squeeze3A, %rem3A_257 : i32
        %parallel_loop3A = arith.constant 0 : i32
        %parallel_loop3A_259 = arith.constant 12 : i32
        %parallel_loop3A_260 = arith.constant 1 : i32
        scf.for %parallel_loop3A_262 = %parallel_loop3A to %parallel_loop3A_259 step %parallel_loop3A_260  : i32 {
          %parallel_loop3A_263 = arith.constant 32 : i32
          %parallel_loop3A_264 = arith.muli %parallel_loop3A_262, %parallel_loop3A_263 : i32
          %parallel_loop3A_265 = arith.index_cast %rem3A_258 : i32 to index
          %parallel_loop3A_266 = arith.index_cast %parallel_loop3A_264 : i32 to index
          %parallel_loop3A_267 = tpu.vector_load %arg8[%parallel_loop3A_265, %parallel_loop3A_266] {strides = array<i32>} : memref<321x384xbf16, #tpu.memory_space<vmem>>, vector<32xbf16>,
          %parallel_loop3A_268 = arith.index_cast %while3A_249 : i32 to index
          %parallel_loop3A_269 = arith.index_cast %parallel_loop3A_264 : i32 to index
          %parallel_loop3A_270 = tpu.vector_load %arg14[%parallel_loop3A_268, %parallel_loop3A_269] {strides = array<i32>} : memref<64x384xbf16, #tpu.memory_space<vmem>>, vector<32xbf16>,
          %parallel_loop3A_271 = arith.maximumf %parallel_loop3A_267, %parallel_loop3A_270 : vector<32xbf16>
          %parallel_loop3A_272 = arith.index_cast %rem3A_258 : i32 to index
          %parallel_loop3A_273 = arith.index_cast %parallel_loop3A_264 : i32 to index
          %parallel_loop3A_274 = tpu.vector_load %arg8[%parallel_loop3A_272, %parallel_loop3A_273] {strides = array<i32>} : memref<321x384xbf16, #tpu.memory_space<vmem>>, vector<32xbf16>,
          tpu.vector_store %arg8[%parallel_loop3A_272, %parallel_loop3A_273], %parallel_loop3A_271 {strides = array<i32>} : memref<321x384xbf16, #tpu.memory_space<vmem>>, vector<32xbf16>,
        } {sc.loop_unroll_factor = 12 : i64, sc.parallel_access}
        %while3A_261 = arith.constant 0 : i32
        scf.yield %while3A_261 : i32
      }
      %while3A_236 = arith.constant 1 : i32
      %while3A_237 = scf.for %while3A_249 = %while3A_233 to %while3A_229 step %while3A_236 iter_args(%while3A_250 = %while3A_235) -> (i32)  : i32 {
        %mul3A_251 = arith.constant 64 : i32
        %mul3A_252 = arith.muli %mul3A_212, %mul3A_251 : i32
        %add3A_253 = arith.constant 0 : i32
        %add3A_254 = arith.addi %add3A_253, %mul3A_252 : i32
        %add3A_255 = arith.addi %add3A_254, %while3A_249 : i32
        %get3A = arith.index_cast %add3A_255 : i32 to index
        %get3A_256 = tpu.vector_load %arg9[%get3A] {strides = array<i32>} : memref<10304xi32, #tpu.memory_space<vmem>>, vector<16xi32>,
        %slice3A = vector.extract_strided_slice %get3A_256 {offsets = [0], sizes = [1], strides = [1]} : vector<16xi32> to vector<1xi32>
        %squeeze3A = vector.extract %slice3A[0] : i32 from vector<1xi32>
        %rem3A_257 = arith.constant 512 : i32
        %rem3A_258 = arith.remsi %squeeze3A, %rem3A_257 : i32
        %parallel_loop3A = arith.constant 0 : i32
        %parallel_loop3A_259 = arith.constant 12 : i32
        %parallel_loop3A_260 = arith.constant 1 : i32
        scf.for %parallel_loop3A_262 = %parallel_loop3A to %parallel_loop3A_259 step %parallel_loop3A_260  : i32 {
          %parallel_loop3A_263 = arith.constant 32 : i32
          %parallel_loop3A_264 = arith.muli %parallel_loop3A_262, %parallel_loop3A_263 : i32
          %parallel_loop3A_265 = arith.index_cast %rem3A_258 : i32 to index
          %parallel_loop3A_266 = arith.index_cast %parallel_loop3A_264 : i32 to index
          %parallel_loop3A_267 = tpu.vector_load %arg8[%parallel_loop3A_265, %parallel_loop3A_266] {strides = array<i32>} : memref<321x384xbf16, #tpu.memory_space<vmem>>, vector<32xbf16>,
          %parallel_loop3A_268 = arith.index_cast %while3A_249 : i32 to index
          %parallel_loop3A_269 = arith.index_cast %parallel_loop3A_264 : i32 to index
          %parallel_loop3A_270 = tpu.vector_load %arg14[%parallel_loop3A_268, %parallel_loop3A_269] {strides = array<i32>} : memref<64x384xbf16, #tpu.memory_space<vmem>>, vector<32xbf16>,
          %parallel_loop3A_271 = arith.maximumf %parallel_loop3A_267, %parallel_loop3A_270 : vector<32xbf16>
          %parallel_loop3A_272 = arith.index_cast %rem3A_258 : i32 to index
          %parallel_loop3A_273 = arith.index_cast %parallel_loop3A_264 : i32 to index
          %parallel_loop3A_274 = tpu.vector_load %arg8[%parallel_loop3A_272, %parallel_loop3A_273] {strides = array<i32>} : memref<321x384xbf16, #tpu.memory_space<vmem>>, vector<32xbf16>,
          tpu.vector_store %arg8[%parallel_loop3A_272, %parallel_loop3A_273], %parallel_loop3A_271 {strides = array<i32>} : memref<321x384xbf16, #tpu.memory_space<vmem>>, vector<32xbf16>,
        } {sc.loop_unroll_factor = 12 : i64, sc.parallel_access}
        %while3A_261 = arith.constant 0 : i32
        scf.yield %while3A_261 : i32
      }
      %add3A_238 = arith.constant 2 : i32
      %add3A_239 = arith.addi %mul3A_212, %add3A_238 : i32
      %lt3A_240 = arith.cmpi slt, %add3A_239, %select_n3A_74 : i32
      %convert_element_type3A_241 = arith.extui %lt3A_240 : i1 to i32
      %cond3A_242 = arith.constant 0 : i32
      %cond3A_243 = arith.cmpi ne, %convert_element_type3A_241, %cond3A_242 : i32
      scf.if %cond3A_243 {
        %add3A_249 = arith.constant 2 : i32
        %add3A_250 = arith.addi %mul3A_212, %add3A_249 : i32
        %scan3A_251 = arith.constant 0 : i32
        %scan3A_252 = arith.constant 0 : i32
        %scan3A_253 = arith.constant 4 : i32
        %scan3A_254 = arith.addi %scan3A_252, %scan3A_253 : i32
        %scan3A_255 = arith.constant 1 : i32
        %scan3A_256 = scf.for %scan3A_261 = %scan3A_252 to %scan3A_254 step %scan3A_255 iter_args(%scan3A_262 = %scan3A_251) -> (i32)  : i32 {
          %mul3A_263 = arith.constant 64 : i32
          %mul3A_264 = arith.muli %add3A_250, %mul3A_263 : i32
          %add3A_265 = arith.constant 0 : i32
          %add3A_266 = arith.addi %add3A_265, %mul3A_264 : i32
          %mul3A_267 = arith.constant 16 : i32
          %mul3A_268 = arith.muli %scan3A_261, %mul3A_267 : i32
          %add3A_269 = arith.addi %add3A_266, %mul3A_268 : i32
          %get3A = arith.index_cast %add3A_269 : i32 to index
          %get3A_270 = tpu.vector_load %arg9[%get3A] {strides = array<i32>} : memref<10304xi32, #tpu.memory_space<vmem>>, vector<16xi32>,
          %shift_right_arithmetic3A = arith.constant 9 : i32
          %shift_right_arithmetic3A_271 = vector.broadcast %shift_right_arithmetic3A : i32 to vector<16xi32>
          %shift_right_arithmetic3A_272 = arith.shrsi %get3A_270, %shift_right_arithmetic3A_271 : vector<16xi32>
          %mul3A_273 = arith.constant 16 : i32
          %mul3A_274 = arith.muli %scan3A_261, %mul3A_273 : i32
          %swap3A = arith.index_cast %mul3A_274 : i32 to index
          %swap3A_275 = tpu.vector_load %arg16[%swap3A] {strides = array<i32>} : memref<64xi32, #tpu.memory_space<vmem>>, vector<16xi32>,
          tpu.vector_store %arg16[%swap3A], %shift_right_arithmetic3A_272 {strides = array<i32>} : memref<64xi32, #tpu.memory_space<vmem>>, vector<16xi32>,
          %scan3A_276 = arith.constant 0 : i32
          scf.yield %scan3A_276 : i32
        }
        %scan3A_257 = arith.constant 4 : i32
        %dma_start3A_258 = arith.constant 0 : i32
        %dma_start3A_259 = arith.constant 0 : i32
        %dma_start3A_260 = tpu.memref_slice %arg2[%dma_start3A_258, %dma_start3A_259] : memref<10240x384xbf16, #tpu.memory_space<hbm>> -> memref<10240x384xbf16, #tpu.memory_space<hbm>>
        tpu.enqueue_indirect_dma source(%dma_start3A_260 : memref<10240x384xbf16, #tpu.memory_space<hbm>>) target(%arg14 : memref<64x384xbf16, #tpu.memory_space<vmem>>) offsets(%arg16 : memref<64xi32, #tpu.memory_space<vmem>>) semaphore(%arg18 : memref<!tpu.dma_semaphore, #tpu.memory_space<semaphore_mem>>)
      } else {
      }
      %lt3A_244 = arith.cmpi slt, %add3A_214, %select_n3A_74 : i32
      %convert_element_type3A_245 = arith.extui %lt3A_244 : i1 to i32
      %cond3A_246 = arith.constant 0 : i32
      %cond3A_247 = arith.cmpi ne, %convert_element_type3A_245, %cond3A_246 : i32
      scf.if %cond3A_247 {
        %dma_wait3A_249 = arith.constant 0 : i32
        %dma_wait3A_250 = arith.constant 0 : i32
        %dma_wait3A_251 = tpu.memref_slice %arg2[%dma_wait3A_249, %dma_wait3A_250] : memref<10240x384xbf16, #tpu.memory_space<hbm>> -> memref<10240x384xbf16, #tpu.memory_space<hbm>>
        tpu.wait_indirect_dma semaphore(%arg19 : memref<!tpu.dma_semaphore, #tpu.memory_space<semaphore_mem>>) src(%dma_wait3A_251 : memref<10240x384xbf16, #tpu.memory_space<hbm>>) dst(%arg15 : memref<64x384xbf16, #tpu.memory_space<vmem>>)
        %mul3A_252 = arith.constant 4 : i32
        %mul3A_253 = arith.muli %add3A_214, %mul3A_252 : i32
        %sub3A_254 = arith.subi %select_n3A, %mul3A_253 : i32
        %min3A_255 = arith.constant 4 : i32
        %min3A_256 = arith.minsi %sub3A_254, %min3A_255 : i32
        %mul3A_257 = arith.constant 16 : i32
        %mul3A_258 = arith.muli %min3A_256, %mul3A_257 : i32
        %while3A_259 = arith.constant 0 : i32
        %while3A_260 = arith.constant 0 : i32
        %while3A_261 = arith.subi %mul3A_258, %while3A_259 : i32
        %while3A_262 = arith.addi %while3A_259, %while3A_261 : i32
        %while3A_263 = arith.constant 1 : i32
        %while3A_264 = arith.divsi %while3A_261, %while3A_263 : i32
        %while3A_265 = arith.muli %while3A_264, %while3A_263 : i32
        %while3A_266 = arith.addi %while3A_259, %while3A_265 : i32
        %while3A_267 = arith.constant 1 : i32
        %while3A_268 = scf.for %while3A_271 = %while3A_259 to %while3A_266 step %while3A_267 iter_args(%while3A_272 = %while3A_260) -> (i32)  : i32 {
          %mul3A_273 = arith.constant 64 : i32
          %mul3A_274 = arith.muli %add3A_214, %mul3A_273 : i32
          %add3A_275 = arith.constant 0 : i32
          %add3A_276 = arith.addi %add3A_275, %mul3A_274 : i32
          %add3A_277 = arith.addi %add3A_276, %while3A_271 : i32
          %get3A = arith.index_cast %add3A_277 : i32 to index
          %get3A_278 = tpu.vector_load %arg9[%get3A] {strides = array<i32>} : memref<10304xi32, #tpu.memory_space<vmem>>, vector<16xi32>,
          %slice3A = vector.extract_strided_slice %get3A_278 {offsets = [0], sizes = [1], strides = [1]} : vector<16xi32> to vector<1xi32>
          %squeeze3A = vector.extract %slice3A[0] : i32 from vector<1xi32>
          %rem3A_279 = arith.constant 512 : i32
          %rem3A_280 = arith.remsi %squeeze3A, %rem3A_279 : i32
          %parallel_loop3A = arith.constant 0 : i32
          %parallel_loop3A_281 = arith.constant 12 : i32
          %parallel_loop3A_282 = arith.constant 1 : i32
          scf.for %parallel_loop3A_284 = %parallel_loop3A to %parallel_loop3A_281 step %parallel_loop3A_282  : i32 {
            %parallel_loop3A_285 = arith.constant 32 : i32
            %parallel_loop3A_286 = arith.muli %parallel_loop3A_284, %parallel_loop3A_285 : i32
            %parallel_loop3A_287 = arith.index_cast %rem3A_280 : i32 to index
            %parallel_loop3A_288 = arith.index_cast %parallel_loop3A_286 : i32 to index
            %parallel_loop3A_289 = tpu.vector_load %arg8[%parallel_loop3A_287, %parallel_loop3A_288] {strides = array<i32>} : memref<321x384xbf16, #tpu.memory_space<vmem>>, vector<32xbf16>,
            %parallel_loop3A_290 = arith.index_cast %while3A_271 : i32 to index
            %parallel_loop3A_291 = arith.index_cast %parallel_loop3A_286 : i32 to index
            %parallel_loop3A_292 = tpu.vector_load %arg15[%parallel_loop3A_290, %parallel_loop3A_291] {strides = array<i32>} : memref<64x384xbf16, #tpu.memory_space<vmem>>, vector<32xbf16>,
            %parallel_loop3A_293 = arith.maximumf %parallel_loop3A_289, %parallel_loop3A_292 : vector<32xbf16>
            %parallel_loop3A_294 = arith.index_cast %rem3A_280 : i32 to index
            %parallel_loop3A_295 = arith.index_cast %parallel_loop3A_286 : i32 to index
            %parallel_loop3A_296 = tpu.vector_load %arg8[%parallel_loop3A_294, %parallel_loop3A_295] {strides = array<i32>} : memref<321x384xbf16, #tpu.memory_space<vmem>>, vector<32xbf16>,
            tpu.vector_store %arg8[%parallel_loop3A_294, %parallel_loop3A_295], %parallel_loop3A_293 {strides = array<i32>} : memref<321x384xbf16, #tpu.memory_space<vmem>>, vector<32xbf16>,
          } {sc.loop_unroll_factor = 12 : i64, sc.parallel_access}
          %while3A_283 = arith.constant 0 : i32
          scf.yield %while3A_283 : i32
        }
        %while3A_269 = arith.constant 1 : i32
        %while3A_270 = scf.for %while3A_271 = %while3A_266 to %while3A_262 step %while3A_269 iter_args(%while3A_272 = %while3A_268) -> (i32)  : i32 {
          %mul3A_273 = arith.constant 64 : i32
          %mul3A_274 = arith.muli %add3A_214, %mul3A_273 : i32
          %add3A_275 = arith.constant 0 : i32
          %add3A_276 = arith.addi %add3A_275, %mul3A_274 : i32
          %add3A_277 = arith.addi %add3A_276, %while3A_271 : i32
          %get3A = arith.index_cast %add3A_277 : i32 to index
          %get3A_278 = tpu.vector_load %arg9[%get3A] {strides = array<i32>} : memref<10304xi32, #tpu.memory_space<vmem>>, vector<16xi32>,
          %slice3A = vector.extract_strided_slice %get3A_278 {offsets = [0], sizes = [1], strides = [1]} : vector<16xi32> to vector<1xi32>
          %squeeze3A = vector.extract %slice3A[0] : i32 from vector<1xi32>
          %rem3A_279 = arith.constant 512 : i32
          %rem3A_280 = arith.remsi %squeeze3A, %rem3A_279 : i32
          %parallel_loop3A = arith.constant 0 : i32
          %parallel_loop3A_281 = arith.constant 12 : i32
          %parallel_loop3A_282 = arith.constant 1 : i32
          scf.for %parallel_loop3A_284 = %parallel_loop3A to %parallel_loop3A_281 step %parallel_loop3A_282  : i32 {
            %parallel_loop3A_285 = arith.constant 32 : i32
            %parallel_loop3A_286 = arith.muli %parallel_loop3A_284, %parallel_loop3A_285 : i32
            %parallel_loop3A_287 = arith.index_cast %rem3A_280 : i32 to index
            %parallel_loop3A_288 = arith.index_cast %parallel_loop3A_286 : i32 to index
            %parallel_loop3A_289 = tpu.vector_load %arg8[%parallel_loop3A_287, %parallel_loop3A_288] {strides = array<i32>} : memref<321x384xbf16, #tpu.memory_space<vmem>>, vector<32xbf16>,
            %parallel_loop3A_290 = arith.index_cast %while3A_271 : i32 to index
            %parallel_loop3A_291 = arith.index_cast %parallel_loop3A_286 : i32 to index
            %parallel_loop3A_292 = tpu.vector_load %arg15[%parallel_loop3A_290, %parallel_loop3A_291] {strides = array<i32>} : memref<64x384xbf16, #tpu.memory_space<vmem>>, vector<32xbf16>,
            %parallel_loop3A_293 = arith.maximumf %parallel_loop3A_289, %parallel_loop3A_292 : vector<32xbf16>
            %parallel_loop3A_294 = arith.index_cast %rem3A_280 : i32 to index
            %parallel_loop3A_295 = arith.index_cast %parallel_loop3A_286 : i32 to index
            %parallel_loop3A_296 = tpu.vector_load %arg8[%parallel_loop3A_294, %parallel_loop3A_295] {strides = array<i32>} : memref<321x384xbf16, #tpu.memory_space<vmem>>, vector<32xbf16>,
            tpu.vector_store %arg8[%parallel_loop3A_294, %parallel_loop3A_295], %parallel_loop3A_293 {strides = array<i32>} : memref<321x384xbf16, #tpu.memory_space<vmem>>, vector<32xbf16>,
          } {sc.loop_unroll_factor = 12 : i64, sc.parallel_access}
          %while3A_283 = arith.constant 0 : i32
          scf.yield %while3A_283 : i32
        }
      } else {
      }
      %while3A_248 = arith.constant 0 : i32
      scf.yield %while3A_248 : i32
    }
    %while3A_112 = arith.constant 1 : i32
    %while3A_113 = scf.for %while3A_209 = %while3A_109 to %while3A_105 step %while3A_112 iter_args(%while3A_210 = %while3A_111) -> (i32)  : i32 {
      %mul3A_211 = arith.constant 2 : i32
      %mul3A_212 = arith.muli %while3A_209, %mul3A_211 : i32
      %add3A_213 = arith.constant 1 : i32
      %add3A_214 = arith.addi %mul3A_212, %add3A_213 : i32
      %lt3A = arith.cmpi slt, %add3A_214, %select_n3A_74 : i32
      %convert_element_type3A_215 = arith.extui %lt3A : i1 to i32
      %cond3A_216 = arith.constant 0 : i32
      %cond3A_217 = arith.cmpi ne, %convert_element_type3A_215, %cond3A_216 : i32
      scf.if %cond3A_217 {
        %scan3A_249 = arith.constant 0 : i32
        %scan3A_250 = arith.constant 0 : i32
        %scan3A_251 = arith.constant 4 : i32
        %scan3A_252 = arith.addi %scan3A_250, %scan3A_251 : i32
        %scan3A_253 = arith.constant 1 : i32
        %scan3A_254 = scf.for %scan3A_259 = %scan3A_250 to %scan3A_252 step %scan3A_253 iter_args(%scan3A_260 = %scan3A_249) -> (i32)  : i32 {
          %mul3A_261 = arith.constant 64 : i32
          %mul3A_262 = arith.muli %add3A_214, %mul3A_261 : i32
          %add3A_263 = arith.constant 0 : i32
          %add3A_264 = arith.addi %add3A_263, %mul3A_262 : i32
          %mul3A_265 = arith.constant 16 : i32
          %mul3A_266 = arith.muli %scan3A_259, %mul3A_265 : i32
          %add3A_267 = arith.addi %add3A_264, %mul3A_266 : i32
          %get3A = arith.index_cast %add3A_267 : i32 to index
          %get3A_268 = tpu.vector_load %arg9[%get3A] {strides = array<i32>} : memref<10304xi32, #tpu.memory_space<vmem>>, vector<16xi32>,
          %shift_right_arithmetic3A = arith.constant 9 : i32
          %shift_right_arithmetic3A_269 = vector.broadcast %shift_right_arithmetic3A : i32 to vector<16xi32>
          %shift_right_arithmetic3A_270 = arith.shrsi %get3A_268, %shift_right_arithmetic3A_269 : vector<16xi32>
          %mul3A_271 = arith.constant 16 : i32
          %mul3A_272 = arith.muli %scan3A_259, %mul3A_271 : i32
          %swap3A = arith.index_cast %mul3A_272 : i32 to index
          %swap3A_273 = tpu.vector_load %arg17[%swap3A] {strides = array<i32>} : memref<64xi32, #tpu.memory_space<vmem>>, vector<16xi32>,
          tpu.vector_store %arg17[%swap3A], %shift_right_arithmetic3A_270 {strides = array<i32>} : memref<64xi32, #tpu.memory_space<vmem>>, vector<16xi32>,
          %scan3A_274 = arith.constant 0 : i32
          scf.yield %scan3A_274 : i32
        }
        %scan3A_255 = arith.constant 4 : i32
        %dma_start3A_256 = arith.constant 0 : i32
        %dma_start3A_257 = arith.constant 0 : i32
        %dma_start3A_258 = tpu.memref_slice %arg2[%dma_start3A_256, %dma_start3A_257] : memref<10240x384xbf16, #tpu.memory_space<hbm>> -> memref<10240x384xbf16, #tpu.memory_space<hbm>>
        tpu.enqueue_indirect_dma source(%dma_start3A_258 : memref<10240x384xbf16, #tpu.memory_space<hbm>>) target(%arg15 : memref<64x384xbf16, #tpu.memory_space<vmem>>) offsets(%arg17 : memref<64xi32, #tpu.memory_space<vmem>>) semaphore(%arg19 : memref<!tpu.dma_semaphore, #tpu.memory_space<semaphore_mem>>)
      } else {
      }
      %dma_wait3A = arith.constant 0 : i32
      %dma_wait3A_218 = arith.constant 0 : i32
      %dma_wait3A_219 = tpu.memref_slice %arg2[%dma_wait3A, %dma_wait3A_218] : memref<10240x384xbf16, #tpu.memory_space<hbm>> -> memref<10240x384xbf16, #tpu.memory_space<hbm>>
      tpu.wait_indirect_dma semaphore(%arg18 : memref<!tpu.dma_semaphore, #tpu.memory_space<semaphore_mem>>) src(%dma_wait3A_219 : memref<10240x384xbf16, #tpu.memory_space<hbm>>) dst(%arg14 : memref<64x384xbf16, #tpu.memory_space<vmem>>)
      %mul3A_220 = arith.constant 4 : i32
      %mul3A_221 = arith.muli %mul3A_212, %mul3A_220 : i32
      %sub3A_222 = arith.subi %select_n3A, %mul3A_221 : i32
      %min3A = arith.constant 4 : i32
      %min3A_223 = arith.minsi %sub3A_222, %min3A : i32
      %mul3A_224 = arith.constant 16 : i32
      %mul3A_225 = arith.muli %min3A_223, %mul3A_224 : i32
      %while3A_226 = arith.constant 0 : i32
      %while3A_227 = arith.constant 0 : i32
      %while3A_228 = arith.subi %mul3A_225, %while3A_226 : i32
      %while3A_229 = arith.addi %while3A_226, %while3A_228 : i32
      %while3A_230 = arith.constant 1 : i32
      %while3A_231 = arith.divsi %while3A_228, %while3A_230 : i32
      %while3A_232 = arith.muli %while3A_231, %while3A_230 : i32
      %while3A_233 = arith.addi %while3A_226, %while3A_232 : i32
      %while3A_234 = arith.constant 1 : i32
      %while3A_235 = scf.for %while3A_249 = %while3A_226 to %while3A_233 step %while3A_234 iter_args(%while3A_250 = %while3A_227) -> (i32)  : i32 {
        %mul3A_251 = arith.constant 64 : i32
        %mul3A_252 = arith.muli %mul3A_212, %mul3A_251 : i32
        %add3A_253 = arith.constant 0 : i32
        %add3A_254 = arith.addi %add3A_253, %mul3A_252 : i32
        %add3A_255 = arith.addi %add3A_254, %while3A_249 : i32
        %get3A = arith.index_cast %add3A_255 : i32 to index
        %get3A_256 = tpu.vector_load %arg9[%get3A] {strides = array<i32>} : memref<10304xi32, #tpu.memory_space<vmem>>, vector<16xi32>,
        %slice3A = vector.extract_strided_slice %get3A_256 {offsets = [0], sizes = [1], strides = [1]} : vector<16xi32> to vector<1xi32>
        %squeeze3A = vector.extract %slice3A[0] : i32 from vector<1xi32>
        %rem3A_257 = arith.constant 512 : i32
        %rem3A_258 = arith.remsi %squeeze3A, %rem3A_257 : i32
        %parallel_loop3A = arith.constant 0 : i32
        %parallel_loop3A_259 = arith.constant 12 : i32
        %parallel_loop3A_260 = arith.constant 1 : i32
        scf.for %parallel_loop3A_262 = %parallel_loop3A to %parallel_loop3A_259 step %parallel_loop3A_260  : i32 {
          %parallel_loop3A_263 = arith.constant 32 : i32
          %parallel_loop3A_264 = arith.muli %parallel_loop3A_262, %parallel_loop3A_263 : i32
          %parallel_loop3A_265 = arith.index_cast %rem3A_258 : i32 to index
          %parallel_loop3A_266 = arith.index_cast %parallel_loop3A_264 : i32 to index
          %parallel_loop3A_267 = tpu.vector_load %arg8[%parallel_loop3A_265, %parallel_loop3A_266] {strides = array<i32>} : memref<321x384xbf16, #tpu.memory_space<vmem>>, vector<32xbf16>,
          %parallel_loop3A_268 = arith.index_cast %while3A_249 : i32 to index
          %parallel_loop3A_269 = arith.index_cast %parallel_loop3A_264 : i32 to index
          %parallel_loop3A_270 = tpu.vector_load %arg14[%parallel_loop3A_268, %parallel_loop3A_269] {strides = array<i32>} : memref<64x384xbf16, #tpu.memory_space<vmem>>, vector<32xbf16>,
          %parallel_loop3A_271 = arith.maximumf %parallel_loop3A_267, %parallel_loop3A_270 : vector<32xbf16>
          %parallel_loop3A_272 = arith.index_cast %rem3A_258 : i32 to index
          %parallel_loop3A_273 = arith.index_cast %parallel_loop3A_264 : i32 to index
          %parallel_loop3A_274 = tpu.vector_load %arg8[%parallel_loop3A_272, %parallel_loop3A_273] {strides = array<i32>} : memref<321x384xbf16, #tpu.memory_space<vmem>>, vector<32xbf16>,
          tpu.vector_store %arg8[%parallel_loop3A_272, %parallel_loop3A_273], %parallel_loop3A_271 {strides = array<i32>} : memref<321x384xbf16, #tpu.memory_space<vmem>>, vector<32xbf16>,
        } {sc.loop_unroll_factor = 12 : i64, sc.parallel_access}
        %while3A_261 = arith.constant 0 : i32
        scf.yield %while3A_261 : i32
      }
      %while3A_236 = arith.constant 1 : i32
      %while3A_237 = scf.for %while3A_249 = %while3A_233 to %while3A_229 step %while3A_236 iter_args(%while3A_250 = %while3A_235) -> (i32)  : i32 {
        %mul3A_251 = arith.constant 64 : i32
        %mul3A_252 = arith.muli %mul3A_212, %mul3A_251 : i32
        %add3A_253 = arith.constant 0 : i32
        %add3A_254 = arith.addi %add3A_253, %mul3A_252 : i32
        %add3A_255 = arith.addi %add3A_254, %while3A_249 : i32
        %get3A = arith.index_cast %add3A_255 : i32 to index
        %get3A_256 = tpu.vector_load %arg9[%get3A] {strides = array<i32>} : memref<10304xi32, #tpu.memory_space<vmem>>, vector<16xi32>,
        %slice3A = vector.extract_strided_slice %get3A_256 {offsets = [0], sizes = [1], strides = [1]} : vector<16xi32> to vector<1xi32>
        %squeeze3A = vector.extract %slice3A[0] : i32 from vector<1xi32>
        %rem3A_257 = arith.constant 512 : i32
        %rem3A_258 = arith.remsi %squeeze3A, %rem3A_257 : i32
        %parallel_loop3A = arith.constant 0 : i32
        %parallel_loop3A_259 = arith.constant 12 : i32
        %parallel_loop3A_260 = arith.constant 1 : i32
        scf.for %parallel_loop3A_262 = %parallel_loop3A to %parallel_loop3A_259 step %parallel_loop3A_260  : i32 {
          %parallel_loop3A_263 = arith.constant 32 : i32
          %parallel_loop3A_264 = arith.muli %parallel_loop3A_262, %parallel_loop3A_263 : i32
          %parallel_loop3A_265 = arith.index_cast %rem3A_258 : i32 to index
          %parallel_loop3A_266 = arith.index_cast %parallel_loop3A_264 : i32 to index
          %parallel_loop3A_267 = tpu.vector_load %arg8[%parallel_loop3A_265, %parallel_loop3A_266] {strides = array<i32>} : memref<321x384xbf16, #tpu.memory_space<vmem>>, vector<32xbf16>,
          %parallel_loop3A_268 = arith.index_cast %while3A_249 : i32 to index
          %parallel_loop3A_269 = arith.index_cast %parallel_loop3A_264 : i32 to index
          %parallel_loop3A_270 = tpu.vector_load %arg14[%parallel_loop3A_268, %parallel_loop3A_269] {strides = array<i32>} : memref<64x384xbf16, #tpu.memory_space<vmem>>, vector<32xbf16>,
          %parallel_loop3A_271 = arith.maximumf %parallel_loop3A_267, %parallel_loop3A_270 : vector<32xbf16>
          %parallel_loop3A_272 = arith.index_cast %rem3A_258 : i32 to index
          %parallel_loop3A_273 = arith.index_cast %parallel_loop3A_264 : i32 to index
          %parallel_loop3A_274 = tpu.vector_load %arg8[%parallel_loop3A_272, %parallel_loop3A_273] {strides = array<i32>} : memref<321x384xbf16, #tpu.memory_space<vmem>>, vector<32xbf16>,
          tpu.vector_store %arg8[%parallel_loop3A_272, %parallel_loop3A_273], %parallel_loop3A_271 {strides = array<i32>} : memref<321x384xbf16, #tpu.memory_space<vmem>>, vector<32xbf16>,
        } {sc.loop_unroll_factor = 12 : i64, sc.parallel_access}
        %while3A_261 = arith.constant 0 : i32
        scf.yield %while3A_261 : i32
      }
      %add3A_238 = arith.constant 2 : i32
      %add3A_239 = arith.addi %mul3A_212, %add3A_238 : i32
      %lt3A_240 = arith.cmpi slt, %add3A_239, %select_n3A_74 : i32
      %convert_element_type3A_241 = arith.extui %lt3A_240 : i1 to i32
      %cond3A_242 = arith.constant 0 : i32
      %cond3A_243 = arith.cmpi ne, %convert_element_type3A_241, %cond3A_242 : i32
      scf.if %cond3A_243 {
        %add3A_249 = arith.constant 2 : i32
        %add3A_250 = arith.addi %mul3A_212, %add3A_249 : i32
        %scan3A_251 = arith.constant 0 : i32
        %scan3A_252 = arith.constant 0 : i32
        %scan3A_253 = arith.constant 4 : i32
        %scan3A_254 = arith.addi %scan3A_252, %scan3A_253 : i32
        %scan3A_255 = arith.constant 1 : i32
        %scan3A_256 = scf.for %scan3A_261 = %scan3A_252 to %scan3A_254 step %scan3A_255 iter_args(%scan3A_262 = %scan3A_251) -> (i32)  : i32 {
          %mul3A_263 = arith.constant 64 : i32
          %mul3A_264 = arith.muli %add3A_250, %mul3A_263 : i32
          %add3A_265 = arith.constant 0 : i32
          %add3A_266 = arith.addi %add3A_265, %mul3A_264 : i32
          %mul3A_267 = arith.constant 16 : i32
          %mul3A_268 = arith.muli %scan3A_261, %mul3A_267 : i32
          %add3A_269 = arith.addi %add3A_266, %mul3A_268 : i32
          %get3A = arith.index_cast %add3A_269 : i32 to index
          %get3A_270 = tpu.vector_load %arg9[%get3A] {strides = array<i32>} : memref<10304xi32, #tpu.memory_space<vmem>>, vector<16xi32>,
          %shift_right_arithmetic3A = arith.constant 9 : i32
          %shift_right_arithmetic3A_271 = vector.broadcast %shift_right_arithmetic3A : i32 to vector<16xi32>
          %shift_right_arithmetic3A_272 = arith.shrsi %get3A_270, %shift_right_arithmetic3A_271 : vector<16xi32>
          %mul3A_273 = arith.constant 16 : i32
          %mul3A_274 = arith.muli %scan3A_261, %mul3A_273 : i32
          %swap3A = arith.index_cast %mul3A_274 : i32 to index
          %swap3A_275 = tpu.vector_load %arg16[%swap3A] {strides = array<i32>} : memref<64xi32, #tpu.memory_space<vmem>>, vector<16xi32>,
          tpu.vector_store %arg16[%swap3A], %shift_right_arithmetic3A_272 {strides = array<i32>} : memref<64xi32, #tpu.memory_space<vmem>>, vector<16xi32>,
          %scan3A_276 = arith.constant 0 : i32
          scf.yield %scan3A_276 : i32
        }
        %scan3A_257 = arith.constant 4 : i32
        %dma_start3A_258 = arith.constant 0 : i32
        %dma_start3A_259 = arith.constant 0 : i32
        %dma_start3A_260 = tpu.memref_slice %arg2[%dma_start3A_258, %dma_start3A_259] : memref<10240x384xbf16, #tpu.memory_space<hbm>> -> memref<10240x384xbf16, #tpu.memory_space<hbm>>
        tpu.enqueue_indirect_dma source(%dma_start3A_260 : memref<10240x384xbf16, #tpu.memory_space<hbm>>) target(%arg14 : memref<64x384xbf16, #tpu.memory_space<vmem>>) offsets(%arg16 : memref<64xi32, #tpu.memory_space<vmem>>) semaphore(%arg18 : memref<!tpu.dma_semaphore, #tpu.memory_space<semaphore_mem>>)
      } else {
      }
      %lt3A_244 = arith.cmpi slt, %add3A_214, %select_n3A_74 : i32
      %convert_element_type3A_245 = arith.extui %lt3A_244 : i1 to i32
      %cond3A_246 = arith.constant 0 : i32
      %cond3A_247 = arith.cmpi ne, %convert_element_type3A_245, %cond3A_246 : i32
      scf.if %cond3A_247 {
        %dma_wait3A_249 = arith.constant 0 : i32
        %dma_wait3A_250 = arith.constant 0 : i32
        %dma_wait3A_251 = tpu.memref_slice %arg2[%dma_wait3A_249, %dma_wait3A_250] : memref<10240x384xbf16, #tpu.memory_space<hbm>> -> memref<10240x384xbf16, #tpu.memory_space<hbm>>
        tpu.wait_indirect_dma semaphore(%arg19 : memref<!tpu.dma_semaphore, #tpu.memory_space<semaphore_mem>>) src(%dma_wait3A_251 : memref<10240x384xbf16, #tpu.memory_space<hbm>>) dst(%arg15 : memref<64x384xbf16, #tpu.memory_space<vmem>>)
        %mul3A_252 = arith.constant 4 : i32
        %mul3A_253 = arith.muli %add3A_214, %mul3A_252 : i32
        %sub3A_254 = arith.subi %select_n3A, %mul3A_253 : i32
        %min3A_255 = arith.constant 4 : i32
        %min3A_256 = arith.minsi %sub3A_254, %min3A_255 : i32
        %mul3A_257 = arith.constant 16 : i32
        %mul3A_258 = arith.muli %min3A_256, %mul3A_257 : i32
        %while3A_259 = arith.constant 0 : i32
        %while3A_260 = arith.constant 0 : i32
        %while3A_261 = arith.subi %mul3A_258, %while3A_259 : i32
        %while3A_262 = arith.addi %while3A_259, %while3A_261 : i32
        %while3A_263 = arith.constant 1 : i32
        %while3A_264 = arith.divsi %while3A_261, %while3A_263 : i32
        %while3A_265 = arith.muli %while3A_264, %while3A_263 : i32
        %while3A_266 = arith.addi %while3A_259, %while3A_265 : i32
        %while3A_267 = arith.constant 1 : i32
        %while3A_268 = scf.for %while3A_271 = %while3A_259 to %while3A_266 step %while3A_267 iter_args(%while3A_272 = %while3A_260) -> (i32)  : i32 {
          %mul3A_273 = arith.constant 64 : i32
          %mul3A_274 = arith.muli %add3A_214, %mul3A_273 : i32
          %add3A_275 = arith.constant 0 : i32
          %add3A_276 = arith.addi %add3A_275, %mul3A_274 : i32
          %add3A_277 = arith.addi %add3A_276, %while3A_271 : i32
          %get3A = arith.index_cast %add3A_277 : i32 to index
          %get3A_278 = tpu.vector_load %arg9[%get3A] {strides = array<i32>} : memref<10304xi32, #tpu.memory_space<vmem>>, vector<16xi32>,
          %slice3A = vector.extract_strided_slice %get3A_278 {offsets = [0], sizes = [1], strides = [1]} : vector<16xi32> to vector<1xi32>
          %squeeze3A = vector.extract %slice3A[0] : i32 from vector<1xi32>
          %rem3A_279 = arith.constant 512 : i32
          %rem3A_280 = arith.remsi %squeeze3A, %rem3A_279 : i32
          %parallel_loop3A = arith.constant 0 : i32
          %parallel_loop3A_281 = arith.constant 12 : i32
          %parallel_loop3A_282 = arith.constant 1 : i32
          scf.for %parallel_loop3A_284 = %parallel_loop3A to %parallel_loop3A_281 step %parallel_loop3A_282  : i32 {
            %parallel_loop3A_285 = arith.constant 32 : i32
            %parallel_loop3A_286 = arith.muli %parallel_loop3A_284, %parallel_loop3A_285 : i32
            %parallel_loop3A_287 = arith.index_cast %rem3A_280 : i32 to index
            %parallel_loop3A_288 = arith.index_cast %parallel_loop3A_286 : i32 to index
            %parallel_loop3A_289 = tpu.vector_load %arg8[%parallel_loop3A_287, %parallel_loop3A_288] {strides = array<i32>} : memref<321x384xbf16, #tpu.memory_space<vmem>>, vector<32xbf16>,
            %parallel_loop3A_290 = arith.index_cast %while3A_271 : i32 to index
            %parallel_loop3A_291 = arith.index_cast %parallel_loop3A_286 : i32 to index
            %parallel_loop3A_292 = tpu.vector_load %arg15[%parallel_loop3A_290, %parallel_loop3A_291] {strides = array<i32>} : memref<64x384xbf16, #tpu.memory_space<vmem>>, vector<32xbf16>,
            %parallel_loop3A_293 = arith.maximumf %parallel_loop3A_289, %parallel_loop3A_292 : vector<32xbf16>
            %parallel_loop3A_294 = arith.index_cast %rem3A_280 : i32 to index
            %parallel_loop3A_295 = arith.index_cast %parallel_loop3A_286 : i32 to index
            %parallel_loop3A_296 = tpu.vector_load %arg8[%parallel_loop3A_294, %parallel_loop3A_295] {strides = array<i32>} : memref<321x384xbf16, #tpu.memory_space<vmem>>, vector<32xbf16>,
            tpu.vector_store %arg8[%parallel_loop3A_294, %parallel_loop3A_295], %parallel_loop3A_293 {strides = array<i32>} : memref<321x384xbf16, #tpu.memory_space<vmem>>, vector<32xbf16>,
          } {sc.loop_unroll_factor = 12 : i64, sc.parallel_access}
          %while3A_283 = arith.constant 0 : i32
          scf.yield %while3A_283 : i32
        }
        %while3A_269 = arith.constant 1 : i32
        %while3A_270 = scf.for %while3A_271 = %while3A_266 to %while3A_262 step %while3A_269 iter_args(%while3A_272 = %while3A_268) -> (i32)  : i32 {
          %mul3A_273 = arith.constant 64 : i32
          %mul3A_274 = arith.muli %add3A_214, %mul3A_273 : i32
          %add3A_275 = arith.constant 0 : i32
          %add3A_276 = arith.addi %add3A_275, %mul3A_274 : i32
          %add3A_277 = arith.addi %add3A_276, %while3A_271 : i32
          %get3A = arith.index_cast %add3A_277 : i32 to index
          %get3A_278 = tpu.vector_load %arg9[%get3A] {strides = array<i32>} : memref<10304xi32, #tpu.memory_space<vmem>>, vector<16xi32>,
          %slice3A = vector.extract_strided_slice %get3A_278 {offsets = [0], sizes = [1], strides = [1]} : vector<16xi32> to vector<1xi32>
          %squeeze3A = vector.extract %slice3A[0] : i32 from vector<1xi32>
          %rem3A_279 = arith.constant 512 : i32
          %rem3A_280 = arith.remsi %squeeze3A, %rem3A_279 : i32
          %parallel_loop3A = arith.constant 0 : i32
          %parallel_loop3A_281 = arith.constant 12 : i32
          %parallel_loop3A_282 = arith.constant 1 : i32
          scf.for %parallel_loop3A_284 = %parallel_loop3A to %parallel_loop3A_281 step %parallel_loop3A_282  : i32 {
            %parallel_loop3A_285 = arith.constant 32 : i32
            %parallel_loop3A_286 = arith.muli %parallel_loop3A_284, %parallel_loop3A_285 : i32
            %parallel_loop3A_287 = arith.index_cast %rem3A_280 : i32 to index
            %parallel_loop3A_288 = arith.index_cast %parallel_loop3A_286 : i32 to index
            %parallel_loop3A_289 = tpu.vector_load %arg8[%parallel_loop3A_287, %parallel_loop3A_288] {strides = array<i32>} : memref<321x384xbf16, #tpu.memory_space<vmem>>, vector<32xbf16>,
            %parallel_loop3A_290 = arith.index_cast %while3A_271 : i32 to index
            %parallel_loop3A_291 = arith.index_cast %parallel_loop3A_286 : i32 to index
            %parallel_loop3A_292 = tpu.vector_load %arg15[%parallel_loop3A_290, %parallel_loop3A_291] {strides = array<i32>} : memref<64x384xbf16, #tpu.memory_space<vmem>>, vector<32xbf16>,
            %parallel_loop3A_293 = arith.maximumf %parallel_loop3A_289, %parallel_loop3A_292 : vector<32xbf16>
            %parallel_loop3A_294 = arith.index_cast %rem3A_280 : i32 to index
            %parallel_loop3A_295 = arith.index_cast %parallel_loop3A_286 : i32 to index
            %parallel_loop3A_296 = tpu.vector_load %arg8[%parallel_loop3A_294, %parallel_loop3A_295] {strides = array<i32>} : memref<321x384xbf16, #tpu.memory_space<vmem>>, vector<32xbf16>,
            tpu.vector_store %arg8[%parallel_loop3A_294, %parallel_loop3A_295], %parallel_loop3A_293 {strides = array<i32>} : memref<321x384xbf16, #tpu.memory_space<vmem>>, vector<32xbf16>,
          } {sc.loop_unroll_factor = 12 : i64, sc.parallel_access}
          %while3A_283 = arith.constant 0 : i32
          scf.yield %while3A_283 : i32
        }
      } else {
      }
      %while3A_248 = arith.constant 0 : i32
      scf.yield %while3A_248 : i32
    }
    %while3A_114 = arith.constant 80 : i32
    %while3A_115 = arith.constant 0 : i32
    %while3A_116 = arith.subi %while3A_114, %scan3A_22#1 : i32
    %while3A_117 = arith.addi %scan3A_22#1, %while3A_116 : i32
    %while3A_118 = arith.constant 1 : i32
    %while3A_119 = arith.divsi %while3A_116, %while3A_118 : i32
    %while3A_120 = arith.muli %while3A_119, %while3A_118 : i32
    %while3A_121 = arith.addi %scan3A_22#1, %while3A_120 : i32
    %while3A_122 = arith.constant 1 : i32
    %while3A_123 = scf.for %while3A_209 = %scan3A_22#1 to %while3A_121 step %while3A_122 iter_args(%while3A_210 = %while3A_115) -> (i32)  : i32 {
      %mul3A_211 = arith.constant 2000 : i32
      %mul3A_212 = arith.muli %while3A_209, %mul3A_211 : i32
      "tpu.region"() ({
        %run_scoped3A = tpu.sem_alloc : memref<!tpu.dma_semaphore, #tpu.memory_space<semaphore_mem>>
        %dma_start3A_324 = tpu.memref_slice %arg4[%mul3A_212] : memref<160000xi32, #tpu.memory_space<hbm>> -> memref<2000xi32, #tpu.memory_space<hbm>>
        %dma_start3A_325 = tpu.memref_slice %arg4[%mul3A_212] : memref<160000xi32, #tpu.memory_space<hbm>> -> memref<2000xi32, #tpu.memory_space<hbm>>
        tpu.enqueue_dma source(%dma_start3A_325 : memref<2000xi32, #tpu.memory_space<hbm>>) target(%arg10 : memref<2000xi32, #tpu.memory_space<vmem>>) target_semaphore(%run_scoped3A : memref<!tpu.dma_semaphore, #tpu.memory_space<semaphore_mem>>)
        %dma_wait3A = tpu.memref_slice %arg4[%mul3A_212] : memref<160000xi32, #tpu.memory_space<hbm>> -> memref<2000xi32, #tpu.memory_space<hbm>>
        %dma_wait3A_326 = tpu.memref_slice %arg4[%mul3A_212] : memref<160000xi32, #tpu.memory_space<hbm>> -> memref<2000xi32, #tpu.memory_space<hbm>>
        tpu.wait_dma2 semaphore(%run_scoped3A : memref<!tpu.dma_semaphore, #tpu.memory_space<semaphore_mem>>) src(%dma_wait3A_326 : memref<2000xi32, #tpu.memory_space<hbm>>) dst(%arg10 : memref<2000xi32, #tpu.memory_space<vmem>>)
        tpu.yield
      }) : () -> ()
      "tpu.region"() ({
        %run_scoped3A = tpu.sem_alloc : memref<!tpu.dma_semaphore, #tpu.memory_space<semaphore_mem>>
        %dma_start3A_324 = tpu.memref_slice %arg5[%mul3A_212] : memref<160000xi32, #tpu.memory_space<hbm>> -> memref<2000xi32, #tpu.memory_space<hbm>>
        %dma_start3A_325 = tpu.memref_slice %arg5[%mul3A_212] : memref<160000xi32, #tpu.memory_space<hbm>> -> memref<2000xi32, #tpu.memory_space<hbm>>
        tpu.enqueue_dma source(%dma_start3A_325 : memref<2000xi32, #tpu.memory_space<hbm>>) target(%arg11 : memref<2000xi32, #tpu.memory_space<vmem>>) target_semaphore(%run_scoped3A : memref<!tpu.dma_semaphore, #tpu.memory_space<semaphore_mem>>)
        %dma_wait3A = tpu.memref_slice %arg5[%mul3A_212] : memref<160000xi32, #tpu.memory_space<hbm>> -> memref<2000xi32, #tpu.memory_space<hbm>>
        %dma_wait3A_326 = tpu.memref_slice %arg5[%mul3A_212] : memref<160000xi32, #tpu.memory_space<hbm>> -> memref<2000xi32, #tpu.memory_space<hbm>>
        tpu.wait_dma2 semaphore(%run_scoped3A : memref<!tpu.dma_semaphore, #tpu.memory_space<semaphore_mem>>) src(%dma_wait3A_326 : memref<2000xi32, #tpu.memory_space<hbm>>) dst(%arg11 : memref<2000xi32, #tpu.memory_space<vmem>>)
        tpu.yield
      }) : () -> ()
      %scan3A_213 = arith.constant 0 : i32
      %scan3A_214 = arith.constant 0 : i32
      %scan3A_215 = arith.constant 125 : i32
      %scan3A_216 = arith.addi %scan3A_214, %scan3A_215 : i32
      %scan3A_217 = arith.constant 1 : i32
      %scan3A_218 = scf.for %scan3A_324 = %scan3A_214 to %scan3A_216 step %scan3A_217 iter_args(%scan3A_325 = %scan3A_213) -> (i32)  : i32 {
        %mul3A_326 = arith.constant 16 : i32
        %mul3A_327 = arith.muli %scan3A_324, %mul3A_326 : i32
        %get3A = arith.index_cast %mul3A_327 : i32 to index
        %get3A_328 = tpu.vector_load %arg11[%get3A] {strides = array<i32>} : memref<2000xi32, #tpu.memory_space<vmem>>, vector<16xi32>,
        %mul3A_329 = arith.constant 16 : i32
        %mul3A_330 = arith.muli %scan3A_324, %mul3A_329 : i32
        %get3A_331 = arith.index_cast %mul3A_330 : i32 to index
        %get3A_332 = tpu.vector_load %arg10[%get3A_331] {strides = array<i32>} : memref<2000xi32, #tpu.memory_space<vmem>>, vector<16xi32>,
        %sub3A_333 = vector.broadcast %mul3A_2 : i32 to vector<16xi32>
        %sub3A_334 = arith.subi %get3A_328, %sub3A_333 : vector<16xi32>
        %ge3A = arith.constant 0 : i32
        %ge3A_335 = vector.broadcast %ge3A : i32 to vector<16xi32>
        %ge3A_336 = arith.cmpi sge, %sub3A_334, %ge3A_335 : vector<16xi32>
        %lt3A = arith.constant 320 : i32
        %lt3A_337 = vector.broadcast %lt3A : i32 to vector<16xi32>
        %lt3A_338 = arith.cmpi slt, %sub3A_334, %lt3A_337 : vector<16xi32>
        %and3A_339 = arith.andi %ge3A_336, %lt3A_338 : vector<16xi1>
        %jit3A_340 = arith.constant 1 : i32
        %jit3A_341 = arith.constant 0 : i32
        %broadcast_in_dim3A_342 = vector.broadcast %jit3A_340 : i32 to vector<16xi32>
        %broadcast_in_dim3A_343 = vector.broadcast %jit3A_341 : i32 to vector<16xi32>
        %select_n3A_344 = arith.select %and3A_339, %broadcast_in_dim3A_342, %broadcast_in_dim3A_343 : vector<16xi1>, vector<16xi32>
        %broadcast_in_dim3A_345 = arith.constant true
        %broadcast_in_dim3A_346 = vector.broadcast %broadcast_in_dim3A_345 : i1 to vector<16xi1>
        %masked_cumsum3A = tpu.scan <sum>, %select_n3A_344 masked %broadcast_in_dim3A_346 : vector<16xi32>, vector<16xi1> -> vector<16xi32>
        %add3A_347 = arith.constant 8192 : i32
        %add3A_348 = arith.addi %add3A_347, %scan3A_325 : i32
        %sub3A_349 = arith.constant 1 : i32
        %sub3A_350 = arith.subi %add3A_348, %sub3A_349 : i32
        %add3A_351 = vector.broadcast %sub3A_350 : i32 to vector<16xi32>
        %add3A_352 = arith.addi %add3A_351, %masked_cumsum3A : vector<16xi32>
        %mul3A_353 = arith.constant 512 : i32
        %mul3A_354 = vector.broadcast %mul3A_353 : i32 to vector<16xi32>
        %mul3A_355 = arith.muli %get3A_332, %mul3A_354 : vector<16xi32>
        %add3A_356 = arith.addi %mul3A_355, %sub3A_334 : vector<16xi32>
        tpu.vector_store_idx %arg9[%add3A_352], %add3A_356 masked %and3A_339 : memref<10304xi32, #tpu.memory_space<vmem>>[vector<16xi32>], vector<16xi32>, vector<16xi1>
        %slice3A = vector.extract_strided_slice %masked_cumsum3A {offsets = [15], sizes = [1], strides = [1]} : vector<16xi32> to vector<1xi32>
        %squeeze3A = vector.extract %slice3A[0] : i32 from vector<1xi32>
        %add3A_357 = arith.addi %scan3A_325, %squeeze3A : i32
        scf.yield %add3A_357 : i32
      }
      %scan3A_219 = arith.constant 125 : i32
      %add3A_220 = arith.constant 8192 : i32
      %add3A_221 = arith.addi %add3A_220, %scan3A_218 : i32
      %add3A_222 = vector.broadcast %add3A_221 : i32 to vector<16xi32>
      %add3A_223 = arith.addi %add3A_222, %iota3A : vector<16xi32>
      %broadcast_in_dim3A_224 = arith.constant 320 : i32
      %broadcast_in_dim3A_225 = vector.broadcast %broadcast_in_dim3A_224 : i32 to vector<16xi32>
      tpu.vector_store_idx %arg9[%add3A_223], %broadcast_in_dim3A_225 : memref<10304xi32, #tpu.memory_space<vmem>>[vector<16xi32>], vector<16xi32>,
      %add3A_226 = arith.constant 15 : i32
      %add3A_227 = arith.addi %scan3A_218, %add3A_226 : i32
      %jit3A_228 = arith.constant 16 : i32
      %div3A_229 = arith.divsi %add3A_227, %jit3A_228 : i32
      %sign3A_230 = arith.constant 0 : i32
      %sign3A_231 = arith.cmpi sgt, %add3A_227, %sign3A_230 : i32
      %sign3A_232 = arith.extui %sign3A_231 : i1 to i32
      %sign3A_233 = arith.constant 0 : i32
      %sign3A_234 = arith.cmpi slt, %add3A_227, %sign3A_233 : i32
      %sign3A_235 = arith.extui %sign3A_234 : i1 to i32
      %sign3A_236 = arith.subi %sign3A_232, %sign3A_235 : i32
      %sign3A_237 = arith.constant 0 : i32
      %sign3A_238 = arith.cmpi sgt, %jit3A_228, %sign3A_237 : i32
      %sign3A_239 = arith.extui %sign3A_238 : i1 to i32
      %sign3A_240 = arith.constant 0 : i32
      %sign3A_241 = arith.cmpi slt, %jit3A_228, %sign3A_240 : i32
      %sign3A_242 = arith.extui %sign3A_241 : i1 to i32
      %sign3A_243 = arith.subi %sign3A_239, %sign3A_242 : i32
      %ne3A_244 = arith.cmpi ne, %sign3A_236, %sign3A_243 : i32
      %rem3A_245 = arith.remsi %add3A_227, %jit3A_228 : i32
      %ne3A_246 = arith.constant 0 : i32
      %ne3A_247 = arith.cmpi ne, %rem3A_245, %ne3A_246 : i32
      %and3A_248 = arith.andi %ne3A_244, %ne3A_247 : i1
      %sub3A_249 = arith.constant 1 : i32
      %sub3A_250 = arith.subi %div3A_229, %sub3A_249 : i32
      %select_n3A_251 = arith.select %and3A_248, %sub3A_250, %div3A_229 : i32
      %add3A_252 = arith.constant 4 : i32
      %add3A_253 = arith.addi %select_n3A_251, %add3A_252 : i32
      %sub3A_254 = arith.constant 1 : i32
      %sub3A_255 = arith.subi %add3A_253, %sub3A_254 : i32
      %jit3A_256 = arith.constant 4 : i32
      %div3A_257 = arith.divsi %sub3A_255, %jit3A_256 : i32
      %sign3A_258 = arith.constant 0 : i32
      %sign3A_259 = arith.cmpi sgt, %sub3A_255, %sign3A_258 : i32
      %sign3A_260 = arith.extui %sign3A_259 : i1 to i32
      %sign3A_261 = arith.constant 0 : i32
      %sign3A_262 = arith.cmpi slt, %sub3A_255, %sign3A_261 : i32
      %sign3A_263 = arith.extui %sign3A_262 : i1 to i32
      %sign3A_264 = arith.subi %sign3A_260, %sign3A_263 : i32
      %sign3A_265 = arith.constant 0 : i32
      %sign3A_266 = arith.cmpi sgt, %jit3A_256, %sign3A_265 : i32
      %sign3A_267 = arith.extui %sign3A_266 : i1 to i32
      %sign3A_268 = arith.constant 0 : i32
      %sign3A_269 = arith.cmpi slt, %jit3A_256, %sign3A_268 : i32
      %sign3A_270 = arith.extui %sign3A_269 : i1 to i32
      %sign3A_271 = arith.subi %sign3A_267, %sign3A_270 : i32
      %ne3A_272 = arith.cmpi ne, %sign3A_264, %sign3A_271 : i32
      %rem3A_273 = arith.remsi %sub3A_255, %jit3A_256 : i32
      %ne3A_274 = arith.constant 0 : i32
      %ne3A_275 = arith.cmpi ne, %rem3A_273, %ne3A_274 : i32
      %and3A_276 = arith.andi %ne3A_272, %ne3A_275 : i1
      %sub3A_277 = arith.constant 1 : i32
      %sub3A_278 = arith.subi %div3A_257, %sub3A_277 : i32
      %select_n3A_279 = arith.select %and3A_276, %sub3A_278, %div3A_257 : i32
      %gt3A_280 = arith.constant 0 : i32
      %gt3A_281 = arith.cmpi sgt, %select_n3A_279, %gt3A_280 : i32
      %convert_element_type3A_282 = arith.extui %gt3A_281 : i1 to i32
      %cond3A_283 = arith.constant 0 : i32
      %cond3A_284 = arith.cmpi ne, %convert_element_type3A_282, %cond3A_283 : i32
      scf.if %cond3A_284 {
        %scan3A_324 = arith.constant 0 : i32
        %scan3A_325 = arith.constant 0 : i32
        %scan3A_326 = arith.constant 0 : i32
        %scan3A_327 = arith.constant 4 : i32
        %scan3A_328 = arith.addi %scan3A_326, %scan3A_327 : i32
        %scan3A_329 = arith.constant 1 : i32
        %scan3A_330 = scf.for %scan3A_335 = %scan3A_326 to %scan3A_328 step %scan3A_329 iter_args(%scan3A_336 = %scan3A_325) -> (i32)  : i32 {
          %mul3A_337 = arith.constant 64 : i32
          %mul3A_338 = arith.muli %scan3A_324, %mul3A_337 : i32
          %add3A_339 = arith.constant 8192 : i32
          %add3A_340 = arith.addi %add3A_339, %mul3A_338 : i32
          %mul3A_341 = arith.constant 16 : i32
          %mul3A_342 = arith.muli %scan3A_335, %mul3A_341 : i32
          %add3A_343 = arith.addi %add3A_340, %mul3A_342 : i32
          %get3A = arith.index_cast %add3A_343 : i32 to index
          %get3A_344 = tpu.vector_load %arg9[%get3A] {strides = array<i32>} : memref<10304xi32, #tpu.memory_space<vmem>>, vector<16xi32>,
          %shift_right_arithmetic3A = arith.constant 9 : i32
          %shift_right_arithmetic3A_345 = vector.broadcast %shift_right_arithmetic3A : i32 to vector<16xi32>
          %shift_right_arithmetic3A_346 = arith.shrsi %get3A_344, %shift_right_arithmetic3A_345 : vector<16xi32>
          %mul3A_347 = arith.constant 16 : i32
          %mul3A_348 = arith.muli %scan3A_335, %mul3A_347 : i32
          %swap3A = arith.index_cast %mul3A_348 : i32 to index
          %swap3A_349 = tpu.vector_load %arg16[%swap3A] {strides = array<i32>} : memref<64xi32, #tpu.memory_space<vmem>>, vector<16xi32>,
          tpu.vector_store %arg16[%swap3A], %shift_right_arithmetic3A_346 {strides = array<i32>} : memref<64xi32, #tpu.memory_space<vmem>>, vector<16xi32>,
          %scan3A_350 = arith.constant 0 : i32
          scf.yield %scan3A_350 : i32
        }
        %scan3A_331 = arith.constant 4 : i32
        %dma_start3A_332 = arith.constant 0 : i32
        %dma_start3A_333 = arith.constant 0 : i32
        %dma_start3A_334 = tpu.memref_slice %arg2[%dma_start3A_332, %dma_start3A_333] : memref<10240x384xbf16, #tpu.memory_space<hbm>> -> memref<10240x384xbf16, #tpu.memory_space<hbm>>
        tpu.enqueue_indirect_dma source(%dma_start3A_334 : memref<10240x384xbf16, #tpu.memory_space<hbm>>) target(%arg14 : memref<64x384xbf16, #tpu.memory_space<vmem>>) offsets(%arg16 : memref<64xi32, #tpu.memory_space<vmem>>) semaphore(%arg18 : memref<!tpu.dma_semaphore, #tpu.memory_space<semaphore_mem>>)
      } else {
      }
      %add3A_285 = arith.constant 1 : i32
      %add3A_286 = arith.addi %select_n3A_279, %add3A_285 : i32
      %jit3A_287 = arith.constant 2 : i32
      %div3A_288 = arith.divsi %add3A_286, %jit3A_287 : i32
      %sign3A_289 = arith.constant 0 : i32
      %sign3A_290 = arith.cmpi sgt, %add3A_286, %sign3A_289 : i32
      %sign3A_291 = arith.extui %sign3A_290 : i1 to i32
      %sign3A_292 = arith.constant 0 : i32
      %sign3A_293 = arith.cmpi slt, %add3A_286, %sign3A_292 : i32
      %sign3A_294 = arith.extui %sign3A_293 : i1 to i32
      %sign3A_295 = arith.subi %sign3A_291, %sign3A_294 : i32
      %sign3A_296 = arith.constant 0 : i32
      %sign3A_297 = arith.cmpi sgt, %jit3A_287, %sign3A_296 : i32
      %sign3A_298 = arith.extui %sign3A_297 : i1 to i32
      %sign3A_299 = arith.constant 0 : i32
      %sign3A_300 = arith.cmpi slt, %jit3A_287, %sign3A_299 : i32
      %sign3A_301 = arith.extui %sign3A_300 : i1 to i32
      %sign3A_302 = arith.subi %sign3A_298, %sign3A_301 : i32
      %ne3A_303 = arith.cmpi ne, %sign3A_295, %sign3A_302 : i32
      %rem3A_304 = arith.remsi %add3A_286, %jit3A_287 : i32
      %ne3A_305 = arith.constant 0 : i32
      %ne3A_306 = arith.cmpi ne, %rem3A_304, %ne3A_305 : i32
      %and3A_307 = arith.andi %ne3A_303, %ne3A_306 : i1
      %sub3A_308 = arith.constant 1 : i32
      %sub3A_309 = arith.subi %div3A_288, %sub3A_308 : i32
      %select_n3A_310 = arith.select %and3A_307, %sub3A_309, %div3A_288 : i32
      %while3A_311 = arith.constant 0 : i32
      %while3A_312 = arith.constant 0 : i32
      %while3A_313 = arith.subi %select_n3A_310, %while3A_311 : i32
      %while3A_314 = arith.addi %while3A_311, %while3A_313 : i32
      %while3A_315 = arith.constant 1 : i32
      %while3A_316 = arith.divsi %while3A_313, %while3A_315 : i32
      %while3A_317 = arith.muli %while3A_316, %while3A_315 : i32
      %while3A_318 = arith.addi %while3A_311, %while3A_317 : i32
      %while3A_319 = arith.constant 1 : i32
      %while3A_320 = scf.for %while3A_324 = %while3A_311 to %while3A_318 step %while3A_319 iter_args(%while3A_325 = %while3A_312) -> (i32)  : i32 {
        %mul3A_326 = arith.constant 2 : i32
        %mul3A_327 = arith.muli %while3A_324, %mul3A_326 : i32
        %add3A_328 = arith.constant 1 : i32
        %add3A_329 = arith.addi %mul3A_327, %add3A_328 : i32
        %lt3A = arith.cmpi slt, %add3A_329, %select_n3A_279 : i32
        %convert_element_type3A_330 = arith.extui %lt3A : i1 to i32
        %cond3A_331 = arith.constant 0 : i32
        %cond3A_332 = arith.cmpi ne, %convert_element_type3A_330, %cond3A_331 : i32
        scf.if %cond3A_332 {
          %scan3A_364 = arith.constant 0 : i32
          %scan3A_365 = arith.constant 0 : i32
          %scan3A_366 = arith.constant 4 : i32
          %scan3A_367 = arith.addi %scan3A_365, %scan3A_366 : i32
          %scan3A_368 = arith.constant 1 : i32
          %scan3A_369 = scf.for %scan3A_374 = %scan3A_365 to %scan3A_367 step %scan3A_368 iter_args(%scan3A_375 = %scan3A_364) -> (i32)  : i32 {
            %mul3A_376 = arith.constant 64 : i32
            %mul3A_377 = arith.muli %add3A_329, %mul3A_376 : i32
            %add3A_378 = arith.constant 8192 : i32
            %add3A_379 = arith.addi %add3A_378, %mul3A_377 : i32
            %mul3A_380 = arith.constant 16 : i32
            %mul3A_381 = arith.muli %scan3A_374, %mul3A_380 : i32
            %add3A_382 = arith.addi %add3A_379, %mul3A_381 : i32
            %get3A = arith.index_cast %add3A_382 : i32 to index
            %get3A_383 = tpu.vector_load %arg9[%get3A] {strides = array<i32>} : memref<10304xi32, #tpu.memory_space<vmem>>, vector<16xi32>,
            %shift_right_arithmetic3A = arith.constant 9 : i32
            %shift_right_arithmetic3A_384 = vector.broadcast %shift_right_arithmetic3A : i32 to vector<16xi32>
            %shift_right_arithmetic3A_385 = arith.shrsi %get3A_383, %shift_right_arithmetic3A_384 : vector<16xi32>
            %mul3A_386 = arith.constant 16 : i32
            %mul3A_387 = arith.muli %scan3A_374, %mul3A_386 : i32
            %swap3A = arith.index_cast %mul3A_387 : i32 to index
            %swap3A_388 = tpu.vector_load %arg17[%swap3A] {strides = array<i32>} : memref<64xi32, #tpu.memory_space<vmem>>, vector<16xi32>,
            tpu.vector_store %arg17[%swap3A], %shift_right_arithmetic3A_385 {strides = array<i32>} : memref<64xi32, #tpu.memory_space<vmem>>, vector<16xi32>,
            %scan3A_389 = arith.constant 0 : i32
            scf.yield %scan3A_389 : i32
          }
          %scan3A_370 = arith.constant 4 : i32
          %dma_start3A_371 = arith.constant 0 : i32
          %dma_start3A_372 = arith.constant 0 : i32
          %dma_start3A_373 = tpu.memref_slice %arg2[%dma_start3A_371, %dma_start3A_372] : memref<10240x384xbf16, #tpu.memory_space<hbm>> -> memref<10240x384xbf16, #tpu.memory_space<hbm>>
          tpu.enqueue_indirect_dma source(%dma_start3A_373 : memref<10240x384xbf16, #tpu.memory_space<hbm>>) target(%arg15 : memref<64x384xbf16, #tpu.memory_space<vmem>>) offsets(%arg17 : memref<64xi32, #tpu.memory_space<vmem>>) semaphore(%arg19 : memref<!tpu.dma_semaphore, #tpu.memory_space<semaphore_mem>>)
        } else {
        }
        %dma_wait3A = arith.constant 0 : i32
        %dma_wait3A_333 = arith.constant 0 : i32
        %dma_wait3A_334 = tpu.memref_slice %arg2[%dma_wait3A, %dma_wait3A_333] : memref<10240x384xbf16, #tpu.memory_space<hbm>> -> memref<10240x384xbf16, #tpu.memory_space<hbm>>
        tpu.wait_indirect_dma semaphore(%arg18 : memref<!tpu.dma_semaphore, #tpu.memory_space<semaphore_mem>>) src(%dma_wait3A_334 : memref<10240x384xbf16, #tpu.memory_space<hbm>>) dst(%arg14 : memref<64x384xbf16, #tpu.memory_space<vmem>>)
        %mul3A_335 = arith.constant 4 : i32
        %mul3A_336 = arith.muli %mul3A_327, %mul3A_335 : i32
        %sub3A_337 = arith.subi %select_n3A_251, %mul3A_336 : i32
        %min3A = arith.constant 4 : i32
        %min3A_338 = arith.minsi %sub3A_337, %min3A : i32
        %mul3A_339 = arith.constant 16 : i32
        %mul3A_340 = arith.muli %min3A_338, %mul3A_339 : i32
        %while3A_341 = arith.constant 0 : i32
        %while3A_342 = arith.constant 0 : i32
        %while3A_343 = arith.subi %mul3A_340, %while3A_341 : i32
        %while3A_344 = arith.addi %while3A_341, %while3A_343 : i32
        %while3A_345 = arith.constant 1 : i32
        %while3A_346 = arith.divsi %while3A_343, %while3A_345 : i32
        %while3A_347 = arith.muli %while3A_346, %while3A_345 : i32
        %while3A_348 = arith.addi %while3A_341, %while3A_347 : i32
        %while3A_349 = arith.constant 1 : i32
        %while3A_350 = scf.for %while3A_364 = %while3A_341 to %while3A_348 step %while3A_349 iter_args(%while3A_365 = %while3A_342) -> (i32)  : i32 {
          %mul3A_366 = arith.constant 64 : i32
          %mul3A_367 = arith.muli %mul3A_327, %mul3A_366 : i32
          %add3A_368 = arith.constant 8192 : i32
          %add3A_369 = arith.addi %add3A_368, %mul3A_367 : i32
          %add3A_370 = arith.addi %add3A_369, %while3A_364 : i32
          %get3A = arith.index_cast %add3A_370 : i32 to index
          %get3A_371 = tpu.vector_load %arg9[%get3A] {strides = array<i32>} : memref<10304xi32, #tpu.memory_space<vmem>>, vector<16xi32>,
          %slice3A = vector.extract_strided_slice %get3A_371 {offsets = [0], sizes = [1], strides = [1]} : vector<16xi32> to vector<1xi32>
          %squeeze3A = vector.extract %slice3A[0] : i32 from vector<1xi32>
          %rem3A_372 = arith.constant 512 : i32
          %rem3A_373 = arith.remsi %squeeze3A, %rem3A_372 : i32
          %parallel_loop3A = arith.constant 0 : i32
          %parallel_loop3A_374 = arith.constant 12 : i32
          %parallel_loop3A_375 = arith.constant 1 : i32
          scf.for %parallel_loop3A_377 = %parallel_loop3A to %parallel_loop3A_374 step %parallel_loop3A_375  : i32 {
            %parallel_loop3A_378 = arith.constant 32 : i32
            %parallel_loop3A_379 = arith.muli %parallel_loop3A_377, %parallel_loop3A_378 : i32
            %parallel_loop3A_380 = arith.index_cast %rem3A_373 : i32 to index
            %parallel_loop3A_381 = arith.index_cast %parallel_loop3A_379 : i32 to index
            %parallel_loop3A_382 = tpu.vector_load %arg8[%parallel_loop3A_380, %parallel_loop3A_381] {strides = array<i32>} : memref<321x384xbf16, #tpu.memory_space<vmem>>, vector<32xbf16>,
            %parallel_loop3A_383 = arith.index_cast %while3A_364 : i32 to index
            %parallel_loop3A_384 = arith.index_cast %parallel_loop3A_379 : i32 to index
            %parallel_loop3A_385 = tpu.vector_load %arg14[%parallel_loop3A_383, %parallel_loop3A_384] {strides = array<i32>} : memref<64x384xbf16, #tpu.memory_space<vmem>>, vector<32xbf16>,
            %parallel_loop3A_386 = arith.maximumf %parallel_loop3A_382, %parallel_loop3A_385 : vector<32xbf16>
            %parallel_loop3A_387 = arith.index_cast %rem3A_373 : i32 to index
            %parallel_loop3A_388 = arith.index_cast %parallel_loop3A_379 : i32 to index
            %parallel_loop3A_389 = tpu.vector_load %arg8[%parallel_loop3A_387, %parallel_loop3A_388] {strides = array<i32>} : memref<321x384xbf16, #tpu.memory_space<vmem>>, vector<32xbf16>,
            tpu.vector_store %arg8[%parallel_loop3A_387, %parallel_loop3A_388], %parallel_loop3A_386 {strides = array<i32>} : memref<321x384xbf16, #tpu.memory_space<vmem>>, vector<32xbf16>,
          } {sc.loop_unroll_factor = 12 : i64, sc.parallel_access}
          %while3A_376 = arith.constant 0 : i32
          scf.yield %while3A_376 : i32
        }
        %while3A_351 = arith.constant 1 : i32
        %while3A_352 = scf.for %while3A_364 = %while3A_348 to %while3A_344 step %while3A_351 iter_args(%while3A_365 = %while3A_350) -> (i32)  : i32 {
          %mul3A_366 = arith.constant 64 : i32
          %mul3A_367 = arith.muli %mul3A_327, %mul3A_366 : i32
          %add3A_368 = arith.constant 8192 : i32
          %add3A_369 = arith.addi %add3A_368, %mul3A_367 : i32
          %add3A_370 = arith.addi %add3A_369, %while3A_364 : i32
          %get3A = arith.index_cast %add3A_370 : i32 to index
          %get3A_371 = tpu.vector_load %arg9[%get3A] {strides = array<i32>} : memref<10304xi32, #tpu.memory_space<vmem>>, vector<16xi32>,
          %slice3A = vector.extract_strided_slice %get3A_371 {offsets = [0], sizes = [1], strides = [1]} : vector<16xi32> to vector<1xi32>
          %squeeze3A = vector.extract %slice3A[0] : i32 from vector<1xi32>
          %rem3A_372 = arith.constant 512 : i32
          %rem3A_373 = arith.remsi %squeeze3A, %rem3A_372 : i32
          %parallel_loop3A = arith.constant 0 : i32
          %parallel_loop3A_374 = arith.constant 12 : i32
          %parallel_loop3A_375 = arith.constant 1 : i32
          scf.for %parallel_loop3A_377 = %parallel_loop3A to %parallel_loop3A_374 step %parallel_loop3A_375  : i32 {
            %parallel_loop3A_378 = arith.constant 32 : i32
            %parallel_loop3A_379 = arith.muli %parallel_loop3A_377, %parallel_loop3A_378 : i32
            %parallel_loop3A_380 = arith.index_cast %rem3A_373 : i32 to index
            %parallel_loop3A_381 = arith.index_cast %parallel_loop3A_379 : i32 to index
            %parallel_loop3A_382 = tpu.vector_load %arg8[%parallel_loop3A_380, %parallel_loop3A_381] {strides = array<i32>} : memref<321x384xbf16, #tpu.memory_space<vmem>>, vector<32xbf16>,
            %parallel_loop3A_383 = arith.index_cast %while3A_364 : i32 to index
            %parallel_loop3A_384 = arith.index_cast %parallel_loop3A_379 : i32 to index
            %parallel_loop3A_385 = tpu.vector_load %arg14[%parallel_loop3A_383, %parallel_loop3A_384] {strides = array<i32>} : memref<64x384xbf16, #tpu.memory_space<vmem>>, vector<32xbf16>,
            %parallel_loop3A_386 = arith.maximumf %parallel_loop3A_382, %parallel_loop3A_385 : vector<32xbf16>
            %parallel_loop3A_387 = arith.index_cast %rem3A_373 : i32 to index
            %parallel_loop3A_388 = arith.index_cast %parallel_loop3A_379 : i32 to index
            %parallel_loop3A_389 = tpu.vector_load %arg8[%parallel_loop3A_387, %parallel_loop3A_388] {strides = array<i32>} : memref<321x384xbf16, #tpu.memory_space<vmem>>, vector<32xbf16>,
            tpu.vector_store %arg8[%parallel_loop3A_387, %parallel_loop3A_388], %parallel_loop3A_386 {strides = array<i32>} : memref<321x384xbf16, #tpu.memory_space<vmem>>, vector<32xbf16>,
          } {sc.loop_unroll_factor = 12 : i64, sc.parallel_access}
          %while3A_376 = arith.constant 0 : i32
          scf.yield %while3A_376 : i32
        }
        %add3A_353 = arith.constant 2 : i32
        %add3A_354 = arith.addi %mul3A_327, %add3A_353 : i32
        %lt3A_355 = arith.cmpi slt, %add3A_354, %select_n3A_279 : i32
        %convert_element_type3A_356 = arith.extui %lt3A_355 : i1 to i32
        %cond3A_357 = arith.constant 0 : i32
        %cond3A_358 = arith.cmpi ne, %convert_element_type3A_356, %cond3A_357 : i32
        scf.if %cond3A_358 {
          %add3A_364 = arith.constant 2 : i32
          %add3A_365 = arith.addi %mul3A_327, %add3A_364 : i32
          %scan3A_366 = arith.constant 0 : i32
          %scan3A_367 = arith.constant 0 : i32
          %scan3A_368 = arith.constant 4 : i32
          %scan3A_369 = arith.addi %scan3A_367, %scan3A_368 : i32
          %scan3A_370 = arith.constant 1 : i32
          %scan3A_371 = scf.for %scan3A_376 = %scan3A_367 to %scan3A_369 step %scan3A_370 iter_args(%scan3A_377 = %scan3A_366) -> (i32)  : i32 {
            %mul3A_378 = arith.constant 64 : i32
            %mul3A_379 = arith.muli %add3A_365, %mul3A_378 : i32
            %add3A_380 = arith.constant 8192 : i32
            %add3A_381 = arith.addi %add3A_380, %mul3A_379 : i32
            %mul3A_382 = arith.constant 16 : i32
            %mul3A_383 = arith.muli %scan3A_376, %mul3A_382 : i32
            %add3A_384 = arith.addi %add3A_381, %mul3A_383 : i32
            %get3A = arith.index_cast %add3A_384 : i32 to index
            %get3A_385 = tpu.vector_load %arg9[%get3A] {strides = array<i32>} : memref<10304xi32, #tpu.memory_space<vmem>>, vector<16xi32>,
            %shift_right_arithmetic3A = arith.constant 9 : i32
            %shift_right_arithmetic3A_386 = vector.broadcast %shift_right_arithmetic3A : i32 to vector<16xi32>
            %shift_right_arithmetic3A_387 = arith.shrsi %get3A_385, %shift_right_arithmetic3A_386 : vector<16xi32>
            %mul3A_388 = arith.constant 16 : i32
            %mul3A_389 = arith.muli %scan3A_376, %mul3A_388 : i32
            %swap3A = arith.index_cast %mul3A_389 : i32 to index
            %swap3A_390 = tpu.vector_load %arg16[%swap3A] {strides = array<i32>} : memref<64xi32, #tpu.memory_space<vmem>>, vector<16xi32>,
            tpu.vector_store %arg16[%swap3A], %shift_right_arithmetic3A_387 {strides = array<i32>} : memref<64xi32, #tpu.memory_space<vmem>>, vector<16xi32>,
            %scan3A_391 = arith.constant 0 : i32
            scf.yield %scan3A_391 : i32
          }
          %scan3A_372 = arith.constant 4 : i32
          %dma_start3A_373 = arith.constant 0 : i32
          %dma_start3A_374 = arith.constant 0 : i32
          %dma_start3A_375 = tpu.memref_slice %arg2[%dma_start3A_373, %dma_start3A_374] : memref<10240x384xbf16, #tpu.memory_space<hbm>> -> memref<10240x384xbf16, #tpu.memory_space<hbm>>
          tpu.enqueue_indirect_dma source(%dma_start3A_375 : memref<10240x384xbf16, #tpu.memory_space<hbm>>) target(%arg14 : memref<64x384xbf16, #tpu.memory_space<vmem>>) offsets(%arg16 : memref<64xi32, #tpu.memory_space<vmem>>) semaphore(%arg18 : memref<!tpu.dma_semaphore, #tpu.memory_space<semaphore_mem>>)
        } else {
        }
        %lt3A_359 = arith.cmpi slt, %add3A_329, %select_n3A_279 : i32
        %convert_element_type3A_360 = arith.extui %lt3A_359 : i1 to i32
        %cond3A_361 = arith.constant 0 : i32
        %cond3A_362 = arith.cmpi ne, %convert_element_type3A_360, %cond3A_361 : i32
        scf.if %cond3A_362 {
          %dma_wait3A_364 = arith.constant 0 : i32
          %dma_wait3A_365 = arith.constant 0 : i32
          %dma_wait3A_366 = tpu.memref_slice %arg2[%dma_wait3A_364, %dma_wait3A_365] : memref<10240x384xbf16, #tpu.memory_space<hbm>> -> memref<10240x384xbf16, #tpu.memory_space<hbm>>
          tpu.wait_indirect_dma semaphore(%arg19 : memref<!tpu.dma_semaphore, #tpu.memory_space<semaphore_mem>>) src(%dma_wait3A_366 : memref<10240x384xbf16, #tpu.memory_space<hbm>>) dst(%arg15 : memref<64x384xbf16, #tpu.memory_space<vmem>>)
          %mul3A_367 = arith.constant 4 : i32
          %mul3A_368 = arith.muli %add3A_329, %mul3A_367 : i32
          %sub3A_369 = arith.subi %select_n3A_251, %mul3A_368 : i32
          %min3A_370 = arith.constant 4 : i32
          %min3A_371 = arith.minsi %sub3A_369, %min3A_370 : i32
          %mul3A_372 = arith.constant 16 : i32
          %mul3A_373 = arith.muli %min3A_371, %mul3A_372 : i32
          %while3A_374 = arith.constant 0 : i32
          %while3A_375 = arith.constant 0 : i32
          %while3A_376 = arith.subi %mul3A_373, %while3A_374 : i32
          %while3A_377 = arith.addi %while3A_374, %while3A_376 : i32
          %while3A_378 = arith.constant 1 : i32
          %while3A_379 = arith.divsi %while3A_376, %while3A_378 : i32
          %while3A_380 = arith.muli %while3A_379, %while3A_378 : i32
          %while3A_381 = arith.addi %while3A_374, %while3A_380 : i32
          %while3A_382 = arith.constant 1 : i32
          %while3A_383 = scf.for %while3A_386 = %while3A_374 to %while3A_381 step %while3A_382 iter_args(%while3A_387 = %while3A_375) -> (i32)  : i32 {
            %mul3A_388 = arith.constant 64 : i32
            %mul3A_389 = arith.muli %add3A_329, %mul3A_388 : i32
            %add3A_390 = arith.constant 8192 : i32
            %add3A_391 = arith.addi %add3A_390, %mul3A_389 : i32
            %add3A_392 = arith.addi %add3A_391, %while3A_386 : i32
            %get3A = arith.index_cast %add3A_392 : i32 to index
            %get3A_393 = tpu.vector_load %arg9[%get3A] {strides = array<i32>} : memref<10304xi32, #tpu.memory_space<vmem>>, vector<16xi32>,
            %slice3A = vector.extract_strided_slice %get3A_393 {offsets = [0], sizes = [1], strides = [1]} : vector<16xi32> to vector<1xi32>
            %squeeze3A = vector.extract %slice3A[0] : i32 from vector<1xi32>
            %rem3A_394 = arith.constant 512 : i32
            %rem3A_395 = arith.remsi %squeeze3A, %rem3A_394 : i32
            %parallel_loop3A = arith.constant 0 : i32
            %parallel_loop3A_396 = arith.constant 12 : i32
            %parallel_loop3A_397 = arith.constant 1 : i32
            scf.for %parallel_loop3A_399 = %parallel_loop3A to %parallel_loop3A_396 step %parallel_loop3A_397  : i32 {
              %parallel_loop3A_400 = arith.constant 32 : i32
              %parallel_loop3A_401 = arith.muli %parallel_loop3A_399, %parallel_loop3A_400 : i32
              %parallel_loop3A_402 = arith.index_cast %rem3A_395 : i32 to index
              %parallel_loop3A_403 = arith.index_cast %parallel_loop3A_401 : i32 to index
              %parallel_loop3A_404 = tpu.vector_load %arg8[%parallel_loop3A_402, %parallel_loop3A_403] {strides = array<i32>} : memref<321x384xbf16, #tpu.memory_space<vmem>>, vector<32xbf16>,
              %parallel_loop3A_405 = arith.index_cast %while3A_386 : i32 to index
              %parallel_loop3A_406 = arith.index_cast %parallel_loop3A_401 : i32 to index
              %parallel_loop3A_407 = tpu.vector_load %arg15[%parallel_loop3A_405, %parallel_loop3A_406] {strides = array<i32>} : memref<64x384xbf16, #tpu.memory_space<vmem>>, vector<32xbf16>,
              %parallel_loop3A_408 = arith.maximumf %parallel_loop3A_404, %parallel_loop3A_407 : vector<32xbf16>
              %parallel_loop3A_409 = arith.index_cast %rem3A_395 : i32 to index
              %parallel_loop3A_410 = arith.index_cast %parallel_loop3A_401 : i32 to index
              %parallel_loop3A_411 = tpu.vector_load %arg8[%parallel_loop3A_409, %parallel_loop3A_410] {strides = array<i32>} : memref<321x384xbf16, #tpu.memory_space<vmem>>, vector<32xbf16>,
              tpu.vector_store %arg8[%parallel_loop3A_409, %parallel_loop3A_410], %parallel_loop3A_408 {strides = array<i32>} : memref<321x384xbf16, #tpu.memory_space<vmem>>, vector<32xbf16>,
            } {sc.loop_unroll_factor = 12 : i64, sc.parallel_access}
            %while3A_398 = arith.constant 0 : i32
            scf.yield %while3A_398 : i32
          }
          %while3A_384 = arith.constant 1 : i32
          %while3A_385 = scf.for %while3A_386 = %while3A_381 to %while3A_377 step %while3A_384 iter_args(%while3A_387 = %while3A_383) -> (i32)  : i32 {
            %mul3A_388 = arith.constant 64 : i32
            %mul3A_389 = arith.muli %add3A_329, %mul3A_388 : i32
            %add3A_390 = arith.constant 8192 : i32
            %add3A_391 = arith.addi %add3A_390, %mul3A_389 : i32
            %add3A_392 = arith.addi %add3A_391, %while3A_386 : i32
            %get3A = arith.index_cast %add3A_392 : i32 to index
            %get3A_393 = tpu.vector_load %arg9[%get3A] {strides = array<i32>} : memref<10304xi32, #tpu.memory_space<vmem>>, vector<16xi32>,
            %slice3A = vector.extract_strided_slice %get3A_393 {offsets = [0], sizes = [1], strides = [1]} : vector<16xi32> to vector<1xi32>
            %squeeze3A = vector.extract %slice3A[0] : i32 from vector<1xi32>
            %rem3A_394 = arith.constant 512 : i32
            %rem3A_395 = arith.remsi %squeeze3A, %rem3A_394 : i32
            %parallel_loop3A = arith.constant 0 : i32
            %parallel_loop3A_396 = arith.constant 12 : i32
            %parallel_loop3A_397 = arith.constant 1 : i32
            scf.for %parallel_loop3A_399 = %parallel_loop3A to %parallel_loop3A_396 step %parallel_loop3A_397  : i32 {
              %parallel_loop3A_400 = arith.constant 32 : i32
              %parallel_loop3A_401 = arith.muli %parallel_loop3A_399, %parallel_loop3A_400 : i32
              %parallel_loop3A_402 = arith.index_cast %rem3A_395 : i32 to index
              %parallel_loop3A_403 = arith.index_cast %parallel_loop3A_401 : i32 to index
              %parallel_loop3A_404 = tpu.vector_load %arg8[%parallel_loop3A_402, %parallel_loop3A_403] {strides = array<i32>} : memref<321x384xbf16, #tpu.memory_space<vmem>>, vector<32xbf16>,
              %parallel_loop3A_405 = arith.index_cast %while3A_386 : i32 to index
              %parallel_loop3A_406 = arith.index_cast %parallel_loop3A_401 : i32 to index
              %parallel_loop3A_407 = tpu.vector_load %arg15[%parallel_loop3A_405, %parallel_loop3A_406] {strides = array<i32>} : memref<64x384xbf16, #tpu.memory_space<vmem>>, vector<32xbf16>,
              %parallel_loop3A_408 = arith.maximumf %parallel_loop3A_404, %parallel_loop3A_407 : vector<32xbf16>
              %parallel_loop3A_409 = arith.index_cast %rem3A_395 : i32 to index
              %parallel_loop3A_410 = arith.index_cast %parallel_loop3A_401 : i32 to index
              %parallel_loop3A_411 = tpu.vector_load %arg8[%parallel_loop3A_409, %parallel_loop3A_410] {strides = array<i32>} : memref<321x384xbf16, #tpu.memory_space<vmem>>, vector<32xbf16>,
              tpu.vector_store %arg8[%parallel_loop3A_409, %parallel_loop3A_410], %parallel_loop3A_408 {strides = array<i32>} : memref<321x384xbf16, #tpu.memory_space<vmem>>, vector<32xbf16>,
            } {sc.loop_unroll_factor = 12 : i64, sc.parallel_access}
            %while3A_398 = arith.constant 0 : i32
            scf.yield %while3A_398 : i32
          }
        } else {
        }
        %while3A_363 = arith.constant 0 : i32
        scf.yield %while3A_363 : i32
      }
      %while3A_321 = arith.constant 1 : i32
      %while3A_322 = scf.for %while3A_324 = %while3A_318 to %while3A_314 step %while3A_321 iter_args(%while3A_325 = %while3A_320) -> (i32)  : i32 {
        %mul3A_326 = arith.constant 2 : i32
        %mul3A_327 = arith.muli %while3A_324, %mul3A_326 : i32
        %add3A_328 = arith.constant 1 : i32
        %add3A_329 = arith.addi %mul3A_327, %add3A_328 : i32
        %lt3A = arith.cmpi slt, %add3A_329, %select_n3A_279 : i32
        %convert_element_type3A_330 = arith.extui %lt3A : i1 to i32
        %cond3A_331 = arith.constant 0 : i32
        %cond3A_332 = arith.cmpi ne, %convert_element_type3A_330, %cond3A_331 : i32
        scf.if %cond3A_332 {
          %scan3A_364 = arith.constant 0 : i32
          %scan3A_365 = arith.constant 0 : i32
          %scan3A_366 = arith.constant 4 : i32
          %scan3A_367 = arith.addi %scan3A_365, %scan3A_366 : i32
          %scan3A_368 = arith.constant 1 : i32
          %scan3A_369 = scf.for %scan3A_374 = %scan3A_365 to %scan3A_367 step %scan3A_368 iter_args(%scan3A_375 = %scan3A_364) -> (i32)  : i32 {
            %mul3A_376 = arith.constant 64 : i32
            %mul3A_377 = arith.muli %add3A_329, %mul3A_376 : i32
            %add3A_378 = arith.constant 8192 : i32
            %add3A_379 = arith.addi %add3A_378, %mul3A_377 : i32
            %mul3A_380 = arith.constant 16 : i32
            %mul3A_381 = arith.muli %scan3A_374, %mul3A_380 : i32
            %add3A_382 = arith.addi %add3A_379, %mul3A_381 : i32
            %get3A = arith.index_cast %add3A_382 : i32 to index
            %get3A_383 = tpu.vector_load %arg9[%get3A] {strides = array<i32>} : memref<10304xi32, #tpu.memory_space<vmem>>, vector<16xi32>,
            %shift_right_arithmetic3A = arith.constant 9 : i32
            %shift_right_arithmetic3A_384 = vector.broadcast %shift_right_arithmetic3A : i32 to vector<16xi32>
            %shift_right_arithmetic3A_385 = arith.shrsi %get3A_383, %shift_right_arithmetic3A_384 : vector<16xi32>
            %mul3A_386 = arith.constant 16 : i32
            %mul3A_387 = arith.muli %scan3A_374, %mul3A_386 : i32
            %swap3A = arith.index_cast %mul3A_387 : i32 to index
            %swap3A_388 = tpu.vector_load %arg17[%swap3A] {strides = array<i32>} : memref<64xi32, #tpu.memory_space<vmem>>, vector<16xi32>,
            tpu.vector_store %arg17[%swap3A], %shift_right_arithmetic3A_385 {strides = array<i32>} : memref<64xi32, #tpu.memory_space<vmem>>, vector<16xi32>,
            %scan3A_389 = arith.constant 0 : i32
            scf.yield %scan3A_389 : i32
          }
          %scan3A_370 = arith.constant 4 : i32
          %dma_start3A_371 = arith.constant 0 : i32
          %dma_start3A_372 = arith.constant 0 : i32
          %dma_start3A_373 = tpu.memref_slice %arg2[%dma_start3A_371, %dma_start3A_372] : memref<10240x384xbf16, #tpu.memory_space<hbm>> -> memref<10240x384xbf16, #tpu.memory_space<hbm>>
          tpu.enqueue_indirect_dma source(%dma_start3A_373 : memref<10240x384xbf16, #tpu.memory_space<hbm>>) target(%arg15 : memref<64x384xbf16, #tpu.memory_space<vmem>>) offsets(%arg17 : memref<64xi32, #tpu.memory_space<vmem>>) semaphore(%arg19 : memref<!tpu.dma_semaphore, #tpu.memory_space<semaphore_mem>>)
        } else {
        }
        %dma_wait3A = arith.constant 0 : i32
        %dma_wait3A_333 = arith.constant 0 : i32
        %dma_wait3A_334 = tpu.memref_slice %arg2[%dma_wait3A, %dma_wait3A_333] : memref<10240x384xbf16, #tpu.memory_space<hbm>> -> memref<10240x384xbf16, #tpu.memory_space<hbm>>
        tpu.wait_indirect_dma semaphore(%arg18 : memref<!tpu.dma_semaphore, #tpu.memory_space<semaphore_mem>>) src(%dma_wait3A_334 : memref<10240x384xbf16, #tpu.memory_space<hbm>>) dst(%arg14 : memref<64x384xbf16, #tpu.memory_space<vmem>>)
        %mul3A_335 = arith.constant 4 : i32
        %mul3A_336 = arith.muli %mul3A_327, %mul3A_335 : i32
        %sub3A_337 = arith.subi %select_n3A_251, %mul3A_336 : i32
        %min3A = arith.constant 4 : i32
        %min3A_338 = arith.minsi %sub3A_337, %min3A : i32
        %mul3A_339 = arith.constant 16 : i32
        %mul3A_340 = arith.muli %min3A_338, %mul3A_339 : i32
        %while3A_341 = arith.constant 0 : i32
        %while3A_342 = arith.constant 0 : i32
        %while3A_343 = arith.subi %mul3A_340, %while3A_341 : i32
        %while3A_344 = arith.addi %while3A_341, %while3A_343 : i32
        %while3A_345 = arith.constant 1 : i32
        %while3A_346 = arith.divsi %while3A_343, %while3A_345 : i32
        %while3A_347 = arith.muli %while3A_346, %while3A_345 : i32
        %while3A_348 = arith.addi %while3A_341, %while3A_347 : i32
        %while3A_349 = arith.constant 1 : i32
        %while3A_350 = scf.for %while3A_364 = %while3A_341 to %while3A_348 step %while3A_349 iter_args(%while3A_365 = %while3A_342) -> (i32)  : i32 {
          %mul3A_366 = arith.constant 64 : i32
          %mul3A_367 = arith.muli %mul3A_327, %mul3A_366 : i32
          %add3A_368 = arith.constant 8192 : i32
          %add3A_369 = arith.addi %add3A_368, %mul3A_367 : i32
          %add3A_370 = arith.addi %add3A_369, %while3A_364 : i32
          %get3A = arith.index_cast %add3A_370 : i32 to index
          %get3A_371 = tpu.vector_load %arg9[%get3A] {strides = array<i32>} : memref<10304xi32, #tpu.memory_space<vmem>>, vector<16xi32>,
          %slice3A = vector.extract_strided_slice %get3A_371 {offsets = [0], sizes = [1], strides = [1]} : vector<16xi32> to vector<1xi32>
          %squeeze3A = vector.extract %slice3A[0] : i32 from vector<1xi32>
          %rem3A_372 = arith.constant 512 : i32
          %rem3A_373 = arith.remsi %squeeze3A, %rem3A_372 : i32
          %parallel_loop3A = arith.constant 0 : i32
          %parallel_loop3A_374 = arith.constant 12 : i32
          %parallel_loop3A_375 = arith.constant 1 : i32
          scf.for %parallel_loop3A_377 = %parallel_loop3A to %parallel_loop3A_374 step %parallel_loop3A_375  : i32 {
            %parallel_loop3A_378 = arith.constant 32 : i32
            %parallel_loop3A_379 = arith.muli %parallel_loop3A_377, %parallel_loop3A_378 : i32
            %parallel_loop3A_380 = arith.index_cast %rem3A_373 : i32 to index
            %parallel_loop3A_381 = arith.index_cast %parallel_loop3A_379 : i32 to index
            %parallel_loop3A_382 = tpu.vector_load %arg8[%parallel_loop3A_380, %parallel_loop3A_381] {strides = array<i32>} : memref<321x384xbf16, #tpu.memory_space<vmem>>, vector<32xbf16>,
            %parallel_loop3A_383 = arith.index_cast %while3A_364 : i32 to index
            %parallel_loop3A_384 = arith.index_cast %parallel_loop3A_379 : i32 to index
            %parallel_loop3A_385 = tpu.vector_load %arg14[%parallel_loop3A_383, %parallel_loop3A_384] {strides = array<i32>} : memref<64x384xbf16, #tpu.memory_space<vmem>>, vector<32xbf16>,
            %parallel_loop3A_386 = arith.maximumf %parallel_loop3A_382, %parallel_loop3A_385 : vector<32xbf16>
            %parallel_loop3A_387 = arith.index_cast %rem3A_373 : i32 to index
            %parallel_loop3A_388 = arith.index_cast %parallel_loop3A_379 : i32 to index
            %parallel_loop3A_389 = tpu.vector_load %arg8[%parallel_loop3A_387, %parallel_loop3A_388] {strides = array<i32>} : memref<321x384xbf16, #tpu.memory_space<vmem>>, vector<32xbf16>,
            tpu.vector_store %arg8[%parallel_loop3A_387, %parallel_loop3A_388], %parallel_loop3A_386 {strides = array<i32>} : memref<321x384xbf16, #tpu.memory_space<vmem>>, vector<32xbf16>,
          } {sc.loop_unroll_factor = 12 : i64, sc.parallel_access}
          %while3A_376 = arith.constant 0 : i32
          scf.yield %while3A_376 : i32
        }
        %while3A_351 = arith.constant 1 : i32
        %while3A_352 = scf.for %while3A_364 = %while3A_348 to %while3A_344 step %while3A_351 iter_args(%while3A_365 = %while3A_350) -> (i32)  : i32 {
          %mul3A_366 = arith.constant 64 : i32
          %mul3A_367 = arith.muli %mul3A_327, %mul3A_366 : i32
          %add3A_368 = arith.constant 8192 : i32
          %add3A_369 = arith.addi %add3A_368, %mul3A_367 : i32
          %add3A_370 = arith.addi %add3A_369, %while3A_364 : i32
          %get3A = arith.index_cast %add3A_370 : i32 to index
          %get3A_371 = tpu.vector_load %arg9[%get3A] {strides = array<i32>} : memref<10304xi32, #tpu.memory_space<vmem>>, vector<16xi32>,
          %slice3A = vector.extract_strided_slice %get3A_371 {offsets = [0], sizes = [1], strides = [1]} : vector<16xi32> to vector<1xi32>
          %squeeze3A = vector.extract %slice3A[0] : i32 from vector<1xi32>
          %rem3A_372 = arith.constant 512 : i32
          %rem3A_373 = arith.remsi %squeeze3A, %rem3A_372 : i32
          %parallel_loop3A = arith.constant 0 : i32
          %parallel_loop3A_374 = arith.constant 12 : i32
          %parallel_loop3A_375 = arith.constant 1 : i32
          scf.for %parallel_loop3A_377 = %parallel_loop3A to %parallel_loop3A_374 step %parallel_loop3A_375  : i32 {
            %parallel_loop3A_378 = arith.constant 32 : i32
            %parallel_loop3A_379 = arith.muli %parallel_loop3A_377, %parallel_loop3A_378 : i32
            %parallel_loop3A_380 = arith.index_cast %rem3A_373 : i32 to index
            %parallel_loop3A_381 = arith.index_cast %parallel_loop3A_379 : i32 to index
            %parallel_loop3A_382 = tpu.vector_load %arg8[%parallel_loop3A_380, %parallel_loop3A_381] {strides = array<i32>} : memref<321x384xbf16, #tpu.memory_space<vmem>>, vector<32xbf16>,
            %parallel_loop3A_383 = arith.index_cast %while3A_364 : i32 to index
            %parallel_loop3A_384 = arith.index_cast %parallel_loop3A_379 : i32 to index
            %parallel_loop3A_385 = tpu.vector_load %arg14[%parallel_loop3A_383, %parallel_loop3A_384] {strides = array<i32>} : memref<64x384xbf16, #tpu.memory_space<vmem>>, vector<32xbf16>,
            %parallel_loop3A_386 = arith.maximumf %parallel_loop3A_382, %parallel_loop3A_385 : vector<32xbf16>
            %parallel_loop3A_387 = arith.index_cast %rem3A_373 : i32 to index
            %parallel_loop3A_388 = arith.index_cast %parallel_loop3A_379 : i32 to index
            %parallel_loop3A_389 = tpu.vector_load %arg8[%parallel_loop3A_387, %parallel_loop3A_388] {strides = array<i32>} : memref<321x384xbf16, #tpu.memory_space<vmem>>, vector<32xbf16>,
            tpu.vector_store %arg8[%parallel_loop3A_387, %parallel_loop3A_388], %parallel_loop3A_386 {strides = array<i32>} : memref<321x384xbf16, #tpu.memory_space<vmem>>, vector<32xbf16>,
          } {sc.loop_unroll_factor = 12 : i64, sc.parallel_access}
          %while3A_376 = arith.constant 0 : i32
          scf.yield %while3A_376 : i32
        }
        %add3A_353 = arith.constant 2 : i32
        %add3A_354 = arith.addi %mul3A_327, %add3A_353 : i32
        %lt3A_355 = arith.cmpi slt, %add3A_354, %select_n3A_279 : i32
        %convert_element_type3A_356 = arith.extui %lt3A_355 : i1 to i32
        %cond3A_357 = arith.constant 0 : i32
        %cond3A_358 = arith.cmpi ne, %convert_element_type3A_356, %cond3A_357 : i32
        scf.if %cond3A_358 {
          %add3A_364 = arith.constant 2 : i32
          %add3A_365 = arith.addi %mul3A_327, %add3A_364 : i32
          %scan3A_366 = arith.constant 0 : i32
          %scan3A_367 = arith.constant 0 : i32
          %scan3A_368 = arith.constant 4 : i32
          %scan3A_369 = arith.addi %scan3A_367, %scan3A_368 : i32
          %scan3A_370 = arith.constant 1 : i32
          %scan3A_371 = scf.for %scan3A_376 = %scan3A_367 to %scan3A_369 step %scan3A_370 iter_args(%scan3A_377 = %scan3A_366) -> (i32)  : i32 {
            %mul3A_378 = arith.constant 64 : i32
            %mul3A_379 = arith.muli %add3A_365, %mul3A_378 : i32
            %add3A_380 = arith.constant 8192 : i32
            %add3A_381 = arith.addi %add3A_380, %mul3A_379 : i32
            %mul3A_382 = arith.constant 16 : i32
            %mul3A_383 = arith.muli %scan3A_376, %mul3A_382 : i32
            %add3A_384 = arith.addi %add3A_381, %mul3A_383 : i32
            %get3A = arith.index_cast %add3A_384 : i32 to index
            %get3A_385 = tpu.vector_load %arg9[%get3A] {strides = array<i32>} : memref<10304xi32, #tpu.memory_space<vmem>>, vector<16xi32>,
            %shift_right_arithmetic3A = arith.constant 9 : i32
            %shift_right_arithmetic3A_386 = vector.broadcast %shift_right_arithmetic3A : i32 to vector<16xi32>
            %shift_right_arithmetic3A_387 = arith.shrsi %get3A_385, %shift_right_arithmetic3A_386 : vector<16xi32>
            %mul3A_388 = arith.constant 16 : i32
            %mul3A_389 = arith.muli %scan3A_376, %mul3A_388 : i32
            %swap3A = arith.index_cast %mul3A_389 : i32 to index
            %swap3A_390 = tpu.vector_load %arg16[%swap3A] {strides = array<i32>} : memref<64xi32, #tpu.memory_space<vmem>>, vector<16xi32>,
            tpu.vector_store %arg16[%swap3A], %shift_right_arithmetic3A_387 {strides = array<i32>} : memref<64xi32, #tpu.memory_space<vmem>>, vector<16xi32>,
            %scan3A_391 = arith.constant 0 : i32
            scf.yield %scan3A_391 : i32
          }
          %scan3A_372 = arith.constant 4 : i32
          %dma_start3A_373 = arith.constant 0 : i32
          %dma_start3A_374 = arith.constant 0 : i32
          %dma_start3A_375 = tpu.memref_slice %arg2[%dma_start3A_373, %dma_start3A_374] : memref<10240x384xbf16, #tpu.memory_space<hbm>> -> memref<10240x384xbf16, #tpu.memory_space<hbm>>
          tpu.enqueue_indirect_dma source(%dma_start3A_375 : memref<10240x384xbf16, #tpu.memory_space<hbm>>) target(%arg14 : memref<64x384xbf16, #tpu.memory_space<vmem>>) offsets(%arg16 : memref<64xi32, #tpu.memory_space<vmem>>) semaphore(%arg18 : memref<!tpu.dma_semaphore, #tpu.memory_space<semaphore_mem>>)
        } else {
        }
        %lt3A_359 = arith.cmpi slt, %add3A_329, %select_n3A_279 : i32
        %convert_element_type3A_360 = arith.extui %lt3A_359 : i1 to i32
        %cond3A_361 = arith.constant 0 : i32
        %cond3A_362 = arith.cmpi ne, %convert_element_type3A_360, %cond3A_361 : i32
        scf.if %cond3A_362 {
          %dma_wait3A_364 = arith.constant 0 : i32
          %dma_wait3A_365 = arith.constant 0 : i32
          %dma_wait3A_366 = tpu.memref_slice %arg2[%dma_wait3A_364, %dma_wait3A_365] : memref<10240x384xbf16, #tpu.memory_space<hbm>> -> memref<10240x384xbf16, #tpu.memory_space<hbm>>
          tpu.wait_indirect_dma semaphore(%arg19 : memref<!tpu.dma_semaphore, #tpu.memory_space<semaphore_mem>>) src(%dma_wait3A_366 : memref<10240x384xbf16, #tpu.memory_space<hbm>>) dst(%arg15 : memref<64x384xbf16, #tpu.memory_space<vmem>>)
          %mul3A_367 = arith.constant 4 : i32
          %mul3A_368 = arith.muli %add3A_329, %mul3A_367 : i32
          %sub3A_369 = arith.subi %select_n3A_251, %mul3A_368 : i32
          %min3A_370 = arith.constant 4 : i32
          %min3A_371 = arith.minsi %sub3A_369, %min3A_370 : i32
          %mul3A_372 = arith.constant 16 : i32
          %mul3A_373 = arith.muli %min3A_371, %mul3A_372 : i32
          %while3A_374 = arith.constant 0 : i32
          %while3A_375 = arith.constant 0 : i32
          %while3A_376 = arith.subi %mul3A_373, %while3A_374 : i32
          %while3A_377 = arith.addi %while3A_374, %while3A_376 : i32
          %while3A_378 = arith.constant 1 : i32
          %while3A_379 = arith.divsi %while3A_376, %while3A_378 : i32
          %while3A_380 = arith.muli %while3A_379, %while3A_378 : i32
          %while3A_381 = arith.addi %while3A_374, %while3A_380 : i32
          %while3A_382 = arith.constant 1 : i32
          %while3A_383 = scf.for %while3A_386 = %while3A_374 to %while3A_381 step %while3A_382 iter_args(%while3A_387 = %while3A_375) -> (i32)  : i32 {
            %mul3A_388 = arith.constant 64 : i32
            %mul3A_389 = arith.muli %add3A_329, %mul3A_388 : i32
            %add3A_390 = arith.constant 8192 : i32
            %add3A_391 = arith.addi %add3A_390, %mul3A_389 : i32
            %add3A_392 = arith.addi %add3A_391, %while3A_386 : i32
            %get3A = arith.index_cast %add3A_392 : i32 to index
            %get3A_393 = tpu.vector_load %arg9[%get3A] {strides = array<i32>} : memref<10304xi32, #tpu.memory_space<vmem>>, vector<16xi32>,
            %slice3A = vector.extract_strided_slice %get3A_393 {offsets = [0], sizes = [1], strides = [1]} : vector<16xi32> to vector<1xi32>
            %squeeze3A = vector.extract %slice3A[0] : i32 from vector<1xi32>
            %rem3A_394 = arith.constant 512 : i32
            %rem3A_395 = arith.remsi %squeeze3A, %rem3A_394 : i32
            %parallel_loop3A = arith.constant 0 : i32
            %parallel_loop3A_396 = arith.constant 12 : i32
            %parallel_loop3A_397 = arith.constant 1 : i32
            scf.for %parallel_loop3A_399 = %parallel_loop3A to %parallel_loop3A_396 step %parallel_loop3A_397  : i32 {
              %parallel_loop3A_400 = arith.constant 32 : i32
              %parallel_loop3A_401 = arith.muli %parallel_loop3A_399, %parallel_loop3A_400 : i32
              %parallel_loop3A_402 = arith.index_cast %rem3A_395 : i32 to index
              %parallel_loop3A_403 = arith.index_cast %parallel_loop3A_401 : i32 to index
              %parallel_loop3A_404 = tpu.vector_load %arg8[%parallel_loop3A_402, %parallel_loop3A_403] {strides = array<i32>} : memref<321x384xbf16, #tpu.memory_space<vmem>>, vector<32xbf16>,
              %parallel_loop3A_405 = arith.index_cast %while3A_386 : i32 to index
              %parallel_loop3A_406 = arith.index_cast %parallel_loop3A_401 : i32 to index
              %parallel_loop3A_407 = tpu.vector_load %arg15[%parallel_loop3A_405, %parallel_loop3A_406] {strides = array<i32>} : memref<64x384xbf16, #tpu.memory_space<vmem>>, vector<32xbf16>,
              %parallel_loop3A_408 = arith.maximumf %parallel_loop3A_404, %parallel_loop3A_407 : vector<32xbf16>
              %parallel_loop3A_409 = arith.index_cast %rem3A_395 : i32 to index
              %parallel_loop3A_410 = arith.index_cast %parallel_loop3A_401 : i32 to index
              %parallel_loop3A_411 = tpu.vector_load %arg8[%parallel_loop3A_409, %parallel_loop3A_410] {strides = array<i32>} : memref<321x384xbf16, #tpu.memory_space<vmem>>, vector<32xbf16>,
              tpu.vector_store %arg8[%parallel_loop3A_409, %parallel_loop3A_410], %parallel_loop3A_408 {strides = array<i32>} : memref<321x384xbf16, #tpu.memory_space<vmem>>, vector<32xbf16>,
            } {sc.loop_unroll_factor = 12 : i64, sc.parallel_access}
            %while3A_398 = arith.constant 0 : i32
            scf.yield %while3A_398 : i32
          }
          %while3A_384 = arith.constant 1 : i32
          %while3A_385 = scf.for %while3A_386 = %while3A_381 to %while3A_377 step %while3A_384 iter_args(%while3A_387 = %while3A_383) -> (i32)  : i32 {
            %mul3A_388 = arith.constant 64 : i32
            %mul3A_389 = arith.muli %add3A_329, %mul3A_388 : i32
            %add3A_390 = arith.constant 8192 : i32
            %add3A_391 = arith.addi %add3A_390, %mul3A_389 : i32
            %add3A_392 = arith.addi %add3A_391, %while3A_386 : i32
            %get3A = arith.index_cast %add3A_392 : i32 to index
            %get3A_393 = tpu.vector_load %arg9[%get3A] {strides = array<i32>} : memref<10304xi32, #tpu.memory_space<vmem>>, vector<16xi32>,
            %slice3A = vector.extract_strided_slice %get3A_393 {offsets = [0], sizes = [1], strides = [1]} : vector<16xi32> to vector<1xi32>
            %squeeze3A = vector.extract %slice3A[0] : i32 from vector<1xi32>
            %rem3A_394 = arith.constant 512 : i32
            %rem3A_395 = arith.remsi %squeeze3A, %rem3A_394 : i32
            %parallel_loop3A = arith.constant 0 : i32
            %parallel_loop3A_396 = arith.constant 12 : i32
            %parallel_loop3A_397 = arith.constant 1 : i32
            scf.for %parallel_loop3A_399 = %parallel_loop3A to %parallel_loop3A_396 step %parallel_loop3A_397  : i32 {
              %parallel_loop3A_400 = arith.constant 32 : i32
              %parallel_loop3A_401 = arith.muli %parallel_loop3A_399, %parallel_loop3A_400 : i32
              %parallel_loop3A_402 = arith.index_cast %rem3A_395 : i32 to index
              %parallel_loop3A_403 = arith.index_cast %parallel_loop3A_401 : i32 to index
              %parallel_loop3A_404 = tpu.vector_load %arg8[%parallel_loop3A_402, %parallel_loop3A_403] {strides = array<i32>} : memref<321x384xbf16, #tpu.memory_space<vmem>>, vector<32xbf16>,
              %parallel_loop3A_405 = arith.index_cast %while3A_386 : i32 to index
              %parallel_loop3A_406 = arith.index_cast %parallel_loop3A_401 : i32 to index
              %parallel_loop3A_407 = tpu.vector_load %arg15[%parallel_loop3A_405, %parallel_loop3A_406] {strides = array<i32>} : memref<64x384xbf16, #tpu.memory_space<vmem>>, vector<32xbf16>,
              %parallel_loop3A_408 = arith.maximumf %parallel_loop3A_404, %parallel_loop3A_407 : vector<32xbf16>
              %parallel_loop3A_409 = arith.index_cast %rem3A_395 : i32 to index
              %parallel_loop3A_410 = arith.index_cast %parallel_loop3A_401 : i32 to index
              %parallel_loop3A_411 = tpu.vector_load %arg8[%parallel_loop3A_409, %parallel_loop3A_410] {strides = array<i32>} : memref<321x384xbf16, #tpu.memory_space<vmem>>, vector<32xbf16>,
              tpu.vector_store %arg8[%parallel_loop3A_409, %parallel_loop3A_410], %parallel_loop3A_408 {strides = array<i32>} : memref<321x384xbf16, #tpu.memory_space<vmem>>, vector<32xbf16>,
            } {sc.loop_unroll_factor = 12 : i64, sc.parallel_access}
            %while3A_398 = arith.constant 0 : i32
            scf.yield %while3A_398 : i32
          }
        } else {
        }
        %while3A_363 = arith.constant 0 : i32
        scf.yield %while3A_363 : i32
      }
      %while3A_323 = arith.constant 0 : i32
      scf.yield %while3A_323 : i32
    }
    %while3A_124 = arith.constant 1 : i32
    %while3A_125 = scf.for %while3A_209 = %while3A_121 to %while3A_117 step %while3A_124 iter_args(%while3A_210 = %while3A_123) -> (i32)  : i32 {
      %mul3A_211 = arith.constant 2000 : i32
      %mul3A_212 = arith.muli %while3A_209, %mul3A_211 : i32
      "tpu.region"() ({
        %run_scoped3A = tpu.sem_alloc : memref<!tpu.dma_semaphore, #tpu.memory_space<semaphore_mem>>
        %dma_start3A_324 = tpu.memref_slice %arg4[%mul3A_212] : memref<160000xi32, #tpu.memory_space<hbm>> -> memref<2000xi32, #tpu.memory_space<hbm>>
        %dma_start3A_325 = tpu.memref_slice %arg4[%mul3A_212] : memref<160000xi32, #tpu.memory_space<hbm>> -> memref<2000xi32, #tpu.memory_space<hbm>>
        tpu.enqueue_dma source(%dma_start3A_325 : memref<2000xi32, #tpu.memory_space<hbm>>) target(%arg10 : memref<2000xi32, #tpu.memory_space<vmem>>) target_semaphore(%run_scoped3A : memref<!tpu.dma_semaphore, #tpu.memory_space<semaphore_mem>>)
        %dma_wait3A = tpu.memref_slice %arg4[%mul3A_212] : memref<160000xi32, #tpu.memory_space<hbm>> -> memref<2000xi32, #tpu.memory_space<hbm>>
        %dma_wait3A_326 = tpu.memref_slice %arg4[%mul3A_212] : memref<160000xi32, #tpu.memory_space<hbm>> -> memref<2000xi32, #tpu.memory_space<hbm>>
        tpu.wait_dma2 semaphore(%run_scoped3A : memref<!tpu.dma_semaphore, #tpu.memory_space<semaphore_mem>>) src(%dma_wait3A_326 : memref<2000xi32, #tpu.memory_space<hbm>>) dst(%arg10 : memref<2000xi32, #tpu.memory_space<vmem>>)
        tpu.yield
      }) : () -> ()
      "tpu.region"() ({
        %run_scoped3A = tpu.sem_alloc : memref<!tpu.dma_semaphore, #tpu.memory_space<semaphore_mem>>
        %dma_start3A_324 = tpu.memref_slice %arg5[%mul3A_212] : memref<160000xi32, #tpu.memory_space<hbm>> -> memref<2000xi32, #tpu.memory_space<hbm>>
        %dma_start3A_325 = tpu.memref_slice %arg5[%mul3A_212] : memref<160000xi32, #tpu.memory_space<hbm>> -> memref<2000xi32, #tpu.memory_space<hbm>>
        tpu.enqueue_dma source(%dma_start3A_325 : memref<2000xi32, #tpu.memory_space<hbm>>) target(%arg11 : memref<2000xi32, #tpu.memory_space<vmem>>) target_semaphore(%run_scoped3A : memref<!tpu.dma_semaphore, #tpu.memory_space<semaphore_mem>>)
        %dma_wait3A = tpu.memref_slice %arg5[%mul3A_212] : memref<160000xi32, #tpu.memory_space<hbm>> -> memref<2000xi32, #tpu.memory_space<hbm>>
        %dma_wait3A_326 = tpu.memref_slice %arg5[%mul3A_212] : memref<160000xi32, #tpu.memory_space<hbm>> -> memref<2000xi32, #tpu.memory_space<hbm>>
        tpu.wait_dma2 semaphore(%run_scoped3A : memref<!tpu.dma_semaphore, #tpu.memory_space<semaphore_mem>>) src(%dma_wait3A_326 : memref<2000xi32, #tpu.memory_space<hbm>>) dst(%arg11 : memref<2000xi32, #tpu.memory_space<vmem>>)
        tpu.yield
      }) : () -> ()
      %scan3A_213 = arith.constant 0 : i32
      %scan3A_214 = arith.constant 0 : i32
      %scan3A_215 = arith.constant 125 : i32
      %scan3A_216 = arith.addi %scan3A_214, %scan3A_215 : i32
      %scan3A_217 = arith.constant 1 : i32
      %scan3A_218 = scf.for %scan3A_324 = %scan3A_214 to %scan3A_216 step %scan3A_217 iter_args(%scan3A_325 = %scan3A_213) -> (i32)  : i32 {
        %mul3A_326 = arith.constant 16 : i32
        %mul3A_327 = arith.muli %scan3A_324, %mul3A_326 : i32
        %get3A = arith.index_cast %mul3A_327 : i32 to index
        %get3A_328 = tpu.vector_load %arg11[%get3A] {strides = array<i32>} : memref<2000xi32, #tpu.memory_space<vmem>>, vector<16xi32>,
        %mul3A_329 = arith.constant 16 : i32
        %mul3A_330 = arith.muli %scan3A_324, %mul3A_329 : i32
        %get3A_331 = arith.index_cast %mul3A_330 : i32 to index
        %get3A_332 = tpu.vector_load %arg10[%get3A_331] {strides = array<i32>} : memref<2000xi32, #tpu.memory_space<vmem>>, vector<16xi32>,
        %sub3A_333 = vector.broadcast %mul3A_2 : i32 to vector<16xi32>
        %sub3A_334 = arith.subi %get3A_328, %sub3A_333 : vector<16xi32>
        %ge3A = arith.constant 0 : i32
        %ge3A_335 = vector.broadcast %ge3A : i32 to vector<16xi32>
        %ge3A_336 = arith.cmpi sge, %sub3A_334, %ge3A_335 : vector<16xi32>
        %lt3A = arith.constant 320 : i32
        %lt3A_337 = vector.broadcast %lt3A : i32 to vector<16xi32>
        %lt3A_338 = arith.cmpi slt, %sub3A_334, %lt3A_337 : vector<16xi32>
        %and3A_339 = arith.andi %ge3A_336, %lt3A_338 : vector<16xi1>
        %jit3A_340 = arith.constant 1 : i32
        %jit3A_341 = arith.constant 0 : i32
        %broadcast_in_dim3A_342 = vector.broadcast %jit3A_340 : i32 to vector<16xi32>
        %broadcast_in_dim3A_343 = vector.broadcast %jit3A_341 : i32 to vector<16xi32>
        %select_n3A_344 = arith.select %and3A_339, %broadcast_in_dim3A_342, %broadcast_in_dim3A_343 : vector<16xi1>, vector<16xi32>
        %broadcast_in_dim3A_345 = arith.constant true
        %broadcast_in_dim3A_346 = vector.broadcast %broadcast_in_dim3A_345 : i1 to vector<16xi1>
        %masked_cumsum3A = tpu.scan <sum>, %select_n3A_344 masked %broadcast_in_dim3A_346 : vector<16xi32>, vector<16xi1> -> vector<16xi32>
        %add3A_347 = arith.constant 8192 : i32
        %add3A_348 = arith.addi %add3A_347, %scan3A_325 : i32
        %sub3A_349 = arith.constant 1 : i32
        %sub3A_350 = arith.subi %add3A_348, %sub3A_349 : i32
        %add3A_351 = vector.broadcast %sub3A_350 : i32 to vector<16xi32>
        %add3A_352 = arith.addi %add3A_351, %masked_cumsum3A : vector<16xi32>
        %mul3A_353 = arith.constant 512 : i32
        %mul3A_354 = vector.broadcast %mul3A_353 : i32 to vector<16xi32>
        %mul3A_355 = arith.muli %get3A_332, %mul3A_354 : vector<16xi32>
        %add3A_356 = arith.addi %mul3A_355, %sub3A_334 : vector<16xi32>
        tpu.vector_store_idx %arg9[%add3A_352], %add3A_356 masked %and3A_339 : memref<10304xi32, #tpu.memory_space<vmem>>[vector<16xi32>], vector<16xi32>, vector<16xi1>
        %slice3A = vector.extract_strided_slice %masked_cumsum3A {offsets = [15], sizes = [1], strides = [1]} : vector<16xi32> to vector<1xi32>
        %squeeze3A = vector.extract %slice3A[0] : i32 from vector<1xi32>
        %add3A_357 = arith.addi %scan3A_325, %squeeze3A : i32
        scf.yield %add3A_357 : i32
      }
      %scan3A_219 = arith.constant 125 : i32
      %add3A_220 = arith.constant 8192 : i32
      %add3A_221 = arith.addi %add3A_220, %scan3A_218 : i32
      %add3A_222 = vector.broadcast %add3A_221 : i32 to vector<16xi32>
      %add3A_223 = arith.addi %add3A_222, %iota3A : vector<16xi32>
      %broadcast_in_dim3A_224 = arith.constant 320 : i32
      %broadcast_in_dim3A_225 = vector.broadcast %broadcast_in_dim3A_224 : i32 to vector<16xi32>
      tpu.vector_store_idx %arg9[%add3A_223], %broadcast_in_dim3A_225 : memref<10304xi32, #tpu.memory_space<vmem>>[vector<16xi32>], vector<16xi32>,
      %add3A_226 = arith.constant 15 : i32
      %add3A_227 = arith.addi %scan3A_218, %add3A_226 : i32
      %jit3A_228 = arith.constant 16 : i32
      %div3A_229 = arith.divsi %add3A_227, %jit3A_228 : i32
      %sign3A_230 = arith.constant 0 : i32
      %sign3A_231 = arith.cmpi sgt, %add3A_227, %sign3A_230 : i32
      %sign3A_232 = arith.extui %sign3A_231 : i1 to i32
      %sign3A_233 = arith.constant 0 : i32
      %sign3A_234 = arith.cmpi slt, %add3A_227, %sign3A_233 : i32
      %sign3A_235 = arith.extui %sign3A_234 : i1 to i32
      %sign3A_236 = arith.subi %sign3A_232, %sign3A_235 : i32
      %sign3A_237 = arith.constant 0 : i32
      %sign3A_238 = arith.cmpi sgt, %jit3A_228, %sign3A_237 : i32
      %sign3A_239 = arith.extui %sign3A_238 : i1 to i32
      %sign3A_240 = arith.constant 0 : i32
      %sign3A_241 = arith.cmpi slt, %jit3A_228, %sign3A_240 : i32
      %sign3A_242 = arith.extui %sign3A_241 : i1 to i32
      %sign3A_243 = arith.subi %sign3A_239, %sign3A_242 : i32
      %ne3A_244 = arith.cmpi ne, %sign3A_236, %sign3A_243 : i32
      %rem3A_245 = arith.remsi %add3A_227, %jit3A_228 : i32
      %ne3A_246 = arith.constant 0 : i32
      %ne3A_247 = arith.cmpi ne, %rem3A_245, %ne3A_246 : i32
      %and3A_248 = arith.andi %ne3A_244, %ne3A_247 : i1
      %sub3A_249 = arith.constant 1 : i32
      %sub3A_250 = arith.subi %div3A_229, %sub3A_249 : i32
      %select_n3A_251 = arith.select %and3A_248, %sub3A_250, %div3A_229 : i32
      %add3A_252 = arith.constant 4 : i32
      %add3A_253 = arith.addi %select_n3A_251, %add3A_252 : i32
      %sub3A_254 = arith.constant 1 : i32
      %sub3A_255 = arith.subi %add3A_253, %sub3A_254 : i32
      %jit3A_256 = arith.constant 4 : i32
      %div3A_257 = arith.divsi %sub3A_255, %jit3A_256 : i32
      %sign3A_258 = arith.constant 0 : i32
      %sign3A_259 = arith.cmpi sgt, %sub3A_255, %sign3A_258 : i32
      %sign3A_260 = arith.extui %sign3A_259 : i1 to i32
      %sign3A_261 = arith.constant 0 : i32
      %sign3A_262 = arith.cmpi slt, %sub3A_255, %sign3A_261 : i32
      %sign3A_263 = arith.extui %sign3A_262 : i1 to i32
      %sign3A_264 = arith.subi %sign3A_260, %sign3A_263 : i32
      %sign3A_265 = arith.constant 0 : i32
      %sign3A_266 = arith.cmpi sgt, %jit3A_256, %sign3A_265 : i32
      %sign3A_267 = arith.extui %sign3A_266 : i1 to i32
      %sign3A_268 = arith.constant 0 : i32
      %sign3A_269 = arith.cmpi slt, %jit3A_256, %sign3A_268 : i32
      %sign3A_270 = arith.extui %sign3A_269 : i1 to i32
      %sign3A_271 = arith.subi %sign3A_267, %sign3A_270 : i32
      %ne3A_272 = arith.cmpi ne, %sign3A_264, %sign3A_271 : i32
      %rem3A_273 = arith.remsi %sub3A_255, %jit3A_256 : i32
      %ne3A_274 = arith.constant 0 : i32
      %ne3A_275 = arith.cmpi ne, %rem3A_273, %ne3A_274 : i32
      %and3A_276 = arith.andi %ne3A_272, %ne3A_275 : i1
      %sub3A_277 = arith.constant 1 : i32
      %sub3A_278 = arith.subi %div3A_257, %sub3A_277 : i32
      %select_n3A_279 = arith.select %and3A_276, %sub3A_278, %div3A_257 : i32
      %gt3A_280 = arith.constant 0 : i32
      %gt3A_281 = arith.cmpi sgt, %select_n3A_279, %gt3A_280 : i32
      %convert_element_type3A_282 = arith.extui %gt3A_281 : i1 to i32
      %cond3A_283 = arith.constant 0 : i32
      %cond3A_284 = arith.cmpi ne, %convert_element_type3A_282, %cond3A_283 : i32
      scf.if %cond3A_284 {
        %scan3A_324 = arith.constant 0 : i32
        %scan3A_325 = arith.constant 0 : i32
        %scan3A_326 = arith.constant 0 : i32
        %scan3A_327 = arith.constant 4 : i32
        %scan3A_328 = arith.addi %scan3A_326, %scan3A_327 : i32
        %scan3A_329 = arith.constant 1 : i32
        %scan3A_330 = scf.for %scan3A_335 = %scan3A_326 to %scan3A_328 step %scan3A_329 iter_args(%scan3A_336 = %scan3A_325) -> (i32)  : i32 {
          %mul3A_337 = arith.constant 64 : i32
          %mul3A_338 = arith.muli %scan3A_324, %mul3A_337 : i32
          %add3A_339 = arith.constant 8192 : i32
          %add3A_340 = arith.addi %add3A_339, %mul3A_338 : i32
          %mul3A_341 = arith.constant 16 : i32
          %mul3A_342 = arith.muli %scan3A_335, %mul3A_341 : i32
          %add3A_343 = arith.addi %add3A_340, %mul3A_342 : i32
          %get3A = arith.index_cast %add3A_343 : i32 to index
          %get3A_344 = tpu.vector_load %arg9[%get3A] {strides = array<i32>} : memref<10304xi32, #tpu.memory_space<vmem>>, vector<16xi32>,
          %shift_right_arithmetic3A = arith.constant 9 : i32
          %shift_right_arithmetic3A_345 = vector.broadcast %shift_right_arithmetic3A : i32 to vector<16xi32>
          %shift_right_arithmetic3A_346 = arith.shrsi %get3A_344, %shift_right_arithmetic3A_345 : vector<16xi32>
          %mul3A_347 = arith.constant 16 : i32
          %mul3A_348 = arith.muli %scan3A_335, %mul3A_347 : i32
          %swap3A = arith.index_cast %mul3A_348 : i32 to index
          %swap3A_349 = tpu.vector_load %arg16[%swap3A] {strides = array<i32>} : memref<64xi32, #tpu.memory_space<vmem>>, vector<16xi32>,
          tpu.vector_store %arg16[%swap3A], %shift_right_arithmetic3A_346 {strides = array<i32>} : memref<64xi32, #tpu.memory_space<vmem>>, vector<16xi32>,
          %scan3A_350 = arith.constant 0 : i32
          scf.yield %scan3A_350 : i32
        }
        %scan3A_331 = arith.constant 4 : i32
        %dma_start3A_332 = arith.constant 0 : i32
        %dma_start3A_333 = arith.constant 0 : i32
        %dma_start3A_334 = tpu.memref_slice %arg2[%dma_start3A_332, %dma_start3A_333] : memref<10240x384xbf16, #tpu.memory_space<hbm>> -> memref<10240x384xbf16, #tpu.memory_space<hbm>>
        tpu.enqueue_indirect_dma source(%dma_start3A_334 : memref<10240x384xbf16, #tpu.memory_space<hbm>>) target(%arg14 : memref<64x384xbf16, #tpu.memory_space<vmem>>) offsets(%arg16 : memref<64xi32, #tpu.memory_space<vmem>>) semaphore(%arg18 : memref<!tpu.dma_semaphore, #tpu.memory_space<semaphore_mem>>)
      } else {
      }
      %add3A_285 = arith.constant 1 : i32
      %add3A_286 = arith.addi %select_n3A_279, %add3A_285 : i32
      %jit3A_287 = arith.constant 2 : i32
      %div3A_288 = arith.divsi %add3A_286, %jit3A_287 : i32
      %sign3A_289 = arith.constant 0 : i32
      %sign3A_290 = arith.cmpi sgt, %add3A_286, %sign3A_289 : i32
      %sign3A_291 = arith.extui %sign3A_290 : i1 to i32
      %sign3A_292 = arith.constant 0 : i32
      %sign3A_293 = arith.cmpi slt, %add3A_286, %sign3A_292 : i32
      %sign3A_294 = arith.extui %sign3A_293 : i1 to i32
      %sign3A_295 = arith.subi %sign3A_291, %sign3A_294 : i32
      %sign3A_296 = arith.constant 0 : i32
      %sign3A_297 = arith.cmpi sgt, %jit3A_287, %sign3A_296 : i32
      %sign3A_298 = arith.extui %sign3A_297 : i1 to i32
      %sign3A_299 = arith.constant 0 : i32
      %sign3A_300 = arith.cmpi slt, %jit3A_287, %sign3A_299 : i32
      %sign3A_301 = arith.extui %sign3A_300 : i1 to i32
      %sign3A_302 = arith.subi %sign3A_298, %sign3A_301 : i32
      %ne3A_303 = arith.cmpi ne, %sign3A_295, %sign3A_302 : i32
      %rem3A_304 = arith.remsi %add3A_286, %jit3A_287 : i32
      %ne3A_305 = arith.constant 0 : i32
      %ne3A_306 = arith.cmpi ne, %rem3A_304, %ne3A_305 : i32
      %and3A_307 = arith.andi %ne3A_303, %ne3A_306 : i1
      %sub3A_308 = arith.constant 1 : i32
      %sub3A_309 = arith.subi %div3A_288, %sub3A_308 : i32
      %select_n3A_310 = arith.select %and3A_307, %sub3A_309, %div3A_288 : i32
      %while3A_311 = arith.constant 0 : i32
      %while3A_312 = arith.constant 0 : i32
      %while3A_313 = arith.subi %select_n3A_310, %while3A_311 : i32
      %while3A_314 = arith.addi %while3A_311, %while3A_313 : i32
      %while3A_315 = arith.constant 1 : i32
      %while3A_316 = arith.divsi %while3A_313, %while3A_315 : i32
      %while3A_317 = arith.muli %while3A_316, %while3A_315 : i32
      %while3A_318 = arith.addi %while3A_311, %while3A_317 : i32
      %while3A_319 = arith.constant 1 : i32
      %while3A_320 = scf.for %while3A_324 = %while3A_311 to %while3A_318 step %while3A_319 iter_args(%while3A_325 = %while3A_312) -> (i32)  : i32 {
        %mul3A_326 = arith.constant 2 : i32
        %mul3A_327 = arith.muli %while3A_324, %mul3A_326 : i32
        %add3A_328 = arith.constant 1 : i32
        %add3A_329 = arith.addi %mul3A_327, %add3A_328 : i32
        %lt3A = arith.cmpi slt, %add3A_329, %select_n3A_279 : i32
        %convert_element_type3A_330 = arith.extui %lt3A : i1 to i32
        %cond3A_331 = arith.constant 0 : i32
        %cond3A_332 = arith.cmpi ne, %convert_element_type3A_330, %cond3A_331 : i32
        scf.if %cond3A_332 {
          %scan3A_364 = arith.constant 0 : i32
          %scan3A_365 = arith.constant 0 : i32
          %scan3A_366 = arith.constant 4 : i32
          %scan3A_367 = arith.addi %scan3A_365, %scan3A_366 : i32
          %scan3A_368 = arith.constant 1 : i32
          %scan3A_369 = scf.for %scan3A_374 = %scan3A_365 to %scan3A_367 step %scan3A_368 iter_args(%scan3A_375 = %scan3A_364) -> (i32)  : i32 {
            %mul3A_376 = arith.constant 64 : i32
            %mul3A_377 = arith.muli %add3A_329, %mul3A_376 : i32
            %add3A_378 = arith.constant 8192 : i32
            %add3A_379 = arith.addi %add3A_378, %mul3A_377 : i32
            %mul3A_380 = arith.constant 16 : i32
            %mul3A_381 = arith.muli %scan3A_374, %mul3A_380 : i32
            %add3A_382 = arith.addi %add3A_379, %mul3A_381 : i32
            %get3A = arith.index_cast %add3A_382 : i32 to index
            %get3A_383 = tpu.vector_load %arg9[%get3A] {strides = array<i32>} : memref<10304xi32, #tpu.memory_space<vmem>>, vector<16xi32>,
            %shift_right_arithmetic3A = arith.constant 9 : i32
            %shift_right_arithmetic3A_384 = vector.broadcast %shift_right_arithmetic3A : i32 to vector<16xi32>
            %shift_right_arithmetic3A_385 = arith.shrsi %get3A_383, %shift_right_arithmetic3A_384 : vector<16xi32>
            %mul3A_386 = arith.constant 16 : i32
            %mul3A_387 = arith.muli %scan3A_374, %mul3A_386 : i32
            %swap3A = arith.index_cast %mul3A_387 : i32 to index
            %swap3A_388 = tpu.vector_load %arg17[%swap3A] {strides = array<i32>} : memref<64xi32, #tpu.memory_space<vmem>>, vector<16xi32>,
            tpu.vector_store %arg17[%swap3A], %shift_right_arithmetic3A_385 {strides = array<i32>} : memref<64xi32, #tpu.memory_space<vmem>>, vector<16xi32>,
            %scan3A_389 = arith.constant 0 : i32
            scf.yield %scan3A_389 : i32
          }
          %scan3A_370 = arith.constant 4 : i32
          %dma_start3A_371 = arith.constant 0 : i32
          %dma_start3A_372 = arith.constant 0 : i32
          %dma_start3A_373 = tpu.memref_slice %arg2[%dma_start3A_371, %dma_start3A_372] : memref<10240x384xbf16, #tpu.memory_space<hbm>> -> memref<10240x384xbf16, #tpu.memory_space<hbm>>
          tpu.enqueue_indirect_dma source(%dma_start3A_373 : memref<10240x384xbf16, #tpu.memory_space<hbm>>) target(%arg15 : memref<64x384xbf16, #tpu.memory_space<vmem>>) offsets(%arg17 : memref<64xi32, #tpu.memory_space<vmem>>) semaphore(%arg19 : memref<!tpu.dma_semaphore, #tpu.memory_space<semaphore_mem>>)
        } else {
        }
        %dma_wait3A = arith.constant 0 : i32
        %dma_wait3A_333 = arith.constant 0 : i32
        %dma_wait3A_334 = tpu.memref_slice %arg2[%dma_wait3A, %dma_wait3A_333] : memref<10240x384xbf16, #tpu.memory_space<hbm>> -> memref<10240x384xbf16, #tpu.memory_space<hbm>>
        tpu.wait_indirect_dma semaphore(%arg18 : memref<!tpu.dma_semaphore, #tpu.memory_space<semaphore_mem>>) src(%dma_wait3A_334 : memref<10240x384xbf16, #tpu.memory_space<hbm>>) dst(%arg14 : memref<64x384xbf16, #tpu.memory_space<vmem>>)
        %mul3A_335 = arith.constant 4 : i32
        %mul3A_336 = arith.muli %mul3A_327, %mul3A_335 : i32
        %sub3A_337 = arith.subi %select_n3A_251, %mul3A_336 : i32
        %min3A = arith.constant 4 : i32
        %min3A_338 = arith.minsi %sub3A_337, %min3A : i32
        %mul3A_339 = arith.constant 16 : i32
        %mul3A_340 = arith.muli %min3A_338, %mul3A_339 : i32
        %while3A_341 = arith.constant 0 : i32
        %while3A_342 = arith.constant 0 : i32
        %while3A_343 = arith.subi %mul3A_340, %while3A_341 : i32
        %while3A_344 = arith.addi %while3A_341, %while3A_343 : i32
        %while3A_345 = arith.constant 1 : i32
        %while3A_346 = arith.divsi %while3A_343, %while3A_345 : i32
        %while3A_347 = arith.muli %while3A_346, %while3A_345 : i32
        %while3A_348 = arith.addi %while3A_341, %while3A_347 : i32
        %while3A_349 = arith.constant 1 : i32
        %while3A_350 = scf.for %while3A_364 = %while3A_341 to %while3A_348 step %while3A_349 iter_args(%while3A_365 = %while3A_342) -> (i32)  : i32 {
          %mul3A_366 = arith.constant 64 : i32
          %mul3A_367 = arith.muli %mul3A_327, %mul3A_366 : i32
          %add3A_368 = arith.constant 8192 : i32
          %add3A_369 = arith.addi %add3A_368, %mul3A_367 : i32
          %add3A_370 = arith.addi %add3A_369, %while3A_364 : i32
          %get3A = arith.index_cast %add3A_370 : i32 to index
          %get3A_371 = tpu.vector_load %arg9[%get3A] {strides = array<i32>} : memref<10304xi32, #tpu.memory_space<vmem>>, vector<16xi32>,
          %slice3A = vector.extract_strided_slice %get3A_371 {offsets = [0], sizes = [1], strides = [1]} : vector<16xi32> to vector<1xi32>
          %squeeze3A = vector.extract %slice3A[0] : i32 from vector<1xi32>
          %rem3A_372 = arith.constant 512 : i32
          %rem3A_373 = arith.remsi %squeeze3A, %rem3A_372 : i32
          %parallel_loop3A = arith.constant 0 : i32
          %parallel_loop3A_374 = arith.constant 12 : i32
          %parallel_loop3A_375 = arith.constant 1 : i32
          scf.for %parallel_loop3A_377 = %parallel_loop3A to %parallel_loop3A_374 step %parallel_loop3A_375  : i32 {
            %parallel_loop3A_378 = arith.constant 32 : i32
            %parallel_loop3A_379 = arith.muli %parallel_loop3A_377, %parallel_loop3A_378 : i32
            %parallel_loop3A_380 = arith.index_cast %rem3A_373 : i32 to index
            %parallel_loop3A_381 = arith.index_cast %parallel_loop3A_379 : i32 to index
            %parallel_loop3A_382 = tpu.vector_load %arg8[%parallel_loop3A_380, %parallel_loop3A_381] {strides = array<i32>} : memref<321x384xbf16, #tpu.memory_space<vmem>>, vector<32xbf16>,
            %parallel_loop3A_383 = arith.index_cast %while3A_364 : i32 to index
            %parallel_loop3A_384 = arith.index_cast %parallel_loop3A_379 : i32 to index
            %parallel_loop3A_385 = tpu.vector_load %arg14[%parallel_loop3A_383, %parallel_loop3A_384] {strides = array<i32>} : memref<64x384xbf16, #tpu.memory_space<vmem>>, vector<32xbf16>,
            %parallel_loop3A_386 = arith.maximumf %parallel_loop3A_382, %parallel_loop3A_385 : vector<32xbf16>
            %parallel_loop3A_387 = arith.index_cast %rem3A_373 : i32 to index
            %parallel_loop3A_388 = arith.index_cast %parallel_loop3A_379 : i32 to index
            %parallel_loop3A_389 = tpu.vector_load %arg8[%parallel_loop3A_387, %parallel_loop3A_388] {strides = array<i32>} : memref<321x384xbf16, #tpu.memory_space<vmem>>, vector<32xbf16>,
            tpu.vector_store %arg8[%parallel_loop3A_387, %parallel_loop3A_388], %parallel_loop3A_386 {strides = array<i32>} : memref<321x384xbf16, #tpu.memory_space<vmem>>, vector<32xbf16>,
          } {sc.loop_unroll_factor = 12 : i64, sc.parallel_access}
          %while3A_376 = arith.constant 0 : i32
          scf.yield %while3A_376 : i32
        }
        %while3A_351 = arith.constant 1 : i32
        %while3A_352 = scf.for %while3A_364 = %while3A_348 to %while3A_344 step %while3A_351 iter_args(%while3A_365 = %while3A_350) -> (i32)  : i32 {
          %mul3A_366 = arith.constant 64 : i32
          %mul3A_367 = arith.muli %mul3A_327, %mul3A_366 : i32
          %add3A_368 = arith.constant 8192 : i32
          %add3A_369 = arith.addi %add3A_368, %mul3A_367 : i32
          %add3A_370 = arith.addi %add3A_369, %while3A_364 : i32
          %get3A = arith.index_cast %add3A_370 : i32 to index
          %get3A_371 = tpu.vector_load %arg9[%get3A] {strides = array<i32>} : memref<10304xi32, #tpu.memory_space<vmem>>, vector<16xi32>,
          %slice3A = vector.extract_strided_slice %get3A_371 {offsets = [0], sizes = [1], strides = [1]} : vector<16xi32> to vector<1xi32>
          %squeeze3A = vector.extract %slice3A[0] : i32 from vector<1xi32>
          %rem3A_372 = arith.constant 512 : i32
          %rem3A_373 = arith.remsi %squeeze3A, %rem3A_372 : i32
          %parallel_loop3A = arith.constant 0 : i32
          %parallel_loop3A_374 = arith.constant 12 : i32
          %parallel_loop3A_375 = arith.constant 1 : i32
          scf.for %parallel_loop3A_377 = %parallel_loop3A to %parallel_loop3A_374 step %parallel_loop3A_375  : i32 {
            %parallel_loop3A_378 = arith.constant 32 : i32
            %parallel_loop3A_379 = arith.muli %parallel_loop3A_377, %parallel_loop3A_378 : i32
            %parallel_loop3A_380 = arith.index_cast %rem3A_373 : i32 to index
            %parallel_loop3A_381 = arith.index_cast %parallel_loop3A_379 : i32 to index
            %parallel_loop3A_382 = tpu.vector_load %arg8[%parallel_loop3A_380, %parallel_loop3A_381] {strides = array<i32>} : memref<321x384xbf16, #tpu.memory_space<vmem>>, vector<32xbf16>,
            %parallel_loop3A_383 = arith.index_cast %while3A_364 : i32 to index
            %parallel_loop3A_384 = arith.index_cast %parallel_loop3A_379 : i32 to index
            %parallel_loop3A_385 = tpu.vector_load %arg14[%parallel_loop3A_383, %parallel_loop3A_384] {strides = array<i32>} : memref<64x384xbf16, #tpu.memory_space<vmem>>, vector<32xbf16>,
            %parallel_loop3A_386 = arith.maximumf %parallel_loop3A_382, %parallel_loop3A_385 : vector<32xbf16>
            %parallel_loop3A_387 = arith.index_cast %rem3A_373 : i32 to index
            %parallel_loop3A_388 = arith.index_cast %parallel_loop3A_379 : i32 to index
            %parallel_loop3A_389 = tpu.vector_load %arg8[%parallel_loop3A_387, %parallel_loop3A_388] {strides = array<i32>} : memref<321x384xbf16, #tpu.memory_space<vmem>>, vector<32xbf16>,
            tpu.vector_store %arg8[%parallel_loop3A_387, %parallel_loop3A_388], %parallel_loop3A_386 {strides = array<i32>} : memref<321x384xbf16, #tpu.memory_space<vmem>>, vector<32xbf16>,
          } {sc.loop_unroll_factor = 12 : i64, sc.parallel_access}
          %while3A_376 = arith.constant 0 : i32
          scf.yield %while3A_376 : i32
        }
        %add3A_353 = arith.constant 2 : i32
        %add3A_354 = arith.addi %mul3A_327, %add3A_353 : i32
        %lt3A_355 = arith.cmpi slt, %add3A_354, %select_n3A_279 : i32
        %convert_element_type3A_356 = arith.extui %lt3A_355 : i1 to i32
        %cond3A_357 = arith.constant 0 : i32
        %cond3A_358 = arith.cmpi ne, %convert_element_type3A_356, %cond3A_357 : i32
        scf.if %cond3A_358 {
          %add3A_364 = arith.constant 2 : i32
          %add3A_365 = arith.addi %mul3A_327, %add3A_364 : i32
          %scan3A_366 = arith.constant 0 : i32
          %scan3A_367 = arith.constant 0 : i32
          %scan3A_368 = arith.constant 4 : i32
          %scan3A_369 = arith.addi %scan3A_367, %scan3A_368 : i32
          %scan3A_370 = arith.constant 1 : i32
          %scan3A_371 = scf.for %scan3A_376 = %scan3A_367 to %scan3A_369 step %scan3A_370 iter_args(%scan3A_377 = %scan3A_366) -> (i32)  : i32 {
            %mul3A_378 = arith.constant 64 : i32
            %mul3A_379 = arith.muli %add3A_365, %mul3A_378 : i32
            %add3A_380 = arith.constant 8192 : i32
            %add3A_381 = arith.addi %add3A_380, %mul3A_379 : i32
            %mul3A_382 = arith.constant 16 : i32
            %mul3A_383 = arith.muli %scan3A_376, %mul3A_382 : i32
            %add3A_384 = arith.addi %add3A_381, %mul3A_383 : i32
            %get3A = arith.index_cast %add3A_384 : i32 to index
            %get3A_385 = tpu.vector_load %arg9[%get3A] {strides = array<i32>} : memref<10304xi32, #tpu.memory_space<vmem>>, vector<16xi32>,
            %shift_right_arithmetic3A = arith.constant 9 : i32
            %shift_right_arithmetic3A_386 = vector.broadcast %shift_right_arithmetic3A : i32 to vector<16xi32>
            %shift_right_arithmetic3A_387 = arith.shrsi %get3A_385, %shift_right_arithmetic3A_386 : vector<16xi32>
            %mul3A_388 = arith.constant 16 : i32
            %mul3A_389 = arith.muli %scan3A_376, %mul3A_388 : i32
            %swap3A = arith.index_cast %mul3A_389 : i32 to index
            %swap3A_390 = tpu.vector_load %arg16[%swap3A] {strides = array<i32>} : memref<64xi32, #tpu.memory_space<vmem>>, vector<16xi32>,
            tpu.vector_store %arg16[%swap3A], %shift_right_arithmetic3A_387 {strides = array<i32>} : memref<64xi32, #tpu.memory_space<vmem>>, vector<16xi32>,
            %scan3A_391 = arith.constant 0 : i32
            scf.yield %scan3A_391 : i32
          }
          %scan3A_372 = arith.constant 4 : i32
          %dma_start3A_373 = arith.constant 0 : i32
          %dma_start3A_374 = arith.constant 0 : i32
          %dma_start3A_375 = tpu.memref_slice %arg2[%dma_start3A_373, %dma_start3A_374] : memref<10240x384xbf16, #tpu.memory_space<hbm>> -> memref<10240x384xbf16, #tpu.memory_space<hbm>>
          tpu.enqueue_indirect_dma source(%dma_start3A_375 : memref<10240x384xbf16, #tpu.memory_space<hbm>>) target(%arg14 : memref<64x384xbf16, #tpu.memory_space<vmem>>) offsets(%arg16 : memref<64xi32, #tpu.memory_space<vmem>>) semaphore(%arg18 : memref<!tpu.dma_semaphore, #tpu.memory_space<semaphore_mem>>)
        } else {
        }
        %lt3A_359 = arith.cmpi slt, %add3A_329, %select_n3A_279 : i32
        %convert_element_type3A_360 = arith.extui %lt3A_359 : i1 to i32
        %cond3A_361 = arith.constant 0 : i32
        %cond3A_362 = arith.cmpi ne, %convert_element_type3A_360, %cond3A_361 : i32
        scf.if %cond3A_362 {
          %dma_wait3A_364 = arith.constant 0 : i32
          %dma_wait3A_365 = arith.constant 0 : i32
          %dma_wait3A_366 = tpu.memref_slice %arg2[%dma_wait3A_364, %dma_wait3A_365] : memref<10240x384xbf16, #tpu.memory_space<hbm>> -> memref<10240x384xbf16, #tpu.memory_space<hbm>>
          tpu.wait_indirect_dma semaphore(%arg19 : memref<!tpu.dma_semaphore, #tpu.memory_space<semaphore_mem>>) src(%dma_wait3A_366 : memref<10240x384xbf16, #tpu.memory_space<hbm>>) dst(%arg15 : memref<64x384xbf16, #tpu.memory_space<vmem>>)
          %mul3A_367 = arith.constant 4 : i32
          %mul3A_368 = arith.muli %add3A_329, %mul3A_367 : i32
          %sub3A_369 = arith.subi %select_n3A_251, %mul3A_368 : i32
          %min3A_370 = arith.constant 4 : i32
          %min3A_371 = arith.minsi %sub3A_369, %min3A_370 : i32
          %mul3A_372 = arith.constant 16 : i32
          %mul3A_373 = arith.muli %min3A_371, %mul3A_372 : i32
          %while3A_374 = arith.constant 0 : i32
          %while3A_375 = arith.constant 0 : i32
          %while3A_376 = arith.subi %mul3A_373, %while3A_374 : i32
          %while3A_377 = arith.addi %while3A_374, %while3A_376 : i32
          %while3A_378 = arith.constant 1 : i32
          %while3A_379 = arith.divsi %while3A_376, %while3A_378 : i32
          %while3A_380 = arith.muli %while3A_379, %while3A_378 : i32
          %while3A_381 = arith.addi %while3A_374, %while3A_380 : i32
          %while3A_382 = arith.constant 1 : i32
          %while3A_383 = scf.for %while3A_386 = %while3A_374 to %while3A_381 step %while3A_382 iter_args(%while3A_387 = %while3A_375) -> (i32)  : i32 {
            %mul3A_388 = arith.constant 64 : i32
            %mul3A_389 = arith.muli %add3A_329, %mul3A_388 : i32
            %add3A_390 = arith.constant 8192 : i32
            %add3A_391 = arith.addi %add3A_390, %mul3A_389 : i32
            %add3A_392 = arith.addi %add3A_391, %while3A_386 : i32
            %get3A = arith.index_cast %add3A_392 : i32 to index
            %get3A_393 = tpu.vector_load %arg9[%get3A] {strides = array<i32>} : memref<10304xi32, #tpu.memory_space<vmem>>, vector<16xi32>,
            %slice3A = vector.extract_strided_slice %get3A_393 {offsets = [0], sizes = [1], strides = [1]} : vector<16xi32> to vector<1xi32>
            %squeeze3A = vector.extract %slice3A[0] : i32 from vector<1xi32>
            %rem3A_394 = arith.constant 512 : i32
            %rem3A_395 = arith.remsi %squeeze3A, %rem3A_394 : i32
            %parallel_loop3A = arith.constant 0 : i32
            %parallel_loop3A_396 = arith.constant 12 : i32
            %parallel_loop3A_397 = arith.constant 1 : i32
            scf.for %parallel_loop3A_399 = %parallel_loop3A to %parallel_loop3A_396 step %parallel_loop3A_397  : i32 {
              %parallel_loop3A_400 = arith.constant 32 : i32
              %parallel_loop3A_401 = arith.muli %parallel_loop3A_399, %parallel_loop3A_400 : i32
              %parallel_loop3A_402 = arith.index_cast %rem3A_395 : i32 to index
              %parallel_loop3A_403 = arith.index_cast %parallel_loop3A_401 : i32 to index
              %parallel_loop3A_404 = tpu.vector_load %arg8[%parallel_loop3A_402, %parallel_loop3A_403] {strides = array<i32>} : memref<321x384xbf16, #tpu.memory_space<vmem>>, vector<32xbf16>,
              %parallel_loop3A_405 = arith.index_cast %while3A_386 : i32 to index
              %parallel_loop3A_406 = arith.index_cast %parallel_loop3A_401 : i32 to index
              %parallel_loop3A_407 = tpu.vector_load %arg15[%parallel_loop3A_405, %parallel_loop3A_406] {strides = array<i32>} : memref<64x384xbf16, #tpu.memory_space<vmem>>, vector<32xbf16>,
              %parallel_loop3A_408 = arith.maximumf %parallel_loop3A_404, %parallel_loop3A_407 : vector<32xbf16>
              %parallel_loop3A_409 = arith.index_cast %rem3A_395 : i32 to index
              %parallel_loop3A_410 = arith.index_cast %parallel_loop3A_401 : i32 to index
              %parallel_loop3A_411 = tpu.vector_load %arg8[%parallel_loop3A_409, %parallel_loop3A_410] {strides = array<i32>} : memref<321x384xbf16, #tpu.memory_space<vmem>>, vector<32xbf16>,
              tpu.vector_store %arg8[%parallel_loop3A_409, %parallel_loop3A_410], %parallel_loop3A_408 {strides = array<i32>} : memref<321x384xbf16, #tpu.memory_space<vmem>>, vector<32xbf16>,
            } {sc.loop_unroll_factor = 12 : i64, sc.parallel_access}
            %while3A_398 = arith.constant 0 : i32
            scf.yield %while3A_398 : i32
          }
          %while3A_384 = arith.constant 1 : i32
          %while3A_385 = scf.for %while3A_386 = %while3A_381 to %while3A_377 step %while3A_384 iter_args(%while3A_387 = %while3A_383) -> (i32)  : i32 {
            %mul3A_388 = arith.constant 64 : i32
            %mul3A_389 = arith.muli %add3A_329, %mul3A_388 : i32
            %add3A_390 = arith.constant 8192 : i32
            %add3A_391 = arith.addi %add3A_390, %mul3A_389 : i32
            %add3A_392 = arith.addi %add3A_391, %while3A_386 : i32
            %get3A = arith.index_cast %add3A_392 : i32 to index
            %get3A_393 = tpu.vector_load %arg9[%get3A] {strides = array<i32>} : memref<10304xi32, #tpu.memory_space<vmem>>, vector<16xi32>,
            %slice3A = vector.extract_strided_slice %get3A_393 {offsets = [0], sizes = [1], strides = [1]} : vector<16xi32> to vector<1xi32>
            %squeeze3A = vector.extract %slice3A[0] : i32 from vector<1xi32>
            %rem3A_394 = arith.constant 512 : i32
            %rem3A_395 = arith.remsi %squeeze3A, %rem3A_394 : i32
            %parallel_loop3A = arith.constant 0 : i32
            %parallel_loop3A_396 = arith.constant 12 : i32
            %parallel_loop3A_397 = arith.constant 1 : i32
            scf.for %parallel_loop3A_399 = %parallel_loop3A to %parallel_loop3A_396 step %parallel_loop3A_397  : i32 {
              %parallel_loop3A_400 = arith.constant 32 : i32
              %parallel_loop3A_401 = arith.muli %parallel_loop3A_399, %parallel_loop3A_400 : i32
              %parallel_loop3A_402 = arith.index_cast %rem3A_395 : i32 to index
              %parallel_loop3A_403 = arith.index_cast %parallel_loop3A_401 : i32 to index
              %parallel_loop3A_404 = tpu.vector_load %arg8[%parallel_loop3A_402, %parallel_loop3A_403] {strides = array<i32>} : memref<321x384xbf16, #tpu.memory_space<vmem>>, vector<32xbf16>,
              %parallel_loop3A_405 = arith.index_cast %while3A_386 : i32 to index
              %parallel_loop3A_406 = arith.index_cast %parallel_loop3A_401 : i32 to index
              %parallel_loop3A_407 = tpu.vector_load %arg15[%parallel_loop3A_405, %parallel_loop3A_406] {strides = array<i32>} : memref<64x384xbf16, #tpu.memory_space<vmem>>, vector<32xbf16>,
              %parallel_loop3A_408 = arith.maximumf %parallel_loop3A_404, %parallel_loop3A_407 : vector<32xbf16>
              %parallel_loop3A_409 = arith.index_cast %rem3A_395 : i32 to index
              %parallel_loop3A_410 = arith.index_cast %parallel_loop3A_401 : i32 to index
              %parallel_loop3A_411 = tpu.vector_load %arg8[%parallel_loop3A_409, %parallel_loop3A_410] {strides = array<i32>} : memref<321x384xbf16, #tpu.memory_space<vmem>>, vector<32xbf16>,
              tpu.vector_store %arg8[%parallel_loop3A_409, %parallel_loop3A_410], %parallel_loop3A_408 {strides = array<i32>} : memref<321x384xbf16, #tpu.memory_space<vmem>>, vector<32xbf16>,
            } {sc.loop_unroll_factor = 12 : i64, sc.parallel_access}
            %while3A_398 = arith.constant 0 : i32
            scf.yield %while3A_398 : i32
          }
        } else {
        }
        %while3A_363 = arith.constant 0 : i32
        scf.yield %while3A_363 : i32
      }
      %while3A_321 = arith.constant 1 : i32
      %while3A_322 = scf.for %while3A_324 = %while3A_318 to %while3A_314 step %while3A_321 iter_args(%while3A_325 = %while3A_320) -> (i32)  : i32 {
        %mul3A_326 = arith.constant 2 : i32
        %mul3A_327 = arith.muli %while3A_324, %mul3A_326 : i32
        %add3A_328 = arith.constant 1 : i32
        %add3A_329 = arith.addi %mul3A_327, %add3A_328 : i32
        %lt3A = arith.cmpi slt, %add3A_329, %select_n3A_279 : i32
        %convert_element_type3A_330 = arith.extui %lt3A : i1 to i32
        %cond3A_331 = arith.constant 0 : i32
        %cond3A_332 = arith.cmpi ne, %convert_element_type3A_330, %cond3A_331 : i32
        scf.if %cond3A_332 {
          %scan3A_364 = arith.constant 0 : i32
          %scan3A_365 = arith.constant 0 : i32
          %scan3A_366 = arith.constant 4 : i32
          %scan3A_367 = arith.addi %scan3A_365, %scan3A_366 : i32
          %scan3A_368 = arith.constant 1 : i32
          %scan3A_369 = scf.for %scan3A_374 = %scan3A_365 to %scan3A_367 step %scan3A_368 iter_args(%scan3A_375 = %scan3A_364) -> (i32)  : i32 {
            %mul3A_376 = arith.constant 64 : i32
            %mul3A_377 = arith.muli %add3A_329, %mul3A_376 : i32
            %add3A_378 = arith.constant 8192 : i32
            %add3A_379 = arith.addi %add3A_378, %mul3A_377 : i32
            %mul3A_380 = arith.constant 16 : i32
            %mul3A_381 = arith.muli %scan3A_374, %mul3A_380 : i32
            %add3A_382 = arith.addi %add3A_379, %mul3A_381 : i32
            %get3A = arith.index_cast %add3A_382 : i32 to index
            %get3A_383 = tpu.vector_load %arg9[%get3A] {strides = array<i32>} : memref<10304xi32, #tpu.memory_space<vmem>>, vector<16xi32>,
            %shift_right_arithmetic3A = arith.constant 9 : i32
            %shift_right_arithmetic3A_384 = vector.broadcast %shift_right_arithmetic3A : i32 to vector<16xi32>
            %shift_right_arithmetic3A_385 = arith.shrsi %get3A_383, %shift_right_arithmetic3A_384 : vector<16xi32>
            %mul3A_386 = arith.constant 16 : i32
            %mul3A_387 = arith.muli %scan3A_374, %mul3A_386 : i32
            %swap3A = arith.index_cast %mul3A_387 : i32 to index
            %swap3A_388 = tpu.vector_load %arg17[%swap3A] {strides = array<i32>} : memref<64xi32, #tpu.memory_space<vmem>>, vector<16xi32>,
            tpu.vector_store %arg17[%swap3A], %shift_right_arithmetic3A_385 {strides = array<i32>} : memref<64xi32, #tpu.memory_space<vmem>>, vector<16xi32>,
            %scan3A_389 = arith.constant 0 : i32
            scf.yield %scan3A_389 : i32
          }
          %scan3A_370 = arith.constant 4 : i32
          %dma_start3A_371 = arith.constant 0 : i32
          %dma_start3A_372 = arith.constant 0 : i32
          %dma_start3A_373 = tpu.memref_slice %arg2[%dma_start3A_371, %dma_start3A_372] : memref<10240x384xbf16, #tpu.memory_space<hbm>> -> memref<10240x384xbf16, #tpu.memory_space<hbm>>
          tpu.enqueue_indirect_dma source(%dma_start3A_373 : memref<10240x384xbf16, #tpu.memory_space<hbm>>) target(%arg15 : memref<64x384xbf16, #tpu.memory_space<vmem>>) offsets(%arg17 : memref<64xi32, #tpu.memory_space<vmem>>) semaphore(%arg19 : memref<!tpu.dma_semaphore, #tpu.memory_space<semaphore_mem>>)
        } else {
        }
        %dma_wait3A = arith.constant 0 : i32
        %dma_wait3A_333 = arith.constant 0 : i32
        %dma_wait3A_334 = tpu.memref_slice %arg2[%dma_wait3A, %dma_wait3A_333] : memref<10240x384xbf16, #tpu.memory_space<hbm>> -> memref<10240x384xbf16, #tpu.memory_space<hbm>>
        tpu.wait_indirect_dma semaphore(%arg18 : memref<!tpu.dma_semaphore, #tpu.memory_space<semaphore_mem>>) src(%dma_wait3A_334 : memref<10240x384xbf16, #tpu.memory_space<hbm>>) dst(%arg14 : memref<64x384xbf16, #tpu.memory_space<vmem>>)
        %mul3A_335 = arith.constant 4 : i32
        %mul3A_336 = arith.muli %mul3A_327, %mul3A_335 : i32
        %sub3A_337 = arith.subi %select_n3A_251, %mul3A_336 : i32
        %min3A = arith.constant 4 : i32
        %min3A_338 = arith.minsi %sub3A_337, %min3A : i32
        %mul3A_339 = arith.constant 16 : i32
        %mul3A_340 = arith.muli %min3A_338, %mul3A_339 : i32
        %while3A_341 = arith.constant 0 : i32
        %while3A_342 = arith.constant 0 : i32
        %while3A_343 = arith.subi %mul3A_340, %while3A_341 : i32
        %while3A_344 = arith.addi %while3A_341, %while3A_343 : i32
        %while3A_345 = arith.constant 1 : i32
        %while3A_346 = arith.divsi %while3A_343, %while3A_345 : i32
        %while3A_347 = arith.muli %while3A_346, %while3A_345 : i32
        %while3A_348 = arith.addi %while3A_341, %while3A_347 : i32
        %while3A_349 = arith.constant 1 : i32
        %while3A_350 = scf.for %while3A_364 = %while3A_341 to %while3A_348 step %while3A_349 iter_args(%while3A_365 = %while3A_342) -> (i32)  : i32 {
          %mul3A_366 = arith.constant 64 : i32
          %mul3A_367 = arith.muli %mul3A_327, %mul3A_366 : i32
          %add3A_368 = arith.constant 8192 : i32
          %add3A_369 = arith.addi %add3A_368, %mul3A_367 : i32
          %add3A_370 = arith.addi %add3A_369, %while3A_364 : i32
          %get3A = arith.index_cast %add3A_370 : i32 to index
          %get3A_371 = tpu.vector_load %arg9[%get3A] {strides = array<i32>} : memref<10304xi32, #tpu.memory_space<vmem>>, vector<16xi32>,
          %slice3A = vector.extract_strided_slice %get3A_371 {offsets = [0], sizes = [1], strides = [1]} : vector<16xi32> to vector<1xi32>
          %squeeze3A = vector.extract %slice3A[0] : i32 from vector<1xi32>
          %rem3A_372 = arith.constant 512 : i32
          %rem3A_373 = arith.remsi %squeeze3A, %rem3A_372 : i32
          %parallel_loop3A = arith.constant 0 : i32
          %parallel_loop3A_374 = arith.constant 12 : i32
          %parallel_loop3A_375 = arith.constant 1 : i32
          scf.for %parallel_loop3A_377 = %parallel_loop3A to %parallel_loop3A_374 step %parallel_loop3A_375  : i32 {
            %parallel_loop3A_378 = arith.constant 32 : i32
            %parallel_loop3A_379 = arith.muli %parallel_loop3A_377, %parallel_loop3A_378 : i32
            %parallel_loop3A_380 = arith.index_cast %rem3A_373 : i32 to index
            %parallel_loop3A_381 = arith.index_cast %parallel_loop3A_379 : i32 to index
            %parallel_loop3A_382 = tpu.vector_load %arg8[%parallel_loop3A_380, %parallel_loop3A_381] {strides = array<i32>} : memref<321x384xbf16, #tpu.memory_space<vmem>>, vector<32xbf16>,
            %parallel_loop3A_383 = arith.index_cast %while3A_364 : i32 to index
            %parallel_loop3A_384 = arith.index_cast %parallel_loop3A_379 : i32 to index
            %parallel_loop3A_385 = tpu.vector_load %arg14[%parallel_loop3A_383, %parallel_loop3A_384] {strides = array<i32>} : memref<64x384xbf16, #tpu.memory_space<vmem>>, vector<32xbf16>,
            %parallel_loop3A_386 = arith.maximumf %parallel_loop3A_382, %parallel_loop3A_385 : vector<32xbf16>
            %parallel_loop3A_387 = arith.index_cast %rem3A_373 : i32 to index
            %parallel_loop3A_388 = arith.index_cast %parallel_loop3A_379 : i32 to index
            %parallel_loop3A_389 = tpu.vector_load %arg8[%parallel_loop3A_387, %parallel_loop3A_388] {strides = array<i32>} : memref<321x384xbf16, #tpu.memory_space<vmem>>, vector<32xbf16>,
            tpu.vector_store %arg8[%parallel_loop3A_387, %parallel_loop3A_388], %parallel_loop3A_386 {strides = array<i32>} : memref<321x384xbf16, #tpu.memory_space<vmem>>, vector<32xbf16>,
          } {sc.loop_unroll_factor = 12 : i64, sc.parallel_access}
          %while3A_376 = arith.constant 0 : i32
          scf.yield %while3A_376 : i32
        }
        %while3A_351 = arith.constant 1 : i32
        %while3A_352 = scf.for %while3A_364 = %while3A_348 to %while3A_344 step %while3A_351 iter_args(%while3A_365 = %while3A_350) -> (i32)  : i32 {
          %mul3A_366 = arith.constant 64 : i32
          %mul3A_367 = arith.muli %mul3A_327, %mul3A_366 : i32
          %add3A_368 = arith.constant 8192 : i32
          %add3A_369 = arith.addi %add3A_368, %mul3A_367 : i32
          %add3A_370 = arith.addi %add3A_369, %while3A_364 : i32
          %get3A = arith.index_cast %add3A_370 : i32 to index
          %get3A_371 = tpu.vector_load %arg9[%get3A] {strides = array<i32>} : memref<10304xi32, #tpu.memory_space<vmem>>, vector<16xi32>,
          %slice3A = vector.extract_strided_slice %get3A_371 {offsets = [0], sizes = [1], strides = [1]} : vector<16xi32> to vector<1xi32>
          %squeeze3A = vector.extract %slice3A[0] : i32 from vector<1xi32>
          %rem3A_372 = arith.constant 512 : i32
          %rem3A_373 = arith.remsi %squeeze3A, %rem3A_372 : i32
          %parallel_loop3A = arith.constant 0 : i32
          %parallel_loop3A_374 = arith.constant 12 : i32
          %parallel_loop3A_375 = arith.constant 1 : i32
          scf.for %parallel_loop3A_377 = %parallel_loop3A to %parallel_loop3A_374 step %parallel_loop3A_375  : i32 {
            %parallel_loop3A_378 = arith.constant 32 : i32
            %parallel_loop3A_379 = arith.muli %parallel_loop3A_377, %parallel_loop3A_378 : i32
            %parallel_loop3A_380 = arith.index_cast %rem3A_373 : i32 to index
            %parallel_loop3A_381 = arith.index_cast %parallel_loop3A_379 : i32 to index
            %parallel_loop3A_382 = tpu.vector_load %arg8[%parallel_loop3A_380, %parallel_loop3A_381] {strides = array<i32>} : memref<321x384xbf16, #tpu.memory_space<vmem>>, vector<32xbf16>,
            %parallel_loop3A_383 = arith.index_cast %while3A_364 : i32 to index
            %parallel_loop3A_384 = arith.index_cast %parallel_loop3A_379 : i32 to index
            %parallel_loop3A_385 = tpu.vector_load %arg14[%parallel_loop3A_383, %parallel_loop3A_384] {strides = array<i32>} : memref<64x384xbf16, #tpu.memory_space<vmem>>, vector<32xbf16>,
            %parallel_loop3A_386 = arith.maximumf %parallel_loop3A_382, %parallel_loop3A_385 : vector<32xbf16>
            %parallel_loop3A_387 = arith.index_cast %rem3A_373 : i32 to index
            %parallel_loop3A_388 = arith.index_cast %parallel_loop3A_379 : i32 to index
            %parallel_loop3A_389 = tpu.vector_load %arg8[%parallel_loop3A_387, %parallel_loop3A_388] {strides = array<i32>} : memref<321x384xbf16, #tpu.memory_space<vmem>>, vector<32xbf16>,
            tpu.vector_store %arg8[%parallel_loop3A_387, %parallel_loop3A_388], %parallel_loop3A_386 {strides = array<i32>} : memref<321x384xbf16, #tpu.memory_space<vmem>>, vector<32xbf16>,
          } {sc.loop_unroll_factor = 12 : i64, sc.parallel_access}
          %while3A_376 = arith.constant 0 : i32
          scf.yield %while3A_376 : i32
        }
        %add3A_353 = arith.constant 2 : i32
        %add3A_354 = arith.addi %mul3A_327, %add3A_353 : i32
        %lt3A_355 = arith.cmpi slt, %add3A_354, %select_n3A_279 : i32
        %convert_element_type3A_356 = arith.extui %lt3A_355 : i1 to i32
        %cond3A_357 = arith.constant 0 : i32
        %cond3A_358 = arith.cmpi ne, %convert_element_type3A_356, %cond3A_357 : i32
        scf.if %cond3A_358 {
          %add3A_364 = arith.constant 2 : i32
          %add3A_365 = arith.addi %mul3A_327, %add3A_364 : i32
          %scan3A_366 = arith.constant 0 : i32
          %scan3A_367 = arith.constant 0 : i32
          %scan3A_368 = arith.constant 4 : i32
          %scan3A_369 = arith.addi %scan3A_367, %scan3A_368 : i32
          %scan3A_370 = arith.constant 1 : i32
          %scan3A_371 = scf.for %scan3A_376 = %scan3A_367 to %scan3A_369 step %scan3A_370 iter_args(%scan3A_377 = %scan3A_366) -> (i32)  : i32 {
            %mul3A_378 = arith.constant 64 : i32
            %mul3A_379 = arith.muli %add3A_365, %mul3A_378 : i32
            %add3A_380 = arith.constant 8192 : i32
            %add3A_381 = arith.addi %add3A_380, %mul3A_379 : i32
            %mul3A_382 = arith.constant 16 : i32
            %mul3A_383 = arith.muli %scan3A_376, %mul3A_382 : i32
            %add3A_384 = arith.addi %add3A_381, %mul3A_383 : i32
            %get3A = arith.index_cast %add3A_384 : i32 to index
            %get3A_385 = tpu.vector_load %arg9[%get3A] {strides = array<i32>} : memref<10304xi32, #tpu.memory_space<vmem>>, vector<16xi32>,
            %shift_right_arithmetic3A = arith.constant 9 : i32
            %shift_right_arithmetic3A_386 = vector.broadcast %shift_right_arithmetic3A : i32 to vector<16xi32>
            %shift_right_arithmetic3A_387 = arith.shrsi %get3A_385, %shift_right_arithmetic3A_386 : vector<16xi32>
            %mul3A_388 = arith.constant 16 : i32
            %mul3A_389 = arith.muli %scan3A_376, %mul3A_388 : i32
            %swap3A = arith.index_cast %mul3A_389 : i32 to index
            %swap3A_390 = tpu.vector_load %arg16[%swap3A] {strides = array<i32>} : memref<64xi32, #tpu.memory_space<vmem>>, vector<16xi32>,
            tpu.vector_store %arg16[%swap3A], %shift_right_arithmetic3A_387 {strides = array<i32>} : memref<64xi32, #tpu.memory_space<vmem>>, vector<16xi32>,
            %scan3A_391 = arith.constant 0 : i32
            scf.yield %scan3A_391 : i32
          }
          %scan3A_372 = arith.constant 4 : i32
          %dma_start3A_373 = arith.constant 0 : i32
          %dma_start3A_374 = arith.constant 0 : i32
          %dma_start3A_375 = tpu.memref_slice %arg2[%dma_start3A_373, %dma_start3A_374] : memref<10240x384xbf16, #tpu.memory_space<hbm>> -> memref<10240x384xbf16, #tpu.memory_space<hbm>>
          tpu.enqueue_indirect_dma source(%dma_start3A_375 : memref<10240x384xbf16, #tpu.memory_space<hbm>>) target(%arg14 : memref<64x384xbf16, #tpu.memory_space<vmem>>) offsets(%arg16 : memref<64xi32, #tpu.memory_space<vmem>>) semaphore(%arg18 : memref<!tpu.dma_semaphore, #tpu.memory_space<semaphore_mem>>)
        } else {
        }
        %lt3A_359 = arith.cmpi slt, %add3A_329, %select_n3A_279 : i32
        %convert_element_type3A_360 = arith.extui %lt3A_359 : i1 to i32
        %cond3A_361 = arith.constant 0 : i32
        %cond3A_362 = arith.cmpi ne, %convert_element_type3A_360, %cond3A_361 : i32
        scf.if %cond3A_362 {
          %dma_wait3A_364 = arith.constant 0 : i32
          %dma_wait3A_365 = arith.constant 0 : i32
          %dma_wait3A_366 = tpu.memref_slice %arg2[%dma_wait3A_364, %dma_wait3A_365] : memref<10240x384xbf16, #tpu.memory_space<hbm>> -> memref<10240x384xbf16, #tpu.memory_space<hbm>>
          tpu.wait_indirect_dma semaphore(%arg19 : memref<!tpu.dma_semaphore, #tpu.memory_space<semaphore_mem>>) src(%dma_wait3A_366 : memref<10240x384xbf16, #tpu.memory_space<hbm>>) dst(%arg15 : memref<64x384xbf16, #tpu.memory_space<vmem>>)
          %mul3A_367 = arith.constant 4 : i32
          %mul3A_368 = arith.muli %add3A_329, %mul3A_367 : i32
          %sub3A_369 = arith.subi %select_n3A_251, %mul3A_368 : i32
          %min3A_370 = arith.constant 4 : i32
          %min3A_371 = arith.minsi %sub3A_369, %min3A_370 : i32
          %mul3A_372 = arith.constant 16 : i32
          %mul3A_373 = arith.muli %min3A_371, %mul3A_372 : i32
          %while3A_374 = arith.constant 0 : i32
          %while3A_375 = arith.constant 0 : i32
          %while3A_376 = arith.subi %mul3A_373, %while3A_374 : i32
          %while3A_377 = arith.addi %while3A_374, %while3A_376 : i32
          %while3A_378 = arith.constant 1 : i32
          %while3A_379 = arith.divsi %while3A_376, %while3A_378 : i32
          %while3A_380 = arith.muli %while3A_379, %while3A_378 : i32
          %while3A_381 = arith.addi %while3A_374, %while3A_380 : i32
          %while3A_382 = arith.constant 1 : i32
          %while3A_383 = scf.for %while3A_386 = %while3A_374 to %while3A_381 step %while3A_382 iter_args(%while3A_387 = %while3A_375) -> (i32)  : i32 {
            %mul3A_388 = arith.constant 64 : i32
            %mul3A_389 = arith.muli %add3A_329, %mul3A_388 : i32
            %add3A_390 = arith.constant 8192 : i32
            %add3A_391 = arith.addi %add3A_390, %mul3A_389 : i32
            %add3A_392 = arith.addi %add3A_391, %while3A_386 : i32
            %get3A = arith.index_cast %add3A_392 : i32 to index
            %get3A_393 = tpu.vector_load %arg9[%get3A] {strides = array<i32>} : memref<10304xi32, #tpu.memory_space<vmem>>, vector<16xi32>,
            %slice3A = vector.extract_strided_slice %get3A_393 {offsets = [0], sizes = [1], strides = [1]} : vector<16xi32> to vector<1xi32>
            %squeeze3A = vector.extract %slice3A[0] : i32 from vector<1xi32>
            %rem3A_394 = arith.constant 512 : i32
            %rem3A_395 = arith.remsi %squeeze3A, %rem3A_394 : i32
            %parallel_loop3A = arith.constant 0 : i32
            %parallel_loop3A_396 = arith.constant 12 : i32
            %parallel_loop3A_397 = arith.constant 1 : i32
            scf.for %parallel_loop3A_399 = %parallel_loop3A to %parallel_loop3A_396 step %parallel_loop3A_397  : i32 {
              %parallel_loop3A_400 = arith.constant 32 : i32
              %parallel_loop3A_401 = arith.muli %parallel_loop3A_399, %parallel_loop3A_400 : i32
              %parallel_loop3A_402 = arith.index_cast %rem3A_395 : i32 to index
              %parallel_loop3A_403 = arith.index_cast %parallel_loop3A_401 : i32 to index
              %parallel_loop3A_404 = tpu.vector_load %arg8[%parallel_loop3A_402, %parallel_loop3A_403] {strides = array<i32>} : memref<321x384xbf16, #tpu.memory_space<vmem>>, vector<32xbf16>,
              %parallel_loop3A_405 = arith.index_cast %while3A_386 : i32 to index
              %parallel_loop3A_406 = arith.index_cast %parallel_loop3A_401 : i32 to index
              %parallel_loop3A_407 = tpu.vector_load %arg15[%parallel_loop3A_405, %parallel_loop3A_406] {strides = array<i32>} : memref<64x384xbf16, #tpu.memory_space<vmem>>, vector<32xbf16>,
              %parallel_loop3A_408 = arith.maximumf %parallel_loop3A_404, %parallel_loop3A_407 : vector<32xbf16>
              %parallel_loop3A_409 = arith.index_cast %rem3A_395 : i32 to index
              %parallel_loop3A_410 = arith.index_cast %parallel_loop3A_401 : i32 to index
              %parallel_loop3A_411 = tpu.vector_load %arg8[%parallel_loop3A_409, %parallel_loop3A_410] {strides = array<i32>} : memref<321x384xbf16, #tpu.memory_space<vmem>>, vector<32xbf16>,
              tpu.vector_store %arg8[%parallel_loop3A_409, %parallel_loop3A_410], %parallel_loop3A_408 {strides = array<i32>} : memref<321x384xbf16, #tpu.memory_space<vmem>>, vector<32xbf16>,
            } {sc.loop_unroll_factor = 12 : i64, sc.parallel_access}
            %while3A_398 = arith.constant 0 : i32
            scf.yield %while3A_398 : i32
          }
          %while3A_384 = arith.constant 1 : i32
          %while3A_385 = scf.for %while3A_386 = %while3A_381 to %while3A_377 step %while3A_384 iter_args(%while3A_387 = %while3A_383) -> (i32)  : i32 {
            %mul3A_388 = arith.constant 64 : i32
            %mul3A_389 = arith.muli %add3A_329, %mul3A_388 : i32
            %add3A_390 = arith.constant 8192 : i32
            %add3A_391 = arith.addi %add3A_390, %mul3A_389 : i32
            %add3A_392 = arith.addi %add3A_391, %while3A_386 : i32
            %get3A = arith.index_cast %add3A_392 : i32 to index
            %get3A_393 = tpu.vector_load %arg9[%get3A] {strides = array<i32>} : memref<10304xi32, #tpu.memory_space<vmem>>, vector<16xi32>,
            %slice3A = vector.extract_strided_slice %get3A_393 {offsets = [0], sizes = [1], strides = [1]} : vector<16xi32> to vector<1xi32>
            %squeeze3A = vector.extract %slice3A[0] : i32 from vector<1xi32>
            %rem3A_394 = arith.constant 512 : i32
            %rem3A_395 = arith.remsi %squeeze3A, %rem3A_394 : i32
            %parallel_loop3A = arith.constant 0 : i32
            %parallel_loop3A_396 = arith.constant 12 : i32
            %parallel_loop3A_397 = arith.constant 1 : i32
            scf.for %parallel_loop3A_399 = %parallel_loop3A to %parallel_loop3A_396 step %parallel_loop3A_397  : i32 {
              %parallel_loop3A_400 = arith.constant 32 : i32
              %parallel_loop3A_401 = arith.muli %parallel_loop3A_399, %parallel_loop3A_400 : i32
              %parallel_loop3A_402 = arith.index_cast %rem3A_395 : i32 to index
              %parallel_loop3A_403 = arith.index_cast %parallel_loop3A_401 : i32 to index
              %parallel_loop3A_404 = tpu.vector_load %arg8[%parallel_loop3A_402, %parallel_loop3A_403] {strides = array<i32>} : memref<321x384xbf16, #tpu.memory_space<vmem>>, vector<32xbf16>,
              %parallel_loop3A_405 = arith.index_cast %while3A_386 : i32 to index
              %parallel_loop3A_406 = arith.index_cast %parallel_loop3A_401 : i32 to index
              %parallel_loop3A_407 = tpu.vector_load %arg15[%parallel_loop3A_405, %parallel_loop3A_406] {strides = array<i32>} : memref<64x384xbf16, #tpu.memory_space<vmem>>, vector<32xbf16>,
              %parallel_loop3A_408 = arith.maximumf %parallel_loop3A_404, %parallel_loop3A_407 : vector<32xbf16>
              %parallel_loop3A_409 = arith.index_cast %rem3A_395 : i32 to index
              %parallel_loop3A_410 = arith.index_cast %parallel_loop3A_401 : i32 to index
              %parallel_loop3A_411 = tpu.vector_load %arg8[%parallel_loop3A_409, %parallel_loop3A_410] {strides = array<i32>} : memref<321x384xbf16, #tpu.memory_space<vmem>>, vector<32xbf16>,
              tpu.vector_store %arg8[%parallel_loop3A_409, %parallel_loop3A_410], %parallel_loop3A_408 {strides = array<i32>} : memref<321x384xbf16, #tpu.memory_space<vmem>>, vector<32xbf16>,
            } {sc.loop_unroll_factor = 12 : i64, sc.parallel_access}
            %while3A_398 = arith.constant 0 : i32
            scf.yield %while3A_398 : i32
          }
        } else {
        }
        %while3A_363 = arith.constant 0 : i32
        scf.yield %while3A_363 : i32
      }
      %while3A_323 = arith.constant 0 : i32
      scf.yield %while3A_323 : i32
    }
    "tpu.region"() ({
      %run_scoped3A = tpu.sem_alloc : memref<!tpu.dma_semaphore, #tpu.memory_space<semaphore_mem>>
      %dma_start3A_209 = arith.constant 0 : i32
      %dma_start3A_210 = arith.constant 0 : i32
      %dma_start3A_211 = tpu.memref_slice %arg8[%dma_start3A_209, %dma_start3A_210] : memref<321x384xbf16, #tpu.memory_space<vmem>> -> memref<320x384xbf16, #tpu.memory_space<vmem>>
      %dma_start3A_212 = arith.constant 0 : i32
      %dma_start3A_213 = tpu.memref_slice %arg6[%mul3A_2, %dma_start3A_212] : memref<10240x384xbf16, #tpu.memory_space<hbm>> -> memref<320x384xbf16, #tpu.memory_space<hbm>>
      %dma_start3A_214 = arith.constant 0 : i32
      %dma_start3A_215 = tpu.memref_slice %arg6[%mul3A_2, %dma_start3A_214] : memref<10240x384xbf16, #tpu.memory_space<hbm>> -> memref<320x384xbf16, #tpu.memory_space<hbm>>
      %dma_start3A_216 = arith.constant 0 : i32
      %dma_start3A_217 = arith.constant 0 : i32
      %dma_start3A_218 = tpu.memref_slice %arg8[%dma_start3A_216, %dma_start3A_217] : memref<321x384xbf16, #tpu.memory_space<vmem>> -> memref<320x384xbf16, #tpu.memory_space<vmem>>
      tpu.enqueue_dma source(%dma_start3A_218 : memref<320x384xbf16, #tpu.memory_space<vmem>>) target(%dma_start3A_215 : memref<320x384xbf16, #tpu.memory_space<hbm>>) target_semaphore(%run_scoped3A : memref<!tpu.dma_semaphore, #tpu.memory_space<semaphore_mem>>)
      %dma_wait3A = arith.constant 0 : i32
      %dma_wait3A_219 = arith.constant 0 : i32
      %dma_wait3A_220 = tpu.memref_slice %arg8[%dma_wait3A, %dma_wait3A_219] : memref<321x384xbf16, #tpu.memory_space<vmem>> -> memref<320x384xbf16, #tpu.memory_space<vmem>>
      %dma_wait3A_221 = arith.constant 0 : i32
      %dma_wait3A_222 = tpu.memref_slice %arg6[%mul3A_2, %dma_wait3A_221] : memref<10240x384xbf16, #tpu.memory_space<hbm>> -> memref<320x384xbf16, #tpu.memory_space<hbm>>
      %dma_wait3A_223 = arith.constant 0 : i32
      %dma_wait3A_224 = tpu.memref_slice %arg6[%mul3A_2, %dma_wait3A_223] : memref<10240x384xbf16, #tpu.memory_space<hbm>> -> memref<320x384xbf16, #tpu.memory_space<hbm>>
      %dma_wait3A_225 = arith.constant 0 : i32
      %dma_wait3A_226 = arith.constant 0 : i32
      %dma_wait3A_227 = tpu.memref_slice %arg8[%dma_wait3A_225, %dma_wait3A_226] : memref<321x384xbf16, #tpu.memory_space<vmem>> -> memref<320x384xbf16, #tpu.memory_space<vmem>>
      tpu.wait_dma2 semaphore(%run_scoped3A : memref<!tpu.dma_semaphore, #tpu.memory_space<semaphore_mem>>) src(%dma_wait3A_227 : memref<320x384xbf16, #tpu.memory_space<vmem>>) dst(%dma_wait3A_224 : memref<320x384xbf16, #tpu.memory_space<hbm>>)
      tpu.yield
    }) : () -> ()
    "tpu.region"() ({
      %run_scoped3A = tpu.sem_alloc : memref<!tpu.dma_semaphore, #tpu.memory_space<semaphore_mem>>
      %dma_start3A_209 = arith.constant 0 : i32
      %dma_start3A_210 = arith.constant 0 : i32
      %dma_start3A_211 = tpu.memref_slice %arg8[%dma_start3A_209, %dma_start3A_210] : memref<321x384xbf16, #tpu.memory_space<vmem>> -> memref<320x384xbf16, #tpu.memory_space<vmem>>
      %dma_start3A_212 = arith.constant 0 : i32
      %dma_start3A_213 = tpu.memref_slice %arg3[%mul3A_2, %dma_start3A_212] : memref<10240x384xbf16, #tpu.memory_space<hbm>> -> memref<320x384xbf16, #tpu.memory_space<hbm>>
      %dma_start3A_214 = arith.constant 0 : i32
      %dma_start3A_215 = arith.constant 0 : i32
      %dma_start3A_216 = tpu.memref_slice %arg8[%dma_start3A_214, %dma_start3A_215] : memref<321x384xbf16, #tpu.memory_space<vmem>> -> memref<320x384xbf16, #tpu.memory_space<vmem>>
      %dma_start3A_217 = arith.constant 0 : i32
      %dma_start3A_218 = tpu.memref_slice %arg3[%mul3A_2, %dma_start3A_217] : memref<10240x384xbf16, #tpu.memory_space<hbm>> -> memref<320x384xbf16, #tpu.memory_space<hbm>>
      tpu.enqueue_dma source(%dma_start3A_218 : memref<320x384xbf16, #tpu.memory_space<hbm>>) target(%dma_start3A_216 : memref<320x384xbf16, #tpu.memory_space<vmem>>) target_semaphore(%run_scoped3A : memref<!tpu.dma_semaphore, #tpu.memory_space<semaphore_mem>>)
      %dma_wait3A = arith.constant 0 : i32
      %dma_wait3A_219 = arith.constant 0 : i32
      %dma_wait3A_220 = tpu.memref_slice %arg8[%dma_wait3A, %dma_wait3A_219] : memref<321x384xbf16, #tpu.memory_space<vmem>> -> memref<320x384xbf16, #tpu.memory_space<vmem>>
      %dma_wait3A_221 = arith.constant 0 : i32
      %dma_wait3A_222 = tpu.memref_slice %arg3[%mul3A_2, %dma_wait3A_221] : memref<10240x384xbf16, #tpu.memory_space<hbm>> -> memref<320x384xbf16, #tpu.memory_space<hbm>>
      %dma_wait3A_223 = arith.constant 0 : i32
      %dma_wait3A_224 = arith.constant 0 : i32
      %dma_wait3A_225 = tpu.memref_slice %arg8[%dma_wait3A_223, %dma_wait3A_224] : memref<321x384xbf16, #tpu.memory_space<vmem>> -> memref<320x384xbf16, #tpu.memory_space<vmem>>
      %dma_wait3A_226 = arith.constant 0 : i32
      %dma_wait3A_227 = tpu.memref_slice %arg3[%mul3A_2, %dma_wait3A_226] : memref<10240x384xbf16, #tpu.memory_space<hbm>> -> memref<320x384xbf16, #tpu.memory_space<hbm>>
      tpu.wait_dma2 semaphore(%run_scoped3A : memref<!tpu.dma_semaphore, #tpu.memory_space<semaphore_mem>>) src(%dma_wait3A_227 : memref<320x384xbf16, #tpu.memory_space<hbm>>) dst(%dma_wait3A_225 : memref<320x384xbf16, #tpu.memory_space<vmem>>)
      tpu.yield
    }) : () -> ()
    %add3A_126 = arith.constant 4 : i32
    %add3A_127 = arith.addi %select_n3A, %add3A_126 : i32
    %sub3A_128 = arith.constant 1 : i32
    %sub3A_129 = arith.subi %add3A_127, %sub3A_128 : i32
    %jit3A_130 = arith.constant 4 : i32
    %div3A_131 = arith.divsi %sub3A_129, %jit3A_130 : i32
    %sign3A_132 = arith.constant 0 : i32
    %sign3A_133 = arith.cmpi sgt, %sub3A_129, %sign3A_132 : i32
    %sign3A_134 = arith.extui %sign3A_133 : i1 to i32
    %sign3A_135 = arith.constant 0 : i32
    %sign3A_136 = arith.cmpi slt, %sub3A_129, %sign3A_135 : i32
    %sign3A_137 = arith.extui %sign3A_136 : i1 to i32
    %sign3A_138 = arith.subi %sign3A_134, %sign3A_137 : i32
    %sign3A_139 = arith.constant 0 : i32
    %sign3A_140 = arith.cmpi sgt, %jit3A_130, %sign3A_139 : i32
    %sign3A_141 = arith.extui %sign3A_140 : i1 to i32
    %sign3A_142 = arith.constant 0 : i32
    %sign3A_143 = arith.cmpi slt, %jit3A_130, %sign3A_142 : i32
    %sign3A_144 = arith.extui %sign3A_143 : i1 to i32
    %sign3A_145 = arith.subi %sign3A_141, %sign3A_144 : i32
    %ne3A_146 = arith.cmpi ne, %sign3A_138, %sign3A_145 : i32
    %rem3A_147 = arith.remsi %sub3A_129, %jit3A_130 : i32
    %ne3A_148 = arith.constant 0 : i32
    %ne3A_149 = arith.cmpi ne, %rem3A_147, %ne3A_148 : i32
    %and3A_150 = arith.andi %ne3A_146, %ne3A_149 : i1
    %sub3A_151 = arith.constant 1 : i32
    %sub3A_152 = arith.subi %div3A_131, %sub3A_151 : i32
    %select_n3A_153 = arith.select %and3A_150, %sub3A_152, %div3A_131 : i32
    %gt3A_154 = arith.constant 0 : i32
    %gt3A_155 = arith.cmpi sgt, %select_n3A_153, %gt3A_154 : i32
    %convert_element_type3A_156 = arith.extui %gt3A_155 : i1 to i32
    %cond3A_157 = arith.constant 0 : i32
    %cond3A_158 = arith.cmpi ne, %convert_element_type3A_156, %cond3A_157 : i32
    scf.if %cond3A_158 {
      %scan3A_209 = arith.constant 0 : i32
      %scan3A_210 = arith.constant 0 : i32
      %scan3A_211 = arith.constant 0 : i32
      %scan3A_212 = arith.constant 4 : i32
      %scan3A_213 = arith.addi %scan3A_211, %scan3A_212 : i32
      %scan3A_214 = arith.constant 1 : i32
      %scan3A_215 = scf.for %scan3A_220 = %scan3A_211 to %scan3A_213 step %scan3A_214 iter_args(%scan3A_221 = %scan3A_210) -> (i32)  : i32 {
        %mul3A_222 = arith.constant 64 : i32
        %mul3A_223 = arith.muli %scan3A_209, %mul3A_222 : i32
        %add3A_224 = arith.constant 0 : i32
        %add3A_225 = arith.addi %add3A_224, %mul3A_223 : i32
        %mul3A_226 = arith.constant 16 : i32
        %mul3A_227 = arith.muli %scan3A_220, %mul3A_226 : i32
        %add3A_228 = arith.addi %add3A_225, %mul3A_227 : i32
        %get3A = arith.index_cast %add3A_228 : i32 to index
        %get3A_229 = tpu.vector_load %arg9[%get3A] {strides = array<i32>} : memref<10304xi32, #tpu.memory_space<vmem>>, vector<16xi32>,
        %shift_right_arithmetic3A = arith.constant 9 : i32
        %shift_right_arithmetic3A_230 = vector.broadcast %shift_right_arithmetic3A : i32 to vector<16xi32>
        %shift_right_arithmetic3A_231 = arith.shrsi %get3A_229, %shift_right_arithmetic3A_230 : vector<16xi32>
        %mul3A_232 = arith.constant 16 : i32
        %mul3A_233 = arith.muli %scan3A_220, %mul3A_232 : i32
        %swap3A = arith.index_cast %mul3A_233 : i32 to index
        %swap3A_234 = tpu.vector_load %arg16[%swap3A] {strides = array<i32>} : memref<64xi32, #tpu.memory_space<vmem>>, vector<16xi32>,
        tpu.vector_store %arg16[%swap3A], %shift_right_arithmetic3A_231 {strides = array<i32>} : memref<64xi32, #tpu.memory_space<vmem>>, vector<16xi32>,
        %scan3A_235 = arith.constant 0 : i32
        scf.yield %scan3A_235 : i32
      }
      %scan3A_216 = arith.constant 4 : i32
      %dma_start3A_217 = arith.constant 0 : i32
      %dma_start3A_218 = arith.constant 0 : i32
      %dma_start3A_219 = tpu.memref_slice %arg3[%dma_start3A_217, %dma_start3A_218] : memref<10240x384xbf16, #tpu.memory_space<hbm>> -> memref<10240x384xbf16, #tpu.memory_space<hbm>>
      tpu.enqueue_indirect_dma source(%dma_start3A_219 : memref<10240x384xbf16, #tpu.memory_space<hbm>>) target(%arg14 : memref<64x384xbf16, #tpu.memory_space<vmem>>) offsets(%arg16 : memref<64xi32, #tpu.memory_space<vmem>>) semaphore(%arg18 : memref<!tpu.dma_semaphore, #tpu.memory_space<semaphore_mem>>)
    } else {
    }
    %add3A_159 = arith.constant 1 : i32
    %add3A_160 = arith.addi %select_n3A_153, %add3A_159 : i32
    %jit3A_161 = arith.constant 2 : i32
    %div3A_162 = arith.divsi %add3A_160, %jit3A_161 : i32
    %sign3A_163 = arith.constant 0 : i32
    %sign3A_164 = arith.cmpi sgt, %add3A_160, %sign3A_163 : i32
    %sign3A_165 = arith.extui %sign3A_164 : i1 to i32
    %sign3A_166 = arith.constant 0 : i32
    %sign3A_167 = arith.cmpi slt, %add3A_160, %sign3A_166 : i32
    %sign3A_168 = arith.extui %sign3A_167 : i1 to i32
    %sign3A_169 = arith.subi %sign3A_165, %sign3A_168 : i32
    %sign3A_170 = arith.constant 0 : i32
    %sign3A_171 = arith.cmpi sgt, %jit3A_161, %sign3A_170 : i32
    %sign3A_172 = arith.extui %sign3A_171 : i1 to i32
    %sign3A_173 = arith.constant 0 : i32
    %sign3A_174 = arith.cmpi slt, %jit3A_161, %sign3A_173 : i32
    %sign3A_175 = arith.extui %sign3A_174 : i1 to i32
    %sign3A_176 = arith.subi %sign3A_172, %sign3A_175 : i32
    %ne3A_177 = arith.cmpi ne, %sign3A_169, %sign3A_176 : i32
    %rem3A_178 = arith.remsi %add3A_160, %jit3A_161 : i32
    %ne3A_179 = arith.constant 0 : i32
    %ne3A_180 = arith.cmpi ne, %rem3A_178, %ne3A_179 : i32
    %and3A_181 = arith.andi %ne3A_177, %ne3A_180 : i1
    %sub3A_182 = arith.constant 1 : i32
    %sub3A_183 = arith.subi %div3A_162, %sub3A_182 : i32
    %select_n3A_184 = arith.select %and3A_181, %sub3A_183, %div3A_162 : i32
    %while3A_185 = arith.constant 0 : i32
    %while3A_186 = arith.constant 0 : i32
    %while3A_187 = arith.subi %select_n3A_184, %while3A_185 : i32
    %while3A_188 = arith.addi %while3A_185, %while3A_187 : i32
    %while3A_189 = arith.constant 1 : i32
    %while3A_190 = arith.divsi %while3A_187, %while3A_189 : i32
    %while3A_191 = arith.muli %while3A_190, %while3A_189 : i32
    %while3A_192 = arith.addi %while3A_185, %while3A_191 : i32
    %while3A_193 = arith.constant 1 : i32
    %while3A_194 = scf.for %while3A_209 = %while3A_185 to %while3A_192 step %while3A_193 iter_args(%while3A_210 = %while3A_186) -> (i32)  : i32 {
      %mul3A_211 = arith.constant 2 : i32
      %mul3A_212 = arith.muli %while3A_209, %mul3A_211 : i32
      %add3A_213 = arith.constant 1 : i32
      %add3A_214 = arith.addi %mul3A_212, %add3A_213 : i32
      %lt3A = arith.cmpi slt, %add3A_214, %select_n3A_153 : i32
      %convert_element_type3A_215 = arith.extui %lt3A : i1 to i32
      %cond3A_216 = arith.constant 0 : i32
      %cond3A_217 = arith.cmpi ne, %convert_element_type3A_215, %cond3A_216 : i32
      scf.if %cond3A_217 {
        %scan3A_249 = arith.constant 0 : i32
        %scan3A_250 = arith.constant 0 : i32
        %scan3A_251 = arith.constant 4 : i32
        %scan3A_252 = arith.addi %scan3A_250, %scan3A_251 : i32
        %scan3A_253 = arith.constant 1 : i32
        %scan3A_254 = scf.for %scan3A_259 = %scan3A_250 to %scan3A_252 step %scan3A_253 iter_args(%scan3A_260 = %scan3A_249) -> (i32)  : i32 {
          %mul3A_261 = arith.constant 64 : i32
          %mul3A_262 = arith.muli %add3A_214, %mul3A_261 : i32
          %add3A_263 = arith.constant 0 : i32
          %add3A_264 = arith.addi %add3A_263, %mul3A_262 : i32
          %mul3A_265 = arith.constant 16 : i32
          %mul3A_266 = arith.muli %scan3A_259, %mul3A_265 : i32
          %add3A_267 = arith.addi %add3A_264, %mul3A_266 : i32
          %get3A = arith.index_cast %add3A_267 : i32 to index
          %get3A_268 = tpu.vector_load %arg9[%get3A] {strides = array<i32>} : memref<10304xi32, #tpu.memory_space<vmem>>, vector<16xi32>,
          %shift_right_arithmetic3A = arith.constant 9 : i32
          %shift_right_arithmetic3A_269 = vector.broadcast %shift_right_arithmetic3A : i32 to vector<16xi32>
          %shift_right_arithmetic3A_270 = arith.shrsi %get3A_268, %shift_right_arithmetic3A_269 : vector<16xi32>
          %mul3A_271 = arith.constant 16 : i32
          %mul3A_272 = arith.muli %scan3A_259, %mul3A_271 : i32
          %swap3A = arith.index_cast %mul3A_272 : i32 to index
          %swap3A_273 = tpu.vector_load %arg17[%swap3A] {strides = array<i32>} : memref<64xi32, #tpu.memory_space<vmem>>, vector<16xi32>,
          tpu.vector_store %arg17[%swap3A], %shift_right_arithmetic3A_270 {strides = array<i32>} : memref<64xi32, #tpu.memory_space<vmem>>, vector<16xi32>,
          %scan3A_274 = arith.constant 0 : i32
          scf.yield %scan3A_274 : i32
        }
        %scan3A_255 = arith.constant 4 : i32
        %dma_start3A_256 = arith.constant 0 : i32
        %dma_start3A_257 = arith.constant 0 : i32
        %dma_start3A_258 = tpu.memref_slice %arg3[%dma_start3A_256, %dma_start3A_257] : memref<10240x384xbf16, #tpu.memory_space<hbm>> -> memref<10240x384xbf16, #tpu.memory_space<hbm>>
        tpu.enqueue_indirect_dma source(%dma_start3A_258 : memref<10240x384xbf16, #tpu.memory_space<hbm>>) target(%arg15 : memref<64x384xbf16, #tpu.memory_space<vmem>>) offsets(%arg17 : memref<64xi32, #tpu.memory_space<vmem>>) semaphore(%arg19 : memref<!tpu.dma_semaphore, #tpu.memory_space<semaphore_mem>>)
      } else {
      }
      %dma_wait3A = arith.constant 0 : i32
      %dma_wait3A_218 = arith.constant 0 : i32
      %dma_wait3A_219 = tpu.memref_slice %arg3[%dma_wait3A, %dma_wait3A_218] : memref<10240x384xbf16, #tpu.memory_space<hbm>> -> memref<10240x384xbf16, #tpu.memory_space<hbm>>
      tpu.wait_indirect_dma semaphore(%arg18 : memref<!tpu.dma_semaphore, #tpu.memory_space<semaphore_mem>>) src(%dma_wait3A_219 : memref<10240x384xbf16, #tpu.memory_space<hbm>>) dst(%arg14 : memref<64x384xbf16, #tpu.memory_space<vmem>>)
      %mul3A_220 = arith.constant 4 : i32
      %mul3A_221 = arith.muli %mul3A_212, %mul3A_220 : i32
      %sub3A_222 = arith.subi %select_n3A, %mul3A_221 : i32
      %min3A = arith.constant 4 : i32
      %min3A_223 = arith.minsi %sub3A_222, %min3A : i32
      %mul3A_224 = arith.constant 16 : i32
      %mul3A_225 = arith.muli %min3A_223, %mul3A_224 : i32
      %while3A_226 = arith.constant 0 : i32
      %while3A_227 = arith.constant 0 : i32
      %while3A_228 = arith.subi %mul3A_225, %while3A_226 : i32
      %while3A_229 = arith.addi %while3A_226, %while3A_228 : i32
      %while3A_230 = arith.constant 1 : i32
      %while3A_231 = arith.divsi %while3A_228, %while3A_230 : i32
      %while3A_232 = arith.muli %while3A_231, %while3A_230 : i32
      %while3A_233 = arith.addi %while3A_226, %while3A_232 : i32
      %while3A_234 = arith.constant 1 : i32
      %while3A_235 = scf.for %while3A_249 = %while3A_226 to %while3A_233 step %while3A_234 iter_args(%while3A_250 = %while3A_227) -> (i32)  : i32 {
        %mul3A_251 = arith.constant 64 : i32
        %mul3A_252 = arith.muli %mul3A_212, %mul3A_251 : i32
        %add3A_253 = arith.constant 0 : i32
        %add3A_254 = arith.addi %add3A_253, %mul3A_252 : i32
        %add3A_255 = arith.addi %add3A_254, %while3A_249 : i32
        %get3A = arith.index_cast %add3A_255 : i32 to index
        %get3A_256 = tpu.vector_load %arg9[%get3A] {strides = array<i32>} : memref<10304xi32, #tpu.memory_space<vmem>>, vector<16xi32>,
        %slice3A = vector.extract_strided_slice %get3A_256 {offsets = [0], sizes = [1], strides = [1]} : vector<16xi32> to vector<1xi32>
        %squeeze3A = vector.extract %slice3A[0] : i32 from vector<1xi32>
        %rem3A_257 = arith.constant 512 : i32
        %rem3A_258 = arith.remsi %squeeze3A, %rem3A_257 : i32
        %parallel_loop3A = arith.constant 0 : i32
        %parallel_loop3A_259 = arith.constant 12 : i32
        %parallel_loop3A_260 = arith.constant 1 : i32
        scf.for %parallel_loop3A_262 = %parallel_loop3A to %parallel_loop3A_259 step %parallel_loop3A_260  : i32 {
          %parallel_loop3A_263 = arith.constant 32 : i32
          %parallel_loop3A_264 = arith.muli %parallel_loop3A_262, %parallel_loop3A_263 : i32
          %parallel_loop3A_265 = arith.index_cast %rem3A_258 : i32 to index
          %parallel_loop3A_266 = arith.index_cast %parallel_loop3A_264 : i32 to index
          %parallel_loop3A_267 = tpu.vector_load %arg8[%parallel_loop3A_265, %parallel_loop3A_266] {strides = array<i32>} : memref<321x384xbf16, #tpu.memory_space<vmem>>, vector<32xbf16>,
          %parallel_loop3A_268 = arith.index_cast %while3A_249 : i32 to index
          %parallel_loop3A_269 = arith.index_cast %parallel_loop3A_264 : i32 to index
          %parallel_loop3A_270 = tpu.vector_load %arg14[%parallel_loop3A_268, %parallel_loop3A_269] {strides = array<i32>} : memref<64x384xbf16, #tpu.memory_space<vmem>>, vector<32xbf16>,
          %parallel_loop3A_271 = arith.maximumf %parallel_loop3A_267, %parallel_loop3A_270 : vector<32xbf16>
          %parallel_loop3A_272 = arith.index_cast %rem3A_258 : i32 to index
          %parallel_loop3A_273 = arith.index_cast %parallel_loop3A_264 : i32 to index
          %parallel_loop3A_274 = tpu.vector_load %arg8[%parallel_loop3A_272, %parallel_loop3A_273] {strides = array<i32>} : memref<321x384xbf16, #tpu.memory_space<vmem>>, vector<32xbf16>,
          tpu.vector_store %arg8[%parallel_loop3A_272, %parallel_loop3A_273], %parallel_loop3A_271 {strides = array<i32>} : memref<321x384xbf16, #tpu.memory_space<vmem>>, vector<32xbf16>,
        } {sc.loop_unroll_factor = 12 : i64, sc.parallel_access}
        %while3A_261 = arith.constant 0 : i32
        scf.yield %while3A_261 : i32
      }
      %while3A_236 = arith.constant 1 : i32
      %while3A_237 = scf.for %while3A_249 = %while3A_233 to %while3A_229 step %while3A_236 iter_args(%while3A_250 = %while3A_235) -> (i32)  : i32 {
        %mul3A_251 = arith.constant 64 : i32
        %mul3A_252 = arith.muli %mul3A_212, %mul3A_251 : i32
        %add3A_253 = arith.constant 0 : i32
        %add3A_254 = arith.addi %add3A_253, %mul3A_252 : i32
        %add3A_255 = arith.addi %add3A_254, %while3A_249 : i32
        %get3A = arith.index_cast %add3A_255 : i32 to index
        %get3A_256 = tpu.vector_load %arg9[%get3A] {strides = array<i32>} : memref<10304xi32, #tpu.memory_space<vmem>>, vector<16xi32>,
        %slice3A = vector.extract_strided_slice %get3A_256 {offsets = [0], sizes = [1], strides = [1]} : vector<16xi32> to vector<1xi32>
        %squeeze3A = vector.extract %slice3A[0] : i32 from vector<1xi32>
        %rem3A_257 = arith.constant 512 : i32
        %rem3A_258 = arith.remsi %squeeze3A, %rem3A_257 : i32
        %parallel_loop3A = arith.constant 0 : i32
        %parallel_loop3A_259 = arith.constant 12 : i32
        %parallel_loop3A_260 = arith.constant 1 : i32
        scf.for %parallel_loop3A_262 = %parallel_loop3A to %parallel_loop3A_259 step %parallel_loop3A_260  : i32 {
          %parallel_loop3A_263 = arith.constant 32 : i32
          %parallel_loop3A_264 = arith.muli %parallel_loop3A_262, %parallel_loop3A_263 : i32
          %parallel_loop3A_265 = arith.index_cast %rem3A_258 : i32 to index
          %parallel_loop3A_266 = arith.index_cast %parallel_loop3A_264 : i32 to index
          %parallel_loop3A_267 = tpu.vector_load %arg8[%parallel_loop3A_265, %parallel_loop3A_266] {strides = array<i32>} : memref<321x384xbf16, #tpu.memory_space<vmem>>, vector<32xbf16>,
          %parallel_loop3A_268 = arith.index_cast %while3A_249 : i32 to index
          %parallel_loop3A_269 = arith.index_cast %parallel_loop3A_264 : i32 to index
          %parallel_loop3A_270 = tpu.vector_load %arg14[%parallel_loop3A_268, %parallel_loop3A_269] {strides = array<i32>} : memref<64x384xbf16, #tpu.memory_space<vmem>>, vector<32xbf16>,
          %parallel_loop3A_271 = arith.maximumf %parallel_loop3A_267, %parallel_loop3A_270 : vector<32xbf16>
          %parallel_loop3A_272 = arith.index_cast %rem3A_258 : i32 to index
          %parallel_loop3A_273 = arith.index_cast %parallel_loop3A_264 : i32 to index
          %parallel_loop3A_274 = tpu.vector_load %arg8[%parallel_loop3A_272, %parallel_loop3A_273] {strides = array<i32>} : memref<321x384xbf16, #tpu.memory_space<vmem>>, vector<32xbf16>,
          tpu.vector_store %arg8[%parallel_loop3A_272, %parallel_loop3A_273], %parallel_loop3A_271 {strides = array<i32>} : memref<321x384xbf16, #tpu.memory_space<vmem>>, vector<32xbf16>,
        } {sc.loop_unroll_factor = 12 : i64, sc.parallel_access}
        %while3A_261 = arith.constant 0 : i32
        scf.yield %while3A_261 : i32
      }
      %add3A_238 = arith.constant 2 : i32
      %add3A_239 = arith.addi %mul3A_212, %add3A_238 : i32
      %lt3A_240 = arith.cmpi slt, %add3A_239, %select_n3A_153 : i32
      %convert_element_type3A_241 = arith.extui %lt3A_240 : i1 to i32
      %cond3A_242 = arith.constant 0 : i32
      %cond3A_243 = arith.cmpi ne, %convert_element_type3A_241, %cond3A_242 : i32
      scf.if %cond3A_243 {
        %add3A_249 = arith.constant 2 : i32
        %add3A_250 = arith.addi %mul3A_212, %add3A_249 : i32
        %scan3A_251 = arith.constant 0 : i32
        %scan3A_252 = arith.constant 0 : i32
        %scan3A_253 = arith.constant 4 : i32
        %scan3A_254 = arith.addi %scan3A_252, %scan3A_253 : i32
        %scan3A_255 = arith.constant 1 : i32
        %scan3A_256 = scf.for %scan3A_261 = %scan3A_252 to %scan3A_254 step %scan3A_255 iter_args(%scan3A_262 = %scan3A_251) -> (i32)  : i32 {
          %mul3A_263 = arith.constant 64 : i32
          %mul3A_264 = arith.muli %add3A_250, %mul3A_263 : i32
          %add3A_265 = arith.constant 0 : i32
          %add3A_266 = arith.addi %add3A_265, %mul3A_264 : i32
          %mul3A_267 = arith.constant 16 : i32
          %mul3A_268 = arith.muli %scan3A_261, %mul3A_267 : i32
          %add3A_269 = arith.addi %add3A_266, %mul3A_268 : i32
          %get3A = arith.index_cast %add3A_269 : i32 to index
          %get3A_270 = tpu.vector_load %arg9[%get3A] {strides = array<i32>} : memref<10304xi32, #tpu.memory_space<vmem>>, vector<16xi32>,
          %shift_right_arithmetic3A = arith.constant 9 : i32
          %shift_right_arithmetic3A_271 = vector.broadcast %shift_right_arithmetic3A : i32 to vector<16xi32>
          %shift_right_arithmetic3A_272 = arith.shrsi %get3A_270, %shift_right_arithmetic3A_271 : vector<16xi32>
          %mul3A_273 = arith.constant 16 : i32
          %mul3A_274 = arith.muli %scan3A_261, %mul3A_273 : i32
          %swap3A = arith.index_cast %mul3A_274 : i32 to index
          %swap3A_275 = tpu.vector_load %arg16[%swap3A] {strides = array<i32>} : memref<64xi32, #tpu.memory_space<vmem>>, vector<16xi32>,
          tpu.vector_store %arg16[%swap3A], %shift_right_arithmetic3A_272 {strides = array<i32>} : memref<64xi32, #tpu.memory_space<vmem>>, vector<16xi32>,
          %scan3A_276 = arith.constant 0 : i32
          scf.yield %scan3A_276 : i32
        }
        %scan3A_257 = arith.constant 4 : i32
        %dma_start3A_258 = arith.constant 0 : i32
        %dma_start3A_259 = arith.constant 0 : i32
        %dma_start3A_260 = tpu.memref_slice %arg3[%dma_start3A_258, %dma_start3A_259] : memref<10240x384xbf16, #tpu.memory_space<hbm>> -> memref<10240x384xbf16, #tpu.memory_space<hbm>>
        tpu.enqueue_indirect_dma source(%dma_start3A_260 : memref<10240x384xbf16, #tpu.memory_space<hbm>>) target(%arg14 : memref<64x384xbf16, #tpu.memory_space<vmem>>) offsets(%arg16 : memref<64xi32, #tpu.memory_space<vmem>>) semaphore(%arg18 : memref<!tpu.dma_semaphore, #tpu.memory_space<semaphore_mem>>)
      } else {
      }
      %lt3A_244 = arith.cmpi slt, %add3A_214, %select_n3A_153 : i32
      %convert_element_type3A_245 = arith.extui %lt3A_244 : i1 to i32
      %cond3A_246 = arith.constant 0 : i32
      %cond3A_247 = arith.cmpi ne, %convert_element_type3A_245, %cond3A_246 : i32
      scf.if %cond3A_247 {
        %dma_wait3A_249 = arith.constant 0 : i32
        %dma_wait3A_250 = arith.constant 0 : i32
        %dma_wait3A_251 = tpu.memref_slice %arg3[%dma_wait3A_249, %dma_wait3A_250] : memref<10240x384xbf16, #tpu.memory_space<hbm>> -> memref<10240x384xbf16, #tpu.memory_space<hbm>>
        tpu.wait_indirect_dma semaphore(%arg19 : memref<!tpu.dma_semaphore, #tpu.memory_space<semaphore_mem>>) src(%dma_wait3A_251 : memref<10240x384xbf16, #tpu.memory_space<hbm>>) dst(%arg15 : memref<64x384xbf16, #tpu.memory_space<vmem>>)
        %mul3A_252 = arith.constant 4 : i32
        %mul3A_253 = arith.muli %add3A_214, %mul3A_252 : i32
        %sub3A_254 = arith.subi %select_n3A, %mul3A_253 : i32
        %min3A_255 = arith.constant 4 : i32
        %min3A_256 = arith.minsi %sub3A_254, %min3A_255 : i32
        %mul3A_257 = arith.constant 16 : i32
        %mul3A_258 = arith.muli %min3A_256, %mul3A_257 : i32
        %while3A_259 = arith.constant 0 : i32
        %while3A_260 = arith.constant 0 : i32
        %while3A_261 = arith.subi %mul3A_258, %while3A_259 : i32
        %while3A_262 = arith.addi %while3A_259, %while3A_261 : i32
        %while3A_263 = arith.constant 1 : i32
        %while3A_264 = arith.divsi %while3A_261, %while3A_263 : i32
        %while3A_265 = arith.muli %while3A_264, %while3A_263 : i32
        %while3A_266 = arith.addi %while3A_259, %while3A_265 : i32
        %while3A_267 = arith.constant 1 : i32
        %while3A_268 = scf.for %while3A_271 = %while3A_259 to %while3A_266 step %while3A_267 iter_args(%while3A_272 = %while3A_260) -> (i32)  : i32 {
          %mul3A_273 = arith.constant 64 : i32
          %mul3A_274 = arith.muli %add3A_214, %mul3A_273 : i32
          %add3A_275 = arith.constant 0 : i32
          %add3A_276 = arith.addi %add3A_275, %mul3A_274 : i32
          %add3A_277 = arith.addi %add3A_276, %while3A_271 : i32
          %get3A = arith.index_cast %add3A_277 : i32 to index
          %get3A_278 = tpu.vector_load %arg9[%get3A] {strides = array<i32>} : memref<10304xi32, #tpu.memory_space<vmem>>, vector<16xi32>,
          %slice3A = vector.extract_strided_slice %get3A_278 {offsets = [0], sizes = [1], strides = [1]} : vector<16xi32> to vector<1xi32>
          %squeeze3A = vector.extract %slice3A[0] : i32 from vector<1xi32>
          %rem3A_279 = arith.constant 512 : i32
          %rem3A_280 = arith.remsi %squeeze3A, %rem3A_279 : i32
          %parallel_loop3A = arith.constant 0 : i32
          %parallel_loop3A_281 = arith.constant 12 : i32
          %parallel_loop3A_282 = arith.constant 1 : i32
          scf.for %parallel_loop3A_284 = %parallel_loop3A to %parallel_loop3A_281 step %parallel_loop3A_282  : i32 {
            %parallel_loop3A_285 = arith.constant 32 : i32
            %parallel_loop3A_286 = arith.muli %parallel_loop3A_284, %parallel_loop3A_285 : i32
            %parallel_loop3A_287 = arith.index_cast %rem3A_280 : i32 to index
            %parallel_loop3A_288 = arith.index_cast %parallel_loop3A_286 : i32 to index
            %parallel_loop3A_289 = tpu.vector_load %arg8[%parallel_loop3A_287, %parallel_loop3A_288] {strides = array<i32>} : memref<321x384xbf16, #tpu.memory_space<vmem>>, vector<32xbf16>,
            %parallel_loop3A_290 = arith.index_cast %while3A_271 : i32 to index
            %parallel_loop3A_291 = arith.index_cast %parallel_loop3A_286 : i32 to index
            %parallel_loop3A_292 = tpu.vector_load %arg15[%parallel_loop3A_290, %parallel_loop3A_291] {strides = array<i32>} : memref<64x384xbf16, #tpu.memory_space<vmem>>, vector<32xbf16>,
            %parallel_loop3A_293 = arith.maximumf %parallel_loop3A_289, %parallel_loop3A_292 : vector<32xbf16>
            %parallel_loop3A_294 = arith.index_cast %rem3A_280 : i32 to index
            %parallel_loop3A_295 = arith.index_cast %parallel_loop3A_286 : i32 to index
            %parallel_loop3A_296 = tpu.vector_load %arg8[%parallel_loop3A_294, %parallel_loop3A_295] {strides = array<i32>} : memref<321x384xbf16, #tpu.memory_space<vmem>>, vector<32xbf16>,
            tpu.vector_store %arg8[%parallel_loop3A_294, %parallel_loop3A_295], %parallel_loop3A_293 {strides = array<i32>} : memref<321x384xbf16, #tpu.memory_space<vmem>>, vector<32xbf16>,
          } {sc.loop_unroll_factor = 12 : i64, sc.parallel_access}
          %while3A_283 = arith.constant 0 : i32
          scf.yield %while3A_283 : i32
        }
        %while3A_269 = arith.constant 1 : i32
        %while3A_270 = scf.for %while3A_271 = %while3A_266 to %while3A_262 step %while3A_269 iter_args(%while3A_272 = %while3A_268) -> (i32)  : i32 {
          %mul3A_273 = arith.constant 64 : i32
          %mul3A_274 = arith.muli %add3A_214, %mul3A_273 : i32
          %add3A_275 = arith.constant 0 : i32
          %add3A_276 = arith.addi %add3A_275, %mul3A_274 : i32
          %add3A_277 = arith.addi %add3A_276, %while3A_271 : i32
          %get3A = arith.index_cast %add3A_277 : i32 to index
          %get3A_278 = tpu.vector_load %arg9[%get3A] {strides = array<i32>} : memref<10304xi32, #tpu.memory_space<vmem>>, vector<16xi32>,
          %slice3A = vector.extract_strided_slice %get3A_278 {offsets = [0], sizes = [1], strides = [1]} : vector<16xi32> to vector<1xi32>
          %squeeze3A = vector.extract %slice3A[0] : i32 from vector<1xi32>
          %rem3A_279 = arith.constant 512 : i32
          %rem3A_280 = arith.remsi %squeeze3A, %rem3A_279 : i32
          %parallel_loop3A = arith.constant 0 : i32
          %parallel_loop3A_281 = arith.constant 12 : i32
          %parallel_loop3A_282 = arith.constant 1 : i32
          scf.for %parallel_loop3A_284 = %parallel_loop3A to %parallel_loop3A_281 step %parallel_loop3A_282  : i32 {
            %parallel_loop3A_285 = arith.constant 32 : i32
            %parallel_loop3A_286 = arith.muli %parallel_loop3A_284, %parallel_loop3A_285 : i32
            %parallel_loop3A_287 = arith.index_cast %rem3A_280 : i32 to index
            %parallel_loop3A_288 = arith.index_cast %parallel_loop3A_286 : i32 to index
            %parallel_loop3A_289 = tpu.vector_load %arg8[%parallel_loop3A_287, %parallel_loop3A_288] {strides = array<i32>} : memref<321x384xbf16, #tpu.memory_space<vmem>>, vector<32xbf16>,
            %parallel_loop3A_290 = arith.index_cast %while3A_271 : i32 to index
            %parallel_loop3A_291 = arith.index_cast %parallel_loop3A_286 : i32 to index
            %parallel_loop3A_292 = tpu.vector_load %arg15[%parallel_loop3A_290, %parallel_loop3A_291] {strides = array<i32>} : memref<64x384xbf16, #tpu.memory_space<vmem>>, vector<32xbf16>,
            %parallel_loop3A_293 = arith.maximumf %parallel_loop3A_289, %parallel_loop3A_292 : vector<32xbf16>
            %parallel_loop3A_294 = arith.index_cast %rem3A_280 : i32 to index
            %parallel_loop3A_295 = arith.index_cast %parallel_loop3A_286 : i32 to index
            %parallel_loop3A_296 = tpu.vector_load %arg8[%parallel_loop3A_294, %parallel_loop3A_295] {strides = array<i32>} : memref<321x384xbf16, #tpu.memory_space<vmem>>, vector<32xbf16>,
            tpu.vector_store %arg8[%parallel_loop3A_294, %parallel_loop3A_295], %parallel_loop3A_293 {strides = array<i32>} : memref<321x384xbf16, #tpu.memory_space<vmem>>, vector<32xbf16>,
          } {sc.loop_unroll_factor = 12 : i64, sc.parallel_access}
          %while3A_283 = arith.constant 0 : i32
          scf.yield %while3A_283 : i32
        }
      } else {
      }
      %while3A_248 = arith.constant 0 : i32
      scf.yield %while3A_248 : i32
    }
    %while3A_195 = arith.constant 1 : i32
    %while3A_196 = scf.for %while3A_209 = %while3A_192 to %while3A_188 step %while3A_195 iter_args(%while3A_210 = %while3A_194) -> (i32)  : i32 {
      %mul3A_211 = arith.constant 2 : i32
      %mul3A_212 = arith.muli %while3A_209, %mul3A_211 : i32
      %add3A_213 = arith.constant 1 : i32
      %add3A_214 = arith.addi %mul3A_212, %add3A_213 : i32
      %lt3A = arith.cmpi slt, %add3A_214, %select_n3A_153 : i32
      %convert_element_type3A_215 = arith.extui %lt3A : i1 to i32
      %cond3A_216 = arith.constant 0 : i32
      %cond3A_217 = arith.cmpi ne, %convert_element_type3A_215, %cond3A_216 : i32
      scf.if %cond3A_217 {
        %scan3A_249 = arith.constant 0 : i32
        %scan3A_250 = arith.constant 0 : i32
        %scan3A_251 = arith.constant 4 : i32
        %scan3A_252 = arith.addi %scan3A_250, %scan3A_251 : i32
        %scan3A_253 = arith.constant 1 : i32
        %scan3A_254 = scf.for %scan3A_259 = %scan3A_250 to %scan3A_252 step %scan3A_253 iter_args(%scan3A_260 = %scan3A_249) -> (i32)  : i32 {
          %mul3A_261 = arith.constant 64 : i32
          %mul3A_262 = arith.muli %add3A_214, %mul3A_261 : i32
          %add3A_263 = arith.constant 0 : i32
          %add3A_264 = arith.addi %add3A_263, %mul3A_262 : i32
          %mul3A_265 = arith.constant 16 : i32
          %mul3A_266 = arith.muli %scan3A_259, %mul3A_265 : i32
          %add3A_267 = arith.addi %add3A_264, %mul3A_266 : i32
          %get3A = arith.index_cast %add3A_267 : i32 to index
          %get3A_268 = tpu.vector_load %arg9[%get3A] {strides = array<i32>} : memref<10304xi32, #tpu.memory_space<vmem>>, vector<16xi32>,
          %shift_right_arithmetic3A = arith.constant 9 : i32
          %shift_right_arithmetic3A_269 = vector.broadcast %shift_right_arithmetic3A : i32 to vector<16xi32>
          %shift_right_arithmetic3A_270 = arith.shrsi %get3A_268, %shift_right_arithmetic3A_269 : vector<16xi32>
          %mul3A_271 = arith.constant 16 : i32
          %mul3A_272 = arith.muli %scan3A_259, %mul3A_271 : i32
          %swap3A = arith.index_cast %mul3A_272 : i32 to index
          %swap3A_273 = tpu.vector_load %arg17[%swap3A] {strides = array<i32>} : memref<64xi32, #tpu.memory_space<vmem>>, vector<16xi32>,
          tpu.vector_store %arg17[%swap3A], %shift_right_arithmetic3A_270 {strides = array<i32>} : memref<64xi32, #tpu.memory_space<vmem>>, vector<16xi32>,
          %scan3A_274 = arith.constant 0 : i32
          scf.yield %scan3A_274 : i32
        }
        %scan3A_255 = arith.constant 4 : i32
        %dma_start3A_256 = arith.constant 0 : i32
        %dma_start3A_257 = arith.constant 0 : i32
        %dma_start3A_258 = tpu.memref_slice %arg3[%dma_start3A_256, %dma_start3A_257] : memref<10240x384xbf16, #tpu.memory_space<hbm>> -> memref<10240x384xbf16, #tpu.memory_space<hbm>>
        tpu.enqueue_indirect_dma source(%dma_start3A_258 : memref<10240x384xbf16, #tpu.memory_space<hbm>>) target(%arg15 : memref<64x384xbf16, #tpu.memory_space<vmem>>) offsets(%arg17 : memref<64xi32, #tpu.memory_space<vmem>>) semaphore(%arg19 : memref<!tpu.dma_semaphore, #tpu.memory_space<semaphore_mem>>)
      } else {
      }
      %dma_wait3A = arith.constant 0 : i32
      %dma_wait3A_218 = arith.constant 0 : i32
      %dma_wait3A_219 = tpu.memref_slice %arg3[%dma_wait3A, %dma_wait3A_218] : memref<10240x384xbf16, #tpu.memory_space<hbm>> -> memref<10240x384xbf16, #tpu.memory_space<hbm>>
      tpu.wait_indirect_dma semaphore(%arg18 : memref<!tpu.dma_semaphore, #tpu.memory_space<semaphore_mem>>) src(%dma_wait3A_219 : memref<10240x384xbf16, #tpu.memory_space<hbm>>) dst(%arg14 : memref<64x384xbf16, #tpu.memory_space<vmem>>)
      %mul3A_220 = arith.constant 4 : i32
      %mul3A_221 = arith.muli %mul3A_212, %mul3A_220 : i32
      %sub3A_222 = arith.subi %select_n3A, %mul3A_221 : i32
      %min3A = arith.constant 4 : i32
      %min3A_223 = arith.minsi %sub3A_222, %min3A : i32
      %mul3A_224 = arith.constant 16 : i32
      %mul3A_225 = arith.muli %min3A_223, %mul3A_224 : i32
      %while3A_226 = arith.constant 0 : i32
      %while3A_227 = arith.constant 0 : i32
      %while3A_228 = arith.subi %mul3A_225, %while3A_226 : i32
      %while3A_229 = arith.addi %while3A_226, %while3A_228 : i32
      %while3A_230 = arith.constant 1 : i32
      %while3A_231 = arith.divsi %while3A_228, %while3A_230 : i32
      %while3A_232 = arith.muli %while3A_231, %while3A_230 : i32
      %while3A_233 = arith.addi %while3A_226, %while3A_232 : i32
      %while3A_234 = arith.constant 1 : i32
      %while3A_235 = scf.for %while3A_249 = %while3A_226 to %while3A_233 step %while3A_234 iter_args(%while3A_250 = %while3A_227) -> (i32)  : i32 {
        %mul3A_251 = arith.constant 64 : i32
        %mul3A_252 = arith.muli %mul3A_212, %mul3A_251 : i32
        %add3A_253 = arith.constant 0 : i32
        %add3A_254 = arith.addi %add3A_253, %mul3A_252 : i32
        %add3A_255 = arith.addi %add3A_254, %while3A_249 : i32
        %get3A = arith.index_cast %add3A_255 : i32 to index
        %get3A_256 = tpu.vector_load %arg9[%get3A] {strides = array<i32>} : memref<10304xi32, #tpu.memory_space<vmem>>, vector<16xi32>,
        %slice3A = vector.extract_strided_slice %get3A_256 {offsets = [0], sizes = [1], strides = [1]} : vector<16xi32> to vector<1xi32>
        %squeeze3A = vector.extract %slice3A[0] : i32 from vector<1xi32>
        %rem3A_257 = arith.constant 512 : i32
        %rem3A_258 = arith.remsi %squeeze3A, %rem3A_257 : i32
        %parallel_loop3A = arith.constant 0 : i32
        %parallel_loop3A_259 = arith.constant 12 : i32
        %parallel_loop3A_260 = arith.constant 1 : i32
        scf.for %parallel_loop3A_262 = %parallel_loop3A to %parallel_loop3A_259 step %parallel_loop3A_260  : i32 {
          %parallel_loop3A_263 = arith.constant 32 : i32
          %parallel_loop3A_264 = arith.muli %parallel_loop3A_262, %parallel_loop3A_263 : i32
          %parallel_loop3A_265 = arith.index_cast %rem3A_258 : i32 to index
          %parallel_loop3A_266 = arith.index_cast %parallel_loop3A_264 : i32 to index
          %parallel_loop3A_267 = tpu.vector_load %arg8[%parallel_loop3A_265, %parallel_loop3A_266] {strides = array<i32>} : memref<321x384xbf16, #tpu.memory_space<vmem>>, vector<32xbf16>,
          %parallel_loop3A_268 = arith.index_cast %while3A_249 : i32 to index
          %parallel_loop3A_269 = arith.index_cast %parallel_loop3A_264 : i32 to index
          %parallel_loop3A_270 = tpu.vector_load %arg14[%parallel_loop3A_268, %parallel_loop3A_269] {strides = array<i32>} : memref<64x384xbf16, #tpu.memory_space<vmem>>, vector<32xbf16>,
          %parallel_loop3A_271 = arith.maximumf %parallel_loop3A_267, %parallel_loop3A_270 : vector<32xbf16>
          %parallel_loop3A_272 = arith.index_cast %rem3A_258 : i32 to index
          %parallel_loop3A_273 = arith.index_cast %parallel_loop3A_264 : i32 to index
          %parallel_loop3A_274 = tpu.vector_load %arg8[%parallel_loop3A_272, %parallel_loop3A_273] {strides = array<i32>} : memref<321x384xbf16, #tpu.memory_space<vmem>>, vector<32xbf16>,
          tpu.vector_store %arg8[%parallel_loop3A_272, %parallel_loop3A_273], %parallel_loop3A_271 {strides = array<i32>} : memref<321x384xbf16, #tpu.memory_space<vmem>>, vector<32xbf16>,
        } {sc.loop_unroll_factor = 12 : i64, sc.parallel_access}
        %while3A_261 = arith.constant 0 : i32
        scf.yield %while3A_261 : i32
      }
      %while3A_236 = arith.constant 1 : i32
      %while3A_237 = scf.for %while3A_249 = %while3A_233 to %while3A_229 step %while3A_236 iter_args(%while3A_250 = %while3A_235) -> (i32)  : i32 {
        %mul3A_251 = arith.constant 64 : i32
        %mul3A_252 = arith.muli %mul3A_212, %mul3A_251 : i32
        %add3A_253 = arith.constant 0 : i32
        %add3A_254 = arith.addi %add3A_253, %mul3A_252 : i32
        %add3A_255 = arith.addi %add3A_254, %while3A_249 : i32
        %get3A = arith.index_cast %add3A_255 : i32 to index
        %get3A_256 = tpu.vector_load %arg9[%get3A] {strides = array<i32>} : memref<10304xi32, #tpu.memory_space<vmem>>, vector<16xi32>,
        %slice3A = vector.extract_strided_slice %get3A_256 {offsets = [0], sizes = [1], strides = [1]} : vector<16xi32> to vector<1xi32>
        %squeeze3A = vector.extract %slice3A[0] : i32 from vector<1xi32>
        %rem3A_257 = arith.constant 512 : i32
        %rem3A_258 = arith.remsi %squeeze3A, %rem3A_257 : i32
        %parallel_loop3A = arith.constant 0 : i32
        %parallel_loop3A_259 = arith.constant 12 : i32
        %parallel_loop3A_260 = arith.constant 1 : i32
        scf.for %parallel_loop3A_262 = %parallel_loop3A to %parallel_loop3A_259 step %parallel_loop3A_260  : i32 {
          %parallel_loop3A_263 = arith.constant 32 : i32
          %parallel_loop3A_264 = arith.muli %parallel_loop3A_262, %parallel_loop3A_263 : i32
          %parallel_loop3A_265 = arith.index_cast %rem3A_258 : i32 to index
          %parallel_loop3A_266 = arith.index_cast %parallel_loop3A_264 : i32 to index
          %parallel_loop3A_267 = tpu.vector_load %arg8[%parallel_loop3A_265, %parallel_loop3A_266] {strides = array<i32>} : memref<321x384xbf16, #tpu.memory_space<vmem>>, vector<32xbf16>,
          %parallel_loop3A_268 = arith.index_cast %while3A_249 : i32 to index
          %parallel_loop3A_269 = arith.index_cast %parallel_loop3A_264 : i32 to index
          %parallel_loop3A_270 = tpu.vector_load %arg14[%parallel_loop3A_268, %parallel_loop3A_269] {strides = array<i32>} : memref<64x384xbf16, #tpu.memory_space<vmem>>, vector<32xbf16>,
          %parallel_loop3A_271 = arith.maximumf %parallel_loop3A_267, %parallel_loop3A_270 : vector<32xbf16>
          %parallel_loop3A_272 = arith.index_cast %rem3A_258 : i32 to index
          %parallel_loop3A_273 = arith.index_cast %parallel_loop3A_264 : i32 to index
          %parallel_loop3A_274 = tpu.vector_load %arg8[%parallel_loop3A_272, %parallel_loop3A_273] {strides = array<i32>} : memref<321x384xbf16, #tpu.memory_space<vmem>>, vector<32xbf16>,
          tpu.vector_store %arg8[%parallel_loop3A_272, %parallel_loop3A_273], %parallel_loop3A_271 {strides = array<i32>} : memref<321x384xbf16, #tpu.memory_space<vmem>>, vector<32xbf16>,
        } {sc.loop_unroll_factor = 12 : i64, sc.parallel_access}
        %while3A_261 = arith.constant 0 : i32
        scf.yield %while3A_261 : i32
      }
      %add3A_238 = arith.constant 2 : i32
      %add3A_239 = arith.addi %mul3A_212, %add3A_238 : i32
      %lt3A_240 = arith.cmpi slt, %add3A_239, %select_n3A_153 : i32
      %convert_element_type3A_241 = arith.extui %lt3A_240 : i1 to i32
      %cond3A_242 = arith.constant 0 : i32
      %cond3A_243 = arith.cmpi ne, %convert_element_type3A_241, %cond3A_242 : i32
      scf.if %cond3A_243 {
        %add3A_249 = arith.constant 2 : i32
        %add3A_250 = arith.addi %mul3A_212, %add3A_249 : i32
        %scan3A_251 = arith.constant 0 : i32
        %scan3A_252 = arith.constant 0 : i32
        %scan3A_253 = arith.constant 4 : i32
        %scan3A_254 = arith.addi %scan3A_252, %scan3A_253 : i32
        %scan3A_255 = arith.constant 1 : i32
        %scan3A_256 = scf.for %scan3A_261 = %scan3A_252 to %scan3A_254 step %scan3A_255 iter_args(%scan3A_262 = %scan3A_251) -> (i32)  : i32 {
          %mul3A_263 = arith.constant 64 : i32
          %mul3A_264 = arith.muli %add3A_250, %mul3A_263 : i32
          %add3A_265 = arith.constant 0 : i32
          %add3A_266 = arith.addi %add3A_265, %mul3A_264 : i32
          %mul3A_267 = arith.constant 16 : i32
          %mul3A_268 = arith.muli %scan3A_261, %mul3A_267 : i32
          %add3A_269 = arith.addi %add3A_266, %mul3A_268 : i32
          %get3A = arith.index_cast %add3A_269 : i32 to index
          %get3A_270 = tpu.vector_load %arg9[%get3A] {strides = array<i32>} : memref<10304xi32, #tpu.memory_space<vmem>>, vector<16xi32>,
          %shift_right_arithmetic3A = arith.constant 9 : i32
          %shift_right_arithmetic3A_271 = vector.broadcast %shift_right_arithmetic3A : i32 to vector<16xi32>
          %shift_right_arithmetic3A_272 = arith.shrsi %get3A_270, %shift_right_arithmetic3A_271 : vector<16xi32>
          %mul3A_273 = arith.constant 16 : i32
          %mul3A_274 = arith.muli %scan3A_261, %mul3A_273 : i32
          %swap3A = arith.index_cast %mul3A_274 : i32 to index
          %swap3A_275 = tpu.vector_load %arg16[%swap3A] {strides = array<i32>} : memref<64xi32, #tpu.memory_space<vmem>>, vector<16xi32>,
          tpu.vector_store %arg16[%swap3A], %shift_right_arithmetic3A_272 {strides = array<i32>} : memref<64xi32, #tpu.memory_space<vmem>>, vector<16xi32>,
          %scan3A_276 = arith.constant 0 : i32
          scf.yield %scan3A_276 : i32
        }
        %scan3A_257 = arith.constant 4 : i32
        %dma_start3A_258 = arith.constant 0 : i32
        %dma_start3A_259 = arith.constant 0 : i32
        %dma_start3A_260 = tpu.memref_slice %arg3[%dma_start3A_258, %dma_start3A_259] : memref<10240x384xbf16, #tpu.memory_space<hbm>> -> memref<10240x384xbf16, #tpu.memory_space<hbm>>
        tpu.enqueue_indirect_dma source(%dma_start3A_260 : memref<10240x384xbf16, #tpu.memory_space<hbm>>) target(%arg14 : memref<64x384xbf16, #tpu.memory_space<vmem>>) offsets(%arg16 : memref<64xi32, #tpu.memory_space<vmem>>) semaphore(%arg18 : memref<!tpu.dma_semaphore, #tpu.memory_space<semaphore_mem>>)
      } else {
      }
      %lt3A_244 = arith.cmpi slt, %add3A_214, %select_n3A_153 : i32
      %convert_element_type3A_245 = arith.extui %lt3A_244 : i1 to i32
      %cond3A_246 = arith.constant 0 : i32
      %cond3A_247 = arith.cmpi ne, %convert_element_type3A_245, %cond3A_246 : i32
      scf.if %cond3A_247 {
        %dma_wait3A_249 = arith.constant 0 : i32
        %dma_wait3A_250 = arith.constant 0 : i32
        %dma_wait3A_251 = tpu.memref_slice %arg3[%dma_wait3A_249, %dma_wait3A_250] : memref<10240x384xbf16, #tpu.memory_space<hbm>> -> memref<10240x384xbf16, #tpu.memory_space<hbm>>
        tpu.wait_indirect_dma semaphore(%arg19 : memref<!tpu.dma_semaphore, #tpu.memory_space<semaphore_mem>>) src(%dma_wait3A_251 : memref<10240x384xbf16, #tpu.memory_space<hbm>>) dst(%arg15 : memref<64x384xbf16, #tpu.memory_space<vmem>>)
        %mul3A_252 = arith.constant 4 : i32
        %mul3A_253 = arith.muli %add3A_214, %mul3A_252 : i32
        %sub3A_254 = arith.subi %select_n3A, %mul3A_253 : i32
        %min3A_255 = arith.constant 4 : i32
        %min3A_256 = arith.minsi %sub3A_254, %min3A_255 : i32
        %mul3A_257 = arith.constant 16 : i32
        %mul3A_258 = arith.muli %min3A_256, %mul3A_257 : i32
        %while3A_259 = arith.constant 0 : i32
        %while3A_260 = arith.constant 0 : i32
        %while3A_261 = arith.subi %mul3A_258, %while3A_259 : i32
        %while3A_262 = arith.addi %while3A_259, %while3A_261 : i32
        %while3A_263 = arith.constant 1 : i32
        %while3A_264 = arith.divsi %while3A_261, %while3A_263 : i32
        %while3A_265 = arith.muli %while3A_264, %while3A_263 : i32
        %while3A_266 = arith.addi %while3A_259, %while3A_265 : i32
        %while3A_267 = arith.constant 1 : i32
        %while3A_268 = scf.for %while3A_271 = %while3A_259 to %while3A_266 step %while3A_267 iter_args(%while3A_272 = %while3A_260) -> (i32)  : i32 {
          %mul3A_273 = arith.constant 64 : i32
          %mul3A_274 = arith.muli %add3A_214, %mul3A_273 : i32
          %add3A_275 = arith.constant 0 : i32
          %add3A_276 = arith.addi %add3A_275, %mul3A_274 : i32
          %add3A_277 = arith.addi %add3A_276, %while3A_271 : i32
          %get3A = arith.index_cast %add3A_277 : i32 to index
          %get3A_278 = tpu.vector_load %arg9[%get3A] {strides = array<i32>} : memref<10304xi32, #tpu.memory_space<vmem>>, vector<16xi32>,
          %slice3A = vector.extract_strided_slice %get3A_278 {offsets = [0], sizes = [1], strides = [1]} : vector<16xi32> to vector<1xi32>
          %squeeze3A = vector.extract %slice3A[0] : i32 from vector<1xi32>
          %rem3A_279 = arith.constant 512 : i32
          %rem3A_280 = arith.remsi %squeeze3A, %rem3A_279 : i32
          %parallel_loop3A = arith.constant 0 : i32
          %parallel_loop3A_281 = arith.constant 12 : i32
          %parallel_loop3A_282 = arith.constant 1 : i32
          scf.for %parallel_loop3A_284 = %parallel_loop3A to %parallel_loop3A_281 step %parallel_loop3A_282  : i32 {
            %parallel_loop3A_285 = arith.constant 32 : i32
            %parallel_loop3A_286 = arith.muli %parallel_loop3A_284, %parallel_loop3A_285 : i32
            %parallel_loop3A_287 = arith.index_cast %rem3A_280 : i32 to index
            %parallel_loop3A_288 = arith.index_cast %parallel_loop3A_286 : i32 to index
            %parallel_loop3A_289 = tpu.vector_load %arg8[%parallel_loop3A_287, %parallel_loop3A_288] {strides = array<i32>} : memref<321x384xbf16, #tpu.memory_space<vmem>>, vector<32xbf16>,
            %parallel_loop3A_290 = arith.index_cast %while3A_271 : i32 to index
            %parallel_loop3A_291 = arith.index_cast %parallel_loop3A_286 : i32 to index
            %parallel_loop3A_292 = tpu.vector_load %arg15[%parallel_loop3A_290, %parallel_loop3A_291] {strides = array<i32>} : memref<64x384xbf16, #tpu.memory_space<vmem>>, vector<32xbf16>,
            %parallel_loop3A_293 = arith.maximumf %parallel_loop3A_289, %parallel_loop3A_292 : vector<32xbf16>
            %parallel_loop3A_294 = arith.index_cast %rem3A_280 : i32 to index
            %parallel_loop3A_295 = arith.index_cast %parallel_loop3A_286 : i32 to index
            %parallel_loop3A_296 = tpu.vector_load %arg8[%parallel_loop3A_294, %parallel_loop3A_295] {strides = array<i32>} : memref<321x384xbf16, #tpu.memory_space<vmem>>, vector<32xbf16>,
            tpu.vector_store %arg8[%parallel_loop3A_294, %parallel_loop3A_295], %parallel_loop3A_293 {strides = array<i32>} : memref<321x384xbf16, #tpu.memory_space<vmem>>, vector<32xbf16>,
          } {sc.loop_unroll_factor = 12 : i64, sc.parallel_access}
          %while3A_283 = arith.constant 0 : i32
          scf.yield %while3A_283 : i32
        }
        %while3A_269 = arith.constant 1 : i32
        %while3A_270 = scf.for %while3A_271 = %while3A_266 to %while3A_262 step %while3A_269 iter_args(%while3A_272 = %while3A_268) -> (i32)  : i32 {
          %mul3A_273 = arith.constant 64 : i32
          %mul3A_274 = arith.muli %add3A_214, %mul3A_273 : i32
          %add3A_275 = arith.constant 0 : i32
          %add3A_276 = arith.addi %add3A_275, %mul3A_274 : i32
          %add3A_277 = arith.addi %add3A_276, %while3A_271 : i32
          %get3A = arith.index_cast %add3A_277 : i32 to index
          %get3A_278 = tpu.vector_load %arg9[%get3A] {strides = array<i32>} : memref<10304xi32, #tpu.memory_space<vmem>>, vector<16xi32>,
          %slice3A = vector.extract_strided_slice %get3A_278 {offsets = [0], sizes = [1], strides = [1]} : vector<16xi32> to vector<1xi32>
          %squeeze3A = vector.extract %slice3A[0] : i32 from vector<1xi32>
          %rem3A_279 = arith.constant 512 : i32
          %rem3A_280 = arith.remsi %squeeze3A, %rem3A_279 : i32
          %parallel_loop3A = arith.constant 0 : i32
          %parallel_loop3A_281 = arith.constant 12 : i32
          %parallel_loop3A_282 = arith.constant 1 : i32
          scf.for %parallel_loop3A_284 = %parallel_loop3A to %parallel_loop3A_281 step %parallel_loop3A_282  : i32 {
            %parallel_loop3A_285 = arith.constant 32 : i32
            %parallel_loop3A_286 = arith.muli %parallel_loop3A_284, %parallel_loop3A_285 : i32
            %parallel_loop3A_287 = arith.index_cast %rem3A_280 : i32 to index
            %parallel_loop3A_288 = arith.index_cast %parallel_loop3A_286 : i32 to index
            %parallel_loop3A_289 = tpu.vector_load %arg8[%parallel_loop3A_287, %parallel_loop3A_288] {strides = array<i32>} : memref<321x384xbf16, #tpu.memory_space<vmem>>, vector<32xbf16>,
            %parallel_loop3A_290 = arith.index_cast %while3A_271 : i32 to index
            %parallel_loop3A_291 = arith.index_cast %parallel_loop3A_286 : i32 to index
            %parallel_loop3A_292 = tpu.vector_load %arg15[%parallel_loop3A_290, %parallel_loop3A_291] {strides = array<i32>} : memref<64x384xbf16, #tpu.memory_space<vmem>>, vector<32xbf16>,
            %parallel_loop3A_293 = arith.maximumf %parallel_loop3A_289, %parallel_loop3A_292 : vector<32xbf16>
            %parallel_loop3A_294 = arith.index_cast %rem3A_280 : i32 to index
            %parallel_loop3A_295 = arith.index_cast %parallel_loop3A_286 : i32 to index
            %parallel_loop3A_296 = tpu.vector_load %arg8[%parallel_loop3A_294, %parallel_loop3A_295] {strides = array<i32>} : memref<321x384xbf16, #tpu.memory_space<vmem>>, vector<32xbf16>,
            tpu.vector_store %arg8[%parallel_loop3A_294, %parallel_loop3A_295], %parallel_loop3A_293 {strides = array<i32>} : memref<321x384xbf16, #tpu.memory_space<vmem>>, vector<32xbf16>,
          } {sc.loop_unroll_factor = 12 : i64, sc.parallel_access}
          %while3A_283 = arith.constant 0 : i32
          scf.yield %while3A_283 : i32
        }
      } else {
      }
      %while3A_248 = arith.constant 0 : i32
      scf.yield %while3A_248 : i32
    }
    %while3A_197 = arith.constant 80 : i32
    %while3A_198 = arith.constant 0 : i32
    %while3A_199 = arith.subi %while3A_197, %scan3A_22#1 : i32
    %while3A_200 = arith.addi %scan3A_22#1, %while3A_199 : i32
    %while3A_201 = arith.constant 1 : i32
    %while3A_202 = arith.divsi %while3A_199, %while3A_201 : i32
    %while3A_203 = arith.muli %while3A_202, %while3A_201 : i32
    %while3A_204 = arith.addi %scan3A_22#1, %while3A_203 : i32
    %while3A_205 = arith.constant 1 : i32
    %while3A_206 = scf.for %while3A_209 = %scan3A_22#1 to %while3A_204 step %while3A_205 iter_args(%while3A_210 = %while3A_198) -> (i32)  : i32 {
      %mul3A_211 = arith.constant 2000 : i32
      %mul3A_212 = arith.muli %while3A_209, %mul3A_211 : i32
      "tpu.region"() ({
        %run_scoped3A = tpu.sem_alloc : memref<!tpu.dma_semaphore, #tpu.memory_space<semaphore_mem>>
        %dma_start3A_324 = tpu.memref_slice %arg4[%mul3A_212] : memref<160000xi32, #tpu.memory_space<hbm>> -> memref<2000xi32, #tpu.memory_space<hbm>>
        %dma_start3A_325 = tpu.memref_slice %arg4[%mul3A_212] : memref<160000xi32, #tpu.memory_space<hbm>> -> memref<2000xi32, #tpu.memory_space<hbm>>
        tpu.enqueue_dma source(%dma_start3A_325 : memref<2000xi32, #tpu.memory_space<hbm>>) target(%arg10 : memref<2000xi32, #tpu.memory_space<vmem>>) target_semaphore(%run_scoped3A : memref<!tpu.dma_semaphore, #tpu.memory_space<semaphore_mem>>)
        %dma_wait3A = tpu.memref_slice %arg4[%mul3A_212] : memref<160000xi32, #tpu.memory_space<hbm>> -> memref<2000xi32, #tpu.memory_space<hbm>>
        %dma_wait3A_326 = tpu.memref_slice %arg4[%mul3A_212] : memref<160000xi32, #tpu.memory_space<hbm>> -> memref<2000xi32, #tpu.memory_space<hbm>>
        tpu.wait_dma2 semaphore(%run_scoped3A : memref<!tpu.dma_semaphore, #tpu.memory_space<semaphore_mem>>) src(%dma_wait3A_326 : memref<2000xi32, #tpu.memory_space<hbm>>) dst(%arg10 : memref<2000xi32, #tpu.memory_space<vmem>>)
        tpu.yield
      }) : () -> ()
      "tpu.region"() ({
        %run_scoped3A = tpu.sem_alloc : memref<!tpu.dma_semaphore, #tpu.memory_space<semaphore_mem>>
        %dma_start3A_324 = tpu.memref_slice %arg5[%mul3A_212] : memref<160000xi32, #tpu.memory_space<hbm>> -> memref<2000xi32, #tpu.memory_space<hbm>>
        %dma_start3A_325 = tpu.memref_slice %arg5[%mul3A_212] : memref<160000xi32, #tpu.memory_space<hbm>> -> memref<2000xi32, #tpu.memory_space<hbm>>
        tpu.enqueue_dma source(%dma_start3A_325 : memref<2000xi32, #tpu.memory_space<hbm>>) target(%arg11 : memref<2000xi32, #tpu.memory_space<vmem>>) target_semaphore(%run_scoped3A : memref<!tpu.dma_semaphore, #tpu.memory_space<semaphore_mem>>)
        %dma_wait3A = tpu.memref_slice %arg5[%mul3A_212] : memref<160000xi32, #tpu.memory_space<hbm>> -> memref<2000xi32, #tpu.memory_space<hbm>>
        %dma_wait3A_326 = tpu.memref_slice %arg5[%mul3A_212] : memref<160000xi32, #tpu.memory_space<hbm>> -> memref<2000xi32, #tpu.memory_space<hbm>>
        tpu.wait_dma2 semaphore(%run_scoped3A : memref<!tpu.dma_semaphore, #tpu.memory_space<semaphore_mem>>) src(%dma_wait3A_326 : memref<2000xi32, #tpu.memory_space<hbm>>) dst(%arg11 : memref<2000xi32, #tpu.memory_space<vmem>>)
        tpu.yield
      }) : () -> ()
      %scan3A_213 = arith.constant 0 : i32
      %scan3A_214 = arith.constant 0 : i32
      %scan3A_215 = arith.constant 125 : i32
      %scan3A_216 = arith.addi %scan3A_214, %scan3A_215 : i32
      %scan3A_217 = arith.constant 1 : i32
      %scan3A_218 = scf.for %scan3A_324 = %scan3A_214 to %scan3A_216 step %scan3A_217 iter_args(%scan3A_325 = %scan3A_213) -> (i32)  : i32 {
        %mul3A_326 = arith.constant 16 : i32
        %mul3A_327 = arith.muli %scan3A_324, %mul3A_326 : i32
        %get3A = arith.index_cast %mul3A_327 : i32 to index
        %get3A_328 = tpu.vector_load %arg11[%get3A] {strides = array<i32>} : memref<2000xi32, #tpu.memory_space<vmem>>, vector<16xi32>,
        %mul3A_329 = arith.constant 16 : i32
        %mul3A_330 = arith.muli %scan3A_324, %mul3A_329 : i32
        %get3A_331 = arith.index_cast %mul3A_330 : i32 to index
        %get3A_332 = tpu.vector_load %arg10[%get3A_331] {strides = array<i32>} : memref<2000xi32, #tpu.memory_space<vmem>>, vector<16xi32>,
        %sub3A_333 = vector.broadcast %mul3A_2 : i32 to vector<16xi32>
        %sub3A_334 = arith.subi %get3A_328, %sub3A_333 : vector<16xi32>
        %ge3A = arith.constant 0 : i32
        %ge3A_335 = vector.broadcast %ge3A : i32 to vector<16xi32>
        %ge3A_336 = arith.cmpi sge, %sub3A_334, %ge3A_335 : vector<16xi32>
        %lt3A = arith.constant 320 : i32
        %lt3A_337 = vector.broadcast %lt3A : i32 to vector<16xi32>
        %lt3A_338 = arith.cmpi slt, %sub3A_334, %lt3A_337 : vector<16xi32>
        %and3A_339 = arith.andi %ge3A_336, %lt3A_338 : vector<16xi1>
        %jit3A_340 = arith.constant 1 : i32
        %jit3A_341 = arith.constant 0 : i32
        %broadcast_in_dim3A_342 = vector.broadcast %jit3A_340 : i32 to vector<16xi32>
        %broadcast_in_dim3A_343 = vector.broadcast %jit3A_341 : i32 to vector<16xi32>
        %select_n3A_344 = arith.select %and3A_339, %broadcast_in_dim3A_342, %broadcast_in_dim3A_343 : vector<16xi1>, vector<16xi32>
        %broadcast_in_dim3A_345 = arith.constant true
        %broadcast_in_dim3A_346 = vector.broadcast %broadcast_in_dim3A_345 : i1 to vector<16xi1>
        %masked_cumsum3A = tpu.scan <sum>, %select_n3A_344 masked %broadcast_in_dim3A_346 : vector<16xi32>, vector<16xi1> -> vector<16xi32>
        %add3A_347 = arith.constant 8192 : i32
        %add3A_348 = arith.addi %add3A_347, %scan3A_325 : i32
        %sub3A_349 = arith.constant 1 : i32
        %sub3A_350 = arith.subi %add3A_348, %sub3A_349 : i32
        %add3A_351 = vector.broadcast %sub3A_350 : i32 to vector<16xi32>
        %add3A_352 = arith.addi %add3A_351, %masked_cumsum3A : vector<16xi32>
        %mul3A_353 = arith.constant 512 : i32
        %mul3A_354 = vector.broadcast %mul3A_353 : i32 to vector<16xi32>
        %mul3A_355 = arith.muli %get3A_332, %mul3A_354 : vector<16xi32>
        %add3A_356 = arith.addi %mul3A_355, %sub3A_334 : vector<16xi32>
        tpu.vector_store_idx %arg9[%add3A_352], %add3A_356 masked %and3A_339 : memref<10304xi32, #tpu.memory_space<vmem>>[vector<16xi32>], vector<16xi32>, vector<16xi1>
        %slice3A = vector.extract_strided_slice %masked_cumsum3A {offsets = [15], sizes = [1], strides = [1]} : vector<16xi32> to vector<1xi32>
        %squeeze3A = vector.extract %slice3A[0] : i32 from vector<1xi32>
        %add3A_357 = arith.addi %scan3A_325, %squeeze3A : i32
        scf.yield %add3A_357 : i32
      }
      %scan3A_219 = arith.constant 125 : i32
      %add3A_220 = arith.constant 8192 : i32
      %add3A_221 = arith.addi %add3A_220, %scan3A_218 : i32
      %add3A_222 = vector.broadcast %add3A_221 : i32 to vector<16xi32>
      %add3A_223 = arith.addi %add3A_222, %iota3A : vector<16xi32>
      %broadcast_in_dim3A_224 = arith.constant 320 : i32
      %broadcast_in_dim3A_225 = vector.broadcast %broadcast_in_dim3A_224 : i32 to vector<16xi32>
      tpu.vector_store_idx %arg9[%add3A_223], %broadcast_in_dim3A_225 : memref<10304xi32, #tpu.memory_space<vmem>>[vector<16xi32>], vector<16xi32>,
      %add3A_226 = arith.constant 15 : i32
      %add3A_227 = arith.addi %scan3A_218, %add3A_226 : i32
      %jit3A_228 = arith.constant 16 : i32
      %div3A_229 = arith.divsi %add3A_227, %jit3A_228 : i32
      %sign3A_230 = arith.constant 0 : i32
      %sign3A_231 = arith.cmpi sgt, %add3A_227, %sign3A_230 : i32
      %sign3A_232 = arith.extui %sign3A_231 : i1 to i32
      %sign3A_233 = arith.constant 0 : i32
      %sign3A_234 = arith.cmpi slt, %add3A_227, %sign3A_233 : i32
      %sign3A_235 = arith.extui %sign3A_234 : i1 to i32
      %sign3A_236 = arith.subi %sign3A_232, %sign3A_235 : i32
      %sign3A_237 = arith.constant 0 : i32
      %sign3A_238 = arith.cmpi sgt, %jit3A_228, %sign3A_237 : i32
      %sign3A_239 = arith.extui %sign3A_238 : i1 to i32
      %sign3A_240 = arith.constant 0 : i32
      %sign3A_241 = arith.cmpi slt, %jit3A_228, %sign3A_240 : i32
      %sign3A_242 = arith.extui %sign3A_241 : i1 to i32
      %sign3A_243 = arith.subi %sign3A_239, %sign3A_242 : i32
      %ne3A_244 = arith.cmpi ne, %sign3A_236, %sign3A_243 : i32
      %rem3A_245 = arith.remsi %add3A_227, %jit3A_228 : i32
      %ne3A_246 = arith.constant 0 : i32
      %ne3A_247 = arith.cmpi ne, %rem3A_245, %ne3A_246 : i32
      %and3A_248 = arith.andi %ne3A_244, %ne3A_247 : i1
      %sub3A_249 = arith.constant 1 : i32
      %sub3A_250 = arith.subi %div3A_229, %sub3A_249 : i32
      %select_n3A_251 = arith.select %and3A_248, %sub3A_250, %div3A_229 : i32
      %add3A_252 = arith.constant 4 : i32
      %add3A_253 = arith.addi %select_n3A_251, %add3A_252 : i32
      %sub3A_254 = arith.constant 1 : i32
      %sub3A_255 = arith.subi %add3A_253, %sub3A_254 : i32
      %jit3A_256 = arith.constant 4 : i32
      %div3A_257 = arith.divsi %sub3A_255, %jit3A_256 : i32
      %sign3A_258 = arith.constant 0 : i32
      %sign3A_259 = arith.cmpi sgt, %sub3A_255, %sign3A_258 : i32
      %sign3A_260 = arith.extui %sign3A_259 : i1 to i32
      %sign3A_261 = arith.constant 0 : i32
      %sign3A_262 = arith.cmpi slt, %sub3A_255, %sign3A_261 : i32
      %sign3A_263 = arith.extui %sign3A_262 : i1 to i32
      %sign3A_264 = arith.subi %sign3A_260, %sign3A_263 : i32
      %sign3A_265 = arith.constant 0 : i32
      %sign3A_266 = arith.cmpi sgt, %jit3A_256, %sign3A_265 : i32
      %sign3A_267 = arith.extui %sign3A_266 : i1 to i32
      %sign3A_268 = arith.constant 0 : i32
      %sign3A_269 = arith.cmpi slt, %jit3A_256, %sign3A_268 : i32
      %sign3A_270 = arith.extui %sign3A_269 : i1 to i32
      %sign3A_271 = arith.subi %sign3A_267, %sign3A_270 : i32
      %ne3A_272 = arith.cmpi ne, %sign3A_264, %sign3A_271 : i32
      %rem3A_273 = arith.remsi %sub3A_255, %jit3A_256 : i32
      %ne3A_274 = arith.constant 0 : i32
      %ne3A_275 = arith.cmpi ne, %rem3A_273, %ne3A_274 : i32
      %and3A_276 = arith.andi %ne3A_272, %ne3A_275 : i1
      %sub3A_277 = arith.constant 1 : i32
      %sub3A_278 = arith.subi %div3A_257, %sub3A_277 : i32
      %select_n3A_279 = arith.select %and3A_276, %sub3A_278, %div3A_257 : i32
      %gt3A_280 = arith.constant 0 : i32
      %gt3A_281 = arith.cmpi sgt, %select_n3A_279, %gt3A_280 : i32
      %convert_element_type3A_282 = arith.extui %gt3A_281 : i1 to i32
      %cond3A_283 = arith.constant 0 : i32
      %cond3A_284 = arith.cmpi ne, %convert_element_type3A_282, %cond3A_283 : i32
      scf.if %cond3A_284 {
        %scan3A_324 = arith.constant 0 : i32
        %scan3A_325 = arith.constant 0 : i32
        %scan3A_326 = arith.constant 0 : i32
        %scan3A_327 = arith.constant 4 : i32
        %scan3A_328 = arith.addi %scan3A_326, %scan3A_327 : i32
        %scan3A_329 = arith.constant 1 : i32
        %scan3A_330 = scf.for %scan3A_335 = %scan3A_326 to %scan3A_328 step %scan3A_329 iter_args(%scan3A_336 = %scan3A_325) -> (i32)  : i32 {
          %mul3A_337 = arith.constant 64 : i32
          %mul3A_338 = arith.muli %scan3A_324, %mul3A_337 : i32
          %add3A_339 = arith.constant 8192 : i32
          %add3A_340 = arith.addi %add3A_339, %mul3A_338 : i32
          %mul3A_341 = arith.constant 16 : i32
          %mul3A_342 = arith.muli %scan3A_335, %mul3A_341 : i32
          %add3A_343 = arith.addi %add3A_340, %mul3A_342 : i32
          %get3A = arith.index_cast %add3A_343 : i32 to index
          %get3A_344 = tpu.vector_load %arg9[%get3A] {strides = array<i32>} : memref<10304xi32, #tpu.memory_space<vmem>>, vector<16xi32>,
          %shift_right_arithmetic3A = arith.constant 9 : i32
          %shift_right_arithmetic3A_345 = vector.broadcast %shift_right_arithmetic3A : i32 to vector<16xi32>
          %shift_right_arithmetic3A_346 = arith.shrsi %get3A_344, %shift_right_arithmetic3A_345 : vector<16xi32>
          %mul3A_347 = arith.constant 16 : i32
          %mul3A_348 = arith.muli %scan3A_335, %mul3A_347 : i32
          %swap3A = arith.index_cast %mul3A_348 : i32 to index
          %swap3A_349 = tpu.vector_load %arg16[%swap3A] {strides = array<i32>} : memref<64xi32, #tpu.memory_space<vmem>>, vector<16xi32>,
          tpu.vector_store %arg16[%swap3A], %shift_right_arithmetic3A_346 {strides = array<i32>} : memref<64xi32, #tpu.memory_space<vmem>>, vector<16xi32>,
          %scan3A_350 = arith.constant 0 : i32
          scf.yield %scan3A_350 : i32
        }
        %scan3A_331 = arith.constant 4 : i32
        %dma_start3A_332 = arith.constant 0 : i32
        %dma_start3A_333 = arith.constant 0 : i32
        %dma_start3A_334 = tpu.memref_slice %arg3[%dma_start3A_332, %dma_start3A_333] : memref<10240x384xbf16, #tpu.memory_space<hbm>> -> memref<10240x384xbf16, #tpu.memory_space<hbm>>
        tpu.enqueue_indirect_dma source(%dma_start3A_334 : memref<10240x384xbf16, #tpu.memory_space<hbm>>) target(%arg14 : memref<64x384xbf16, #tpu.memory_space<vmem>>) offsets(%arg16 : memref<64xi32, #tpu.memory_space<vmem>>) semaphore(%arg18 : memref<!tpu.dma_semaphore, #tpu.memory_space<semaphore_mem>>)
      } else {
      }
      %add3A_285 = arith.constant 1 : i32
      %add3A_286 = arith.addi %select_n3A_279, %add3A_285 : i32
      %jit3A_287 = arith.constant 2 : i32
      %div3A_288 = arith.divsi %add3A_286, %jit3A_287 : i32
      %sign3A_289 = arith.constant 0 : i32
      %sign3A_290 = arith.cmpi sgt, %add3A_286, %sign3A_289 : i32
      %sign3A_291 = arith.extui %sign3A_290 : i1 to i32
      %sign3A_292 = arith.constant 0 : i32
      %sign3A_293 = arith.cmpi slt, %add3A_286, %sign3A_292 : i32
      %sign3A_294 = arith.extui %sign3A_293 : i1 to i32
      %sign3A_295 = arith.subi %sign3A_291, %sign3A_294 : i32
      %sign3A_296 = arith.constant 0 : i32
      %sign3A_297 = arith.cmpi sgt, %jit3A_287, %sign3A_296 : i32
      %sign3A_298 = arith.extui %sign3A_297 : i1 to i32
      %sign3A_299 = arith.constant 0 : i32
      %sign3A_300 = arith.cmpi slt, %jit3A_287, %sign3A_299 : i32
      %sign3A_301 = arith.extui %sign3A_300 : i1 to i32
      %sign3A_302 = arith.subi %sign3A_298, %sign3A_301 : i32
      %ne3A_303 = arith.cmpi ne, %sign3A_295, %sign3A_302 : i32
      %rem3A_304 = arith.remsi %add3A_286, %jit3A_287 : i32
      %ne3A_305 = arith.constant 0 : i32
      %ne3A_306 = arith.cmpi ne, %rem3A_304, %ne3A_305 : i32
      %and3A_307 = arith.andi %ne3A_303, %ne3A_306 : i1
      %sub3A_308 = arith.constant 1 : i32
      %sub3A_309 = arith.subi %div3A_288, %sub3A_308 : i32
      %select_n3A_310 = arith.select %and3A_307, %sub3A_309, %div3A_288 : i32
      %while3A_311 = arith.constant 0 : i32
      %while3A_312 = arith.constant 0 : i32
      %while3A_313 = arith.subi %select_n3A_310, %while3A_311 : i32
      %while3A_314 = arith.addi %while3A_311, %while3A_313 : i32
      %while3A_315 = arith.constant 1 : i32
      %while3A_316 = arith.divsi %while3A_313, %while3A_315 : i32
      %while3A_317 = arith.muli %while3A_316, %while3A_315 : i32
      %while3A_318 = arith.addi %while3A_311, %while3A_317 : i32
      %while3A_319 = arith.constant 1 : i32
      %while3A_320 = scf.for %while3A_324 = %while3A_311 to %while3A_318 step %while3A_319 iter_args(%while3A_325 = %while3A_312) -> (i32)  : i32 {
        %mul3A_326 = arith.constant 2 : i32
        %mul3A_327 = arith.muli %while3A_324, %mul3A_326 : i32
        %add3A_328 = arith.constant 1 : i32
        %add3A_329 = arith.addi %mul3A_327, %add3A_328 : i32
        %lt3A = arith.cmpi slt, %add3A_329, %select_n3A_279 : i32
        %convert_element_type3A_330 = arith.extui %lt3A : i1 to i32
        %cond3A_331 = arith.constant 0 : i32
        %cond3A_332 = arith.cmpi ne, %convert_element_type3A_330, %cond3A_331 : i32
        scf.if %cond3A_332 {
          %scan3A_364 = arith.constant 0 : i32
          %scan3A_365 = arith.constant 0 : i32
          %scan3A_366 = arith.constant 4 : i32
          %scan3A_367 = arith.addi %scan3A_365, %scan3A_366 : i32
          %scan3A_368 = arith.constant 1 : i32
          %scan3A_369 = scf.for %scan3A_374 = %scan3A_365 to %scan3A_367 step %scan3A_368 iter_args(%scan3A_375 = %scan3A_364) -> (i32)  : i32 {
            %mul3A_376 = arith.constant 64 : i32
            %mul3A_377 = arith.muli %add3A_329, %mul3A_376 : i32
            %add3A_378 = arith.constant 8192 : i32
            %add3A_379 = arith.addi %add3A_378, %mul3A_377 : i32
            %mul3A_380 = arith.constant 16 : i32
            %mul3A_381 = arith.muli %scan3A_374, %mul3A_380 : i32
            %add3A_382 = arith.addi %add3A_379, %mul3A_381 : i32
            %get3A = arith.index_cast %add3A_382 : i32 to index
            %get3A_383 = tpu.vector_load %arg9[%get3A] {strides = array<i32>} : memref<10304xi32, #tpu.memory_space<vmem>>, vector<16xi32>,
            %shift_right_arithmetic3A = arith.constant 9 : i32
            %shift_right_arithmetic3A_384 = vector.broadcast %shift_right_arithmetic3A : i32 to vector<16xi32>
            %shift_right_arithmetic3A_385 = arith.shrsi %get3A_383, %shift_right_arithmetic3A_384 : vector<16xi32>
            %mul3A_386 = arith.constant 16 : i32
            %mul3A_387 = arith.muli %scan3A_374, %mul3A_386 : i32
            %swap3A = arith.index_cast %mul3A_387 : i32 to index
            %swap3A_388 = tpu.vector_load %arg17[%swap3A] {strides = array<i32>} : memref<64xi32, #tpu.memory_space<vmem>>, vector<16xi32>,
            tpu.vector_store %arg17[%swap3A], %shift_right_arithmetic3A_385 {strides = array<i32>} : memref<64xi32, #tpu.memory_space<vmem>>, vector<16xi32>,
            %scan3A_389 = arith.constant 0 : i32
            scf.yield %scan3A_389 : i32
          }
          %scan3A_370 = arith.constant 4 : i32
          %dma_start3A_371 = arith.constant 0 : i32
          %dma_start3A_372 = arith.constant 0 : i32
          %dma_start3A_373 = tpu.memref_slice %arg3[%dma_start3A_371, %dma_start3A_372] : memref<10240x384xbf16, #tpu.memory_space<hbm>> -> memref<10240x384xbf16, #tpu.memory_space<hbm>>
          tpu.enqueue_indirect_dma source(%dma_start3A_373 : memref<10240x384xbf16, #tpu.memory_space<hbm>>) target(%arg15 : memref<64x384xbf16, #tpu.memory_space<vmem>>) offsets(%arg17 : memref<64xi32, #tpu.memory_space<vmem>>) semaphore(%arg19 : memref<!tpu.dma_semaphore, #tpu.memory_space<semaphore_mem>>)
        } else {
        }
        %dma_wait3A = arith.constant 0 : i32
        %dma_wait3A_333 = arith.constant 0 : i32
        %dma_wait3A_334 = tpu.memref_slice %arg3[%dma_wait3A, %dma_wait3A_333] : memref<10240x384xbf16, #tpu.memory_space<hbm>> -> memref<10240x384xbf16, #tpu.memory_space<hbm>>
        tpu.wait_indirect_dma semaphore(%arg18 : memref<!tpu.dma_semaphore, #tpu.memory_space<semaphore_mem>>) src(%dma_wait3A_334 : memref<10240x384xbf16, #tpu.memory_space<hbm>>) dst(%arg14 : memref<64x384xbf16, #tpu.memory_space<vmem>>)
        %mul3A_335 = arith.constant 4 : i32
        %mul3A_336 = arith.muli %mul3A_327, %mul3A_335 : i32
        %sub3A_337 = arith.subi %select_n3A_251, %mul3A_336 : i32
        %min3A = arith.constant 4 : i32
        %min3A_338 = arith.minsi %sub3A_337, %min3A : i32
        %mul3A_339 = arith.constant 16 : i32
        %mul3A_340 = arith.muli %min3A_338, %mul3A_339 : i32
        %while3A_341 = arith.constant 0 : i32
        %while3A_342 = arith.constant 0 : i32
        %while3A_343 = arith.subi %mul3A_340, %while3A_341 : i32
        %while3A_344 = arith.addi %while3A_341, %while3A_343 : i32
        %while3A_345 = arith.constant 1 : i32
        %while3A_346 = arith.divsi %while3A_343, %while3A_345 : i32
        %while3A_347 = arith.muli %while3A_346, %while3A_345 : i32
        %while3A_348 = arith.addi %while3A_341, %while3A_347 : i32
        %while3A_349 = arith.constant 1 : i32
        %while3A_350 = scf.for %while3A_364 = %while3A_341 to %while3A_348 step %while3A_349 iter_args(%while3A_365 = %while3A_342) -> (i32)  : i32 {
          %mul3A_366 = arith.constant 64 : i32
          %mul3A_367 = arith.muli %mul3A_327, %mul3A_366 : i32
          %add3A_368 = arith.constant 8192 : i32
          %add3A_369 = arith.addi %add3A_368, %mul3A_367 : i32
          %add3A_370 = arith.addi %add3A_369, %while3A_364 : i32
          %get3A = arith.index_cast %add3A_370 : i32 to index
          %get3A_371 = tpu.vector_load %arg9[%get3A] {strides = array<i32>} : memref<10304xi32, #tpu.memory_space<vmem>>, vector<16xi32>,
          %slice3A = vector.extract_strided_slice %get3A_371 {offsets = [0], sizes = [1], strides = [1]} : vector<16xi32> to vector<1xi32>
          %squeeze3A = vector.extract %slice3A[0] : i32 from vector<1xi32>
          %rem3A_372 = arith.constant 512 : i32
          %rem3A_373 = arith.remsi %squeeze3A, %rem3A_372 : i32
          %parallel_loop3A = arith.constant 0 : i32
          %parallel_loop3A_374 = arith.constant 12 : i32
          %parallel_loop3A_375 = arith.constant 1 : i32
          scf.for %parallel_loop3A_377 = %parallel_loop3A to %parallel_loop3A_374 step %parallel_loop3A_375  : i32 {
            %parallel_loop3A_378 = arith.constant 32 : i32
            %parallel_loop3A_379 = arith.muli %parallel_loop3A_377, %parallel_loop3A_378 : i32
            %parallel_loop3A_380 = arith.index_cast %rem3A_373 : i32 to index
            %parallel_loop3A_381 = arith.index_cast %parallel_loop3A_379 : i32 to index
            %parallel_loop3A_382 = tpu.vector_load %arg8[%parallel_loop3A_380, %parallel_loop3A_381] {strides = array<i32>} : memref<321x384xbf16, #tpu.memory_space<vmem>>, vector<32xbf16>,
            %parallel_loop3A_383 = arith.index_cast %while3A_364 : i32 to index
            %parallel_loop3A_384 = arith.index_cast %parallel_loop3A_379 : i32 to index
            %parallel_loop3A_385 = tpu.vector_load %arg14[%parallel_loop3A_383, %parallel_loop3A_384] {strides = array<i32>} : memref<64x384xbf16, #tpu.memory_space<vmem>>, vector<32xbf16>,
            %parallel_loop3A_386 = arith.maximumf %parallel_loop3A_382, %parallel_loop3A_385 : vector<32xbf16>
            %parallel_loop3A_387 = arith.index_cast %rem3A_373 : i32 to index
            %parallel_loop3A_388 = arith.index_cast %parallel_loop3A_379 : i32 to index
            %parallel_loop3A_389 = tpu.vector_load %arg8[%parallel_loop3A_387, %parallel_loop3A_388] {strides = array<i32>} : memref<321x384xbf16, #tpu.memory_space<vmem>>, vector<32xbf16>,
            tpu.vector_store %arg8[%parallel_loop3A_387, %parallel_loop3A_388], %parallel_loop3A_386 {strides = array<i32>} : memref<321x384xbf16, #tpu.memory_space<vmem>>, vector<32xbf16>,
          } {sc.loop_unroll_factor = 12 : i64, sc.parallel_access}
          %while3A_376 = arith.constant 0 : i32
          scf.yield %while3A_376 : i32
        }
        %while3A_351 = arith.constant 1 : i32
        %while3A_352 = scf.for %while3A_364 = %while3A_348 to %while3A_344 step %while3A_351 iter_args(%while3A_365 = %while3A_350) -> (i32)  : i32 {
          %mul3A_366 = arith.constant 64 : i32
          %mul3A_367 = arith.muli %mul3A_327, %mul3A_366 : i32
          %add3A_368 = arith.constant 8192 : i32
          %add3A_369 = arith.addi %add3A_368, %mul3A_367 : i32
          %add3A_370 = arith.addi %add3A_369, %while3A_364 : i32
          %get3A = arith.index_cast %add3A_370 : i32 to index
          %get3A_371 = tpu.vector_load %arg9[%get3A] {strides = array<i32>} : memref<10304xi32, #tpu.memory_space<vmem>>, vector<16xi32>,
          %slice3A = vector.extract_strided_slice %get3A_371 {offsets = [0], sizes = [1], strides = [1]} : vector<16xi32> to vector<1xi32>
          %squeeze3A = vector.extract %slice3A[0] : i32 from vector<1xi32>
          %rem3A_372 = arith.constant 512 : i32
          %rem3A_373 = arith.remsi %squeeze3A, %rem3A_372 : i32
          %parallel_loop3A = arith.constant 0 : i32
          %parallel_loop3A_374 = arith.constant 12 : i32
          %parallel_loop3A_375 = arith.constant 1 : i32
          scf.for %parallel_loop3A_377 = %parallel_loop3A to %parallel_loop3A_374 step %parallel_loop3A_375  : i32 {
            %parallel_loop3A_378 = arith.constant 32 : i32
            %parallel_loop3A_379 = arith.muli %parallel_loop3A_377, %parallel_loop3A_378 : i32
            %parallel_loop3A_380 = arith.index_cast %rem3A_373 : i32 to index
            %parallel_loop3A_381 = arith.index_cast %parallel_loop3A_379 : i32 to index
            %parallel_loop3A_382 = tpu.vector_load %arg8[%parallel_loop3A_380, %parallel_loop3A_381] {strides = array<i32>} : memref<321x384xbf16, #tpu.memory_space<vmem>>, vector<32xbf16>,
            %parallel_loop3A_383 = arith.index_cast %while3A_364 : i32 to index
            %parallel_loop3A_384 = arith.index_cast %parallel_loop3A_379 : i32 to index
            %parallel_loop3A_385 = tpu.vector_load %arg14[%parallel_loop3A_383, %parallel_loop3A_384] {strides = array<i32>} : memref<64x384xbf16, #tpu.memory_space<vmem>>, vector<32xbf16>,
            %parallel_loop3A_386 = arith.maximumf %parallel_loop3A_382, %parallel_loop3A_385 : vector<32xbf16>
            %parallel_loop3A_387 = arith.index_cast %rem3A_373 : i32 to index
            %parallel_loop3A_388 = arith.index_cast %parallel_loop3A_379 : i32 to index
            %parallel_loop3A_389 = tpu.vector_load %arg8[%parallel_loop3A_387, %parallel_loop3A_388] {strides = array<i32>} : memref<321x384xbf16, #tpu.memory_space<vmem>>, vector<32xbf16>,
            tpu.vector_store %arg8[%parallel_loop3A_387, %parallel_loop3A_388], %parallel_loop3A_386 {strides = array<i32>} : memref<321x384xbf16, #tpu.memory_space<vmem>>, vector<32xbf16>,
          } {sc.loop_unroll_factor = 12 : i64, sc.parallel_access}
          %while3A_376 = arith.constant 0 : i32
          scf.yield %while3A_376 : i32
        }
        %add3A_353 = arith.constant 2 : i32
        %add3A_354 = arith.addi %mul3A_327, %add3A_353 : i32
        %lt3A_355 = arith.cmpi slt, %add3A_354, %select_n3A_279 : i32
        %convert_element_type3A_356 = arith.extui %lt3A_355 : i1 to i32
        %cond3A_357 = arith.constant 0 : i32
        %cond3A_358 = arith.cmpi ne, %convert_element_type3A_356, %cond3A_357 : i32
        scf.if %cond3A_358 {
          %add3A_364 = arith.constant 2 : i32
          %add3A_365 = arith.addi %mul3A_327, %add3A_364 : i32
          %scan3A_366 = arith.constant 0 : i32
          %scan3A_367 = arith.constant 0 : i32
          %scan3A_368 = arith.constant 4 : i32
          %scan3A_369 = arith.addi %scan3A_367, %scan3A_368 : i32
          %scan3A_370 = arith.constant 1 : i32
          %scan3A_371 = scf.for %scan3A_376 = %scan3A_367 to %scan3A_369 step %scan3A_370 iter_args(%scan3A_377 = %scan3A_366) -> (i32)  : i32 {
            %mul3A_378 = arith.constant 64 : i32
            %mul3A_379 = arith.muli %add3A_365, %mul3A_378 : i32
            %add3A_380 = arith.constant 8192 : i32
            %add3A_381 = arith.addi %add3A_380, %mul3A_379 : i32
            %mul3A_382 = arith.constant 16 : i32
            %mul3A_383 = arith.muli %scan3A_376, %mul3A_382 : i32
            %add3A_384 = arith.addi %add3A_381, %mul3A_383 : i32
            %get3A = arith.index_cast %add3A_384 : i32 to index
            %get3A_385 = tpu.vector_load %arg9[%get3A] {strides = array<i32>} : memref<10304xi32, #tpu.memory_space<vmem>>, vector<16xi32>,
            %shift_right_arithmetic3A = arith.constant 9 : i32
            %shift_right_arithmetic3A_386 = vector.broadcast %shift_right_arithmetic3A : i32 to vector<16xi32>
            %shift_right_arithmetic3A_387 = arith.shrsi %get3A_385, %shift_right_arithmetic3A_386 : vector<16xi32>
            %mul3A_388 = arith.constant 16 : i32
            %mul3A_389 = arith.muli %scan3A_376, %mul3A_388 : i32
            %swap3A = arith.index_cast %mul3A_389 : i32 to index
            %swap3A_390 = tpu.vector_load %arg16[%swap3A] {strides = array<i32>} : memref<64xi32, #tpu.memory_space<vmem>>, vector<16xi32>,
            tpu.vector_store %arg16[%swap3A], %shift_right_arithmetic3A_387 {strides = array<i32>} : memref<64xi32, #tpu.memory_space<vmem>>, vector<16xi32>,
            %scan3A_391 = arith.constant 0 : i32
            scf.yield %scan3A_391 : i32
          }
          %scan3A_372 = arith.constant 4 : i32
          %dma_start3A_373 = arith.constant 0 : i32
          %dma_start3A_374 = arith.constant 0 : i32
          %dma_start3A_375 = tpu.memref_slice %arg3[%dma_start3A_373, %dma_start3A_374] : memref<10240x384xbf16, #tpu.memory_space<hbm>> -> memref<10240x384xbf16, #tpu.memory_space<hbm>>
          tpu.enqueue_indirect_dma source(%dma_start3A_375 : memref<10240x384xbf16, #tpu.memory_space<hbm>>) target(%arg14 : memref<64x384xbf16, #tpu.memory_space<vmem>>) offsets(%arg16 : memref<64xi32, #tpu.memory_space<vmem>>) semaphore(%arg18 : memref<!tpu.dma_semaphore, #tpu.memory_space<semaphore_mem>>)
        } else {
        }
        %lt3A_359 = arith.cmpi slt, %add3A_329, %select_n3A_279 : i32
        %convert_element_type3A_360 = arith.extui %lt3A_359 : i1 to i32
        %cond3A_361 = arith.constant 0 : i32
        %cond3A_362 = arith.cmpi ne, %convert_element_type3A_360, %cond3A_361 : i32
        scf.if %cond3A_362 {
          %dma_wait3A_364 = arith.constant 0 : i32
          %dma_wait3A_365 = arith.constant 0 : i32
          %dma_wait3A_366 = tpu.memref_slice %arg3[%dma_wait3A_364, %dma_wait3A_365] : memref<10240x384xbf16, #tpu.memory_space<hbm>> -> memref<10240x384xbf16, #tpu.memory_space<hbm>>
          tpu.wait_indirect_dma semaphore(%arg19 : memref<!tpu.dma_semaphore, #tpu.memory_space<semaphore_mem>>) src(%dma_wait3A_366 : memref<10240x384xbf16, #tpu.memory_space<hbm>>) dst(%arg15 : memref<64x384xbf16, #tpu.memory_space<vmem>>)
          %mul3A_367 = arith.constant 4 : i32
          %mul3A_368 = arith.muli %add3A_329, %mul3A_367 : i32
          %sub3A_369 = arith.subi %select_n3A_251, %mul3A_368 : i32
          %min3A_370 = arith.constant 4 : i32
          %min3A_371 = arith.minsi %sub3A_369, %min3A_370 : i32
          %mul3A_372 = arith.constant 16 : i32
          %mul3A_373 = arith.muli %min3A_371, %mul3A_372 : i32
          %while3A_374 = arith.constant 0 : i32
          %while3A_375 = arith.constant 0 : i32
          %while3A_376 = arith.subi %mul3A_373, %while3A_374 : i32
          %while3A_377 = arith.addi %while3A_374, %while3A_376 : i32
          %while3A_378 = arith.constant 1 : i32
          %while3A_379 = arith.divsi %while3A_376, %while3A_378 : i32
          %while3A_380 = arith.muli %while3A_379, %while3A_378 : i32
          %while3A_381 = arith.addi %while3A_374, %while3A_380 : i32
          %while3A_382 = arith.constant 1 : i32
          %while3A_383 = scf.for %while3A_386 = %while3A_374 to %while3A_381 step %while3A_382 iter_args(%while3A_387 = %while3A_375) -> (i32)  : i32 {
            %mul3A_388 = arith.constant 64 : i32
            %mul3A_389 = arith.muli %add3A_329, %mul3A_388 : i32
            %add3A_390 = arith.constant 8192 : i32
            %add3A_391 = arith.addi %add3A_390, %mul3A_389 : i32
            %add3A_392 = arith.addi %add3A_391, %while3A_386 : i32
            %get3A = arith.index_cast %add3A_392 : i32 to index
            %get3A_393 = tpu.vector_load %arg9[%get3A] {strides = array<i32>} : memref<10304xi32, #tpu.memory_space<vmem>>, vector<16xi32>,
            %slice3A = vector.extract_strided_slice %get3A_393 {offsets = [0], sizes = [1], strides = [1]} : vector<16xi32> to vector<1xi32>
            %squeeze3A = vector.extract %slice3A[0] : i32 from vector<1xi32>
            %rem3A_394 = arith.constant 512 : i32
            %rem3A_395 = arith.remsi %squeeze3A, %rem3A_394 : i32
            %parallel_loop3A = arith.constant 0 : i32
            %parallel_loop3A_396 = arith.constant 12 : i32
            %parallel_loop3A_397 = arith.constant 1 : i32
            scf.for %parallel_loop3A_399 = %parallel_loop3A to %parallel_loop3A_396 step %parallel_loop3A_397  : i32 {
              %parallel_loop3A_400 = arith.constant 32 : i32
              %parallel_loop3A_401 = arith.muli %parallel_loop3A_399, %parallel_loop3A_400 : i32
              %parallel_loop3A_402 = arith.index_cast %rem3A_395 : i32 to index
              %parallel_loop3A_403 = arith.index_cast %parallel_loop3A_401 : i32 to index
              %parallel_loop3A_404 = tpu.vector_load %arg8[%parallel_loop3A_402, %parallel_loop3A_403] {strides = array<i32>} : memref<321x384xbf16, #tpu.memory_space<vmem>>, vector<32xbf16>,
              %parallel_loop3A_405 = arith.index_cast %while3A_386 : i32 to index
              %parallel_loop3A_406 = arith.index_cast %parallel_loop3A_401 : i32 to index
              %parallel_loop3A_407 = tpu.vector_load %arg15[%parallel_loop3A_405, %parallel_loop3A_406] {strides = array<i32>} : memref<64x384xbf16, #tpu.memory_space<vmem>>, vector<32xbf16>,
              %parallel_loop3A_408 = arith.maximumf %parallel_loop3A_404, %parallel_loop3A_407 : vector<32xbf16>
              %parallel_loop3A_409 = arith.index_cast %rem3A_395 : i32 to index
              %parallel_loop3A_410 = arith.index_cast %parallel_loop3A_401 : i32 to index
              %parallel_loop3A_411 = tpu.vector_load %arg8[%parallel_loop3A_409, %parallel_loop3A_410] {strides = array<i32>} : memref<321x384xbf16, #tpu.memory_space<vmem>>, vector<32xbf16>,
              tpu.vector_store %arg8[%parallel_loop3A_409, %parallel_loop3A_410], %parallel_loop3A_408 {strides = array<i32>} : memref<321x384xbf16, #tpu.memory_space<vmem>>, vector<32xbf16>,
            } {sc.loop_unroll_factor = 12 : i64, sc.parallel_access}
            %while3A_398 = arith.constant 0 : i32
            scf.yield %while3A_398 : i32
          }
          %while3A_384 = arith.constant 1 : i32
          %while3A_385 = scf.for %while3A_386 = %while3A_381 to %while3A_377 step %while3A_384 iter_args(%while3A_387 = %while3A_383) -> (i32)  : i32 {
            %mul3A_388 = arith.constant 64 : i32
            %mul3A_389 = arith.muli %add3A_329, %mul3A_388 : i32
            %add3A_390 = arith.constant 8192 : i32
            %add3A_391 = arith.addi %add3A_390, %mul3A_389 : i32
            %add3A_392 = arith.addi %add3A_391, %while3A_386 : i32
            %get3A = arith.index_cast %add3A_392 : i32 to index
            %get3A_393 = tpu.vector_load %arg9[%get3A] {strides = array<i32>} : memref<10304xi32, #tpu.memory_space<vmem>>, vector<16xi32>,
            %slice3A = vector.extract_strided_slice %get3A_393 {offsets = [0], sizes = [1], strides = [1]} : vector<16xi32> to vector<1xi32>
            %squeeze3A = vector.extract %slice3A[0] : i32 from vector<1xi32>
            %rem3A_394 = arith.constant 512 : i32
            %rem3A_395 = arith.remsi %squeeze3A, %rem3A_394 : i32
            %parallel_loop3A = arith.constant 0 : i32
            %parallel_loop3A_396 = arith.constant 12 : i32
            %parallel_loop3A_397 = arith.constant 1 : i32
            scf.for %parallel_loop3A_399 = %parallel_loop3A to %parallel_loop3A_396 step %parallel_loop3A_397  : i32 {
              %parallel_loop3A_400 = arith.constant 32 : i32
              %parallel_loop3A_401 = arith.muli %parallel_loop3A_399, %parallel_loop3A_400 : i32
              %parallel_loop3A_402 = arith.index_cast %rem3A_395 : i32 to index
              %parallel_loop3A_403 = arith.index_cast %parallel_loop3A_401 : i32 to index
              %parallel_loop3A_404 = tpu.vector_load %arg8[%parallel_loop3A_402, %parallel_loop3A_403] {strides = array<i32>} : memref<321x384xbf16, #tpu.memory_space<vmem>>, vector<32xbf16>,
              %parallel_loop3A_405 = arith.index_cast %while3A_386 : i32 to index
              %parallel_loop3A_406 = arith.index_cast %parallel_loop3A_401 : i32 to index
              %parallel_loop3A_407 = tpu.vector_load %arg15[%parallel_loop3A_405, %parallel_loop3A_406] {strides = array<i32>} : memref<64x384xbf16, #tpu.memory_space<vmem>>, vector<32xbf16>,
              %parallel_loop3A_408 = arith.maximumf %parallel_loop3A_404, %parallel_loop3A_407 : vector<32xbf16>
              %parallel_loop3A_409 = arith.index_cast %rem3A_395 : i32 to index
              %parallel_loop3A_410 = arith.index_cast %parallel_loop3A_401 : i32 to index
              %parallel_loop3A_411 = tpu.vector_load %arg8[%parallel_loop3A_409, %parallel_loop3A_410] {strides = array<i32>} : memref<321x384xbf16, #tpu.memory_space<vmem>>, vector<32xbf16>,
              tpu.vector_store %arg8[%parallel_loop3A_409, %parallel_loop3A_410], %parallel_loop3A_408 {strides = array<i32>} : memref<321x384xbf16, #tpu.memory_space<vmem>>, vector<32xbf16>,
            } {sc.loop_unroll_factor = 12 : i64, sc.parallel_access}
            %while3A_398 = arith.constant 0 : i32
            scf.yield %while3A_398 : i32
          }
        } else {
        }
        %while3A_363 = arith.constant 0 : i32
        scf.yield %while3A_363 : i32
      }
      %while3A_321 = arith.constant 1 : i32
      %while3A_322 = scf.for %while3A_324 = %while3A_318 to %while3A_314 step %while3A_321 iter_args(%while3A_325 = %while3A_320) -> (i32)  : i32 {
        %mul3A_326 = arith.constant 2 : i32
        %mul3A_327 = arith.muli %while3A_324, %mul3A_326 : i32
        %add3A_328 = arith.constant 1 : i32
        %add3A_329 = arith.addi %mul3A_327, %add3A_328 : i32
        %lt3A = arith.cmpi slt, %add3A_329, %select_n3A_279 : i32
        %convert_element_type3A_330 = arith.extui %lt3A : i1 to i32
        %cond3A_331 = arith.constant 0 : i32
        %cond3A_332 = arith.cmpi ne, %convert_element_type3A_330, %cond3A_331 : i32
        scf.if %cond3A_332 {
          %scan3A_364 = arith.constant 0 : i32
          %scan3A_365 = arith.constant 0 : i32
          %scan3A_366 = arith.constant 4 : i32
          %scan3A_367 = arith.addi %scan3A_365, %scan3A_366 : i32
          %scan3A_368 = arith.constant 1 : i32
          %scan3A_369 = scf.for %scan3A_374 = %scan3A_365 to %scan3A_367 step %scan3A_368 iter_args(%scan3A_375 = %scan3A_364) -> (i32)  : i32 {
            %mul3A_376 = arith.constant 64 : i32
            %mul3A_377 = arith.muli %add3A_329, %mul3A_376 : i32
            %add3A_378 = arith.constant 8192 : i32
            %add3A_379 = arith.addi %add3A_378, %mul3A_377 : i32
            %mul3A_380 = arith.constant 16 : i32
            %mul3A_381 = arith.muli %scan3A_374, %mul3A_380 : i32
            %add3A_382 = arith.addi %add3A_379, %mul3A_381 : i32
            %get3A = arith.index_cast %add3A_382 : i32 to index
            %get3A_383 = tpu.vector_load %arg9[%get3A] {strides = array<i32>} : memref<10304xi32, #tpu.memory_space<vmem>>, vector<16xi32>,
            %shift_right_arithmetic3A = arith.constant 9 : i32
            %shift_right_arithmetic3A_384 = vector.broadcast %shift_right_arithmetic3A : i32 to vector<16xi32>
            %shift_right_arithmetic3A_385 = arith.shrsi %get3A_383, %shift_right_arithmetic3A_384 : vector<16xi32>
            %mul3A_386 = arith.constant 16 : i32
            %mul3A_387 = arith.muli %scan3A_374, %mul3A_386 : i32
            %swap3A = arith.index_cast %mul3A_387 : i32 to index
            %swap3A_388 = tpu.vector_load %arg17[%swap3A] {strides = array<i32>} : memref<64xi32, #tpu.memory_space<vmem>>, vector<16xi32>,
            tpu.vector_store %arg17[%swap3A], %shift_right_arithmetic3A_385 {strides = array<i32>} : memref<64xi32, #tpu.memory_space<vmem>>, vector<16xi32>,
            %scan3A_389 = arith.constant 0 : i32
            scf.yield %scan3A_389 : i32
          }
          %scan3A_370 = arith.constant 4 : i32
          %dma_start3A_371 = arith.constant 0 : i32
          %dma_start3A_372 = arith.constant 0 : i32
          %dma_start3A_373 = tpu.memref_slice %arg3[%dma_start3A_371, %dma_start3A_372] : memref<10240x384xbf16, #tpu.memory_space<hbm>> -> memref<10240x384xbf16, #tpu.memory_space<hbm>>
          tpu.enqueue_indirect_dma source(%dma_start3A_373 : memref<10240x384xbf16, #tpu.memory_space<hbm>>) target(%arg15 : memref<64x384xbf16, #tpu.memory_space<vmem>>) offsets(%arg17 : memref<64xi32, #tpu.memory_space<vmem>>) semaphore(%arg19 : memref<!tpu.dma_semaphore, #tpu.memory_space<semaphore_mem>>)
        } else {
        }
        %dma_wait3A = arith.constant 0 : i32
        %dma_wait3A_333 = arith.constant 0 : i32
        %dma_wait3A_334 = tpu.memref_slice %arg3[%dma_wait3A, %dma_wait3A_333] : memref<10240x384xbf16, #tpu.memory_space<hbm>> -> memref<10240x384xbf16, #tpu.memory_space<hbm>>
        tpu.wait_indirect_dma semaphore(%arg18 : memref<!tpu.dma_semaphore, #tpu.memory_space<semaphore_mem>>) src(%dma_wait3A_334 : memref<10240x384xbf16, #tpu.memory_space<hbm>>) dst(%arg14 : memref<64x384xbf16, #tpu.memory_space<vmem>>)
        %mul3A_335 = arith.constant 4 : i32
        %mul3A_336 = arith.muli %mul3A_327, %mul3A_335 : i32
        %sub3A_337 = arith.subi %select_n3A_251, %mul3A_336 : i32
        %min3A = arith.constant 4 : i32
        %min3A_338 = arith.minsi %sub3A_337, %min3A : i32
        %mul3A_339 = arith.constant 16 : i32
        %mul3A_340 = arith.muli %min3A_338, %mul3A_339 : i32
        %while3A_341 = arith.constant 0 : i32
        %while3A_342 = arith.constant 0 : i32
        %while3A_343 = arith.subi %mul3A_340, %while3A_341 : i32
        %while3A_344 = arith.addi %while3A_341, %while3A_343 : i32
        %while3A_345 = arith.constant 1 : i32
        %while3A_346 = arith.divsi %while3A_343, %while3A_345 : i32
        %while3A_347 = arith.muli %while3A_346, %while3A_345 : i32
        %while3A_348 = arith.addi %while3A_341, %while3A_347 : i32
        %while3A_349 = arith.constant 1 : i32
        %while3A_350 = scf.for %while3A_364 = %while3A_341 to %while3A_348 step %while3A_349 iter_args(%while3A_365 = %while3A_342) -> (i32)  : i32 {
          %mul3A_366 = arith.constant 64 : i32
          %mul3A_367 = arith.muli %mul3A_327, %mul3A_366 : i32
          %add3A_368 = arith.constant 8192 : i32
          %add3A_369 = arith.addi %add3A_368, %mul3A_367 : i32
          %add3A_370 = arith.addi %add3A_369, %while3A_364 : i32
          %get3A = arith.index_cast %add3A_370 : i32 to index
          %get3A_371 = tpu.vector_load %arg9[%get3A] {strides = array<i32>} : memref<10304xi32, #tpu.memory_space<vmem>>, vector<16xi32>,
          %slice3A = vector.extract_strided_slice %get3A_371 {offsets = [0], sizes = [1], strides = [1]} : vector<16xi32> to vector<1xi32>
          %squeeze3A = vector.extract %slice3A[0] : i32 from vector<1xi32>
          %rem3A_372 = arith.constant 512 : i32
          %rem3A_373 = arith.remsi %squeeze3A, %rem3A_372 : i32
          %parallel_loop3A = arith.constant 0 : i32
          %parallel_loop3A_374 = arith.constant 12 : i32
          %parallel_loop3A_375 = arith.constant 1 : i32
          scf.for %parallel_loop3A_377 = %parallel_loop3A to %parallel_loop3A_374 step %parallel_loop3A_375  : i32 {
            %parallel_loop3A_378 = arith.constant 32 : i32
            %parallel_loop3A_379 = arith.muli %parallel_loop3A_377, %parallel_loop3A_378 : i32
            %parallel_loop3A_380 = arith.index_cast %rem3A_373 : i32 to index
            %parallel_loop3A_381 = arith.index_cast %parallel_loop3A_379 : i32 to index
            %parallel_loop3A_382 = tpu.vector_load %arg8[%parallel_loop3A_380, %parallel_loop3A_381] {strides = array<i32>} : memref<321x384xbf16, #tpu.memory_space<vmem>>, vector<32xbf16>,
            %parallel_loop3A_383 = arith.index_cast %while3A_364 : i32 to index
            %parallel_loop3A_384 = arith.index_cast %parallel_loop3A_379 : i32 to index
            %parallel_loop3A_385 = tpu.vector_load %arg14[%parallel_loop3A_383, %parallel_loop3A_384] {strides = array<i32>} : memref<64x384xbf16, #tpu.memory_space<vmem>>, vector<32xbf16>,
            %parallel_loop3A_386 = arith.maximumf %parallel_loop3A_382, %parallel_loop3A_385 : vector<32xbf16>
            %parallel_loop3A_387 = arith.index_cast %rem3A_373 : i32 to index
            %parallel_loop3A_388 = arith.index_cast %parallel_loop3A_379 : i32 to index
            %parallel_loop3A_389 = tpu.vector_load %arg8[%parallel_loop3A_387, %parallel_loop3A_388] {strides = array<i32>} : memref<321x384xbf16, #tpu.memory_space<vmem>>, vector<32xbf16>,
            tpu.vector_store %arg8[%parallel_loop3A_387, %parallel_loop3A_388], %parallel_loop3A_386 {strides = array<i32>} : memref<321x384xbf16, #tpu.memory_space<vmem>>, vector<32xbf16>,
          } {sc.loop_unroll_factor = 12 : i64, sc.parallel_access}
          %while3A_376 = arith.constant 0 : i32
          scf.yield %while3A_376 : i32
        }
        %while3A_351 = arith.constant 1 : i32
        %while3A_352 = scf.for %while3A_364 = %while3A_348 to %while3A_344 step %while3A_351 iter_args(%while3A_365 = %while3A_350) -> (i32)  : i32 {
          %mul3A_366 = arith.constant 64 : i32
          %mul3A_367 = arith.muli %mul3A_327, %mul3A_366 : i32
          %add3A_368 = arith.constant 8192 : i32
          %add3A_369 = arith.addi %add3A_368, %mul3A_367 : i32
          %add3A_370 = arith.addi %add3A_369, %while3A_364 : i32
          %get3A = arith.index_cast %add3A_370 : i32 to index
          %get3A_371 = tpu.vector_load %arg9[%get3A] {strides = array<i32>} : memref<10304xi32, #tpu.memory_space<vmem>>, vector<16xi32>,
          %slice3A = vector.extract_strided_slice %get3A_371 {offsets = [0], sizes = [1], strides = [1]} : vector<16xi32> to vector<1xi32>
          %squeeze3A = vector.extract %slice3A[0] : i32 from vector<1xi32>
          %rem3A_372 = arith.constant 512 : i32
          %rem3A_373 = arith.remsi %squeeze3A, %rem3A_372 : i32
          %parallel_loop3A = arith.constant 0 : i32
          %parallel_loop3A_374 = arith.constant 12 : i32
          %parallel_loop3A_375 = arith.constant 1 : i32
          scf.for %parallel_loop3A_377 = %parallel_loop3A to %parallel_loop3A_374 step %parallel_loop3A_375  : i32 {
            %parallel_loop3A_378 = arith.constant 32 : i32
            %parallel_loop3A_379 = arith.muli %parallel_loop3A_377, %parallel_loop3A_378 : i32
            %parallel_loop3A_380 = arith.index_cast %rem3A_373 : i32 to index
            %parallel_loop3A_381 = arith.index_cast %parallel_loop3A_379 : i32 to index
            %parallel_loop3A_382 = tpu.vector_load %arg8[%parallel_loop3A_380, %parallel_loop3A_381] {strides = array<i32>} : memref<321x384xbf16, #tpu.memory_space<vmem>>, vector<32xbf16>,
            %parallel_loop3A_383 = arith.index_cast %while3A_364 : i32 to index
            %parallel_loop3A_384 = arith.index_cast %parallel_loop3A_379 : i32 to index
            %parallel_loop3A_385 = tpu.vector_load %arg14[%parallel_loop3A_383, %parallel_loop3A_384] {strides = array<i32>} : memref<64x384xbf16, #tpu.memory_space<vmem>>, vector<32xbf16>,
            %parallel_loop3A_386 = arith.maximumf %parallel_loop3A_382, %parallel_loop3A_385 : vector<32xbf16>
            %parallel_loop3A_387 = arith.index_cast %rem3A_373 : i32 to index
            %parallel_loop3A_388 = arith.index_cast %parallel_loop3A_379 : i32 to index
            %parallel_loop3A_389 = tpu.vector_load %arg8[%parallel_loop3A_387, %parallel_loop3A_388] {strides = array<i32>} : memref<321x384xbf16, #tpu.memory_space<vmem>>, vector<32xbf16>,
            tpu.vector_store %arg8[%parallel_loop3A_387, %parallel_loop3A_388], %parallel_loop3A_386 {strides = array<i32>} : memref<321x384xbf16, #tpu.memory_space<vmem>>, vector<32xbf16>,
          } {sc.loop_unroll_factor = 12 : i64, sc.parallel_access}
          %while3A_376 = arith.constant 0 : i32
          scf.yield %while3A_376 : i32
        }
        %add3A_353 = arith.constant 2 : i32
        %add3A_354 = arith.addi %mul3A_327, %add3A_353 : i32
        %lt3A_355 = arith.cmpi slt, %add3A_354, %select_n3A_279 : i32
        %convert_element_type3A_356 = arith.extui %lt3A_355 : i1 to i32
        %cond3A_357 = arith.constant 0 : i32
        %cond3A_358 = arith.cmpi ne, %convert_element_type3A_356, %cond3A_357 : i32
        scf.if %cond3A_358 {
          %add3A_364 = arith.constant 2 : i32
          %add3A_365 = arith.addi %mul3A_327, %add3A_364 : i32
          %scan3A_366 = arith.constant 0 : i32
          %scan3A_367 = arith.constant 0 : i32
          %scan3A_368 = arith.constant 4 : i32
          %scan3A_369 = arith.addi %scan3A_367, %scan3A_368 : i32
          %scan3A_370 = arith.constant 1 : i32
          %scan3A_371 = scf.for %scan3A_376 = %scan3A_367 to %scan3A_369 step %scan3A_370 iter_args(%scan3A_377 = %scan3A_366) -> (i32)  : i32 {
            %mul3A_378 = arith.constant 64 : i32
            %mul3A_379 = arith.muli %add3A_365, %mul3A_378 : i32
            %add3A_380 = arith.constant 8192 : i32
            %add3A_381 = arith.addi %add3A_380, %mul3A_379 : i32
            %mul3A_382 = arith.constant 16 : i32
            %mul3A_383 = arith.muli %scan3A_376, %mul3A_382 : i32
            %add3A_384 = arith.addi %add3A_381, %mul3A_383 : i32
            %get3A = arith.index_cast %add3A_384 : i32 to index
            %get3A_385 = tpu.vector_load %arg9[%get3A] {strides = array<i32>} : memref<10304xi32, #tpu.memory_space<vmem>>, vector<16xi32>,
            %shift_right_arithmetic3A = arith.constant 9 : i32
            %shift_right_arithmetic3A_386 = vector.broadcast %shift_right_arithmetic3A : i32 to vector<16xi32>
            %shift_right_arithmetic3A_387 = arith.shrsi %get3A_385, %shift_right_arithmetic3A_386 : vector<16xi32>
            %mul3A_388 = arith.constant 16 : i32
            %mul3A_389 = arith.muli %scan3A_376, %mul3A_388 : i32
            %swap3A = arith.index_cast %mul3A_389 : i32 to index
            %swap3A_390 = tpu.vector_load %arg16[%swap3A] {strides = array<i32>} : memref<64xi32, #tpu.memory_space<vmem>>, vector<16xi32>,
            tpu.vector_store %arg16[%swap3A], %shift_right_arithmetic3A_387 {strides = array<i32>} : memref<64xi32, #tpu.memory_space<vmem>>, vector<16xi32>,
            %scan3A_391 = arith.constant 0 : i32
            scf.yield %scan3A_391 : i32
          }
          %scan3A_372 = arith.constant 4 : i32
          %dma_start3A_373 = arith.constant 0 : i32
          %dma_start3A_374 = arith.constant 0 : i32
          %dma_start3A_375 = tpu.memref_slice %arg3[%dma_start3A_373, %dma_start3A_374] : memref<10240x384xbf16, #tpu.memory_space<hbm>> -> memref<10240x384xbf16, #tpu.memory_space<hbm>>
          tpu.enqueue_indirect_dma source(%dma_start3A_375 : memref<10240x384xbf16, #tpu.memory_space<hbm>>) target(%arg14 : memref<64x384xbf16, #tpu.memory_space<vmem>>) offsets(%arg16 : memref<64xi32, #tpu.memory_space<vmem>>) semaphore(%arg18 : memref<!tpu.dma_semaphore, #tpu.memory_space<semaphore_mem>>)
        } else {
        }
        %lt3A_359 = arith.cmpi slt, %add3A_329, %select_n3A_279 : i32
        %convert_element_type3A_360 = arith.extui %lt3A_359 : i1 to i32
        %cond3A_361 = arith.constant 0 : i32
        %cond3A_362 = arith.cmpi ne, %convert_element_type3A_360, %cond3A_361 : i32
        scf.if %cond3A_362 {
          %dma_wait3A_364 = arith.constant 0 : i32
          %dma_wait3A_365 = arith.constant 0 : i32
          %dma_wait3A_366 = tpu.memref_slice %arg3[%dma_wait3A_364, %dma_wait3A_365] : memref<10240x384xbf16, #tpu.memory_space<hbm>> -> memref<10240x384xbf16, #tpu.memory_space<hbm>>
          tpu.wait_indirect_dma semaphore(%arg19 : memref<!tpu.dma_semaphore, #tpu.memory_space<semaphore_mem>>) src(%dma_wait3A_366 : memref<10240x384xbf16, #tpu.memory_space<hbm>>) dst(%arg15 : memref<64x384xbf16, #tpu.memory_space<vmem>>)
          %mul3A_367 = arith.constant 4 : i32
          %mul3A_368 = arith.muli %add3A_329, %mul3A_367 : i32
          %sub3A_369 = arith.subi %select_n3A_251, %mul3A_368 : i32
          %min3A_370 = arith.constant 4 : i32
          %min3A_371 = arith.minsi %sub3A_369, %min3A_370 : i32
          %mul3A_372 = arith.constant 16 : i32
          %mul3A_373 = arith.muli %min3A_371, %mul3A_372 : i32
          %while3A_374 = arith.constant 0 : i32
          %while3A_375 = arith.constant 0 : i32
          %while3A_376 = arith.subi %mul3A_373, %while3A_374 : i32
          %while3A_377 = arith.addi %while3A_374, %while3A_376 : i32
          %while3A_378 = arith.constant 1 : i32
          %while3A_379 = arith.divsi %while3A_376, %while3A_378 : i32
          %while3A_380 = arith.muli %while3A_379, %while3A_378 : i32
          %while3A_381 = arith.addi %while3A_374, %while3A_380 : i32
          %while3A_382 = arith.constant 1 : i32
          %while3A_383 = scf.for %while3A_386 = %while3A_374 to %while3A_381 step %while3A_382 iter_args(%while3A_387 = %while3A_375) -> (i32)  : i32 {
            %mul3A_388 = arith.constant 64 : i32
            %mul3A_389 = arith.muli %add3A_329, %mul3A_388 : i32
            %add3A_390 = arith.constant 8192 : i32
            %add3A_391 = arith.addi %add3A_390, %mul3A_389 : i32
            %add3A_392 = arith.addi %add3A_391, %while3A_386 : i32
            %get3A = arith.index_cast %add3A_392 : i32 to index
            %get3A_393 = tpu.vector_load %arg9[%get3A] {strides = array<i32>} : memref<10304xi32, #tpu.memory_space<vmem>>, vector<16xi32>,
            %slice3A = vector.extract_strided_slice %get3A_393 {offsets = [0], sizes = [1], strides = [1]} : vector<16xi32> to vector<1xi32>
            %squeeze3A = vector.extract %slice3A[0] : i32 from vector<1xi32>
            %rem3A_394 = arith.constant 512 : i32
            %rem3A_395 = arith.remsi %squeeze3A, %rem3A_394 : i32
            %parallel_loop3A = arith.constant 0 : i32
            %parallel_loop3A_396 = arith.constant 12 : i32
            %parallel_loop3A_397 = arith.constant 1 : i32
            scf.for %parallel_loop3A_399 = %parallel_loop3A to %parallel_loop3A_396 step %parallel_loop3A_397  : i32 {
              %parallel_loop3A_400 = arith.constant 32 : i32
              %parallel_loop3A_401 = arith.muli %parallel_loop3A_399, %parallel_loop3A_400 : i32
              %parallel_loop3A_402 = arith.index_cast %rem3A_395 : i32 to index
              %parallel_loop3A_403 = arith.index_cast %parallel_loop3A_401 : i32 to index
              %parallel_loop3A_404 = tpu.vector_load %arg8[%parallel_loop3A_402, %parallel_loop3A_403] {strides = array<i32>} : memref<321x384xbf16, #tpu.memory_space<vmem>>, vector<32xbf16>,
              %parallel_loop3A_405 = arith.index_cast %while3A_386 : i32 to index
              %parallel_loop3A_406 = arith.index_cast %parallel_loop3A_401 : i32 to index
              %parallel_loop3A_407 = tpu.vector_load %arg15[%parallel_loop3A_405, %parallel_loop3A_406] {strides = array<i32>} : memref<64x384xbf16, #tpu.memory_space<vmem>>, vector<32xbf16>,
              %parallel_loop3A_408 = arith.maximumf %parallel_loop3A_404, %parallel_loop3A_407 : vector<32xbf16>
              %parallel_loop3A_409 = arith.index_cast %rem3A_395 : i32 to index
              %parallel_loop3A_410 = arith.index_cast %parallel_loop3A_401 : i32 to index
              %parallel_loop3A_411 = tpu.vector_load %arg8[%parallel_loop3A_409, %parallel_loop3A_410] {strides = array<i32>} : memref<321x384xbf16, #tpu.memory_space<vmem>>, vector<32xbf16>,
              tpu.vector_store %arg8[%parallel_loop3A_409, %parallel_loop3A_410], %parallel_loop3A_408 {strides = array<i32>} : memref<321x384xbf16, #tpu.memory_space<vmem>>, vector<32xbf16>,
            } {sc.loop_unroll_factor = 12 : i64, sc.parallel_access}
            %while3A_398 = arith.constant 0 : i32
            scf.yield %while3A_398 : i32
          }
          %while3A_384 = arith.constant 1 : i32
          %while3A_385 = scf.for %while3A_386 = %while3A_381 to %while3A_377 step %while3A_384 iter_args(%while3A_387 = %while3A_383) -> (i32)  : i32 {
            %mul3A_388 = arith.constant 64 : i32
            %mul3A_389 = arith.muli %add3A_329, %mul3A_388 : i32
            %add3A_390 = arith.constant 8192 : i32
            %add3A_391 = arith.addi %add3A_390, %mul3A_389 : i32
            %add3A_392 = arith.addi %add3A_391, %while3A_386 : i32
            %get3A = arith.index_cast %add3A_392 : i32 to index
            %get3A_393 = tpu.vector_load %arg9[%get3A] {strides = array<i32>} : memref<10304xi32, #tpu.memory_space<vmem>>, vector<16xi32>,
            %slice3A = vector.extract_strided_slice %get3A_393 {offsets = [0], sizes = [1], strides = [1]} : vector<16xi32> to vector<1xi32>
            %squeeze3A = vector.extract %slice3A[0] : i32 from vector<1xi32>
            %rem3A_394 = arith.constant 512 : i32
            %rem3A_395 = arith.remsi %squeeze3A, %rem3A_394 : i32
            %parallel_loop3A = arith.constant 0 : i32
            %parallel_loop3A_396 = arith.constant 12 : i32
            %parallel_loop3A_397 = arith.constant 1 : i32
            scf.for %parallel_loop3A_399 = %parallel_loop3A to %parallel_loop3A_396 step %parallel_loop3A_397  : i32 {
              %parallel_loop3A_400 = arith.constant 32 : i32
              %parallel_loop3A_401 = arith.muli %parallel_loop3A_399, %parallel_loop3A_400 : i32
              %parallel_loop3A_402 = arith.index_cast %rem3A_395 : i32 to index
              %parallel_loop3A_403 = arith.index_cast %parallel_loop3A_401 : i32 to index
              %parallel_loop3A_404 = tpu.vector_load %arg8[%parallel_loop3A_402, %parallel_loop3A_403] {strides = array<i32>} : memref<321x384xbf16, #tpu.memory_space<vmem>>, vector<32xbf16>,
              %parallel_loop3A_405 = arith.index_cast %while3A_386 : i32 to index
              %parallel_loop3A_406 = arith.index_cast %parallel_loop3A_401 : i32 to index
              %parallel_loop3A_407 = tpu.vector_load %arg15[%parallel_loop3A_405, %parallel_loop3A_406] {strides = array<i32>} : memref<64x384xbf16, #tpu.memory_space<vmem>>, vector<32xbf16>,
              %parallel_loop3A_408 = arith.maximumf %parallel_loop3A_404, %parallel_loop3A_407 : vector<32xbf16>
              %parallel_loop3A_409 = arith.index_cast %rem3A_395 : i32 to index
              %parallel_loop3A_410 = arith.index_cast %parallel_loop3A_401 : i32 to index
              %parallel_loop3A_411 = tpu.vector_load %arg8[%parallel_loop3A_409, %parallel_loop3A_410] {strides = array<i32>} : memref<321x384xbf16, #tpu.memory_space<vmem>>, vector<32xbf16>,
              tpu.vector_store %arg8[%parallel_loop3A_409, %parallel_loop3A_410], %parallel_loop3A_408 {strides = array<i32>} : memref<321x384xbf16, #tpu.memory_space<vmem>>, vector<32xbf16>,
            } {sc.loop_unroll_factor = 12 : i64, sc.parallel_access}
            %while3A_398 = arith.constant 0 : i32
            scf.yield %while3A_398 : i32
          }
        } else {
        }
        %while3A_363 = arith.constant 0 : i32
        scf.yield %while3A_363 : i32
      }
      %while3A_323 = arith.constant 0 : i32
      scf.yield %while3A_323 : i32
    }
    %while3A_207 = arith.constant 1 : i32
    %while3A_208 = scf.for %while3A_209 = %while3A_204 to %while3A_200 step %while3A_207 iter_args(%while3A_210 = %while3A_206) -> (i32)  : i32 {
      %mul3A_211 = arith.constant 2000 : i32
      %mul3A_212 = arith.muli %while3A_209, %mul3A_211 : i32
      "tpu.region"() ({
        %run_scoped3A = tpu.sem_alloc : memref<!tpu.dma_semaphore, #tpu.memory_space<semaphore_mem>>
        %dma_start3A_324 = tpu.memref_slice %arg4[%mul3A_212] : memref<160000xi32, #tpu.memory_space<hbm>> -> memref<2000xi32, #tpu.memory_space<hbm>>
        %dma_start3A_325 = tpu.memref_slice %arg4[%mul3A_212] : memref<160000xi32, #tpu.memory_space<hbm>> -> memref<2000xi32, #tpu.memory_space<hbm>>
        tpu.enqueue_dma source(%dma_start3A_325 : memref<2000xi32, #tpu.memory_space<hbm>>) target(%arg10 : memref<2000xi32, #tpu.memory_space<vmem>>) target_semaphore(%run_scoped3A : memref<!tpu.dma_semaphore, #tpu.memory_space<semaphore_mem>>)
        %dma_wait3A = tpu.memref_slice %arg4[%mul3A_212] : memref<160000xi32, #tpu.memory_space<hbm>> -> memref<2000xi32, #tpu.memory_space<hbm>>
        %dma_wait3A_326 = tpu.memref_slice %arg4[%mul3A_212] : memref<160000xi32, #tpu.memory_space<hbm>> -> memref<2000xi32, #tpu.memory_space<hbm>>
        tpu.wait_dma2 semaphore(%run_scoped3A : memref<!tpu.dma_semaphore, #tpu.memory_space<semaphore_mem>>) src(%dma_wait3A_326 : memref<2000xi32, #tpu.memory_space<hbm>>) dst(%arg10 : memref<2000xi32, #tpu.memory_space<vmem>>)
        tpu.yield
      }) : () -> ()
      "tpu.region"() ({
        %run_scoped3A = tpu.sem_alloc : memref<!tpu.dma_semaphore, #tpu.memory_space<semaphore_mem>>
        %dma_start3A_324 = tpu.memref_slice %arg5[%mul3A_212] : memref<160000xi32, #tpu.memory_space<hbm>> -> memref<2000xi32, #tpu.memory_space<hbm>>
        %dma_start3A_325 = tpu.memref_slice %arg5[%mul3A_212] : memref<160000xi32, #tpu.memory_space<hbm>> -> memref<2000xi32, #tpu.memory_space<hbm>>
        tpu.enqueue_dma source(%dma_start3A_325 : memref<2000xi32, #tpu.memory_space<hbm>>) target(%arg11 : memref<2000xi32, #tpu.memory_space<vmem>>) target_semaphore(%run_scoped3A : memref<!tpu.dma_semaphore, #tpu.memory_space<semaphore_mem>>)
        %dma_wait3A = tpu.memref_slice %arg5[%mul3A_212] : memref<160000xi32, #tpu.memory_space<hbm>> -> memref<2000xi32, #tpu.memory_space<hbm>>
        %dma_wait3A_326 = tpu.memref_slice %arg5[%mul3A_212] : memref<160000xi32, #tpu.memory_space<hbm>> -> memref<2000xi32, #tpu.memory_space<hbm>>
        tpu.wait_dma2 semaphore(%run_scoped3A : memref<!tpu.dma_semaphore, #tpu.memory_space<semaphore_mem>>) src(%dma_wait3A_326 : memref<2000xi32, #tpu.memory_space<hbm>>) dst(%arg11 : memref<2000xi32, #tpu.memory_space<vmem>>)
        tpu.yield
      }) : () -> ()
      %scan3A_213 = arith.constant 0 : i32
      %scan3A_214 = arith.constant 0 : i32
      %scan3A_215 = arith.constant 125 : i32
      %scan3A_216 = arith.addi %scan3A_214, %scan3A_215 : i32
      %scan3A_217 = arith.constant 1 : i32
      %scan3A_218 = scf.for %scan3A_324 = %scan3A_214 to %scan3A_216 step %scan3A_217 iter_args(%scan3A_325 = %scan3A_213) -> (i32)  : i32 {
        %mul3A_326 = arith.constant 16 : i32
        %mul3A_327 = arith.muli %scan3A_324, %mul3A_326 : i32
        %get3A = arith.index_cast %mul3A_327 : i32 to index
        %get3A_328 = tpu.vector_load %arg11[%get3A] {strides = array<i32>} : memref<2000xi32, #tpu.memory_space<vmem>>, vector<16xi32>,
        %mul3A_329 = arith.constant 16 : i32
        %mul3A_330 = arith.muli %scan3A_324, %mul3A_329 : i32
        %get3A_331 = arith.index_cast %mul3A_330 : i32 to index
        %get3A_332 = tpu.vector_load %arg10[%get3A_331] {strides = array<i32>} : memref<2000xi32, #tpu.memory_space<vmem>>, vector<16xi32>,
        %sub3A_333 = vector.broadcast %mul3A_2 : i32 to vector<16xi32>
        %sub3A_334 = arith.subi %get3A_328, %sub3A_333 : vector<16xi32>
        %ge3A = arith.constant 0 : i32
        %ge3A_335 = vector.broadcast %ge3A : i32 to vector<16xi32>
        %ge3A_336 = arith.cmpi sge, %sub3A_334, %ge3A_335 : vector<16xi32>
        %lt3A = arith.constant 320 : i32
        %lt3A_337 = vector.broadcast %lt3A : i32 to vector<16xi32>
        %lt3A_338 = arith.cmpi slt, %sub3A_334, %lt3A_337 : vector<16xi32>
        %and3A_339 = arith.andi %ge3A_336, %lt3A_338 : vector<16xi1>
        %jit3A_340 = arith.constant 1 : i32
        %jit3A_341 = arith.constant 0 : i32
        %broadcast_in_dim3A_342 = vector.broadcast %jit3A_340 : i32 to vector<16xi32>
        %broadcast_in_dim3A_343 = vector.broadcast %jit3A_341 : i32 to vector<16xi32>
        %select_n3A_344 = arith.select %and3A_339, %broadcast_in_dim3A_342, %broadcast_in_dim3A_343 : vector<16xi1>, vector<16xi32>
        %broadcast_in_dim3A_345 = arith.constant true
        %broadcast_in_dim3A_346 = vector.broadcast %broadcast_in_dim3A_345 : i1 to vector<16xi1>
        %masked_cumsum3A = tpu.scan <sum>, %select_n3A_344 masked %broadcast_in_dim3A_346 : vector<16xi32>, vector<16xi1> -> vector<16xi32>
        %add3A_347 = arith.constant 8192 : i32
        %add3A_348 = arith.addi %add3A_347, %scan3A_325 : i32
        %sub3A_349 = arith.constant 1 : i32
        %sub3A_350 = arith.subi %add3A_348, %sub3A_349 : i32
        %add3A_351 = vector.broadcast %sub3A_350 : i32 to vector<16xi32>
        %add3A_352 = arith.addi %add3A_351, %masked_cumsum3A : vector<16xi32>
        %mul3A_353 = arith.constant 512 : i32
        %mul3A_354 = vector.broadcast %mul3A_353 : i32 to vector<16xi32>
        %mul3A_355 = arith.muli %get3A_332, %mul3A_354 : vector<16xi32>
        %add3A_356 = arith.addi %mul3A_355, %sub3A_334 : vector<16xi32>
        tpu.vector_store_idx %arg9[%add3A_352], %add3A_356 masked %and3A_339 : memref<10304xi32, #tpu.memory_space<vmem>>[vector<16xi32>], vector<16xi32>, vector<16xi1>
        %slice3A = vector.extract_strided_slice %masked_cumsum3A {offsets = [15], sizes = [1], strides = [1]} : vector<16xi32> to vector<1xi32>
        %squeeze3A = vector.extract %slice3A[0] : i32 from vector<1xi32>
        %add3A_357 = arith.addi %scan3A_325, %squeeze3A : i32
        scf.yield %add3A_357 : i32
      }
      %scan3A_219 = arith.constant 125 : i32
      %add3A_220 = arith.constant 8192 : i32
      %add3A_221 = arith.addi %add3A_220, %scan3A_218 : i32
      %add3A_222 = vector.broadcast %add3A_221 : i32 to vector<16xi32>
      %add3A_223 = arith.addi %add3A_222, %iota3A : vector<16xi32>
      %broadcast_in_dim3A_224 = arith.constant 320 : i32
      %broadcast_in_dim3A_225 = vector.broadcast %broadcast_in_dim3A_224 : i32 to vector<16xi32>
      tpu.vector_store_idx %arg9[%add3A_223], %broadcast_in_dim3A_225 : memref<10304xi32, #tpu.memory_space<vmem>>[vector<16xi32>], vector<16xi32>,
      %add3A_226 = arith.constant 15 : i32
      %add3A_227 = arith.addi %scan3A_218, %add3A_226 : i32
      %jit3A_228 = arith.constant 16 : i32
      %div3A_229 = arith.divsi %add3A_227, %jit3A_228 : i32
      %sign3A_230 = arith.constant 0 : i32
      %sign3A_231 = arith.cmpi sgt, %add3A_227, %sign3A_230 : i32
      %sign3A_232 = arith.extui %sign3A_231 : i1 to i32
      %sign3A_233 = arith.constant 0 : i32
      %sign3A_234 = arith.cmpi slt, %add3A_227, %sign3A_233 : i32
      %sign3A_235 = arith.extui %sign3A_234 : i1 to i32
      %sign3A_236 = arith.subi %sign3A_232, %sign3A_235 : i32
      %sign3A_237 = arith.constant 0 : i32
      %sign3A_238 = arith.cmpi sgt, %jit3A_228, %sign3A_237 : i32
      %sign3A_239 = arith.extui %sign3A_238 : i1 to i32
      %sign3A_240 = arith.constant 0 : i32
      %sign3A_241 = arith.cmpi slt, %jit3A_228, %sign3A_240 : i32
      %sign3A_242 = arith.extui %sign3A_241 : i1 to i32
      %sign3A_243 = arith.subi %sign3A_239, %sign3A_242 : i32
      %ne3A_244 = arith.cmpi ne, %sign3A_236, %sign3A_243 : i32
      %rem3A_245 = arith.remsi %add3A_227, %jit3A_228 : i32
      %ne3A_246 = arith.constant 0 : i32
      %ne3A_247 = arith.cmpi ne, %rem3A_245, %ne3A_246 : i32
      %and3A_248 = arith.andi %ne3A_244, %ne3A_247 : i1
      %sub3A_249 = arith.constant 1 : i32
      %sub3A_250 = arith.subi %div3A_229, %sub3A_249 : i32
      %select_n3A_251 = arith.select %and3A_248, %sub3A_250, %div3A_229 : i32
      %add3A_252 = arith.constant 4 : i32
      %add3A_253 = arith.addi %select_n3A_251, %add3A_252 : i32
      %sub3A_254 = arith.constant 1 : i32
      %sub3A_255 = arith.subi %add3A_253, %sub3A_254 : i32
      %jit3A_256 = arith.constant 4 : i32
      %div3A_257 = arith.divsi %sub3A_255, %jit3A_256 : i32
      %sign3A_258 = arith.constant 0 : i32
      %sign3A_259 = arith.cmpi sgt, %sub3A_255, %sign3A_258 : i32
      %sign3A_260 = arith.extui %sign3A_259 : i1 to i32
      %sign3A_261 = arith.constant 0 : i32
      %sign3A_262 = arith.cmpi slt, %sub3A_255, %sign3A_261 : i32
      %sign3A_263 = arith.extui %sign3A_262 : i1 to i32
      %sign3A_264 = arith.subi %sign3A_260, %sign3A_263 : i32
      %sign3A_265 = arith.constant 0 : i32
      %sign3A_266 = arith.cmpi sgt, %jit3A_256, %sign3A_265 : i32
      %sign3A_267 = arith.extui %sign3A_266 : i1 to i32
      %sign3A_268 = arith.constant 0 : i32
      %sign3A_269 = arith.cmpi slt, %jit3A_256, %sign3A_268 : i32
      %sign3A_270 = arith.extui %sign3A_269 : i1 to i32
      %sign3A_271 = arith.subi %sign3A_267, %sign3A_270 : i32
      %ne3A_272 = arith.cmpi ne, %sign3A_264, %sign3A_271 : i32
      %rem3A_273 = arith.remsi %sub3A_255, %jit3A_256 : i32
      %ne3A_274 = arith.constant 0 : i32
      %ne3A_275 = arith.cmpi ne, %rem3A_273, %ne3A_274 : i32
      %and3A_276 = arith.andi %ne3A_272, %ne3A_275 : i1
      %sub3A_277 = arith.constant 1 : i32
      %sub3A_278 = arith.subi %div3A_257, %sub3A_277 : i32
      %select_n3A_279 = arith.select %and3A_276, %sub3A_278, %div3A_257 : i32
      %gt3A_280 = arith.constant 0 : i32
      %gt3A_281 = arith.cmpi sgt, %select_n3A_279, %gt3A_280 : i32
      %convert_element_type3A_282 = arith.extui %gt3A_281 : i1 to i32
      %cond3A_283 = arith.constant 0 : i32
      %cond3A_284 = arith.cmpi ne, %convert_element_type3A_282, %cond3A_283 : i32
      scf.if %cond3A_284 {
        %scan3A_324 = arith.constant 0 : i32
        %scan3A_325 = arith.constant 0 : i32
        %scan3A_326 = arith.constant 0 : i32
        %scan3A_327 = arith.constant 4 : i32
        %scan3A_328 = arith.addi %scan3A_326, %scan3A_327 : i32
        %scan3A_329 = arith.constant 1 : i32
        %scan3A_330 = scf.for %scan3A_335 = %scan3A_326 to %scan3A_328 step %scan3A_329 iter_args(%scan3A_336 = %scan3A_325) -> (i32)  : i32 {
          %mul3A_337 = arith.constant 64 : i32
          %mul3A_338 = arith.muli %scan3A_324, %mul3A_337 : i32
          %add3A_339 = arith.constant 8192 : i32
          %add3A_340 = arith.addi %add3A_339, %mul3A_338 : i32
          %mul3A_341 = arith.constant 16 : i32
          %mul3A_342 = arith.muli %scan3A_335, %mul3A_341 : i32
          %add3A_343 = arith.addi %add3A_340, %mul3A_342 : i32
          %get3A = arith.index_cast %add3A_343 : i32 to index
          %get3A_344 = tpu.vector_load %arg9[%get3A] {strides = array<i32>} : memref<10304xi32, #tpu.memory_space<vmem>>, vector<16xi32>,
          %shift_right_arithmetic3A = arith.constant 9 : i32
          %shift_right_arithmetic3A_345 = vector.broadcast %shift_right_arithmetic3A : i32 to vector<16xi32>
          %shift_right_arithmetic3A_346 = arith.shrsi %get3A_344, %shift_right_arithmetic3A_345 : vector<16xi32>
          %mul3A_347 = arith.constant 16 : i32
          %mul3A_348 = arith.muli %scan3A_335, %mul3A_347 : i32
          %swap3A = arith.index_cast %mul3A_348 : i32 to index
          %swap3A_349 = tpu.vector_load %arg16[%swap3A] {strides = array<i32>} : memref<64xi32, #tpu.memory_space<vmem>>, vector<16xi32>,
          tpu.vector_store %arg16[%swap3A], %shift_right_arithmetic3A_346 {strides = array<i32>} : memref<64xi32, #tpu.memory_space<vmem>>, vector<16xi32>,
          %scan3A_350 = arith.constant 0 : i32
          scf.yield %scan3A_350 : i32
        }
        %scan3A_331 = arith.constant 4 : i32
        %dma_start3A_332 = arith.constant 0 : i32
        %dma_start3A_333 = arith.constant 0 : i32
        %dma_start3A_334 = tpu.memref_slice %arg3[%dma_start3A_332, %dma_start3A_333] : memref<10240x384xbf16, #tpu.memory_space<hbm>> -> memref<10240x384xbf16, #tpu.memory_space<hbm>>
        tpu.enqueue_indirect_dma source(%dma_start3A_334 : memref<10240x384xbf16, #tpu.memory_space<hbm>>) target(%arg14 : memref<64x384xbf16, #tpu.memory_space<vmem>>) offsets(%arg16 : memref<64xi32, #tpu.memory_space<vmem>>) semaphore(%arg18 : memref<!tpu.dma_semaphore, #tpu.memory_space<semaphore_mem>>)
      } else {
      }
      %add3A_285 = arith.constant 1 : i32
      %add3A_286 = arith.addi %select_n3A_279, %add3A_285 : i32
      %jit3A_287 = arith.constant 2 : i32
      %div3A_288 = arith.divsi %add3A_286, %jit3A_287 : i32
      %sign3A_289 = arith.constant 0 : i32
      %sign3A_290 = arith.cmpi sgt, %add3A_286, %sign3A_289 : i32
      %sign3A_291 = arith.extui %sign3A_290 : i1 to i32
      %sign3A_292 = arith.constant 0 : i32
      %sign3A_293 = arith.cmpi slt, %add3A_286, %sign3A_292 : i32
      %sign3A_294 = arith.extui %sign3A_293 : i1 to i32
      %sign3A_295 = arith.subi %sign3A_291, %sign3A_294 : i32
      %sign3A_296 = arith.constant 0 : i32
      %sign3A_297 = arith.cmpi sgt, %jit3A_287, %sign3A_296 : i32
      %sign3A_298 = arith.extui %sign3A_297 : i1 to i32
      %sign3A_299 = arith.constant 0 : i32
      %sign3A_300 = arith.cmpi slt, %jit3A_287, %sign3A_299 : i32
      %sign3A_301 = arith.extui %sign3A_300 : i1 to i32
      %sign3A_302 = arith.subi %sign3A_298, %sign3A_301 : i32
      %ne3A_303 = arith.cmpi ne, %sign3A_295, %sign3A_302 : i32
      %rem3A_304 = arith.remsi %add3A_286, %jit3A_287 : i32
      %ne3A_305 = arith.constant 0 : i32
      %ne3A_306 = arith.cmpi ne, %rem3A_304, %ne3A_305 : i32
      %and3A_307 = arith.andi %ne3A_303, %ne3A_306 : i1
      %sub3A_308 = arith.constant 1 : i32
      %sub3A_309 = arith.subi %div3A_288, %sub3A_308 : i32
      %select_n3A_310 = arith.select %and3A_307, %sub3A_309, %div3A_288 : i32
      %while3A_311 = arith.constant 0 : i32
      %while3A_312 = arith.constant 0 : i32
      %while3A_313 = arith.subi %select_n3A_310, %while3A_311 : i32
      %while3A_314 = arith.addi %while3A_311, %while3A_313 : i32
      %while3A_315 = arith.constant 1 : i32
      %while3A_316 = arith.divsi %while3A_313, %while3A_315 : i32
      %while3A_317 = arith.muli %while3A_316, %while3A_315 : i32
      %while3A_318 = arith.addi %while3A_311, %while3A_317 : i32
      %while3A_319 = arith.constant 1 : i32
      %while3A_320 = scf.for %while3A_324 = %while3A_311 to %while3A_318 step %while3A_319 iter_args(%while3A_325 = %while3A_312) -> (i32)  : i32 {
        %mul3A_326 = arith.constant 2 : i32
        %mul3A_327 = arith.muli %while3A_324, %mul3A_326 : i32
        %add3A_328 = arith.constant 1 : i32
        %add3A_329 = arith.addi %mul3A_327, %add3A_328 : i32
        %lt3A = arith.cmpi slt, %add3A_329, %select_n3A_279 : i32
        %convert_element_type3A_330 = arith.extui %lt3A : i1 to i32
        %cond3A_331 = arith.constant 0 : i32
        %cond3A_332 = arith.cmpi ne, %convert_element_type3A_330, %cond3A_331 : i32
        scf.if %cond3A_332 {
          %scan3A_364 = arith.constant 0 : i32
          %scan3A_365 = arith.constant 0 : i32
          %scan3A_366 = arith.constant 4 : i32
          %scan3A_367 = arith.addi %scan3A_365, %scan3A_366 : i32
          %scan3A_368 = arith.constant 1 : i32
          %scan3A_369 = scf.for %scan3A_374 = %scan3A_365 to %scan3A_367 step %scan3A_368 iter_args(%scan3A_375 = %scan3A_364) -> (i32)  : i32 {
            %mul3A_376 = arith.constant 64 : i32
            %mul3A_377 = arith.muli %add3A_329, %mul3A_376 : i32
            %add3A_378 = arith.constant 8192 : i32
            %add3A_379 = arith.addi %add3A_378, %mul3A_377 : i32
            %mul3A_380 = arith.constant 16 : i32
            %mul3A_381 = arith.muli %scan3A_374, %mul3A_380 : i32
            %add3A_382 = arith.addi %add3A_379, %mul3A_381 : i32
            %get3A = arith.index_cast %add3A_382 : i32 to index
            %get3A_383 = tpu.vector_load %arg9[%get3A] {strides = array<i32>} : memref<10304xi32, #tpu.memory_space<vmem>>, vector<16xi32>,
            %shift_right_arithmetic3A = arith.constant 9 : i32
            %shift_right_arithmetic3A_384 = vector.broadcast %shift_right_arithmetic3A : i32 to vector<16xi32>
            %shift_right_arithmetic3A_385 = arith.shrsi %get3A_383, %shift_right_arithmetic3A_384 : vector<16xi32>
            %mul3A_386 = arith.constant 16 : i32
            %mul3A_387 = arith.muli %scan3A_374, %mul3A_386 : i32
            %swap3A = arith.index_cast %mul3A_387 : i32 to index
            %swap3A_388 = tpu.vector_load %arg17[%swap3A] {strides = array<i32>} : memref<64xi32, #tpu.memory_space<vmem>>, vector<16xi32>,
            tpu.vector_store %arg17[%swap3A], %shift_right_arithmetic3A_385 {strides = array<i32>} : memref<64xi32, #tpu.memory_space<vmem>>, vector<16xi32>,
            %scan3A_389 = arith.constant 0 : i32
            scf.yield %scan3A_389 : i32
          }
          %scan3A_370 = arith.constant 4 : i32
          %dma_start3A_371 = arith.constant 0 : i32
          %dma_start3A_372 = arith.constant 0 : i32
          %dma_start3A_373 = tpu.memref_slice %arg3[%dma_start3A_371, %dma_start3A_372] : memref<10240x384xbf16, #tpu.memory_space<hbm>> -> memref<10240x384xbf16, #tpu.memory_space<hbm>>
          tpu.enqueue_indirect_dma source(%dma_start3A_373 : memref<10240x384xbf16, #tpu.memory_space<hbm>>) target(%arg15 : memref<64x384xbf16, #tpu.memory_space<vmem>>) offsets(%arg17 : memref<64xi32, #tpu.memory_space<vmem>>) semaphore(%arg19 : memref<!tpu.dma_semaphore, #tpu.memory_space<semaphore_mem>>)
        } else {
        }
        %dma_wait3A = arith.constant 0 : i32
        %dma_wait3A_333 = arith.constant 0 : i32
        %dma_wait3A_334 = tpu.memref_slice %arg3[%dma_wait3A, %dma_wait3A_333] : memref<10240x384xbf16, #tpu.memory_space<hbm>> -> memref<10240x384xbf16, #tpu.memory_space<hbm>>
        tpu.wait_indirect_dma semaphore(%arg18 : memref<!tpu.dma_semaphore, #tpu.memory_space<semaphore_mem>>) src(%dma_wait3A_334 : memref<10240x384xbf16, #tpu.memory_space<hbm>>) dst(%arg14 : memref<64x384xbf16, #tpu.memory_space<vmem>>)
        %mul3A_335 = arith.constant 4 : i32
        %mul3A_336 = arith.muli %mul3A_327, %mul3A_335 : i32
        %sub3A_337 = arith.subi %select_n3A_251, %mul3A_336 : i32
        %min3A = arith.constant 4 : i32
        %min3A_338 = arith.minsi %sub3A_337, %min3A : i32
        %mul3A_339 = arith.constant 16 : i32
        %mul3A_340 = arith.muli %min3A_338, %mul3A_339 : i32
        %while3A_341 = arith.constant 0 : i32
        %while3A_342 = arith.constant 0 : i32
        %while3A_343 = arith.subi %mul3A_340, %while3A_341 : i32
        %while3A_344 = arith.addi %while3A_341, %while3A_343 : i32
        %while3A_345 = arith.constant 1 : i32
        %while3A_346 = arith.divsi %while3A_343, %while3A_345 : i32
        %while3A_347 = arith.muli %while3A_346, %while3A_345 : i32
        %while3A_348 = arith.addi %while3A_341, %while3A_347 : i32
        %while3A_349 = arith.constant 1 : i32
        %while3A_350 = scf.for %while3A_364 = %while3A_341 to %while3A_348 step %while3A_349 iter_args(%while3A_365 = %while3A_342) -> (i32)  : i32 {
          %mul3A_366 = arith.constant 64 : i32
          %mul3A_367 = arith.muli %mul3A_327, %mul3A_366 : i32
          %add3A_368 = arith.constant 8192 : i32
          %add3A_369 = arith.addi %add3A_368, %mul3A_367 : i32
          %add3A_370 = arith.addi %add3A_369, %while3A_364 : i32
          %get3A = arith.index_cast %add3A_370 : i32 to index
          %get3A_371 = tpu.vector_load %arg9[%get3A] {strides = array<i32>} : memref<10304xi32, #tpu.memory_space<vmem>>, vector<16xi32>,
          %slice3A = vector.extract_strided_slice %get3A_371 {offsets = [0], sizes = [1], strides = [1]} : vector<16xi32> to vector<1xi32>
          %squeeze3A = vector.extract %slice3A[0] : i32 from vector<1xi32>
          %rem3A_372 = arith.constant 512 : i32
          %rem3A_373 = arith.remsi %squeeze3A, %rem3A_372 : i32
          %parallel_loop3A = arith.constant 0 : i32
          %parallel_loop3A_374 = arith.constant 12 : i32
          %parallel_loop3A_375 = arith.constant 1 : i32
          scf.for %parallel_loop3A_377 = %parallel_loop3A to %parallel_loop3A_374 step %parallel_loop3A_375  : i32 {
            %parallel_loop3A_378 = arith.constant 32 : i32
            %parallel_loop3A_379 = arith.muli %parallel_loop3A_377, %parallel_loop3A_378 : i32
            %parallel_loop3A_380 = arith.index_cast %rem3A_373 : i32 to index
            %parallel_loop3A_381 = arith.index_cast %parallel_loop3A_379 : i32 to index
            %parallel_loop3A_382 = tpu.vector_load %arg8[%parallel_loop3A_380, %parallel_loop3A_381] {strides = array<i32>} : memref<321x384xbf16, #tpu.memory_space<vmem>>, vector<32xbf16>,
            %parallel_loop3A_383 = arith.index_cast %while3A_364 : i32 to index
            %parallel_loop3A_384 = arith.index_cast %parallel_loop3A_379 : i32 to index
            %parallel_loop3A_385 = tpu.vector_load %arg14[%parallel_loop3A_383, %parallel_loop3A_384] {strides = array<i32>} : memref<64x384xbf16, #tpu.memory_space<vmem>>, vector<32xbf16>,
            %parallel_loop3A_386 = arith.maximumf %parallel_loop3A_382, %parallel_loop3A_385 : vector<32xbf16>
            %parallel_loop3A_387 = arith.index_cast %rem3A_373 : i32 to index
            %parallel_loop3A_388 = arith.index_cast %parallel_loop3A_379 : i32 to index
            %parallel_loop3A_389 = tpu.vector_load %arg8[%parallel_loop3A_387, %parallel_loop3A_388] {strides = array<i32>} : memref<321x384xbf16, #tpu.memory_space<vmem>>, vector<32xbf16>,
            tpu.vector_store %arg8[%parallel_loop3A_387, %parallel_loop3A_388], %parallel_loop3A_386 {strides = array<i32>} : memref<321x384xbf16, #tpu.memory_space<vmem>>, vector<32xbf16>,
          } {sc.loop_unroll_factor = 12 : i64, sc.parallel_access}
          %while3A_376 = arith.constant 0 : i32
          scf.yield %while3A_376 : i32
        }
        %while3A_351 = arith.constant 1 : i32
        %while3A_352 = scf.for %while3A_364 = %while3A_348 to %while3A_344 step %while3A_351 iter_args(%while3A_365 = %while3A_350) -> (i32)  : i32 {
          %mul3A_366 = arith.constant 64 : i32
          %mul3A_367 = arith.muli %mul3A_327, %mul3A_366 : i32
          %add3A_368 = arith.constant 8192 : i32
          %add3A_369 = arith.addi %add3A_368, %mul3A_367 : i32
          %add3A_370 = arith.addi %add3A_369, %while3A_364 : i32
          %get3A = arith.index_cast %add3A_370 : i32 to index
          %get3A_371 = tpu.vector_load %arg9[%get3A] {strides = array<i32>} : memref<10304xi32, #tpu.memory_space<vmem>>, vector<16xi32>,
          %slice3A = vector.extract_strided_slice %get3A_371 {offsets = [0], sizes = [1], strides = [1]} : vector<16xi32> to vector<1xi32>
          %squeeze3A = vector.extract %slice3A[0] : i32 from vector<1xi32>
          %rem3A_372 = arith.constant 512 : i32
          %rem3A_373 = arith.remsi %squeeze3A, %rem3A_372 : i32
          %parallel_loop3A = arith.constant 0 : i32
          %parallel_loop3A_374 = arith.constant 12 : i32
          %parallel_loop3A_375 = arith.constant 1 : i32
          scf.for %parallel_loop3A_377 = %parallel_loop3A to %parallel_loop3A_374 step %parallel_loop3A_375  : i32 {
            %parallel_loop3A_378 = arith.constant 32 : i32
            %parallel_loop3A_379 = arith.muli %parallel_loop3A_377, %parallel_loop3A_378 : i32
            %parallel_loop3A_380 = arith.index_cast %rem3A_373 : i32 to index
            %parallel_loop3A_381 = arith.index_cast %parallel_loop3A_379 : i32 to index
            %parallel_loop3A_382 = tpu.vector_load %arg8[%parallel_loop3A_380, %parallel_loop3A_381] {strides = array<i32>} : memref<321x384xbf16, #tpu.memory_space<vmem>>, vector<32xbf16>,
            %parallel_loop3A_383 = arith.index_cast %while3A_364 : i32 to index
            %parallel_loop3A_384 = arith.index_cast %parallel_loop3A_379 : i32 to index
            %parallel_loop3A_385 = tpu.vector_load %arg14[%parallel_loop3A_383, %parallel_loop3A_384] {strides = array<i32>} : memref<64x384xbf16, #tpu.memory_space<vmem>>, vector<32xbf16>,
            %parallel_loop3A_386 = arith.maximumf %parallel_loop3A_382, %parallel_loop3A_385 : vector<32xbf16>
            %parallel_loop3A_387 = arith.index_cast %rem3A_373 : i32 to index
            %parallel_loop3A_388 = arith.index_cast %parallel_loop3A_379 : i32 to index
            %parallel_loop3A_389 = tpu.vector_load %arg8[%parallel_loop3A_387, %parallel_loop3A_388] {strides = array<i32>} : memref<321x384xbf16, #tpu.memory_space<vmem>>, vector<32xbf16>,
            tpu.vector_store %arg8[%parallel_loop3A_387, %parallel_loop3A_388], %parallel_loop3A_386 {strides = array<i32>} : memref<321x384xbf16, #tpu.memory_space<vmem>>, vector<32xbf16>,
          } {sc.loop_unroll_factor = 12 : i64, sc.parallel_access}
          %while3A_376 = arith.constant 0 : i32
          scf.yield %while3A_376 : i32
        }
        %add3A_353 = arith.constant 2 : i32
        %add3A_354 = arith.addi %mul3A_327, %add3A_353 : i32
        %lt3A_355 = arith.cmpi slt, %add3A_354, %select_n3A_279 : i32
        %convert_element_type3A_356 = arith.extui %lt3A_355 : i1 to i32
        %cond3A_357 = arith.constant 0 : i32
        %cond3A_358 = arith.cmpi ne, %convert_element_type3A_356, %cond3A_357 : i32
        scf.if %cond3A_358 {
          %add3A_364 = arith.constant 2 : i32
          %add3A_365 = arith.addi %mul3A_327, %add3A_364 : i32
          %scan3A_366 = arith.constant 0 : i32
          %scan3A_367 = arith.constant 0 : i32
          %scan3A_368 = arith.constant 4 : i32
          %scan3A_369 = arith.addi %scan3A_367, %scan3A_368 : i32
          %scan3A_370 = arith.constant 1 : i32
          %scan3A_371 = scf.for %scan3A_376 = %scan3A_367 to %scan3A_369 step %scan3A_370 iter_args(%scan3A_377 = %scan3A_366) -> (i32)  : i32 {
            %mul3A_378 = arith.constant 64 : i32
            %mul3A_379 = arith.muli %add3A_365, %mul3A_378 : i32
            %add3A_380 = arith.constant 8192 : i32
            %add3A_381 = arith.addi %add3A_380, %mul3A_379 : i32
            %mul3A_382 = arith.constant 16 : i32
            %mul3A_383 = arith.muli %scan3A_376, %mul3A_382 : i32
            %add3A_384 = arith.addi %add3A_381, %mul3A_383 : i32
            %get3A = arith.index_cast %add3A_384 : i32 to index
            %get3A_385 = tpu.vector_load %arg9[%get3A] {strides = array<i32>} : memref<10304xi32, #tpu.memory_space<vmem>>, vector<16xi32>,
            %shift_right_arithmetic3A = arith.constant 9 : i32
            %shift_right_arithmetic3A_386 = vector.broadcast %shift_right_arithmetic3A : i32 to vector<16xi32>
            %shift_right_arithmetic3A_387 = arith.shrsi %get3A_385, %shift_right_arithmetic3A_386 : vector<16xi32>
            %mul3A_388 = arith.constant 16 : i32
            %mul3A_389 = arith.muli %scan3A_376, %mul3A_388 : i32
            %swap3A = arith.index_cast %mul3A_389 : i32 to index
            %swap3A_390 = tpu.vector_load %arg16[%swap3A] {strides = array<i32>} : memref<64xi32, #tpu.memory_space<vmem>>, vector<16xi32>,
            tpu.vector_store %arg16[%swap3A], %shift_right_arithmetic3A_387 {strides = array<i32>} : memref<64xi32, #tpu.memory_space<vmem>>, vector<16xi32>,
            %scan3A_391 = arith.constant 0 : i32
            scf.yield %scan3A_391 : i32
          }
          %scan3A_372 = arith.constant 4 : i32
          %dma_start3A_373 = arith.constant 0 : i32
          %dma_start3A_374 = arith.constant 0 : i32
          %dma_start3A_375 = tpu.memref_slice %arg3[%dma_start3A_373, %dma_start3A_374] : memref<10240x384xbf16, #tpu.memory_space<hbm>> -> memref<10240x384xbf16, #tpu.memory_space<hbm>>
          tpu.enqueue_indirect_dma source(%dma_start3A_375 : memref<10240x384xbf16, #tpu.memory_space<hbm>>) target(%arg14 : memref<64x384xbf16, #tpu.memory_space<vmem>>) offsets(%arg16 : memref<64xi32, #tpu.memory_space<vmem>>) semaphore(%arg18 : memref<!tpu.dma_semaphore, #tpu.memory_space<semaphore_mem>>)
        } else {
        }
        %lt3A_359 = arith.cmpi slt, %add3A_329, %select_n3A_279 : i32
        %convert_element_type3A_360 = arith.extui %lt3A_359 : i1 to i32
        %cond3A_361 = arith.constant 0 : i32
        %cond3A_362 = arith.cmpi ne, %convert_element_type3A_360, %cond3A_361 : i32
        scf.if %cond3A_362 {
          %dma_wait3A_364 = arith.constant 0 : i32
          %dma_wait3A_365 = arith.constant 0 : i32
          %dma_wait3A_366 = tpu.memref_slice %arg3[%dma_wait3A_364, %dma_wait3A_365] : memref<10240x384xbf16, #tpu.memory_space<hbm>> -> memref<10240x384xbf16, #tpu.memory_space<hbm>>
          tpu.wait_indirect_dma semaphore(%arg19 : memref<!tpu.dma_semaphore, #tpu.memory_space<semaphore_mem>>) src(%dma_wait3A_366 : memref<10240x384xbf16, #tpu.memory_space<hbm>>) dst(%arg15 : memref<64x384xbf16, #tpu.memory_space<vmem>>)
          %mul3A_367 = arith.constant 4 : i32
          %mul3A_368 = arith.muli %add3A_329, %mul3A_367 : i32
          %sub3A_369 = arith.subi %select_n3A_251, %mul3A_368 : i32
          %min3A_370 = arith.constant 4 : i32
          %min3A_371 = arith.minsi %sub3A_369, %min3A_370 : i32
          %mul3A_372 = arith.constant 16 : i32
          %mul3A_373 = arith.muli %min3A_371, %mul3A_372 : i32
          %while3A_374 = arith.constant 0 : i32
          %while3A_375 = arith.constant 0 : i32
          %while3A_376 = arith.subi %mul3A_373, %while3A_374 : i32
          %while3A_377 = arith.addi %while3A_374, %while3A_376 : i32
          %while3A_378 = arith.constant 1 : i32
          %while3A_379 = arith.divsi %while3A_376, %while3A_378 : i32
          %while3A_380 = arith.muli %while3A_379, %while3A_378 : i32
          %while3A_381 = arith.addi %while3A_374, %while3A_380 : i32
          %while3A_382 = arith.constant 1 : i32
          %while3A_383 = scf.for %while3A_386 = %while3A_374 to %while3A_381 step %while3A_382 iter_args(%while3A_387 = %while3A_375) -> (i32)  : i32 {
            %mul3A_388 = arith.constant 64 : i32
            %mul3A_389 = arith.muli %add3A_329, %mul3A_388 : i32
            %add3A_390 = arith.constant 8192 : i32
            %add3A_391 = arith.addi %add3A_390, %mul3A_389 : i32
            %add3A_392 = arith.addi %add3A_391, %while3A_386 : i32
            %get3A = arith.index_cast %add3A_392 : i32 to index
            %get3A_393 = tpu.vector_load %arg9[%get3A] {strides = array<i32>} : memref<10304xi32, #tpu.memory_space<vmem>>, vector<16xi32>,
            %slice3A = vector.extract_strided_slice %get3A_393 {offsets = [0], sizes = [1], strides = [1]} : vector<16xi32> to vector<1xi32>
            %squeeze3A = vector.extract %slice3A[0] : i32 from vector<1xi32>
            %rem3A_394 = arith.constant 512 : i32
            %rem3A_395 = arith.remsi %squeeze3A, %rem3A_394 : i32
            %parallel_loop3A = arith.constant 0 : i32
            %parallel_loop3A_396 = arith.constant 12 : i32
            %parallel_loop3A_397 = arith.constant 1 : i32
            scf.for %parallel_loop3A_399 = %parallel_loop3A to %parallel_loop3A_396 step %parallel_loop3A_397  : i32 {
              %parallel_loop3A_400 = arith.constant 32 : i32
              %parallel_loop3A_401 = arith.muli %parallel_loop3A_399, %parallel_loop3A_400 : i32
              %parallel_loop3A_402 = arith.index_cast %rem3A_395 : i32 to index
              %parallel_loop3A_403 = arith.index_cast %parallel_loop3A_401 : i32 to index
              %parallel_loop3A_404 = tpu.vector_load %arg8[%parallel_loop3A_402, %parallel_loop3A_403] {strides = array<i32>} : memref<321x384xbf16, #tpu.memory_space<vmem>>, vector<32xbf16>,
              %parallel_loop3A_405 = arith.index_cast %while3A_386 : i32 to index
              %parallel_loop3A_406 = arith.index_cast %parallel_loop3A_401 : i32 to index
              %parallel_loop3A_407 = tpu.vector_load %arg15[%parallel_loop3A_405, %parallel_loop3A_406] {strides = array<i32>} : memref<64x384xbf16, #tpu.memory_space<vmem>>, vector<32xbf16>,
              %parallel_loop3A_408 = arith.maximumf %parallel_loop3A_404, %parallel_loop3A_407 : vector<32xbf16>
              %parallel_loop3A_409 = arith.index_cast %rem3A_395 : i32 to index
              %parallel_loop3A_410 = arith.index_cast %parallel_loop3A_401 : i32 to index
              %parallel_loop3A_411 = tpu.vector_load %arg8[%parallel_loop3A_409, %parallel_loop3A_410] {strides = array<i32>} : memref<321x384xbf16, #tpu.memory_space<vmem>>, vector<32xbf16>,
              tpu.vector_store %arg8[%parallel_loop3A_409, %parallel_loop3A_410], %parallel_loop3A_408 {strides = array<i32>} : memref<321x384xbf16, #tpu.memory_space<vmem>>, vector<32xbf16>,
            } {sc.loop_unroll_factor = 12 : i64, sc.parallel_access}
            %while3A_398 = arith.constant 0 : i32
            scf.yield %while3A_398 : i32
          }
          %while3A_384 = arith.constant 1 : i32
          %while3A_385 = scf.for %while3A_386 = %while3A_381 to %while3A_377 step %while3A_384 iter_args(%while3A_387 = %while3A_383) -> (i32)  : i32 {
            %mul3A_388 = arith.constant 64 : i32
            %mul3A_389 = arith.muli %add3A_329, %mul3A_388 : i32
            %add3A_390 = arith.constant 8192 : i32
            %add3A_391 = arith.addi %add3A_390, %mul3A_389 : i32
            %add3A_392 = arith.addi %add3A_391, %while3A_386 : i32
            %get3A = arith.index_cast %add3A_392 : i32 to index
            %get3A_393 = tpu.vector_load %arg9[%get3A] {strides = array<i32>} : memref<10304xi32, #tpu.memory_space<vmem>>, vector<16xi32>,
            %slice3A = vector.extract_strided_slice %get3A_393 {offsets = [0], sizes = [1], strides = [1]} : vector<16xi32> to vector<1xi32>
            %squeeze3A = vector.extract %slice3A[0] : i32 from vector<1xi32>
            %rem3A_394 = arith.constant 512 : i32
            %rem3A_395 = arith.remsi %squeeze3A, %rem3A_394 : i32
            %parallel_loop3A = arith.constant 0 : i32
            %parallel_loop3A_396 = arith.constant 12 : i32
            %parallel_loop3A_397 = arith.constant 1 : i32
            scf.for %parallel_loop3A_399 = %parallel_loop3A to %parallel_loop3A_396 step %parallel_loop3A_397  : i32 {
              %parallel_loop3A_400 = arith.constant 32 : i32
              %parallel_loop3A_401 = arith.muli %parallel_loop3A_399, %parallel_loop3A_400 : i32
              %parallel_loop3A_402 = arith.index_cast %rem3A_395 : i32 to index
              %parallel_loop3A_403 = arith.index_cast %parallel_loop3A_401 : i32 to index
              %parallel_loop3A_404 = tpu.vector_load %arg8[%parallel_loop3A_402, %parallel_loop3A_403] {strides = array<i32>} : memref<321x384xbf16, #tpu.memory_space<vmem>>, vector<32xbf16>,
              %parallel_loop3A_405 = arith.index_cast %while3A_386 : i32 to index
              %parallel_loop3A_406 = arith.index_cast %parallel_loop3A_401 : i32 to index
              %parallel_loop3A_407 = tpu.vector_load %arg15[%parallel_loop3A_405, %parallel_loop3A_406] {strides = array<i32>} : memref<64x384xbf16, #tpu.memory_space<vmem>>, vector<32xbf16>,
              %parallel_loop3A_408 = arith.maximumf %parallel_loop3A_404, %parallel_loop3A_407 : vector<32xbf16>
              %parallel_loop3A_409 = arith.index_cast %rem3A_395 : i32 to index
              %parallel_loop3A_410 = arith.index_cast %parallel_loop3A_401 : i32 to index
              %parallel_loop3A_411 = tpu.vector_load %arg8[%parallel_loop3A_409, %parallel_loop3A_410] {strides = array<i32>} : memref<321x384xbf16, #tpu.memory_space<vmem>>, vector<32xbf16>,
              tpu.vector_store %arg8[%parallel_loop3A_409, %parallel_loop3A_410], %parallel_loop3A_408 {strides = array<i32>} : memref<321x384xbf16, #tpu.memory_space<vmem>>, vector<32xbf16>,
            } {sc.loop_unroll_factor = 12 : i64, sc.parallel_access}
            %while3A_398 = arith.constant 0 : i32
            scf.yield %while3A_398 : i32
          }
        } else {
        }
        %while3A_363 = arith.constant 0 : i32
        scf.yield %while3A_363 : i32
      }
      %while3A_321 = arith.constant 1 : i32
      %while3A_322 = scf.for %while3A_324 = %while3A_318 to %while3A_314 step %while3A_321 iter_args(%while3A_325 = %while3A_320) -> (i32)  : i32 {
        %mul3A_326 = arith.constant 2 : i32
        %mul3A_327 = arith.muli %while3A_324, %mul3A_326 : i32
        %add3A_328 = arith.constant 1 : i32
        %add3A_329 = arith.addi %mul3A_327, %add3A_328 : i32
        %lt3A = arith.cmpi slt, %add3A_329, %select_n3A_279 : i32
        %convert_element_type3A_330 = arith.extui %lt3A : i1 to i32
        %cond3A_331 = arith.constant 0 : i32
        %cond3A_332 = arith.cmpi ne, %convert_element_type3A_330, %cond3A_331 : i32
        scf.if %cond3A_332 {
          %scan3A_364 = arith.constant 0 : i32
          %scan3A_365 = arith.constant 0 : i32
          %scan3A_366 = arith.constant 4 : i32
          %scan3A_367 = arith.addi %scan3A_365, %scan3A_366 : i32
          %scan3A_368 = arith.constant 1 : i32
          %scan3A_369 = scf.for %scan3A_374 = %scan3A_365 to %scan3A_367 step %scan3A_368 iter_args(%scan3A_375 = %scan3A_364) -> (i32)  : i32 {
            %mul3A_376 = arith.constant 64 : i32
            %mul3A_377 = arith.muli %add3A_329, %mul3A_376 : i32
            %add3A_378 = arith.constant 8192 : i32
            %add3A_379 = arith.addi %add3A_378, %mul3A_377 : i32
            %mul3A_380 = arith.constant 16 : i32
            %mul3A_381 = arith.muli %scan3A_374, %mul3A_380 : i32
            %add3A_382 = arith.addi %add3A_379, %mul3A_381 : i32
            %get3A = arith.index_cast %add3A_382 : i32 to index
            %get3A_383 = tpu.vector_load %arg9[%get3A] {strides = array<i32>} : memref<10304xi32, #tpu.memory_space<vmem>>, vector<16xi32>,
            %shift_right_arithmetic3A = arith.constant 9 : i32
            %shift_right_arithmetic3A_384 = vector.broadcast %shift_right_arithmetic3A : i32 to vector<16xi32>
            %shift_right_arithmetic3A_385 = arith.shrsi %get3A_383, %shift_right_arithmetic3A_384 : vector<16xi32>
            %mul3A_386 = arith.constant 16 : i32
            %mul3A_387 = arith.muli %scan3A_374, %mul3A_386 : i32
            %swap3A = arith.index_cast %mul3A_387 : i32 to index
            %swap3A_388 = tpu.vector_load %arg17[%swap3A] {strides = array<i32>} : memref<64xi32, #tpu.memory_space<vmem>>, vector<16xi32>,
            tpu.vector_store %arg17[%swap3A], %shift_right_arithmetic3A_385 {strides = array<i32>} : memref<64xi32, #tpu.memory_space<vmem>>, vector<16xi32>,
            %scan3A_389 = arith.constant 0 : i32
            scf.yield %scan3A_389 : i32
          }
          %scan3A_370 = arith.constant 4 : i32
          %dma_start3A_371 = arith.constant 0 : i32
          %dma_start3A_372 = arith.constant 0 : i32
          %dma_start3A_373 = tpu.memref_slice %arg3[%dma_start3A_371, %dma_start3A_372] : memref<10240x384xbf16, #tpu.memory_space<hbm>> -> memref<10240x384xbf16, #tpu.memory_space<hbm>>
          tpu.enqueue_indirect_dma source(%dma_start3A_373 : memref<10240x384xbf16, #tpu.memory_space<hbm>>) target(%arg15 : memref<64x384xbf16, #tpu.memory_space<vmem>>) offsets(%arg17 : memref<64xi32, #tpu.memory_space<vmem>>) semaphore(%arg19 : memref<!tpu.dma_semaphore, #tpu.memory_space<semaphore_mem>>)
        } else {
        }
        %dma_wait3A = arith.constant 0 : i32
        %dma_wait3A_333 = arith.constant 0 : i32
        %dma_wait3A_334 = tpu.memref_slice %arg3[%dma_wait3A, %dma_wait3A_333] : memref<10240x384xbf16, #tpu.memory_space<hbm>> -> memref<10240x384xbf16, #tpu.memory_space<hbm>>
        tpu.wait_indirect_dma semaphore(%arg18 : memref<!tpu.dma_semaphore, #tpu.memory_space<semaphore_mem>>) src(%dma_wait3A_334 : memref<10240x384xbf16, #tpu.memory_space<hbm>>) dst(%arg14 : memref<64x384xbf16, #tpu.memory_space<vmem>>)
        %mul3A_335 = arith.constant 4 : i32
        %mul3A_336 = arith.muli %mul3A_327, %mul3A_335 : i32
        %sub3A_337 = arith.subi %select_n3A_251, %mul3A_336 : i32
        %min3A = arith.constant 4 : i32
        %min3A_338 = arith.minsi %sub3A_337, %min3A : i32
        %mul3A_339 = arith.constant 16 : i32
        %mul3A_340 = arith.muli %min3A_338, %mul3A_339 : i32
        %while3A_341 = arith.constant 0 : i32
        %while3A_342 = arith.constant 0 : i32
        %while3A_343 = arith.subi %mul3A_340, %while3A_341 : i32
        %while3A_344 = arith.addi %while3A_341, %while3A_343 : i32
        %while3A_345 = arith.constant 1 : i32
        %while3A_346 = arith.divsi %while3A_343, %while3A_345 : i32
        %while3A_347 = arith.muli %while3A_346, %while3A_345 : i32
        %while3A_348 = arith.addi %while3A_341, %while3A_347 : i32
        %while3A_349 = arith.constant 1 : i32
        %while3A_350 = scf.for %while3A_364 = %while3A_341 to %while3A_348 step %while3A_349 iter_args(%while3A_365 = %while3A_342) -> (i32)  : i32 {
          %mul3A_366 = arith.constant 64 : i32
          %mul3A_367 = arith.muli %mul3A_327, %mul3A_366 : i32
          %add3A_368 = arith.constant 8192 : i32
          %add3A_369 = arith.addi %add3A_368, %mul3A_367 : i32
          %add3A_370 = arith.addi %add3A_369, %while3A_364 : i32
          %get3A = arith.index_cast %add3A_370 : i32 to index
          %get3A_371 = tpu.vector_load %arg9[%get3A] {strides = array<i32>} : memref<10304xi32, #tpu.memory_space<vmem>>, vector<16xi32>,
          %slice3A = vector.extract_strided_slice %get3A_371 {offsets = [0], sizes = [1], strides = [1]} : vector<16xi32> to vector<1xi32>
          %squeeze3A = vector.extract %slice3A[0] : i32 from vector<1xi32>
          %rem3A_372 = arith.constant 512 : i32
          %rem3A_373 = arith.remsi %squeeze3A, %rem3A_372 : i32
          %parallel_loop3A = arith.constant 0 : i32
          %parallel_loop3A_374 = arith.constant 12 : i32
          %parallel_loop3A_375 = arith.constant 1 : i32
          scf.for %parallel_loop3A_377 = %parallel_loop3A to %parallel_loop3A_374 step %parallel_loop3A_375  : i32 {
            %parallel_loop3A_378 = arith.constant 32 : i32
            %parallel_loop3A_379 = arith.muli %parallel_loop3A_377, %parallel_loop3A_378 : i32
            %parallel_loop3A_380 = arith.index_cast %rem3A_373 : i32 to index
            %parallel_loop3A_381 = arith.index_cast %parallel_loop3A_379 : i32 to index
            %parallel_loop3A_382 = tpu.vector_load %arg8[%parallel_loop3A_380, %parallel_loop3A_381] {strides = array<i32>} : memref<321x384xbf16, #tpu.memory_space<vmem>>, vector<32xbf16>,
            %parallel_loop3A_383 = arith.index_cast %while3A_364 : i32 to index
            %parallel_loop3A_384 = arith.index_cast %parallel_loop3A_379 : i32 to index
            %parallel_loop3A_385 = tpu.vector_load %arg14[%parallel_loop3A_383, %parallel_loop3A_384] {strides = array<i32>} : memref<64x384xbf16, #tpu.memory_space<vmem>>, vector<32xbf16>,
            %parallel_loop3A_386 = arith.maximumf %parallel_loop3A_382, %parallel_loop3A_385 : vector<32xbf16>
            %parallel_loop3A_387 = arith.index_cast %rem3A_373 : i32 to index
            %parallel_loop3A_388 = arith.index_cast %parallel_loop3A_379 : i32 to index
            %parallel_loop3A_389 = tpu.vector_load %arg8[%parallel_loop3A_387, %parallel_loop3A_388] {strides = array<i32>} : memref<321x384xbf16, #tpu.memory_space<vmem>>, vector<32xbf16>,
            tpu.vector_store %arg8[%parallel_loop3A_387, %parallel_loop3A_388], %parallel_loop3A_386 {strides = array<i32>} : memref<321x384xbf16, #tpu.memory_space<vmem>>, vector<32xbf16>,
          } {sc.loop_unroll_factor = 12 : i64, sc.parallel_access}
          %while3A_376 = arith.constant 0 : i32
          scf.yield %while3A_376 : i32
        }
        %while3A_351 = arith.constant 1 : i32
        %while3A_352 = scf.for %while3A_364 = %while3A_348 to %while3A_344 step %while3A_351 iter_args(%while3A_365 = %while3A_350) -> (i32)  : i32 {
          %mul3A_366 = arith.constant 64 : i32
          %mul3A_367 = arith.muli %mul3A_327, %mul3A_366 : i32
          %add3A_368 = arith.constant 8192 : i32
          %add3A_369 = arith.addi %add3A_368, %mul3A_367 : i32
          %add3A_370 = arith.addi %add3A_369, %while3A_364 : i32
          %get3A = arith.index_cast %add3A_370 : i32 to index
          %get3A_371 = tpu.vector_load %arg9[%get3A] {strides = array<i32>} : memref<10304xi32, #tpu.memory_space<vmem>>, vector<16xi32>,
          %slice3A = vector.extract_strided_slice %get3A_371 {offsets = [0], sizes = [1], strides = [1]} : vector<16xi32> to vector<1xi32>
          %squeeze3A = vector.extract %slice3A[0] : i32 from vector<1xi32>
          %rem3A_372 = arith.constant 512 : i32
          %rem3A_373 = arith.remsi %squeeze3A, %rem3A_372 : i32
          %parallel_loop3A = arith.constant 0 : i32
          %parallel_loop3A_374 = arith.constant 12 : i32
          %parallel_loop3A_375 = arith.constant 1 : i32
          scf.for %parallel_loop3A_377 = %parallel_loop3A to %parallel_loop3A_374 step %parallel_loop3A_375  : i32 {
            %parallel_loop3A_378 = arith.constant 32 : i32
            %parallel_loop3A_379 = arith.muli %parallel_loop3A_377, %parallel_loop3A_378 : i32
            %parallel_loop3A_380 = arith.index_cast %rem3A_373 : i32 to index
            %parallel_loop3A_381 = arith.index_cast %parallel_loop3A_379 : i32 to index
            %parallel_loop3A_382 = tpu.vector_load %arg8[%parallel_loop3A_380, %parallel_loop3A_381] {strides = array<i32>} : memref<321x384xbf16, #tpu.memory_space<vmem>>, vector<32xbf16>,
            %parallel_loop3A_383 = arith.index_cast %while3A_364 : i32 to index
            %parallel_loop3A_384 = arith.index_cast %parallel_loop3A_379 : i32 to index
            %parallel_loop3A_385 = tpu.vector_load %arg14[%parallel_loop3A_383, %parallel_loop3A_384] {strides = array<i32>} : memref<64x384xbf16, #tpu.memory_space<vmem>>, vector<32xbf16>,
            %parallel_loop3A_386 = arith.maximumf %parallel_loop3A_382, %parallel_loop3A_385 : vector<32xbf16>
            %parallel_loop3A_387 = arith.index_cast %rem3A_373 : i32 to index
            %parallel_loop3A_388 = arith.index_cast %parallel_loop3A_379 : i32 to index
            %parallel_loop3A_389 = tpu.vector_load %arg8[%parallel_loop3A_387, %parallel_loop3A_388] {strides = array<i32>} : memref<321x384xbf16, #tpu.memory_space<vmem>>, vector<32xbf16>,
            tpu.vector_store %arg8[%parallel_loop3A_387, %parallel_loop3A_388], %parallel_loop3A_386 {strides = array<i32>} : memref<321x384xbf16, #tpu.memory_space<vmem>>, vector<32xbf16>,
          } {sc.loop_unroll_factor = 12 : i64, sc.parallel_access}
          %while3A_376 = arith.constant 0 : i32
          scf.yield %while3A_376 : i32
        }
        %add3A_353 = arith.constant 2 : i32
        %add3A_354 = arith.addi %mul3A_327, %add3A_353 : i32
        %lt3A_355 = arith.cmpi slt, %add3A_354, %select_n3A_279 : i32
        %convert_element_type3A_356 = arith.extui %lt3A_355 : i1 to i32
        %cond3A_357 = arith.constant 0 : i32
        %cond3A_358 = arith.cmpi ne, %convert_element_type3A_356, %cond3A_357 : i32
        scf.if %cond3A_358 {
          %add3A_364 = arith.constant 2 : i32
          %add3A_365 = arith.addi %mul3A_327, %add3A_364 : i32
          %scan3A_366 = arith.constant 0 : i32
          %scan3A_367 = arith.constant 0 : i32
          %scan3A_368 = arith.constant 4 : i32
          %scan3A_369 = arith.addi %scan3A_367, %scan3A_368 : i32
          %scan3A_370 = arith.constant 1 : i32
          %scan3A_371 = scf.for %scan3A_376 = %scan3A_367 to %scan3A_369 step %scan3A_370 iter_args(%scan3A_377 = %scan3A_366) -> (i32)  : i32 {
            %mul3A_378 = arith.constant 64 : i32
            %mul3A_379 = arith.muli %add3A_365, %mul3A_378 : i32
            %add3A_380 = arith.constant 8192 : i32
            %add3A_381 = arith.addi %add3A_380, %mul3A_379 : i32
            %mul3A_382 = arith.constant 16 : i32
            %mul3A_383 = arith.muli %scan3A_376, %mul3A_382 : i32
            %add3A_384 = arith.addi %add3A_381, %mul3A_383 : i32
            %get3A = arith.index_cast %add3A_384 : i32 to index
            %get3A_385 = tpu.vector_load %arg9[%get3A] {strides = array<i32>} : memref<10304xi32, #tpu.memory_space<vmem>>, vector<16xi32>,
            %shift_right_arithmetic3A = arith.constant 9 : i32
            %shift_right_arithmetic3A_386 = vector.broadcast %shift_right_arithmetic3A : i32 to vector<16xi32>
            %shift_right_arithmetic3A_387 = arith.shrsi %get3A_385, %shift_right_arithmetic3A_386 : vector<16xi32>
            %mul3A_388 = arith.constant 16 : i32
            %mul3A_389 = arith.muli %scan3A_376, %mul3A_388 : i32
            %swap3A = arith.index_cast %mul3A_389 : i32 to index
            %swap3A_390 = tpu.vector_load %arg16[%swap3A] {strides = array<i32>} : memref<64xi32, #tpu.memory_space<vmem>>, vector<16xi32>,
            tpu.vector_store %arg16[%swap3A], %shift_right_arithmetic3A_387 {strides = array<i32>} : memref<64xi32, #tpu.memory_space<vmem>>, vector<16xi32>,
            %scan3A_391 = arith.constant 0 : i32
            scf.yield %scan3A_391 : i32
          }
          %scan3A_372 = arith.constant 4 : i32
          %dma_start3A_373 = arith.constant 0 : i32
          %dma_start3A_374 = arith.constant 0 : i32
          %dma_start3A_375 = tpu.memref_slice %arg3[%dma_start3A_373, %dma_start3A_374] : memref<10240x384xbf16, #tpu.memory_space<hbm>> -> memref<10240x384xbf16, #tpu.memory_space<hbm>>
          tpu.enqueue_indirect_dma source(%dma_start3A_375 : memref<10240x384xbf16, #tpu.memory_space<hbm>>) target(%arg14 : memref<64x384xbf16, #tpu.memory_space<vmem>>) offsets(%arg16 : memref<64xi32, #tpu.memory_space<vmem>>) semaphore(%arg18 : memref<!tpu.dma_semaphore, #tpu.memory_space<semaphore_mem>>)
        } else {
        }
        %lt3A_359 = arith.cmpi slt, %add3A_329, %select_n3A_279 : i32
        %convert_element_type3A_360 = arith.extui %lt3A_359 : i1 to i32
        %cond3A_361 = arith.constant 0 : i32
        %cond3A_362 = arith.cmpi ne, %convert_element_type3A_360, %cond3A_361 : i32
        scf.if %cond3A_362 {
          %dma_wait3A_364 = arith.constant 0 : i32
          %dma_wait3A_365 = arith.constant 0 : i32
          %dma_wait3A_366 = tpu.memref_slice %arg3[%dma_wait3A_364, %dma_wait3A_365] : memref<10240x384xbf16, #tpu.memory_space<hbm>> -> memref<10240x384xbf16, #tpu.memory_space<hbm>>
          tpu.wait_indirect_dma semaphore(%arg19 : memref<!tpu.dma_semaphore, #tpu.memory_space<semaphore_mem>>) src(%dma_wait3A_366 : memref<10240x384xbf16, #tpu.memory_space<hbm>>) dst(%arg15 : memref<64x384xbf16, #tpu.memory_space<vmem>>)
          %mul3A_367 = arith.constant 4 : i32
          %mul3A_368 = arith.muli %add3A_329, %mul3A_367 : i32
          %sub3A_369 = arith.subi %select_n3A_251, %mul3A_368 : i32
          %min3A_370 = arith.constant 4 : i32
          %min3A_371 = arith.minsi %sub3A_369, %min3A_370 : i32
          %mul3A_372 = arith.constant 16 : i32
          %mul3A_373 = arith.muli %min3A_371, %mul3A_372 : i32
          %while3A_374 = arith.constant 0 : i32
          %while3A_375 = arith.constant 0 : i32
          %while3A_376 = arith.subi %mul3A_373, %while3A_374 : i32
          %while3A_377 = arith.addi %while3A_374, %while3A_376 : i32
          %while3A_378 = arith.constant 1 : i32
          %while3A_379 = arith.divsi %while3A_376, %while3A_378 : i32
          %while3A_380 = arith.muli %while3A_379, %while3A_378 : i32
          %while3A_381 = arith.addi %while3A_374, %while3A_380 : i32
          %while3A_382 = arith.constant 1 : i32
          %while3A_383 = scf.for %while3A_386 = %while3A_374 to %while3A_381 step %while3A_382 iter_args(%while3A_387 = %while3A_375) -> (i32)  : i32 {
            %mul3A_388 = arith.constant 64 : i32
            %mul3A_389 = arith.muli %add3A_329, %mul3A_388 : i32
            %add3A_390 = arith.constant 8192 : i32
            %add3A_391 = arith.addi %add3A_390, %mul3A_389 : i32
            %add3A_392 = arith.addi %add3A_391, %while3A_386 : i32
            %get3A = arith.index_cast %add3A_392 : i32 to index
            %get3A_393 = tpu.vector_load %arg9[%get3A] {strides = array<i32>} : memref<10304xi32, #tpu.memory_space<vmem>>, vector<16xi32>,
            %slice3A = vector.extract_strided_slice %get3A_393 {offsets = [0], sizes = [1], strides = [1]} : vector<16xi32> to vector<1xi32>
            %squeeze3A = vector.extract %slice3A[0] : i32 from vector<1xi32>
            %rem3A_394 = arith.constant 512 : i32
            %rem3A_395 = arith.remsi %squeeze3A, %rem3A_394 : i32
            %parallel_loop3A = arith.constant 0 : i32
            %parallel_loop3A_396 = arith.constant 12 : i32
            %parallel_loop3A_397 = arith.constant 1 : i32
            scf.for %parallel_loop3A_399 = %parallel_loop3A to %parallel_loop3A_396 step %parallel_loop3A_397  : i32 {
              %parallel_loop3A_400 = arith.constant 32 : i32
              %parallel_loop3A_401 = arith.muli %parallel_loop3A_399, %parallel_loop3A_400 : i32
              %parallel_loop3A_402 = arith.index_cast %rem3A_395 : i32 to index
              %parallel_loop3A_403 = arith.index_cast %parallel_loop3A_401 : i32 to index
              %parallel_loop3A_404 = tpu.vector_load %arg8[%parallel_loop3A_402, %parallel_loop3A_403] {strides = array<i32>} : memref<321x384xbf16, #tpu.memory_space<vmem>>, vector<32xbf16>,
              %parallel_loop3A_405 = arith.index_cast %while3A_386 : i32 to index
              %parallel_loop3A_406 = arith.index_cast %parallel_loop3A_401 : i32 to index
              %parallel_loop3A_407 = tpu.vector_load %arg15[%parallel_loop3A_405, %parallel_loop3A_406] {strides = array<i32>} : memref<64x384xbf16, #tpu.memory_space<vmem>>, vector<32xbf16>,
              %parallel_loop3A_408 = arith.maximumf %parallel_loop3A_404, %parallel_loop3A_407 : vector<32xbf16>
              %parallel_loop3A_409 = arith.index_cast %rem3A_395 : i32 to index
              %parallel_loop3A_410 = arith.index_cast %parallel_loop3A_401 : i32 to index
              %parallel_loop3A_411 = tpu.vector_load %arg8[%parallel_loop3A_409, %parallel_loop3A_410] {strides = array<i32>} : memref<321x384xbf16, #tpu.memory_space<vmem>>, vector<32xbf16>,
              tpu.vector_store %arg8[%parallel_loop3A_409, %parallel_loop3A_410], %parallel_loop3A_408 {strides = array<i32>} : memref<321x384xbf16, #tpu.memory_space<vmem>>, vector<32xbf16>,
            } {sc.loop_unroll_factor = 12 : i64, sc.parallel_access}
            %while3A_398 = arith.constant 0 : i32
            scf.yield %while3A_398 : i32
          }
          %while3A_384 = arith.constant 1 : i32
          %while3A_385 = scf.for %while3A_386 = %while3A_381 to %while3A_377 step %while3A_384 iter_args(%while3A_387 = %while3A_383) -> (i32)  : i32 {
            %mul3A_388 = arith.constant 64 : i32
            %mul3A_389 = arith.muli %add3A_329, %mul3A_388 : i32
            %add3A_390 = arith.constant 8192 : i32
            %add3A_391 = arith.addi %add3A_390, %mul3A_389 : i32
            %add3A_392 = arith.addi %add3A_391, %while3A_386 : i32
            %get3A = arith.index_cast %add3A_392 : i32 to index
            %get3A_393 = tpu.vector_load %arg9[%get3A] {strides = array<i32>} : memref<10304xi32, #tpu.memory_space<vmem>>, vector<16xi32>,
            %slice3A = vector.extract_strided_slice %get3A_393 {offsets = [0], sizes = [1], strides = [1]} : vector<16xi32> to vector<1xi32>
            %squeeze3A = vector.extract %slice3A[0] : i32 from vector<1xi32>
            %rem3A_394 = arith.constant 512 : i32
            %rem3A_395 = arith.remsi %squeeze3A, %rem3A_394 : i32
            %parallel_loop3A = arith.constant 0 : i32
            %parallel_loop3A_396 = arith.constant 12 : i32
            %parallel_loop3A_397 = arith.constant 1 : i32
            scf.for %parallel_loop3A_399 = %parallel_loop3A to %parallel_loop3A_396 step %parallel_loop3A_397  : i32 {
              %parallel_loop3A_400 = arith.constant 32 : i32
              %parallel_loop3A_401 = arith.muli %parallel_loop3A_399, %parallel_loop3A_400 : i32
              %parallel_loop3A_402 = arith.index_cast %rem3A_395 : i32 to index
              %parallel_loop3A_403 = arith.index_cast %parallel_loop3A_401 : i32 to index
              %parallel_loop3A_404 = tpu.vector_load %arg8[%parallel_loop3A_402, %parallel_loop3A_403] {strides = array<i32>} : memref<321x384xbf16, #tpu.memory_space<vmem>>, vector<32xbf16>,
              %parallel_loop3A_405 = arith.index_cast %while3A_386 : i32 to index
              %parallel_loop3A_406 = arith.index_cast %parallel_loop3A_401 : i32 to index
              %parallel_loop3A_407 = tpu.vector_load %arg15[%parallel_loop3A_405, %parallel_loop3A_406] {strides = array<i32>} : memref<64x384xbf16, #tpu.memory_space<vmem>>, vector<32xbf16>,
              %parallel_loop3A_408 = arith.maximumf %parallel_loop3A_404, %parallel_loop3A_407 : vector<32xbf16>
              %parallel_loop3A_409 = arith.index_cast %rem3A_395 : i32 to index
              %parallel_loop3A_410 = arith.index_cast %parallel_loop3A_401 : i32 to index
              %parallel_loop3A_411 = tpu.vector_load %arg8[%parallel_loop3A_409, %parallel_loop3A_410] {strides = array<i32>} : memref<321x384xbf16, #tpu.memory_space<vmem>>, vector<32xbf16>,
              tpu.vector_store %arg8[%parallel_loop3A_409, %parallel_loop3A_410], %parallel_loop3A_408 {strides = array<i32>} : memref<321x384xbf16, #tpu.memory_space<vmem>>, vector<32xbf16>,
            } {sc.loop_unroll_factor = 12 : i64, sc.parallel_access}
            %while3A_398 = arith.constant 0 : i32
            scf.yield %while3A_398 : i32
          }
        } else {
        }
        %while3A_363 = arith.constant 0 : i32
        scf.yield %while3A_363 : i32
      }
      %while3A_323 = arith.constant 0 : i32
      scf.yield %while3A_323 : i32
    }
    "tpu.region"() ({
      %run_scoped3A = tpu.sem_alloc : memref<!tpu.dma_semaphore, #tpu.memory_space<semaphore_mem>>
      %dma_start3A_209 = arith.constant 0 : i32
      %dma_start3A_210 = arith.constant 0 : i32
      %dma_start3A_211 = tpu.memref_slice %arg8[%dma_start3A_209, %dma_start3A_210] : memref<321x384xbf16, #tpu.memory_space<vmem>> -> memref<320x384xbf16, #tpu.memory_space<vmem>>
      %dma_start3A_212 = arith.constant 0 : i32
      %dma_start3A_213 = tpu.memref_slice %arg7[%mul3A_2, %dma_start3A_212] : memref<10240x384xbf16, #tpu.memory_space<hbm>> -> memref<320x384xbf16, #tpu.memory_space<hbm>>
      %dma_start3A_214 = arith.constant 0 : i32
      %dma_start3A_215 = tpu.memref_slice %arg7[%mul3A_2, %dma_start3A_214] : memref<10240x384xbf16, #tpu.memory_space<hbm>> -> memref<320x384xbf16, #tpu.memory_space<hbm>>
      %dma_start3A_216 = arith.constant 0 : i32
      %dma_start3A_217 = arith.constant 0 : i32
      %dma_start3A_218 = tpu.memref_slice %arg8[%dma_start3A_216, %dma_start3A_217] : memref<321x384xbf16, #tpu.memory_space<vmem>> -> memref<320x384xbf16, #tpu.memory_space<vmem>>
      tpu.enqueue_dma source(%dma_start3A_218 : memref<320x384xbf16, #tpu.memory_space<vmem>>) target(%dma_start3A_215 : memref<320x384xbf16, #tpu.memory_space<hbm>>) target_semaphore(%run_scoped3A : memref<!tpu.dma_semaphore, #tpu.memory_space<semaphore_mem>>)
      %dma_wait3A = arith.constant 0 : i32
      %dma_wait3A_219 = arith.constant 0 : i32
      %dma_wait3A_220 = tpu.memref_slice %arg8[%dma_wait3A, %dma_wait3A_219] : memref<321x384xbf16, #tpu.memory_space<vmem>> -> memref<320x384xbf16, #tpu.memory_space<vmem>>
      %dma_wait3A_221 = arith.constant 0 : i32
      %dma_wait3A_222 = tpu.memref_slice %arg7[%mul3A_2, %dma_wait3A_221] : memref<10240x384xbf16, #tpu.memory_space<hbm>> -> memref<320x384xbf16, #tpu.memory_space<hbm>>
      %dma_wait3A_223 = arith.constant 0 : i32
      %dma_wait3A_224 = tpu.memref_slice %arg7[%mul3A_2, %dma_wait3A_223] : memref<10240x384xbf16, #tpu.memory_space<hbm>> -> memref<320x384xbf16, #tpu.memory_space<hbm>>
      %dma_wait3A_225 = arith.constant 0 : i32
      %dma_wait3A_226 = arith.constant 0 : i32
      %dma_wait3A_227 = tpu.memref_slice %arg8[%dma_wait3A_225, %dma_wait3A_226] : memref<321x384xbf16, #tpu.memory_space<vmem>> -> memref<320x384xbf16, #tpu.memory_space<vmem>>
      tpu.wait_dma2 semaphore(%run_scoped3A : memref<!tpu.dma_semaphore, #tpu.memory_space<semaphore_mem>>) src(%dma_wait3A_227 : memref<320x384xbf16, #tpu.memory_space<vmem>>) dst(%dma_wait3A_224 : memref<320x384xbf16, #tpu.memory_space<hbm>>)
      tpu.yield
    }) : () -> ()
    return
  }
}

module attributes {stable_mosaic.version = 14 : i64} {
  func.func @_lin_body(%arg0: i32, %arg1: memref<1024x256xf32, #tpu.memory_space<vmem>>, %arg2: memref<768x256xf32, #tpu.memory_space<vmem>>, %arg3: memref<1x768xf32, #tpu.memory_space<vmem>>, %arg4: memref<1024x384xbf16, #tpu.memory_space<vmem>>, %arg5: memref<1024x384xbf16, #tpu.memory_space<vmem>>) attributes {dimension_semantics = [#tpu.dimension_semantics<arbitrary>], iteration_bounds = array<i64: 10>, scalar_prefetch = 0 : i64, scratch_operands = 0 : i64, tpu.core_type = #tpu.core_type<tc>, window_params = [{transform_indices = @transform_0, window_bounds = array<i64: 1024, 256>}, {pipeline_mode = #tpu.pipeline_mode<synchronous>, transform_indices = @transform_1, window_bounds = array<i64: 768, 256>}, {pipeline_mode = #tpu.pipeline_mode<synchronous>, transform_indices = @transform_2, window_bounds = array<i64: 1, 768>}, {transform_indices = @transform_3, window_bounds = array<i64: 1024, 384>}, {transform_indices = @transform_4, window_bounds = array<i64: 1024, 384>}]} {
    %get3A = arith.constant 0 : index
    %get3A_0 = arith.constant 0 : index
    %get3A_1 = vector.load %arg1[%get3A, %get3A_0] : memref<1024x256xf32, #tpu.memory_space<vmem>>, vector<1024x256xf32>
    %get3A_2 = arith.constant 0 : index
    %get3A_3 = arith.constant 0 : index
    %get3A_4 = vector.load %arg2[%get3A_2, %get3A_3] : memref<768x256xf32, #tpu.memory_space<vmem>>, vector<768x256xf32>
    %dot_general3A = arith.constant dense<0.000000e+00> : vector<1024x768xf32>
    %dot_general3A_5 = tpu.matmul %get3A_1, %get3A_4, %dot_general3A {dimension_numbers = #tpu.dot_dimension_numbers<[1], [1], [0], [0], [0, 0, 1, 0], [], []>, transpose_lhs_hint = false} : vector<1024x256xf32>, vector<768x256xf32>, vector<1024x768xf32> -> vector<1024x768xf32>
    %get3A_6 = arith.constant 0 : index
    %get3A_7 = arith.constant 0 : index
    %get3A_8 = vector.load %arg3[%get3A_6, %get3A_7] : memref<1x768xf32, #tpu.memory_space<vmem>>, vector<1x768xf32>
    %get3A_9 = vector.shape_cast %get3A_8 : vector<1x768xf32> to vector<768xf32>
    %broadcast_in_dim3A = vector.shape_cast %get3A_9 : vector<768xf32> to vector<1x768xf32>
    %add3A = vector.broadcast %broadcast_in_dim3A : vector<1x768xf32> to vector<1024x768xf32>
    %add3A_10 = arith.addf %dot_general3A_5, %add3A : vector<1024x768xf32>
    %max3A = arith.constant 0.000000e+00 : f32
    %max3A_11 = vector.broadcast %max3A : f32 to vector<1024x768xf32>
    %max3A_12 = arith.maximumf %add3A_10, %max3A_11 : vector<1024x768xf32>
    %slice3A = vector.extract_strided_slice %max3A_12 {offsets = [0, 0], sizes = [1024, 384], strides = [1, 1]} : vector<1024x768xf32> to vector<1024x384xf32>
    %convert_element_type3A = arith.truncf %slice3A : vector<1024x384xf32> to vector<1024x384xbf16>
    %swap3A = arith.constant 0 : index
    %swap3A_13 = arith.constant 0 : index
    %swap3A_14 = vector.load %arg4[%swap3A, %swap3A_13] : memref<1024x384xbf16, #tpu.memory_space<vmem>>, vector<1024x384xbf16>
    tpu.vector_store %arg4[%swap3A, %swap3A_13], %convert_element_type3A {strides = array<i32>} : memref<1024x384xbf16, #tpu.memory_space<vmem>>, vector<1024x384xbf16>,
    %slice3A_15 = vector.extract_strided_slice %max3A_12 {offsets = [0, 384], sizes = [1024, 384], strides = [1, 1]} : vector<1024x768xf32> to vector<1024x384xf32>
    %convert_element_type3A_16 = arith.truncf %slice3A_15 : vector<1024x384xf32> to vector<1024x384xbf16>
    %swap3A_17 = arith.constant 0 : index
    %swap3A_18 = arith.constant 0 : index
    %swap3A_19 = vector.load %arg5[%swap3A_17, %swap3A_18] : memref<1024x384xbf16, #tpu.memory_space<vmem>>, vector<1024x384xbf16>
    tpu.vector_store %arg5[%swap3A_17, %swap3A_18], %convert_element_type3A_16 {strides = array<i32>} : memref<1024x384xbf16, #tpu.memory_space<vmem>>, vector<1024x384xbf16>,
    return
  }
  func.func @transform_0(%arg0: i32) -> (i32, i32) {
    %c0_i32 = arith.constant 0 : i32
    %c0_i32_0 = arith.constant 0 : i32
    return %arg0, %c0_i32 : i32, i32
  }
  func.func @transform_1(%arg0: i32) -> (i32, i32) {
    %c0_i32 = arith.constant 0 : i32
    %c0_i32_0 = arith.constant 0 : i32
    %c0_i32_1 = arith.constant 0 : i32
    return %c0_i32, %c0_i32_0 : i32, i32
  }
  func.func @transform_2(%arg0: i32) -> (i32, i32) {
    %c0_i32 = arith.constant 0 : i32
    %c0_i32_0 = arith.constant 0 : i32
    %c0_i32_1 = arith.constant 0 : i32
    return %c0_i32, %c0_i32_0 : i32, i32
  }
  func.func @transform_3(%arg0: i32) -> (i32, i32) {
    %c0_i32 = arith.constant 0 : i32
    %c0_i32_0 = arith.constant 0 : i32
    return %arg0, %c0_i32 : i32, i32
  }
  func.func @transform_4(%arg0: i32) -> (i32, i32) {
    %c0_i32 = arith.constant 0 : i32
    %c0_i32_0 = arith.constant 0 : i32
    return %arg0, %c0_i32 : i32, i32
  }
}

module attributes {stable_mosaic.version = 14 : i64} {
  func.func @_update_body(%arg0: i32, %arg1: memref<1024x384xbf16, #tpu.memory_space<vmem>>, %arg2: memref<1024x384xbf16, #tpu.memory_space<vmem>>, %arg3: memref<1024x256xf32, #tpu.memory_space<vmem>>, %arg4: memref<2x256x384xf32, #tpu.memory_space<vmem>>, %arg5: memref<256x256xf32, #tpu.memory_space<vmem>>, %arg6: memref<1024x256xf32, #tpu.memory_space<vmem>>) attributes {dimension_semantics = [#tpu.dimension_semantics<arbitrary>], iteration_bounds = array<i64: 10>, scalar_prefetch = 0 : i64, scratch_operands = 0 : i64, tpu.core_type = #tpu.core_type<tc>, window_params = [{transform_indices = @transform_0, window_bounds = array<i64: 1024, 384>}, {transform_indices = @transform_1, window_bounds = array<i64: 1024, 384>}, {transform_indices = @transform_2, window_bounds = array<i64: 1024, 256>}, {pipeline_mode = #tpu.pipeline_mode<synchronous>, transform_indices = @transform_3, window_bounds = array<i64: 2, 256, 384>}, {pipeline_mode = #tpu.pipeline_mode<synchronous>, transform_indices = @transform_4, window_bounds = array<i64: 256, 256>}, {transform_indices = @transform_5, window_bounds = array<i64: 1024, 256>}]} {
    %get3A = arith.constant 0 : index
    %get3A_0 = arith.constant 0 : index
    %get3A_1 = vector.load %arg3[%get3A, %get3A_0] : memref<1024x256xf32, #tpu.memory_space<vmem>>, vector<1024x256xf32>
    %get3A_2 = arith.constant 0 : index
    %get3A_3 = arith.constant 0 : index
    %get3A_4 = vector.load %arg5[%get3A_2, %get3A_3] : memref<256x256xf32, #tpu.memory_space<vmem>>, vector<256x256xf32>
    %dot_general3A = arith.constant dense<0.000000e+00> : vector<1024x256xf32>
    %dot_general3A_5 = tpu.matmul %get3A_1, %get3A_4, %dot_general3A {dimension_numbers = #tpu.dot_dimension_numbers<[1], [1], [0], [0], [0, 0, 1, 0], [], []>, transpose_lhs_hint = false} : vector<1024x256xf32>, vector<256x256xf32>, vector<1024x256xf32> -> vector<1024x256xf32>
    %get3A_6 = arith.constant 0 : index
    %get3A_7 = arith.constant 0 : index
    %get3A_8 = vector.load %arg1[%get3A_6, %get3A_7] : memref<1024x384xbf16, #tpu.memory_space<vmem>>, vector<1024x384xbf16>
    %convert_element_type3A = arith.extf %get3A_8 : vector<1024x384xbf16> to vector<1024x384xf32>
    %get3A_9 = arith.constant 0 : index
    %get3A_10 = arith.constant 0 : index
    %get3A_11 = arith.constant 0 : index
    %get3A_12 = vector.load %arg4[%get3A_9, %get3A_10, %get3A_11] : memref<2x256x384xf32, #tpu.memory_space<vmem>>, vector<1x256x384xf32>
    %get3A_13 = vector.shape_cast %get3A_12 : vector<1x256x384xf32> to vector<256x384xf32>
    %dot_general3A_14 = arith.constant dense<0.000000e+00> : vector<1024x256xf32>
    %dot_general3A_15 = tpu.matmul %convert_element_type3A, %get3A_13, %dot_general3A_14 {dimension_numbers = #tpu.dot_dimension_numbers<[1], [1], [0], [0], [0, 0, 1, 0], [], []>, transpose_lhs_hint = false} : vector<1024x384xf32>, vector<256x384xf32>, vector<1024x256xf32> -> vector<1024x256xf32>
    %add3A = arith.addf %dot_general3A_5, %dot_general3A_15 : vector<1024x256xf32>
    %get3A_16 = arith.constant 0 : index
    %get3A_17 = arith.constant 0 : index
    %get3A_18 = vector.load %arg2[%get3A_16, %get3A_17] : memref<1024x384xbf16, #tpu.memory_space<vmem>>, vector<1024x384xbf16>
    %convert_element_type3A_19 = arith.extf %get3A_18 : vector<1024x384xbf16> to vector<1024x384xf32>
    %get3A_20 = arith.constant 1 : index
    %get3A_21 = arith.constant 0 : index
    %get3A_22 = arith.constant 0 : index
    %get3A_23 = vector.load %arg4[%get3A_20, %get3A_21, %get3A_22] : memref<2x256x384xf32, #tpu.memory_space<vmem>>, vector<1x256x384xf32>
    %get3A_24 = vector.shape_cast %get3A_23 : vector<1x256x384xf32> to vector<256x384xf32>
    %dot_general3A_25 = arith.constant dense<0.000000e+00> : vector<1024x256xf32>
    %dot_general3A_26 = tpu.matmul %convert_element_type3A_19, %get3A_24, %dot_general3A_25 {dimension_numbers = #tpu.dot_dimension_numbers<[1], [1], [0], [0], [0, 0, 1, 0], [], []>, transpose_lhs_hint = false} : vector<1024x384xf32>, vector<256x384xf32>, vector<1024x256xf32> -> vector<1024x256xf32>
    %add3A_27 = arith.addf %add3A, %dot_general3A_26 : vector<1024x256xf32>
    %max3A = arith.constant 0.000000e+00 : f32
    %max3A_28 = vector.broadcast %max3A : f32 to vector<1024x256xf32>
    %max3A_29 = arith.maximumf %add3A_27, %max3A_28 : vector<1024x256xf32>
    %reduce_max3A = arith.constant dense<0xFF800000> : vector<1024xf32>
    %reduce_max3A_30 = vector.multi_reduction <maximumf>, %max3A_29, %reduce_max3A [1] : vector<1024x256xf32> to vector<1024xf32>
    %broadcast_in_dim3A = vector.shape_cast %reduce_max3A_30 : vector<1024xf32> to vector<1024x1xf32>
    %sub3A = vector.broadcast %broadcast_in_dim3A : vector<1024x1xf32> to vector<1024x256xf32>
    %sub3A_31 = arith.subf %max3A_29, %sub3A : vector<1024x256xf32>
    %exp3A = math.exp %sub3A_31 : vector<1024x256xf32>
    %reduce_sum3A = arith.constant dense<0.000000e+00> : vector<1024xf32>
    %reduce_sum3A_32 = vector.multi_reduction <add>, %exp3A, %reduce_sum3A [1] : vector<1024x256xf32> to vector<1024xf32>
    %broadcast_in_dim3A_33 = vector.shape_cast %reduce_sum3A_32 : vector<1024xf32> to vector<1024x1xf32>
    %sub3A_34 = vector.broadcast %broadcast_in_dim3A : vector<1024x1xf32> to vector<1024x256xf32>
    %sub3A_35 = arith.subf %max3A_29, %sub3A_34 : vector<1024x256xf32>
    %log3A = math.log %broadcast_in_dim3A_33 : vector<1024x1xf32>
    %sub3A_36 = vector.broadcast %log3A : vector<1024x1xf32> to vector<1024x256xf32>
    %sub3A_37 = arith.subf %sub3A_35, %sub3A_36 : vector<1024x256xf32>
    %swap3A = arith.constant 0 : index
    %swap3A_38 = arith.constant 0 : index
    %swap3A_39 = vector.load %arg6[%swap3A, %swap3A_38] : memref<1024x256xf32, #tpu.memory_space<vmem>>, vector<1024x256xf32>
    tpu.vector_store %arg6[%swap3A, %swap3A_38], %sub3A_37 {strides = array<i32>} : memref<1024x256xf32, #tpu.memory_space<vmem>>, vector<1024x256xf32>,
    return
  }
  func.func @transform_0(%arg0: i32) -> (i32, i32) {
    %c0_i32 = arith.constant 0 : i32
    %c0_i32_0 = arith.constant 0 : i32
    return %arg0, %c0_i32 : i32, i32
  }
  func.func @transform_1(%arg0: i32) -> (i32, i32) {
    %c0_i32 = arith.constant 0 : i32
    %c0_i32_0 = arith.constant 0 : i32
    return %arg0, %c0_i32 : i32, i32
  }
  func.func @transform_2(%arg0: i32) -> (i32, i32) {
    %c0_i32 = arith.constant 0 : i32
    %c0_i32_0 = arith.constant 0 : i32
    return %arg0, %c0_i32 : i32, i32
  }
  func.func @transform_3(%arg0: i32) -> (i32, i32, i32) {
    %c0_i32 = arith.constant 0 : i32
    %c0_i32_0 = arith.constant 0 : i32
    %c0_i32_1 = arith.constant 0 : i32
    %c0_i32_2 = arith.constant 0 : i32
    return %c0_i32, %c0_i32_0, %c0_i32_1 : i32, i32, i32
  }
  func.func @transform_4(%arg0: i32) -> (i32, i32) {
    %c0_i32 = arith.constant 0 : i32
    %c0_i32_0 = arith.constant 0 : i32
    %c0_i32_1 = arith.constant 0 : i32
    return %c0_i32, %c0_i32_0 : i32, i32
  }
  func.func @transform_5(%arg0: i32) -> (i32, i32) {
    %c0_i32 = arith.constant 0 : i32
    %c0_i32_0 = arith.constant 0 : i32
    return %arg0, %c0_i32 : i32, i32
  }
}

</mosaic_0001>

<sc_bundles>
// kernel: kernel.5.cloned.1.call-start
scs
__scs_entry_jumppad:
0x0: {  	(pc) =	sbr.rel $0x88, $3  }
0x1: {  	(tag) =	ssettag $0x0;
	lr =	simm.s32 $0x1  }
0x2: {  	[smem:$0x3F9C] =	sst lr;
	_ =	strace $0xD0000000  }
0x3: {  	_ = 	snop  }
0x4: {  	_ = 	snop  }
0x5: {  	_ = 	snop  }
0x6: {  	_ = 	snop  }
0x7: {  	_ = 	snop  }
__scs_overlays_trampoline_lowered:
0x8: {  	[smem:$0x3FAB] =	sst s0  }
0x9: {  	[smem:$0x3FAC] =	sst s1  }
0xa: {  	[smem:$0x3FAD] =	sst s2  }
0xb: {  	[smem:$0x3FAE] =	sst s3  }
0xc: {  	[smem:$0x3FAF] =	sst s4  }
0xd: {  	[smem:$0x3FB0] =	sst s5  }
0xe: {  	[smem:$0x3FB1] =	sst s6  }
0xf: {  	[smem:$0x3FB2] =	sst s7  }
0x10: {  	[smem:$0x3FB3] =	sst s8  }
0x11: {  	[smem:$0x3FB4] =	sst s9;
	s0 =	simm.s32 @!p0 $0x0  }
0x12: {  	s1 =	sld [smem:$0x3F9A];
	s0 =	simm.s32 @p0 $0x1  }
0x13: {  	[smem:$0x3FB5] =	sst s0;
	s0 =	simm.s32 @!p1 $0x0  }
0x14: {  	s2 =	sld [smem:$0x3F99];
	s0 =	simm.s32 @p1 $0x1  }
0x15: {  	[smem:$0x3FB6] =	sst s0;
	s0 =	simm.s32 @!p2 $0x0  }
0x16: {  	s3 =	sld [smem:$0x3FDB];
	s0 =	simm.s32 @p2 $0x1  }
0x17: {  	s4 =	simm.s32 $0x1BF5;
	[smem:$0x3FB8] =	sst s0  }
0x18: {  	s0 =	sld [smem:$0x3F9B];
	_ =	swait.ge [sflag:s4], $0x0  }
0x19: {  	s7 =	sld [smem:$0x3F9C]  }
0x1a: {  	s8 =	sadd.s32 $0xFFFFE003, lr  }
0x1b: {  	s9 =	sadd.s32 $0xFFFFFEF7, lr;
	s5 =	simm.s32 $0xFFFFFFFF;
	p2 =	slt.u32 s8, $0xFFFFF086  }
0x1c: {  	p1 =	slt.u32 s9, $0xF7A;
	s5 =	simm.s32 @!p2 $0x0  }
0x1d: {  	s5 =	simm.s32 @p1 $0x1;
	p0 =	seq.s32 s7, s2  }
0x1e: {  	s7 =	smul.u32 @!p0 $0xF7A, s2;
	p2 =	seq.s32 @!p0 s5, $0x0  }
0x1f: {  	s9 =	smul.u32 $0xF7A, s1;
	s8 =	simm.s32 @!p0 $0x1BF5;
	p2 =	por !p2, p0  }
0x20: {  	[sflag:s8] =	ssyncset.s32 @!p0 $0xFFFFF086;
	s6 =	sadd.s32 @!p0 s3, s7;
	s7 =	simm.s32 @!p0 $0x108  }
0x21: {  	s3 =	sadd.s32 s3, s9;
	s6 =	sadd.s32 @!p0 $0x88, s6;
	s7 =	simm.s32 @p2 $0x1082  }
0x22: {  	[simem:s7], [sflag:s8] =	dma.local @!p0 [hbm:s6], $0xF7A  }
0x23: {  	s9 =	sor.u32 $0xD0000000, s2;
	s6 =	simm.s32 $0x108;
	_ =	swait.ge @!p0 [sflag:s8], $0x0  }
0x24: {  	s3 =	sadd.s32 $0x88, s3;
	s6 =	simm.s32 @!p1 $0x1082;
	[sflag:s4] =	ssyncset.s32 $0xFFFFF086  }
0x25: {  	[simem:s6], [sflag:s4] =	dma.local [hbm:s3], $0xF7A  }
0x26: {  	[smem:$0x3F9C] =	sst s1;
	(tag) =	ssettag s2;
	_ =	strace s9  }
0x27: {  	s1 =	sld [smem:$0x3FAC]  }
0x28: {  	s2 =	sld [smem:$0x3FAD]  }
0x29: {  	s4 =	sld [smem:$0x3FAF]  }
0x2a: {  	p0 =	seq.s32 s5, $0x0;
	s5 =	sld [smem:$0x3FB0]  }
0x2b: {  	s6 =	sld [smem:$0x3FB1]  }
0x2c: {  	s7 =	sld [smem:$0x3FB2]  }
0x2d: {  	s3 =	simm.s32 $0x108;
	s8 =	sld [smem:$0x3FB3]  }
0x2e: {  	s3 =	simm.s32 @!p0 $0x1082;
	s9 =	sld [smem:$0x3FB4]  }
0x2f: {  	lr =	sadd.s32 s0, s3;
	s0 =	sld [smem:$0x3FAB]  }
0x30: {  	s3 =	sld [smem:$0x3FAE]  }
0x31: {  	[smem:$0x3FB7] =	sst s10  }
0x32: {  	s10 =	sld [smem:$0x3FB5];
	_ =	sdelay $0x3  }
0x33: {  	p0 =	seq.s32 s10, $0x1;
	s10 =	sld [smem:$0x3FB7];
	_ =	sdelay $0x3  }
0x34: {  	[smem:$0x3FB7] =	sst s10  }
0x35: {  	s10 =	sld [smem:$0x3FB6];
	_ =	sdelay $0x3  }
0x36: {  	p1 =	seq.s32 s10, $0x1;
	s10 =	sld [smem:$0x3FB7];
	_ =	sdelay $0x3  }
0x37: {  	[smem:$0x3FB7] =	sst s10  }
0x38: {  	s10 =	sld [smem:$0x3FB8]  }
0x39: {  	_ = 	snop;
	(pc) =	sbr.ind lr, $3  }
0x3a: {  	_ = 	snop  }
0x3b: {  	_ = 	snop  }
0x3c: {  	p2 =	seq.s32 s10, $0x1;
	s10 =	sld [smem:$0x3FB7]  }
0x3d: {  	_ =	shalt  }
0x3e: {  	_ =	shalt  }
0x3f: {  	_ =	shalt  }
0x40: {  	_ =	shalt  }
0x41: {  	_ =	shalt  }
0x42: {  	_ =	shalt  }
0x43: {  	_ =	shalt  }
0x44: {  	_ =	shalt  }
0x45: {  	_ =	shalt  }
0x46: {  	_ =	shalt  }
0x47: {  	_ =	shalt  }
0x48: {  	_ =	shalt  }
0x49: {  	_ =	shalt  }
0x4a: {  	_ =	shalt  }
0x4b: {  	_ =	shalt  }
0x4c: {  	_ =	shalt  }
0x4d: {  	_ =	shalt  }
0x4e: {  	_ =	shalt  }
0x4f: {  	_ =	shalt  }
0x50: {  	_ =	shalt  }
0x51: {  	_ =	shalt  }
0x52: {  	_ =	shalt  }
0x53: {  	_ =	shalt  }
0x54: {  	_ =	shalt  }
0x55: {  	_ =	shalt  }
0x56: {  	_ =	shalt  }
0x57: {  	_ =	shalt  }
0x58: {  	_ =	shalt  }
0x59: {  	_ =	shalt  }
0x5a: {  	_ =	shalt  }
0x5b: {  	_ =	shalt  }
0x5c: {  	_ =	shalt  }
0x5d: {  	_ =	shalt  }
0x5e: {  	_ =	shalt  }
0x5f: {  	_ =	shalt  }
0x60: {  	_ =	shalt  }
0x61: {  	_ =	shalt  }
0x62: {  	_ =	shalt  }
0x63: {  	_ =	shalt  }
0x64: {  	_ =	shalt  }
0x65: {  	_ =	shalt  }
0x66: {  	_ =	shalt  }
0x67: {  	_ =	shalt  }
0x68: {  	_ =	shalt  }
0x69: {  	_ =	shalt  }
0x6a: {  	_ =	shalt  }
0x6b: {  	_ =	shalt  }
0x6c: {  	_ =	shalt  }
0x6d: {  	_ =	shalt  }
0x6e: {  	_ =	shalt  }
0x6f: {  	_ =	shalt  }
0x70: {  	_ =	shalt  }
0x71: {  	_ =	shalt  }
0x72: {  	_ =	shalt  }
0x73: {  	_ =	shalt  }
0x74: {  	_ =	shalt  }
0x75: {  	_ =	shalt  }
0x76: {  	_ =	shalt  }
0x77: {  	_ =	shalt  }
0x78: {  	_ =	shalt  }
0x79: {  	_ =	shalt  }
0x7a: {  	_ =	shalt  }
0x7b: {  	_ =	shalt  }
0x7c: {  	_ =	shalt  }
0x7d: {  	_ =	shalt  }
0x7e: {  	_ =	shalt  }
0x7f: {  	_ =	shalt  }
0x80: {  	_ =	shalt  }
0x81: {  	_ =	shalt  }
0x82: {  	_ =	shalt  }
0x83: {  	_ =	shalt  }
0x84: {  	_ =	shalt  }
0x85: {  	_ =	shalt  }
0x86: {  	_ =	shalt  }
0x87: {  	_ =	shalt  }
.Lfunc_end0:
.L_simem_size_0:
called_computation_lowered:
.L_overlay_start_0:
0x88: {  	s2 =	sld [smem:$0x3FD9]  }
0x89: {  	s3 =	sld [smem:$0x3FFE];
	_ =	sdelay $0x1  }
0x8a: {  	s1 =	srdreg.scid  }
0x8b: {  	s0 =	sand.u32 $0x1, s1  }
0x8c: {  	s17 =	sshll.u32 s0, $0xA;
	s2 =	sadd.s32 s3, s2  }
0x8d: {  	s2 =	sadd.s32 s2, s17  }
0x8e: {  	[smem:$0x3FC3] =	sst s2  }
0x8f: {  	_ = 	snop  }
0x90: {  	s2 =	sld [smem:$0x3FD0];
	(tm) =	ssettm $0x1  }
0x91: {  	s18 =	sld [smem:$0x3FFB];
	_ =	sdelay $0x3  }
0x92: {  	_ =	strace s18  }
0x93: {  	s3 =	sld [smem:$0x3FFC];
	_ =	sdelay $0x3  }
0x94: {  	_ =	strace s3  }
0x95: {  	s3 =	sld [smem:$0x3FFD];
	_ =	sdelay $0x3  }
0x96: {  	_ =	strace s3  }
0x97: {  	_ =	strace $0x8FFFFFFF  }
0x98: {  	s19 =	sld [smem:$0x3FDB];
	_ =	sdelay $0x1  }
0x99: {  	s4 =	simm.s32 $_scs_section_size  }
0x9a: {  	s5 =	simm.s32 $_size__tile_overlayer_lowered;
	s6 =	simm.s32 $_tile_overlayer_lowered  }
0x9b: {  	s22 =	simm.s32 $0x1BFF;
	s21 =	sshll.u32 s6, $0x1;
	s3 =	sadd.s32 s4, s19  }
0x9c: {  	s7 =	simm.s32 $0x0;
	s20 =	sshll.u32 s5, $0x1;
	s5 =	sadd.s32 s21, s3  }
0x9d: {  	[timem:s7], [sflag:s22] =	dma.local [hbm:s5], s20  }
0x9e: {  	_ =	swait.ge [sflag:s22], s20  }
0x9f: {  	s4 =	ssub.s32 $0x0, s20;
	[sflag:s22] =	ssyncset.done $0x0  }
0xa0: {  	[sflag:s22] =	ssyncadd.s32 s4;
	_ =	sdelay $0x1  }
0xa1: {  	s23 =	simm.s32 $0x1B8B  }
0xa2: {  	_ =	swait.ge [sflag:s23], $0x1  }
0xa3: {  	[sflag:s23] =	ssyncset.done $0x0  }
0xa4: {  	s25 =	simm.s32 $0x1B8E;
	s24 =	sld [smem:$0x3FFE];
	[sflag:s23] =	ssyncadd.s32 $0xFFFFFFFF  }
0xa5: {  	s26 =	simm.s32 $execute0_lowered;
	[smem:$0x3FD2] =	sst s25  }
0xa6: {  	s5 =	sshll.u32 s26, $0x1;
	_ =	strace $0x80000046;
	[dreg:$0x1] =	wrdreg $0xFFFFFFFF  }
0xa7: {  	s28 =	simm.s32 $_size_execute0_lowered;
	s3 =	sadd.s32 s3, s5;
	[dreg:$0x0] =	wrdreg $0x0  }
0xa8: {  	s5 =	sshll.u32 s28, $0x1;
	[dreg:$0x2] =	wrdreg s3  }
0xa9: {  	[dreg:$0x3] =	wrdreg s5  }
0xaa: {  	[dreg:$0x4] =	wrdreg $0xC0  }
0xab: {  	_ =	task [dreg:s7], $0x5FFFF  }
0xac: {  	[dreg:$0x1] =	wrdreg $0xFFFFFFFF  }
0xad: {  	[dreg:$0x0] =	wrdreg $0x60  }
0xae: {  	[dreg:$0x2] =	wrdreg s2  }
0xaf: {  	[dreg:$0x3] =	wrdreg s24  }
0xb0: {  	[dreg:$0x4] =	wrdreg $0x9  }
0xb1: {  	_ =	task.clear_ibuf [dreg:s7], $0x5FFFF;
	_ =	strace $0x90000046  }
0xb2: {  	s29 =	simm.s32 $0x9;
	_ =	strace $0x80000048  }
0xb3: {  	_ =	swait.ge [sflag:s29], $0x1  }
0xb4: {  	[sflag:s29] =	ssyncadd.s32 $0xFFFFFFFF  }
0xb5: {  	_ =	strace $0x90000048  }
0xb6: {  	_ =	sfence  }
0xb7: {  	s30 =	sld [smem:$0x0];
	_ =	sdelay $0x2  }
0xb8: {  	s31 =	sshll.u32 s1, $0xD;
	s1 =	sshrl.u32 s1, $0x2  }
0xb9: {  	s3 =	sand.u32 $0x4000, s31;
	s1 =	sadd.s32 s1, s30  }
0xba: {  	s0 =	sor.u32 s3, s0;
	s1 =	sshll.u32 s1, $0x11  }
0xbb: {  	s0 =	sor.u32 s1, s0  }
0xbc: {  	s0 =	sadd.s32 $0x8F2B, s0  }
0xbd: {  	[sflag:s0] =	ssyncadd.remote.s32 $0x1  }
0xbe: {  	_ =	sfence.sel $0xFFFF  }
0xbf: {  	[dreg:$0x0] =	wrdreg $0xFFFFFFFF;
	(pc) =	sbr.abs _section_cstart, $3  }
0xc0: {  	[dreg:$0x1] =	wrdreg $0xFFFFFFFF  }
0xc1: {  	_ =	task.clear_ibuf [dreg:s7], $0x2FFFF;
	_ =	strace $0x9FFFFFFF  }
0xc2: {  	(tm) =	ssettm $0x7FFFFFFF  }
0xc3: {  	_ =	shalt  }
tec
execute0_lowered:
.L_overlay_start_1:
0x0: {  	(tag) =	ssettag $0x1  }
0x1: {  	s1 =	rddreg [dreg:$0x0]  }
0x2: {  	s0 =	rddreg [dreg:$0x1];
	s28 =	simm.s32 $0x0;
	s2 =	srdreg.scid  }
0x3: {  	s3 =	stileid.u32;
	s30 =	simm.s32 $0x11900;
	s13 =	simm.s32 $0x120D0  }
0x4: {  	s12 =	simm.s32 $0x128A0;
	s15 =	simm.s32 $0x13070;
	s16 =	simm.s32 $0x3  }
0x5: {  	s17 =	simm.s32 $0xF0C0;
	s2 =	sand.u32 $0x1, s2;
	s3 =	sshll.u32 s3, $0x1  }
0x6: {  	[smem:$0x7FF] =	sst s28;
	s4 =	sadd.s32 $0x50E00, s0;
	s3 =	sor.u32 s2, s3  }
0x7: {  	s5 =	sadd.s32 $0x91E00, s0;
	s2 =	ssub.s32 $0x2, s2;
	s7 =	smul.u32 $0x1E00, s3  }
0x8: {  	s6 =	sadd.s32 $0x8CE00, s0;
	_ =	strace $0x80000047;
	s8 =	sshrl.u32 s2, $0x1  }
0x9: {  	s2 =	ssub.s32 s2, s8;
	s0 =	sadd.s32 s7, s0;
	s26 =	sadd.s32 s1, s7  }
.Ltmp0:
0xa: {  	s7 =	sadd.s32 s4, s7;
	[dreg:$0x3] =	wrdreg s26;
	(pc) =	sbr.rel .LBB2_1-.Ltmp0, $4  }
0xb: {  	s18 =	simm.s32 $0x4;
	s31 =	smax.u32 s2, $0x1;
	[dreg:$0x5] =	wrdreg s7  }
0xc: {  	s3 =	smul.u32 $0x140, s3;
	s29 =	sadd.s32 $0xD2E00, s0;
	[dreg:$0x7] =	wrdreg s31  }
0xd: {  	v1 =	vimm.s32 $0x140;
	s19 =	simm.s32 $0x1;
	s0 =	sadd.s32 $0x96E00, s0;
	[dreg:$0x4] =	wrdreg s29  }
0xe: {  	v2 =	vimm.s32 $0x0;
	v3 =	vlaneseq.u32;
	s20 =	simm.s32 $0x5;
	v0 =	vmov s3;
	s2 =	simm.s32 $0x0;
	[dreg:$0x6] =	wrdreg s0  }
.LBB2_85:
0xf: {  	s0 =	rddreg [dreg:$0x6]  }
0x10: {  	[hbm4b:s0+s28] =	stream.linear.scatter [tilespmem:s28], [sflag:$0x5], $0xF000, $0x38;
	[tilespmem:$0x198C0] =	vst v63  }
0x11: {  	_ =	swait.ge [sflag:s20], $0xF000  }
0x12: {  	s2 =	rddreg [dreg:$0x8]  }
0x13: {  	s31 =	rddreg [dreg:$0x7];
	s2 =	sadd.s32 $0x1, s2  }
0x14: {  	p0 =	sne.s32 s2, s31  }
.Ltmp1:
0x15: {  	_ = 	snop;
	(pc) =	sbr.rel @!p0 .LBB2_86-.Ltmp1, $3  }
0x16: {  	_ =	sdelay $0x1  }
0x17: {  	[sflag:s20] =	ssyncset.done $0x0  }
0x18: {  	s12 =	simm.s32 $0x128A0;
	s15 =	simm.s32 $0x13070;
	[sflag:s20] =	ssyncadd.s32 $0xFFFF1000  }
.LBB2_1:
0x19: {  	[dreg:$0x8] =	wrdreg s2;
	s0 =	simm.s32 $0x40;
	s2 =	simm.s32 $0x0  }
.LBB2_2:
0x1a: {  	p0 =	sne.s32 s0, $0xA0C0;
	[tilespmem:s2+$0xF0C0] =	vst v1;
	s2 =	smov.u32 s0;
	s0 =	sadd.s32 $0x40, s0  }
.Ltmp2:
0x1b: {  	(pc) =	sbr.rel @p0 .LBB2_2-.Ltmp2, $2  }
0x1c: {  	_ =	sdelay $0x2  }
0x1d: {  	s2 =	sshra.s32 s2, $0x2  }
0x1e: {  	[tilespmem:s2+$0xF0C0] =	vst v1;
	s0 =	simm.s32 $0x0  }
0x1f: {  	[tilespmem:s30], [sflag:$0x3] =	stream.linear.gather [hbm4b:s5+s0], $0x7D0, $0x38;
	[tilespmem:$0x198C0] =	vst v63  }
0x20: {  	s22 =	simm.s32 $0x50;
	s2 =	simm.s32 $0x0;
	s7 =	simm.s32 $0x0  }
0x21: {  	[tilespmem:s13], [sflag:$0x3] =	stream.linear.gather [hbm4b:s6+s0], $0x7D0, $0x38;
	[tilespmem:$0x198C0] =	vst v63  }
.LBB2_4:
0x22: {  	s8 =	sshllo.u32 s7, $0x1  }
0x23: {  	s3 =	smul.u32 $0xFA, s8;
	_ =	sdelay $0x1  }
0x24: {  	s9 =	sadd.s32 s5, s3  }
0x25: {  	[tilespmem:s12], [sflag:$0x4] =	stream.linear.gather [hbm4b:s9+s0], $0x7D0, $0x38;
	[tilespmem:$0x198C0] =	vst v63  }
0x26: {  	s3 =	sadd.s32 s6, s3  }
0x27: {  	[tilespmem:s15], [sflag:$0x4] =	stream.linear.gather [hbm4b:s3+s0], $0x7D0, $0x38;
	[tilespmem:$0x198C0] =	vst v63  }
0x28: {  	_ =	swait.ge [sflag:s16], $0x7D0  }
0x29: {  	[sflag:s16] =	ssyncset.done $0x0  }
0x2a: {  	[sflag:s16] =	ssyncadd.s32 $0xFFFFF830  }
0x2b: {  	_ =	swait.ge [sflag:s16], $0x7D0  }
0x2c: {  	[sflag:s16] =	ssyncset.done $0x0  }
0x2d: {  	s29 =	simm.s32 $0x0;
	[sflag:s16] =	ssyncadd.s32 $0xFFFFF830  }
0x2e: {  	v4 =	vld [tilespmem:s29+$0x120D0];
	_ =	sdelay $0x4  }
0x2f: {  	v4 =	vsub.s32 v4, v0  }
0x30: {  	vm0 =	vlt.u32 v4, $0x140  }
0x31: {  	v5 =	vsel vm0, $0x1, v2  }
0x32: {  	(xrf0) =	vadd.scan.msk.s32 $0xffff, v5;
	_ =	sdelay $0x5  }
0x33: {  	v5 =	vld [tilespmem:s29+$0x11900];
	v6, _, _ =	vpop (xrf0)  }
0x34: {  	s31 =	sadd.s32 $0xFFFFFFFF, s2;
	(v2sf) =	vpush v6, $0xF  }
0x35: {  	v6 =	vadd.s32 s31, v6;
	_ =	sdelay $0x2  }
0x36: {  	v5 =	vshll.u32 v5, $0x9  }
0x37: {  	v4 =	vadd.s32 v4, v5  }
0x38: {  	s11 =	simm.s32 $0x10;
	[tilespmem:v6+s17+$0x0] =	vst.idx.msk vm0, v4  }
0x39: {  	v4 =	vld [tilespmem:s11+$0x120D0];
	_ =	sdelay $0x4  }
0x3a: {  	v4 =	vsub.s32 v4, v0  }
0x3b: {  	vm0 =	vlt.u32 v4, $0x140  }
0x3c: {  	s10 =	simm.s32 $0x80;
	v5 =	vsel vm0, $0x1, v2  }
0x3d: {  	s9 =	smov.u32 s2;
	s3 =	sshll.u32 s7, $0x1;
	(xrf0) =	vadd.scan.msk.s32 $0xffff, v5;
	s14 =	spop (v2sf)  }
.LBB2_5:
0x3e: {  	p0 =	sne.s32 s10, $0x1F00  }
0x3f: {  	s9 =	sadd.s32 s9, s14;
	s14 =	smov.u32 s10;
	s10 =	sadd.s32 $0x40, s10  }
0x40: {  	_ =	sdelay $0x1  }
0x41: {  	v5 =	vld [tilespmem:s11+$0x11900]  }
0x42: {  	s11 =	sadd.s32 $0xFFFFFFFF, s9;
	v6, _, _ =	vpop (xrf0)  }
0x43: {  	v7 =	vadd.s32 s11, v6;
	(v2sf) =	vpush v6, $0xF;
	_ =	sdelay $0x2  }
0x44: {  	v5 =	vshll.u32 v5, $0x9  }
0x45: {  	v4 =	vadd.s32 v4, v5  }
0x46: {  	s11 =	sshra.s32 s14, $0x2;
	[tilespmem:v7+s17+$0x0] =	vst.idx.msk vm0, v4  }
0x47: {  	v4 =	vld [tilespmem:s11+$0x120D0];
	_ =	sdelay $0x4  }
.Ltmp3:
0x48: {  	v4 =	vsub.s32 v4, v0;
	(pc) =	sbr.rel @p0 .LBB2_5-.Ltmp3, $4  }
0x49: {  	vm0 =	vlt.u32 v4, $0x140  }
0x4a: {  	v5 =	vsel vm0, $0x1, v2  }
0x4b: {  	(xrf0) =	vadd.scan.msk.s32 $0xffff, v5  }
0x4c: {  	s14 =	spop (v2sf)  }
0x4d: {  	_ =	sdelay $0x3  }
0x4e: {  	v5, _, _ =	vpop (xrf0)  }
0x4f: {  	(v2sf) =	vpush v5, $0xF;
	_ =	sdelay $0x3  }
0x50: {  	s9 =	sadd.s32 s9, s14;
	v6 =	vld [tilespmem:s11+$0x11900]  }
0x51: {  	s10 =	sadd.s32 $0xFFFFFFFF, s9  }
0x52: {  	p0 =	seq.s32 s7, $0x27;
	v5 =	vadd.s32 s10, v5  }
0x53: {  	s10 =	smul.u32 @!p0 $0xFA0, s7;
	_ =	sdelay $0x1  }
0x54: {  	v6 =	vshll.u32 v6, $0x9;
	s10 =	sshrl.u32 @!p0 s10, $0x3  }
0x55: {  	v4 =	vadd.s32 v4, v6;
	s10 =	sadd.s32 @!p0 $0x1F4, s10  }
0x56: {  	s14 =	simm.s32 @!p0 $0x0;
	s21 =	simm.s32 @!p0 $0x11900;
	s11 =	sadd.s32 @!p0 s5, s10;
	[tilespmem:v5+s17+$0x0] =	vst.idx.msk vm0, v4  }
0x57: {  	[tilespmem:s21], [sflag:$0x3] =	stream.linear.gather @!p0 [hbm4b:s11+s14], $0x7D0, $0x38;
	[tilespmem:$0x198C0] =	vst v63  }
0x58: {  	s10 =	sadd.s32 @!p0 s6, s10;
	s11 =	simm.s32 @!p0 $0x120D0  }
0x59: {  	[tilespmem:s11], [sflag:$0x3] =	stream.linear.gather @!p0 [hbm4b:s10+s14], $0x7D0, $0x38;
	[tilespmem:$0x198C0] =	vst v63  }
0x5a: {  	s26 =	spop (v2sf)  }
0x5b: {  	_ =	swait.ge [sflag:s18], $0x7D0  }
0x5c: {  	[sflag:s18] =	ssyncset.done $0x0  }
0x5d: {  	[sflag:s18] =	ssyncadd.s32 $0xFFFFF830  }
0x5e: {  	_ =	swait.ge [sflag:s18], $0x7D0  }
0x5f: {  	[sflag:s18] =	ssyncset.done $0x0  }
0x60: {  	s29 =	simm.s32 $0x0;
	[sflag:s18] =	ssyncadd.s32 $0xFFFFF830  }
0x61: {  	v4 =	vld [tilespmem:s29+$0x13070];
	_ =	sdelay $0x4  }
0x62: {  	v4 =	vsub.s32 v4, v0  }
0x63: {  	vm0 =	vlt.u32 v4, $0x140  }
0x64: {  	v5 =	vsel vm0, $0x1, v2  }
0x65: {  	(xrf0) =	vadd.scan.msk.s32 $0xffff, v5;
	_ =	sdelay $0x3  }
0x66: {  	s10 =	sadd.s32 s9, s26  }
0x67: {  	p0 =	slt.s32 s10, $0x2001  }
0x68: {  	s2 =	smov.u32 @p0 s10;
	v5 =	vld [tilespmem:s29+$0x128A0];
	v6, _, _ =	vpop (xrf0)  }
0x69: {  	s31 =	sadd.s32 $0xFFFFFFFF, s2;
	(v2sf) =	vpush v6, $0xF  }
0x6a: {  	v6 =	vadd.s32 s31, v6;
	_ =	sdelay $0x2  }
0x6b: {  	v5 =	vshll.u32 v5, $0x9  }
0x6c: {  	v4 =	vadd.s32 v4, v5  }
0x6d: {  	s9 =	simm.s32 $0x10;
	[tilespmem:v6+s17+$0x0] =	vst.idx.msk vm0, v4  }
0x6e: {  	v4 =	vld [tilespmem:s9+$0x13070];
	_ =	sdelay $0x4  }
0x6f: {  	v4 =	vsub.s32 v4, v0  }
0x70: {  	p0 =	sgt.s32 s10, $0x2000;
	s10 =	smov.u32 s22;
	vm0 =	vlt.u32 v4, $0x140  }
0x71: {  	p1 =	seq.s32 s22, $0x50;
	s10 =	smov.u32 @p0 s3;
	s3 =	smov.u32 s2;
	v5 =	vsel vm0, $0x1, v2  }
0x72: {  	s22 =	smov.u32 @p1 s10;
	s10 =	simm.s32 $0x80;
	(xrf0) =	vadd.scan.msk.s32 $0xffff, v5;
	s11 =	spop (v2sf)  }
.LBB2_7:
0x73: {  	p0 =	sne.s32 s10, $0x1F00  }
0x74: {  	s3 =	sadd.s32 s3, s11;
	s11 =	smov.u32 s10;
	s10 =	sadd.s32 $0x40, s10  }
0x75: {  	_ =	sdelay $0x1  }
0x76: {  	v5 =	vld [tilespmem:s9+$0x128A0]  }
0x77: {  	s9 =	sadd.s32 $0xFFFFFFFF, s3;
	v6, _, _ =	vpop (xrf0)  }
0x78: {  	v7 =	vadd.s32 s9, v6;
	(v2sf) =	vpush v6, $0xF;
	_ =	sdelay $0x2  }
0x79: {  	v5 =	vshll.u32 v5, $0x9  }
0x7a: {  	v4 =	vadd.s32 v4, v5  }
0x7b: {  	s9 =	sshra.s32 s11, $0x2;
	[tilespmem:v7+s17+$0x0] =	vst.idx.msk vm0, v4  }
0x7c: {  	v4 =	vld [tilespmem:s9+$0x13070];
	_ =	sdelay $0x4  }
.Ltmp4:
0x7d: {  	v4 =	vsub.s32 v4, v0;
	(pc) =	sbr.rel @p0 .LBB2_7-.Ltmp4, $4  }
0x7e: {  	vm0 =	vlt.u32 v4, $0x140  }
0x7f: {  	v5 =	vsel vm0, $0x1, v2  }
0x80: {  	(xrf0) =	vadd.scan.msk.s32 $0xffff, v5  }
0x81: {  	s11 =	spop (v2sf)  }
0x82: {  	_ =	sdelay $0x3  }
0x83: {  	v5, _, _ =	vpop (xrf0)  }
0x84: {  	(v2sf) =	vpush v5, $0xF;
	_ =	sdelay $0xe  }
0x85: {  	s3 =	sadd.s32 s3, s11;
	s31 =	spop (v2sf)  }
0x86: {  	v6 =	vld [tilespmem:s9+$0x128A0];
	s29 =	sadd.s32 $0xFFFFFFFF, s3;
	s3 =	sadd.s32 s3, s31  }
0x87: {  	s9 =	smov.u32 s22;
	s7 =	sadd.s32 $0x1, s7;
	p1 =	sgt.s32 s3, $0x2000  }
0x88: {  	v5 =	vadd.s32 s29, v5;
	s9 =	smov.u32 @p1 s8;
	p1 =	sne.s32 s7, $0x28  }
.Ltmp5:
0x89: {  	_ = 	snop;
	(pc) =	sbr.rel @p1 .LBB2_4-.Ltmp5, $4  }
0x8a: {  	_ = 	snop  }
0x8b: {  	v6 =	vshll.u32 v6, $0x9  }
0x8c: {  	p2 =	seq.s32 s22, $0x50;
	v4 =	vadd.s32 v4, v6;
	p0 =	slt.s32 s3, $0x2001  }
0x8d: {  	[tilespmem:v5+s17+$0x0] =	vst.idx.msk vm0, v4;
	s2 =	smov.u32 @p0 s3;
	s22 =	smov.u32 @p2 s9  }
0x8e: {  	s0 =	sadd.s32 $0xF, s2  }
0x8f: {  	v4 =	vadd.s32 s2, v3;
	s14 =	sand.u32 $0xF, s0  }
0x90: {  	s3 =	sshra.s32 s0, $0x1F;
	p0 =	slt.s32 s0, $0x1;
	p1 =	sne.s32 s14, $0x0  }
0x91: {  	s15 =	sshrl.u32 s3, $0x1C;
	p0 =	por !p0, !p1  }
0x92: {  	s2 =	simm.s32 $0x1;
	s0 =	sadd.s32 s15, s0;
	p1 =	por !p0, !p0  }
0x93: {  	s0 =	sshra.s32 s0, $0x4;
	s2 =	simm.s32 @!p1 $0x0  }
0x94: {  	s21 =	rddreg [dreg:$0x3];
	[tilespmem:v4+s17+$0x0] =	vst.idx.msk $0xffff, v1;
	s23 =	ssub.s32 s0, s2  }
0x95: {  	[tilespmem:s28], [sflag:$0x5] =	stream.linear.gather [hbm4b:s21+s28], $0xF000, $0x38;
	[tilespmem:$0x198C0] =	vst v63  }
0x96: {  	s24 =	sadd.s32 $0x3, s23  }
0x97: {  	s25 =	sand.u32 $0x3, s24  }
0x98: {  	p5 =	slt.s32 s23, $0xFFFFFFFE;
	p2 =	sne.s32 s25, $0x0  }
0x99: {  	s26 =	sshrl.u32 s24, $0x1E;
	p0 =	por !p5, !p2  }
0x9a: {  	s3 =	simm.s32 $0x1;
	s2 =	sadd.s32 s26, s24;
	p0 =	por !p0, !p0  }
0x9b: {  	_ =	swait.ge [sflag:s20], $0xF000;
	s2 =	sshra.s32 s2, $0x2;
	s3 =	simm.s32 @!p0 $0x0  }
0x9c: {  	[sflag:s20] =	ssyncset.done $0x0;
	s24 =	ssub.s32 s2, s3  }
0x9d: {  	[sflag:s20] =	ssyncadd.s32 $0xFFFF1000;
	p0 =	slt.s32 s24, $0x1  }
0x9e: {  	v4 =	vld @!p0 [tilespmem:$0xF0C0]  }
0x9f: {  	v5 =	vld @!p0 [tilespmem:$0xF0D0]  }
0xa0: {  	v6 =	vld @!p0 [tilespmem:$0xF0E0]  }
0xa1: {  	v7 =	vld @!p0 [tilespmem:$0xF0F0];
	_ =	sdelay $0x1  }
0xa2: {  	v4 =	vshra.s32 @!p0 v4, $0x9  }
0xa3: {  	s28 =	sadd.s32 $0x1, s24;
	[tilespmem:$0x19840] =	vst @!p0 v4;
	v4 =	vshra.s32 @!p0 v5, $0x9  }
0xa4: {  	p6 =	slt.s32 s24, $0x0;
	s29 =	sand.u32 $0x1, s28;
	[tilespmem:$0x19850] =	vst @!p0 v4;
	v4 =	vshra.s32 @!p0 v6, $0x9  }
0xa5: {  	s2 =	simm.s32 @!p0 $0x40;
	s3 =	simm.s32 @!p0 $0x19840;
	p3 =	seq.s32 s29, $0x1;
	[tilespmem:$0x19860] =	vst @!p0 v4;
	v4 =	vshra.s32 @!p0 v7, $0x9  }
0xa6: {  	s7 =	simm.s32 @!p0 $0x13840;
	s31 =	sshrl.u32 s28, $0x1F;
	p2 =	por !p6, !p3;
	[tilespmem:$0x19870] =	vst @!p0 v4  }
0xa7: {  	[tilespmem:s7], [sflag:$0x1] =	stream.indirect.gather @!p0 [hbm4b:s1+s2], $0xC0, s3, s2, $0xb8;
	[tilespmem:$0x198C0] =	vst v63  }
0xa8: {  	p2 =	por !p2, !p2;
	s2 =	sadd.s32 s31, s28;
	s3 =	simm.s32 $0x1  }
0xa9: {  	s2 =	sshra.s32 s2, $0x1;
	s3 =	simm.s32 @!p2 $0x0  }
0xaa: {  	s7 =	simm.s32 $0xFFFFFFFF;
	s25 =	ssub.s32 s2, s3  }
0xab: {  	s7 =	simm.s32 @!p1 $0x0;
	p1 =	slt.s32 s25, $0x1  }
.Ltmp6:
0xac: {  	_ = 	snop;
	(pc) =	sbr.rel @p1 .LBB2_26-.Ltmp6, $3  }
0xad: {  	_ =	sdelay $0x1  }
0xae: {  	s0 =	sadd.s32 s7, s0  }
0xaf: {  	s26 =	sadd.s32 $0xFFFFFFFC, s0  }
.Ltmp7:
0xb0: {  	(pc) =	sbr.rel .LBB2_11-.Ltmp7, $3  }
0xb1: {  	_ =	sdelay $0x1  }
0xb2: {  	s28 =	sadd.s32 $0xFFFFFFFC, s0;
	s29 =	simm.s32 $0x0  }
0xb3: {  	s0 =	simm.s32 $0xF0C0;
	s2 =	simm.s32 $0xF100;
	s7 =	smov.u32 s23  }
.LBB2_20:
0xb4: {  	s9 =	smov.u32 s8  }
.LBB2_24:
0xb5: {  	(v2sf) =	vpush v4, $0x0;
	_ =	sdelay $0x9  }
0xb6: {  	s3 =	sadd.s32 @p2 $0xC0, s9  }
0xb7: {  	s8 =	smov.u32 @p2 s3  }
0xb8: {  	v4 =	vld [tilespmem:s8+$0x50]  }
0xb9: {  	v5 =	vld [tilespmem:s8+$0x40]  }
0xba: {  	v6 =	vld [tilespmem:s8+$0x30]  }
0xbb: {  	v7 =	vld [tilespmem:s8+$0x20];
	s21 =	spop (v2sf)  }
0xbc: {  	v8 =	vld [tilespmem:s8+$0x10];
	s31 =	sshra.s32 s21, $0x1F  }
0xbd: {  	v9 =	vld [tilespmem:s8+$0x0];
	s9 =	sshrl.u32 s31, $0x17  }
0xbe: {  	v10 =	vld [tilespmem:s8+$0xFFFFFFF0];
	s9 =	sadd.s32 s9, s21  }
0xbf: {  	v11 =	vld [tilespmem:s8+$0xFFFFFFE0];
	s9 =	sand.u32 $0xFFFE00, s9  }
0xc0: {  	v12 =	vld [tilespmem:s8+$0xFFFFFFD0];
	s3 =	ssub.s32 s21, s9  }
0xc1: {  	v13 =	vld [tilespmem:s8+$0xFFFFFFC0];
	s3 =	smul.u32 $0x300, s3  }
0xc2: {  	v14 =	vld [tilespmem:s8+$0xFFFFFFB0]  }
0xc3: {  	v15 =	vld [tilespmem:s8+$0xFFFFFFA0];
	s3 =	sshra.s32 s3, $0x2  }
0xc4: {  	v16 =	vld [tilespmem:s3+$0x0]  }
0xc5: {  	v17 =	vld [tilespmem:s3+$0x10]  }
0xc6: {  	v18 =	vld [tilespmem:s3+$0x20]  }
0xc7: {  	v19 =	vld [tilespmem:s3+$0x30]  }
0xc8: {  	v20 =	vld [tilespmem:s3+$0x40]  }
0xc9: {  	v57 =	vld [tilespmem:s3+$0x50];
	v15 =	vmax.bf16 v16, v15  }
0xca: {  	v58 =	vld [tilespmem:s3+$0x60];
	v14 =	vmax.bf16 v17, v14;
	[tilespmem:s3+$0x0] =	vst v15  }
0xcb: {  	v59 =	vld [tilespmem:s3+$0x70];
	v13 =	vmax.bf16 v18, v13;
	[tilespmem:s3+$0x10] =	vst v14  }
0xcc: {  	v60 =	vld [tilespmem:s3+$0x80];
	v12 =	vmax.bf16 v19, v12;
	[tilespmem:s3+$0x20] =	vst v13  }
0xcd: {  	v61 =	vld [tilespmem:s3+$0x90];
	v11 =	vmax.bf16 v20, v11;
	[tilespmem:s3+$0x30] =	vst v12  }
0xce: {  	v62 =	vld [tilespmem:s3+$0xA0];
	v10 =	vmax.bf16 v57, v10;
	[tilespmem:s3+$0x40] =	vst v11  }
0xcf: {  	v63 =	vld [tilespmem:s3+$0xB0];
	v9 =	vmax.bf16 v58, v9;
	[tilespmem:s3+$0x50] =	vst v10  }
0xd0: {  	v8 =	vmax.bf16 v59, v8;
	[tilespmem:s3+$0x60] =	vst v9  }
0xd1: {  	v7 =	vmax.bf16 v60, v7;
	[tilespmem:s3+$0x70] =	vst v8  }
0xd2: {  	v6 =	vmax.bf16 v61, v6;
	[tilespmem:s3+$0x80] =	vst v7  }
0xd3: {  	v5 =	vmax.bf16 v62, v5;
	[tilespmem:s3+$0x90] =	vst v6  }
0xd4: {  	v4 =	vmax.bf16 v63, v4;
	[tilespmem:s3+$0xA0] =	vst v5  }
0xd5: {  	[tilespmem:s3+$0xB0] =	vst v4  }
.LBB2_25:
0xd6: {  	s29 =	sadd.s32 $0x1, s29  }
0xd7: {  	p2 =	seq.s32 s29, s25  }
.Ltmp8:
0xd8: {  	_ = 	snop;
	(pc) =	sbr.rel @p2 .LBB2_26-.Ltmp8, $3  }
0xd9: {  	_ =	sdelay $0x1  }
0xda: {  	s7 =	sadd.s32 $0xFFFFFFF8, s7  }
0xdb: {  	s28 =	sadd.s32 $0xFFFFFFF8, s28;
	s0 =	sadd.s32 $0x80, s0;
	s2 =	sadd.s32 $0x80, s2  }
.LBB2_11:
0xdc: {  	s8 =	sshllo.u32 s29, $0x1  }
0xdd: {  	p2 =	sge.s32 s8, s24  }
0xde: {  	s3 =	sshll.u32 @!p2 s8, $0x8  }
0xdf: {  	s3 =	sshra.s32 @!p2 s3, $0x2  }
0xe0: {  	v4 =	vld @!p2 [tilespmem:s3+$0xF0C0];
	_ =	sdelay $0x4  }
0xe1: {  	v4 =	vshra.s32 @!p2 v4, $0x9  }
0xe2: {  	[tilespmem:$0x19880] =	vst @!p2 v4  }
0xe3: {  	v4 =	vld @!p2 [tilespmem:s3+$0xF0D0];
	_ =	sdelay $0x4  }
0xe4: {  	v4 =	vshra.s32 @!p2 v4, $0x9  }
0xe5: {  	[tilespmem:$0x19890] =	vst @!p2 v4  }
0xe6: {  	v4 =	vld @!p2 [tilespmem:s3+$0xF0E0];
	_ =	sdelay $0x4  }
0xe7: {  	v4 =	vshra.s32 @!p2 v4, $0x9  }
0xe8: {  	[tilespmem:$0x198A0] =	vst @!p2 v4  }
0xe9: {  	v4 =	vld @!p2 [tilespmem:s3+$0xF0F0];
	_ =	sdelay $0x4  }
0xea: {  	s31 =	sshll.u32 s29, $0x3;
	v4 =	vshra.s32 @!p2 v4, $0x9  }
0xeb: {  	s9 =	simm.s32 @!p2 $0x19880;
	s10 =	simm.s32 @!p2 $0x16840;
	s3 =	simm.s32 @!p2 $0x40;
	[tilespmem:$0x198B0] =	vst @!p2 v4  }
0xec: {  	[tilespmem:s10], [sflag:$0x2] =	stream.indirect.gather @!p2 [hbm4b:s1+s3], $0xC0, s9, s3, $0xb8;
	[tilespmem:$0x198C0] =	vst v63  }
0xed: {  	s3 =	ssub.s32 s23, s31  }
0xee: {  	p3 =	slt.s32 s3, $0x4  }
0xef: {  	s3 =	simm.s32 @!p3 $0x4  }
0xf0: {  	s3 =	sshll.u32 s3, $0x4  }
0xf1: {  	p3 =	slt.s32 s3, $0x1  }
.Ltmp9:
0xf2: {  	_ = 	snop;
	(pc) =	sbr.rel @p3 .LBB2_18-.Ltmp9, $4  }
0xf3: {  	_ = 	snop  }
0xf4: {  	_ =	swait.ge [sflag:s19], $0x3000  }
0xf5: {  	[sflag:s19] =	ssyncset.done $0x0  }
0xf6: {  	[sflag:s19] =	ssyncadd.s32 $0xFFFFD000  }
0xf7: {  	p3 =	slt.s32 s7, $0x4;
	s3 =	smov.u32 s7  }
0xf8: {  	s3 =	simm.s32 @!p3 $0x4  }
0xf9: {  	s3 =	sshll.u32 s3, $0x4  }
0xfa: {  	p4 =	sne.s32 s3, $0x1  }
.Ltmp10:
0xfb: {  	_ = 	snop;
	(pc) =	sbr.rel @!p4 .LBB2_13-.Ltmp10, $2  }
0xfc: {  	_ =	sdelay $0x2  }
0xfd: {  	s9 =	simm.s32 $0x138A0;
	v4 =	vld [tilespmem:s0+$0x0];
	p3 =	por $0x0, $0x0;
	s10 =	sadd.s32 $0xFFFFFFFF, s3  }
0xfe: {  	_ =	sdelay $0x3  }
0xff: {  	(v2sf) =	vpush v4, $0x0;
	_ =	sdelay $0xb  }
0x100: {  	v5 =	vld [tilespmem:s9+$0x40]  }
0x101: {  	v6 =	vld [tilespmem:s9+$0x30]  }
0x102: {  	v7 =	vld [tilespmem:s9+$0x20]  }
0x103: {  	v8 =	vld [tilespmem:s9+$0x10];
	s3 =	spop (v2sf)  }
0x104: {  	v9 =	vld [tilespmem:s9+$0x0];
	s11 =	sshra.s32 s3, $0x1F  }
0x105: {  	v10 =	vld [tilespmem:s9+$0xFFFFFFF0];
	s11 =	sshrl.u32 s11, $0x17  }
0x106: {  	v11 =	vld [tilespmem:s9+$0xFFFFFFE0];
	s11 =	sadd.s32 s11, s3  }
0x107: {  	v12 =	vld [tilespmem:s9+$0xFFFFFFD0];
	s11 =	sand.u32 $0xFFFE00, s11  }
0x108: {  	v13 =	vld [tilespmem:s9+$0xFFFFFFC0];
	s3 =	ssub.s32 s3, s11  }
0x109: {  	v14 =	vld [tilespmem:s9+$0xFFFFFFB0];
	s3 =	smul.u32 $0x300, s3  }
0x10a: {  	v15 =	vld [tilespmem:s9+$0xFFFFFFA0]  }
0x10b: {  	v4 =	vld [tilespmem:s9+$0x50];
	s3 =	sshra.s32 s3, $0x2  }
0x10c: {  	v16 =	vld [tilespmem:s3+$0x0]  }
0x10d: {  	v17 =	vld [tilespmem:s3+$0x10]  }
0x10e: {  	v18 =	vld [tilespmem:s3+$0x20]  }
0x10f: {  	v19 =	vld [tilespmem:s3+$0x30]  }
0x110: {  	v20 =	vld [tilespmem:s3+$0x40]  }
0x111: {  	v57 =	vld [tilespmem:s3+$0x50];
	v15 =	vmax.bf16 v16, v15  }
0x112: {  	v58 =	vld [tilespmem:s3+$0x60];
	v14 =	vmax.bf16 v17, v14;
	[tilespmem:s3+$0x0] =	vst v15  }
0x113: {  	v59 =	vld [tilespmem:s3+$0x70];
	v13 =	vmax.bf16 v18, v13;
	[tilespmem:s3+$0x10] =	vst v14  }
0x114: {  	v60 =	vld [tilespmem:s3+$0x80];
	v12 =	vmax.bf16 v19, v12;
	[tilespmem:s3+$0x20] =	vst v13  }
0x115: {  	v61 =	vld [tilespmem:s3+$0x90];
	v11 =	vmax.bf16 v20, v11;
	[tilespmem:s3+$0x30] =	vst v12  }
0x116: {  	v62 =	vld [tilespmem:s3+$0xA0];
	v10 =	vmax.bf16 v57, v10;
	[tilespmem:s3+$0x40] =	vst v11  }
0x117: {  	v63 =	vld [tilespmem:s3+$0xB0];
	v9 =	vmax.bf16 v58, v9;
	[tilespmem:s3+$0x50] =	vst v10  }
0x118: {  	v8 =	vmax.bf16 v59, v8;
	[tilespmem:s3+$0x60] =	vst v9  }
0x119: {  	p4 =	sne.s32 s10, $0x1;
	v7 =	vmax.bf16 v60, v7;
	[tilespmem:s3+$0x70] =	vst v8  }
.Ltmp11:
0x11a: {  	v6 =	vmax.bf16 v61, v6;
	[tilespmem:s3+$0x80] =	vst v7;
	(pc) =	sbr.rel @!p4 .LBB2_15-.Ltmp11, $4  }
0x11b: {  	v5 =	vmax.bf16 v62, v5;
	[tilespmem:s3+$0x90] =	vst v6  }
0x11c: {  	v4 =	vmax.bf16 v63, v4;
	[tilespmem:s3+$0xA0] =	vst v5  }
0x11d: {  	[tilespmem:s3+$0xB0] =	vst v4;
	s3 =	sadd.s32 $0x1, s0  }
0x11e: {  	p3 =	por $0x1, $0x1;
	s11 =	sadd.s32 $0xFFFFFFFF, s10;
	s10 =	simm.s32 $0x138A0;
	v4 =	vld [tilespmem:s3+$0x0]  }
.LBB2_16:
0x11f: {  	p4 =	sne.s32 s11, $0x1;
	_ =	sdelay $0x3  }
0x120: {  	(v2sf) =	vpush v4, $0x0;
	_ =	sdelay $0xa  }
0x121: {  	s10 =	sadd.s32 $0xC0, s10  }
0x122: {  	v4 =	vld [tilespmem:s10+$0x50]  }
0x123: {  	v5 =	vld [tilespmem:s10+$0x40]  }
0x124: {  	v6 =	vld [tilespmem:s10+$0x30]  }
0x125: {  	v7 =	vld [tilespmem:s10+$0x20];
	s14 =	spop (v2sf)  }
0x126: {  	s21 =	sshra.s32 s14, $0x1F;
	v8 =	vld [tilespmem:s10+$0x10]  }
0x127: {  	s21 =	sshrl.u32 s21, $0x17;
	v9 =	vld [tilespmem:s10+$0x0]  }
0x128: {  	s21 =	sadd.s32 s21, s14;
	v10 =	vld [tilespmem:s10+$0xFFFFFFF0]  }
0x129: {  	s21 =	sand.u32 $0xFFFE00, s21;
	v11 =	vld [tilespmem:s10+$0xFFFFFFE0]  }
0x12a: {  	s14 =	ssub.s32 s14, s21;
	v12 =	vld [tilespmem:s10+$0xFFFFFFD0]  }
0x12b: {  	s14 =	smul.u32 $0x300, s14;
	v13 =	vld [tilespmem:s10+$0xFFFFFFC0]  }
0x12c: {  	v14 =	vld [tilespmem:s10+$0xFFFFFFB0]  }
0x12d: {  	s14 =	sshra.s32 s14, $0x2;
	v15 =	vld [tilespmem:s10+$0xFFFFFFA0]  }
0x12e: {  	v16 =	vld [tilespmem:s14+$0x0]  }
0x12f: {  	v17 =	vld [tilespmem:s14+$0x10]  }
0x130: {  	v18 =	vld [tilespmem:s14+$0x20]  }
0x131: {  	v19 =	vld [tilespmem:s14+$0x30]  }
0x132: {  	v20 =	vld [tilespmem:s14+$0x40]  }
0x133: {  	v15 =	vmax.bf16 v16, v15;
	v16 =	vld [tilespmem:s14+$0x50]  }
0x134: {  	[tilespmem:s14+$0x0] =	vst v15;
	v14 =	vmax.bf16 v17, v14;
	v15 =	vld [tilespmem:s14+$0x60]  }
0x135: {  	[tilespmem:s14+$0x10] =	vst v14;
	v13 =	vmax.bf16 v18, v13;
	v14 =	vld [tilespmem:s14+$0x70]  }
0x136: {  	[tilespmem:s14+$0x20] =	vst v13;
	v12 =	vmax.bf16 v19, v12;
	v13 =	vld [tilespmem:s14+$0x80]  }
0x137: {  	[tilespmem:s14+$0x30] =	vst v12;
	v11 =	vmax.bf16 v20, v11;
	v12 =	vld [tilespmem:s14+$0x90]  }
0x138: {  	[tilespmem:s14+$0x40] =	vst v11;
	v10 =	vmax.bf16 v16, v10;
	v11 =	vld [tilespmem:s14+$0xA0]  }
0x139: {  	[tilespmem:s14+$0x50] =	vst v10;
	v9 =	vmax.bf16 v15, v9;
	v10 =	vld [tilespmem:s14+$0xB0]  }
0x13a: {  	[tilespmem:s14+$0x60] =	vst v9;
	v8 =	vmax.bf16 v14, v8  }
0x13b: {  	[tilespmem:s14+$0x70] =	vst v8;
	v7 =	vmax.bf16 v13, v7  }
.Ltmp12:
0x13c: {  	[tilespmem:s14+$0x80] =	vst v7;
	v6 =	vmax.bf16 v12, v6;
	(pc) =	sbr.rel @p4 .LBB2_16-.Ltmp12, $4  }
0x13d: {  	[tilespmem:s14+$0x90] =	vst v6;
	v5 =	vmax.bf16 v11, v5  }
0x13e: {  	[tilespmem:s14+$0xA0] =	vst v5;
	v4 =	vmax.bf16 v10, v4  }
0x13f: {  	s3 =	sadd.s32 $0x1, s3;
	[tilespmem:s14+$0xB0] =	vst v4  }
0x140: {  	s11 =	sadd.s32 $0xFFFFFFFF, s11;
	v4 =	vld [tilespmem:s3+$0x0]  }
.LBB2_17:
0x141: {  	_ =	sdelay $0x3  }
0x142: {  	(v2sf) =	vpush v4, $0x0;
	_ =	sdelay $0x9  }
0x143: {  	s3 =	sadd.s32 @p3 $0xC0, s10  }
0x144: {  	s9 =	smov.u32 @p3 s3  }
0x145: {  	v5 =	vld [tilespmem:s9+$0x40]  }
0x146: {  	v6 =	vld [tilespmem:s9+$0x30]  }
0x147: {  	v7 =	vld [tilespmem:s9+$0x20]  }
0x148: {  	v8 =	vld [tilespmem:s9+$0x10];
	s21 =	spop (v2sf)  }
0x149: {  	v9 =	vld [tilespmem:s9+$0x0];
	s31 =	sshra.s32 s21, $0x1F  }
0x14a: {  	v10 =	vld [tilespmem:s9+$0xFFFFFFF0];
	s10 =	sshrl.u32 s31, $0x17  }
0x14b: {  	v11 =	vld [tilespmem:s9+$0xFFFFFFE0];
	s10 =	sadd.s32 s10, s21  }
0x14c: {  	v12 =	vld [tilespmem:s9+$0xFFFFFFD0];
	s10 =	sand.u32 $0xFFFE00, s10  }
0x14d: {  	v13 =	vld [tilespmem:s9+$0xFFFFFFC0];
	s3 =	ssub.s32 s21, s10  }
0x14e: {  	v14 =	vld [tilespmem:s9+$0xFFFFFFB0];
	s3 =	smul.u32 $0x300, s3  }
0x14f: {  	v15 =	vld [tilespmem:s9+$0xFFFFFFA0]  }
0x150: {  	v4 =	vld [tilespmem:s9+$0x50];
	s3 =	sshra.s32 s3, $0x2  }
0x151: {  	v16 =	vld [tilespmem:s3+$0x0]  }
0x152: {  	v17 =	vld [tilespmem:s3+$0x10]  }
0x153: {  	v18 =	vld [tilespmem:s3+$0x20]  }
0x154: {  	v19 =	vld [tilespmem:s3+$0x30]  }
0x155: {  	v20 =	vld [tilespmem:s3+$0x40]  }
0x156: {  	v57 =	vld [tilespmem:s3+$0x50];
	v15 =	vmax.bf16 v16, v15  }
0x157: {  	v58 =	vld [tilespmem:s3+$0x60];
	v14 =	vmax.bf16 v17, v14;
	[tilespmem:s3+$0x0] =	vst v15  }
0x158: {  	v59 =	vld [tilespmem:s3+$0x70];
	v13 =	vmax.bf16 v18, v13;
	[tilespmem:s3+$0x10] =	vst v14  }
0x159: {  	v60 =	vld [tilespmem:s3+$0x80];
	v12 =	vmax.bf16 v19, v12;
	[tilespmem:s3+$0x20] =	vst v13  }
0x15a: {  	v61 =	vld [tilespmem:s3+$0x90];
	v11 =	vmax.bf16 v20, v11;
	[tilespmem:s3+$0x30] =	vst v12  }
0x15b: {  	v62 =	vld [tilespmem:s3+$0xA0];
	v10 =	vmax.bf16 v57, v10;
	[tilespmem:s3+$0x40] =	vst v11  }
0x15c: {  	v63 =	vld [tilespmem:s3+$0xB0];
	v9 =	vmax.bf16 v58, v9;
	[tilespmem:s3+$0x50] =	vst v10  }
0x15d: {  	v8 =	vmax.bf16 v59, v8;
	[tilespmem:s3+$0x60] =	vst v9  }
0x15e: {  	v7 =	vmax.bf16 v60, v7;
	[tilespmem:s3+$0x70] =	vst v8  }
0x15f: {  	v6 =	vmax.bf16 v61, v6;
	[tilespmem:s3+$0x80] =	vst v7  }
0x160: {  	v5 =	vmax.bf16 v62, v5;
	[tilespmem:s3+$0x90] =	vst v6  }
0x161: {  	v4 =	vmax.bf16 v63, v4;
	[tilespmem:s3+$0xA0] =	vst v5  }
0x162: {  	[tilespmem:s3+$0xB0] =	vst v4  }
.LBB2_18:
0x163: {  	s3 =	sshll.u32 s29, $0x1  }
0x164: {  	s3 =	sadd.s32 $0x2, s3  }
0x165: {  	p3 =	sge.s32 s3, s24  }
0x166: {  	s3 =	sshll.u32 @!p3 s3, $0x8  }
0x167: {  	s3 =	sshra.s32 @!p3 s3, $0x2  }
0x168: {  	v4 =	vld @!p3 [tilespmem:s3+$0xF0C0];
	_ =	sdelay $0x4  }
0x169: {  	v4 =	vshra.s32 @!p3 v4, $0x9  }
0x16a: {  	[tilespmem:$0x19840] =	vst @!p3 v4  }
0x16b: {  	v4 =	vld @!p3 [tilespmem:s3+$0xF0D0];
	_ =	sdelay $0x4  }
0x16c: {  	v4 =	vshra.s32 @!p3 v4, $0x9  }
0x16d: {  	[tilespmem:$0x19850] =	vst @!p3 v4  }
0x16e: {  	v4 =	vld @!p3 [tilespmem:s3+$0xF0E0];
	_ =	sdelay $0x4  }
0x16f: {  	v4 =	vshra.s32 @!p3 v4, $0x9  }
0x170: {  	[tilespmem:$0x19860] =	vst @!p3 v4  }
0x171: {  	v4 =	vld @!p3 [tilespmem:s3+$0xF0F0];
	_ =	sdelay $0x4  }
0x172: {  	v4 =	vshra.s32 @!p3 v4, $0x9  }
0x173: {  	s9 =	simm.s32 @!p3 $0x19840;
	s10 =	simm.s32 @!p3 $0x13840;
	s3 =	simm.s32 @!p3 $0x40;
	[tilespmem:$0x19870] =	vst @!p3 v4  }
0x174: {  	[tilespmem:s10], [sflag:$0x1] =	stream.indirect.gather @!p3 [hbm4b:s1+s3], $0xC0, s9, s3, $0xb8;
	[tilespmem:$0x198C0] =	vst v63  }
0x175: {  	s3 =	sshll.u32 @!p2 s8, $0x2  }
0x176: {  	s3 =	ssub.s32 @!p2 s23, s3  }
0x177: {  	p3 =	slt.s32 @!p2 s3, $0x4  }
0x178: {  	p3 =	por !p3, p2  }
0x179: {  	s3 =	simm.s32 @p3 $0x4  }
0x17a: {  	s3 =	sshll.u32 @!p2 s3, $0x4  }
0x17b: {  	p3 =	slt.s32 @!p2 s3, $0x1  }
0x17c: {  	p3 =	por p2, p3  }
.Ltmp13:
0x17d: {  	_ = 	snop;
	(pc) =	sbr.rel @p3 .LBB2_25-.Ltmp13, $4  }
0x17e: {  	s8 =	simm.s32 @!p2 $0x2  }
0x17f: {  	_ =	swait.ge @!p2 [sflag:s8], $0x3000  }
0x180: {  	[sflag:s8] =	ssyncset.done @!p2 $0x0  }
0x181: {  	[sflag:s8] =	ssyncadd.s32 @!p2 $0xFFFFD000  }
0x182: {  	p3 =	slt.s32 s28, $0x4;
	s3 =	smov.u32 s28  }
0x183: {  	s3 =	simm.s32 @!p3 $0x4  }
0x184: {  	s3 =	sshll.u32 s3, $0x4  }
0x185: {  	p3 =	sne.s32 s3, $0x1  }
.Ltmp14:
0x186: {  	v4 =	vld [tilespmem:s2+$0x0];
	(pc) =	sbr.rel @!p3 .LBB2_20-.Ltmp14, $2  }
0x187: {  	_ =	sdelay $0x2  }
0x188: {  	s8 =	simm.s32 @!p2 $0x168A0;
	p2 =	por $0x0, $0x0;
	s9 =	sadd.s32 $0xFFFFFFFF, s3  }
0x189: {  	(v2sf) =	vpush v4, $0x0;
	_ =	sdelay $0xb  }
0x18a: {  	v4 =	vld [tilespmem:s8+$0x50]  }
0x18b: {  	v5 =	vld [tilespmem:s8+$0x40]  }
0x18c: {  	v6 =	vld [tilespmem:s8+$0x30]  }
0x18d: {  	v7 =	vld [tilespmem:s8+$0x20];
	s3 =	spop (v2sf)  }
0x18e: {  	v8 =	vld [tilespmem:s8+$0x10];
	s10 =	sshra.s32 s3, $0x1F  }
0x18f: {  	v9 =	vld [tilespmem:s8+$0x0];
	s10 =	sshrl.u32 s10, $0x17  }
0x190: {  	v10 =	vld [tilespmem:s8+$0xFFFFFFF0];
	s10 =	sadd.s32 s10, s3  }
0x191: {  	v11 =	vld [tilespmem:s8+$0xFFFFFFE0];
	s10 =	sand.u32 $0xFFFE00, s10  }
0x192: {  	v12 =	vld [tilespmem:s8+$0xFFFFFFD0];
	s3 =	ssub.s32 s3, s10  }
0x193: {  	v13 =	vld [tilespmem:s8+$0xFFFFFFC0];
	s3 =	smul.u32 $0x300, s3  }
0x194: {  	v14 =	vld [tilespmem:s8+$0xFFFFFFB0]  }
0x195: {  	v15 =	vld [tilespmem:s8+$0xFFFFFFA0];
	s3 =	sshra.s32 s3, $0x2  }
0x196: {  	v16 =	vld [tilespmem:s3+$0x0]  }
0x197: {  	v17 =	vld [tilespmem:s3+$0x10]  }
0x198: {  	v18 =	vld [tilespmem:s3+$0x20]  }
0x199: {  	v19 =	vld [tilespmem:s3+$0x30]  }
0x19a: {  	v20 =	vld [tilespmem:s3+$0x40]  }
0x19b: {  	v57 =	vld [tilespmem:s3+$0x50];
	v15 =	vmax.bf16 v16, v15  }
0x19c: {  	v58 =	vld [tilespmem:s3+$0x60];
	v14 =	vmax.bf16 v17, v14;
	[tilespmem:s3+$0x0] =	vst v15  }
0x19d: {  	v59 =	vld [tilespmem:s3+$0x70];
	v13 =	vmax.bf16 v18, v13;
	[tilespmem:s3+$0x10] =	vst v14  }
0x19e: {  	v60 =	vld [tilespmem:s3+$0x80];
	v12 =	vmax.bf16 v19, v12;
	[tilespmem:s3+$0x20] =	vst v13  }
0x19f: {  	v61 =	vld [tilespmem:s3+$0x90];
	v11 =	vmax.bf16 v20, v11;
	[tilespmem:s3+$0x30] =	vst v12  }
0x1a0: {  	v62 =	vld [tilespmem:s3+$0xA0];
	v10 =	vmax.bf16 v57, v10;
	[tilespmem:s3+$0x40] =	vst v11  }
0x1a1: {  	v63 =	vld [tilespmem:s3+$0xB0];
	v9 =	vmax.bf16 v58, v9;
	[tilespmem:s3+$0x50] =	vst v10  }
0x1a2: {  	v8 =	vmax.bf16 v59, v8;
	[tilespmem:s3+$0x60] =	vst v9  }
0x1a3: {  	v7 =	vmax.bf16 v60, v7;
	[tilespmem:s3+$0x70] =	vst v8  }
0x1a4: {  	v6 =	vmax.bf16 v61, v6;
	[tilespmem:s3+$0x80] =	vst v7  }
0x1a5: {  	v5 =	vmax.bf16 v62, v5;
	[tilespmem:s3+$0x90] =	vst v6  }
0x1a6: {  	v4 =	vmax.bf16 v63, v4;
	[tilespmem:s3+$0xA0] =	vst v5  }
0x1a7: {  	p3 =	sne.s32 s9, $0x1;
	[tilespmem:s3+$0xB0] =	vst v4;
	s3 =	sadd.s32 $0x1, s2  }
.Ltmp15:
0x1a8: {  	v4 =	vld [tilespmem:s3+$0x0];
	(pc) =	sbr.rel @!p3 .LBB2_22-.Ltmp15, $2  }
0x1a9: {  	_ =	sdelay $0x2  }
0x1aa: {  	p2 =	por $0x1, $0x1;
	s10 =	sadd.s32 $0xFFFFFFFF, s9;
	s9 =	smov.u32 s8  }
.LBB2_23:
0x1ab: {  	p3 =	sne.s32 s10, $0x1;
	_ =	sdelay $0x3  }
0x1ac: {  	(v2sf) =	vpush v4, $0x0;
	_ =	sdelay $0xa  }
0x1ad: {  	s9 =	sadd.s32 $0xC0, s9  }
0x1ae: {  	v4 =	vld [tilespmem:s9+$0x50]  }
0x1af: {  	v5 =	vld [tilespmem:s9+$0x40]  }
0x1b0: {  	v6 =	vld [tilespmem:s9+$0x30]  }
0x1b1: {  	v7 =	vld [tilespmem:s9+$0x20];
	s11 =	spop (v2sf)  }
0x1b2: {  	s14 =	sshra.s32 s11, $0x1F;
	v8 =	vld [tilespmem:s9+$0x10]  }
0x1b3: {  	s14 =	sshrl.u32 s14, $0x17;
	v9 =	vld [tilespmem:s9+$0x0]  }
0x1b4: {  	s14 =	sadd.s32 s14, s11;
	v10 =	vld [tilespmem:s9+$0xFFFFFFF0]  }
0x1b5: {  	s14 =	sand.u32 $0xFFFE00, s14;
	v11 =	vld [tilespmem:s9+$0xFFFFFFE0]  }
0x1b6: {  	s11 =	ssub.s32 s11, s14;
	v12 =	vld [tilespmem:s9+$0xFFFFFFD0]  }
0x1b7: {  	s11 =	smul.u32 $0x300, s11;
	v13 =	vld [tilespmem:s9+$0xFFFFFFC0]  }
0x1b8: {  	v14 =	vld [tilespmem:s9+$0xFFFFFFB0]  }
0x1b9: {  	s11 =	sshra.s32 s11, $0x2;
	v15 =	vld [tilespmem:s9+$0xFFFFFFA0]  }
0x1ba: {  	v16 =	vld [tilespmem:s11+$0x0]  }
0x1bb: {  	v17 =	vld [tilespmem:s11+$0x10]  }
0x1bc: {  	v18 =	vld [tilespmem:s11+$0x20]  }
0x1bd: {  	v19 =	vld [tilespmem:s11+$0x30]  }
0x1be: {  	v20 =	vld [tilespmem:s11+$0x40]  }
0x1bf: {  	v15 =	vmax.bf16 v16, v15;
	v16 =	vld [tilespmem:s11+$0x50]  }
0x1c0: {  	[tilespmem:s11+$0x0] =	vst v15;
	v14 =	vmax.bf16 v17, v14;
	v15 =	vld [tilespmem:s11+$0x60]  }
0x1c1: {  	[tilespmem:s11+$0x10] =	vst v14;
	v13 =	vmax.bf16 v18, v13;
	v14 =	vld [tilespmem:s11+$0x70]  }
0x1c2: {  	[tilespmem:s11+$0x20] =	vst v13;
	v12 =	vmax.bf16 v19, v12;
	v13 =	vld [tilespmem:s11+$0x80]  }
0x1c3: {  	[tilespmem:s11+$0x30] =	vst v12;
	v11 =	vmax.bf16 v20, v11;
	v12 =	vld [tilespmem:s11+$0x90]  }
0x1c4: {  	[tilespmem:s11+$0x40] =	vst v11;
	v10 =	vmax.bf16 v16, v10;
	v11 =	vld [tilespmem:s11+$0xA0]  }
0x1c5: {  	[tilespmem:s11+$0x50] =	vst v10;
	v9 =	vmax.bf16 v15, v9;
	v10 =	vld [tilespmem:s11+$0xB0]  }
0x1c6: {  	[tilespmem:s11+$0x60] =	vst v9;
	v8 =	vmax.bf16 v14, v8  }
0x1c7: {  	[tilespmem:s11+$0x70] =	vst v8;
	v7 =	vmax.bf16 v13, v7  }
.Ltmp16:
0x1c8: {  	[tilespmem:s11+$0x80] =	vst v7;
	v6 =	vmax.bf16 v12, v6;
	(pc) =	sbr.rel @p3 .LBB2_23-.Ltmp16, $4  }
0x1c9: {  	[tilespmem:s11+$0x90] =	vst v6;
	v5 =	vmax.bf16 v11, v5  }
0x1ca: {  	[tilespmem:s11+$0xA0] =	vst v5;
	v4 =	vmax.bf16 v10, v4  }
0x1cb: {  	s3 =	sadd.s32 $0x1, s3;
	[tilespmem:s11+$0xB0] =	vst v4  }
0x1cc: {  	s10 =	sadd.s32 $0xFFFFFFFF, s10;
	v4 =	vld [tilespmem:s3+$0x0]  }
.Ltmp17:
0x1cd: {  	_ = 	snop;
	(pc) =	sbr.rel .LBB2_24-.Ltmp17, $1  }
0x1ce: {  	_ =	sdelay $0x3  }
.LBB2_13:
.Ltmp18:
0x1cf: {  	(pc) =	sbr.rel .LBB2_17-.Ltmp18, $2  }
0x1d0: {  	_ =	sdelay $0x2  }
0x1d1: {  	s10 =	simm.s32 $0x138A0  }
.LBB2_15:
.Ltmp19:
0x1d2: {  	(pc) =	sbr.rel .LBB2_17-.Ltmp19, $2  }
0x1d3: {  	_ =	sdelay $0x2  }
0x1d4: {  	s10 =	simm.s32 $0x138A0  }
.LBB2_22:
.Ltmp20:
0x1d5: {  	(pc) =	sbr.rel .LBB2_24-.Ltmp20, $2  }
0x1d6: {  	_ =	sdelay $0x2  }
0x1d7: {  	s9 =	smov.u32 s8  }
.LBB2_26:
0x1d8: {  	p2 =	slt.s32 s22, $0x50  }
.Ltmp21:
0x1d9: {  	_ = 	snop;
	(pc) =	sbr.rel @p2 .LBB2_27-.Ltmp21, $2  }
0x1da: {  	_ =	sdelay $0x2  }
0x1db: {  	s28 =	smov.u32 s22  }
.LBB2_47:
0x1dc: {  	s28 =	simm.s32 $0x0;
	s0 =	rddreg [dreg:$0x4]  }
0x1dd: {  	[hbm4b:s0+s28] =	stream.linear.scatter [tilespmem:s28], [sflag:$0x5], $0xF000, $0x38;
	[tilespmem:$0x198C0] =	vst v63  }
0x1de: {  	_ =	swait.ge [sflag:s20], $0xF000  }
0x1df: {  	[sflag:s20] =	ssyncset.done $0x0  }
0x1e0: {  	s31 =	rddreg [dreg:$0x5];
	[sflag:s20] =	ssyncadd.s32 $0xFFFF1000  }
0x1e1: {  	[tilespmem:s28], [sflag:$0x5] =	stream.linear.gather [hbm4b:s31+s28], $0xF000, $0x38;
	[tilespmem:$0x198C0] =	vst v63  }
0x1e2: {  	_ =	swait.ge [sflag:s20], $0xF000  }
0x1e3: {  	[sflag:s20] =	ssyncset.done $0x0  }
0x1e4: {  	[sflag:s20] =	ssyncadd.s32 $0xFFFF1000  }
0x1e5: {  	v4 =	vld @!p0 [tilespmem:$0xF0C0]  }
0x1e6: {  	v5 =	vld @!p0 [tilespmem:$0xF0D0]  }
0x1e7: {  	v6 =	vld @!p0 [tilespmem:$0xF0E0]  }
0x1e8: {  	v7 =	vld @!p0 [tilespmem:$0xF0F0];
	_ =	sdelay $0x1  }
0x1e9: {  	v4 =	vshra.s32 @!p0 v4, $0x9  }
.Ltmp22:
0x1ea: {  	[tilespmem:$0x19840] =	vst @!p0 v4;
	v4 =	vshra.s32 @!p0 v5, $0x9;
	(pc) =	sbr.rel @p1 .LBB2_64-.Ltmp22, $4  }
0x1eb: {  	[tilespmem:$0x19850] =	vst @!p0 v4;
	v4 =	vshra.s32 @!p0 v6, $0x9  }
0x1ec: {  	[tilespmem:$0x19860] =	vst @!p0 v4;
	v4 =	vshra.s32 @!p0 v7, $0x9  }
0x1ed: {  	s2 =	simm.s32 @!p0 $0x19840;
	s3 =	simm.s32 @!p0 $0x13840;
	s0 =	simm.s32 @!p0 $0x40;
	[tilespmem:$0x19870] =	vst @!p0 v4  }
0x1ee: {  	[tilespmem:s3], [sflag:$0x1] =	stream.indirect.gather @!p0 [hbm4b:s4+s0], $0xC0, s2, s0, $0xb8;
	[tilespmem:$0x198C0] =	vst v63  }
.Ltmp23:
0x1ef: {  	(pc) =	sbr.rel .LBB2_49-.Ltmp23, $3  }
0x1f0: {  	_ =	sdelay $0x1  }
0x1f1: {  	s0 =	simm.s32 $0x0  }
0x1f2: {  	s2 =	simm.s32 $0xF0C0;
	s7 =	simm.s32 $0xF100;
	s8 =	smov.u32 s23  }
.LBB2_46:
0x1f3: {  	s28 =	sadd.s32 $0x1, s28  }
0x1f4: {  	p3 =	sne.s32 s28, $0x50  }
.Ltmp24:
0x1f5: {  	_ = 	snop;
	(pc) =	sbr.rel @!p3 .LBB2_47-.Ltmp24, $2  }
0x1f6: {  	_ =	sdelay $0x2  }
0x1f7: {  	s30 =	simm.s32 $0x11900  }
.LBB2_27:
0x1f8: {  	s0 =	smul.u32 $0x7D0, s28;
	_ =	sdelay $0x1  }
0x1f9: {  	s2 =	sshrl.u32 s0, $0x3  }
0x1fa: {  	s0 =	simm.s32 $0x0;
	s3 =	sadd.s32 s5, s2  }
0x1fb: {  	[tilespmem:s30], [sflag:$0x5] =	stream.linear.gather [hbm4b:s3+s0], $0x7D0, $0x38;
	[tilespmem:$0x198C0] =	vst v63  }
0x1fc: {  	_ =	swait.ge [sflag:s20], $0x7D0  }
0x1fd: {  	[sflag:s20] =	ssyncset.done $0x0  }
0x1fe: {  	s2 =	sadd.s32 s6, s2;
	[sflag:s20] =	ssyncadd.s32 $0xFFFFF830  }
0x1ff: {  	[tilespmem:s13], [sflag:$0x5] =	stream.linear.gather [hbm4b:s2+s0], $0x7D0, $0x38;
	[tilespmem:$0x198C0] =	vst v63  }
0x200: {  	_ =	swait.ge [sflag:s20], $0x7D0  }
0x201: {  	[sflag:s20] =	ssyncset.done $0x0  }
0x202: {  	s30 =	simm.s32 $0x0;
	[sflag:s20] =	ssyncadd.s32 $0xFFFFF830  }
0x203: {  	v4 =	vld [tilespmem:s30+$0x120D0];
	_ =	sdelay $0x4  }
0x204: {  	v4 =	vsub.s32 v4, v0  }
0x205: {  	vm0 =	vlt.u32 v4, $0x140  }
0x206: {  	v5 =	vsel vm0, $0x1, v2  }
0x207: {  	(xrf0) =	vadd.scan.msk.s32 $0xffff, v5;
	_ =	sdelay $0x5  }
0x208: {  	v5 =	vld [tilespmem:s30+$0x11900];
	v6, _, _ =	vpop (xrf0)  }
0x209: {  	s31 =	simm.s32 $0x1FFF;
	(v2sf) =	vpush v6, $0xF  }
0x20a: {  	v6 =	vadd.s32 s31, v6;
	_ =	sdelay $0x2  }
0x20b: {  	v5 =	vshll.u32 v5, $0x9  }
0x20c: {  	v4 =	vadd.s32 v4, v5  }
0x20d: {  	s2 =	simm.s32 $0x10;
	[tilespmem:v6+s17+$0x0] =	vst.idx.msk vm0, v4  }
0x20e: {  	v4 =	vld [tilespmem:s2+$0x120D0];
	_ =	sdelay $0x4  }
0x20f: {  	v4 =	vsub.s32 v4, v0  }
0x210: {  	vm0 =	vlt.u32 v4, $0x140  }
0x211: {  	v5 =	vsel vm0, $0x1, v2  }
0x212: {  	s3 =	simm.s32 $0x80;
	(xrf0) =	vadd.scan.msk.s32 $0xffff, v5;
	s7 =	spop (v2sf)  }
.LBB2_28:
0x213: {  	p3 =	sne.s32 s3, $0x1F00  }
0x214: {  	s0 =	sadd.s32 s0, s7;
	s7 =	smov.u32 s3;
	s3 =	sadd.s32 $0x40, s3  }
0x215: {  	_ =	sdelay $0x1  }
0x216: {  	v5 =	vld [tilespmem:s2+$0x11900]  }
0x217: {  	s2 =	sadd.s32 $0x1FFF, s0;
	v6, _, _ =	vpop (xrf0)  }
0x218: {  	v7 =	vadd.s32 s2, v6;
	(v2sf) =	vpush v6, $0xF;
	_ =	sdelay $0x2  }
0x219: {  	v5 =	vshll.u32 v5, $0x9  }
0x21a: {  	v4 =	vadd.s32 v4, v5  }
0x21b: {  	s2 =	sshra.s32 s7, $0x2;
	[tilespmem:v7+s17+$0x0] =	vst.idx.msk vm0, v4  }
0x21c: {  	v4 =	vld [tilespmem:s2+$0x120D0];
	_ =	sdelay $0x4  }
.Ltmp25:
0x21d: {  	v4 =	vsub.s32 v4, v0;
	(pc) =	sbr.rel @p3 .LBB2_28-.Ltmp25, $4  }
0x21e: {  	vm0 =	vlt.u32 v4, $0x140  }
0x21f: {  	v5 =	vsel vm0, $0x1, v2  }
0x220: {  	(xrf0) =	vadd.scan.msk.s32 $0xffff, v5  }
0x221: {  	s7 =	spop (v2sf)  }
0x222: {  	_ =	sdelay $0x3  }
0x223: {  	v5, _, _ =	vpop (xrf0)  }
0x224: {  	(v2sf) =	vpush v5, $0xF;
	_ =	sdelay $0xe  }
0x225: {  	s3 =	sadd.s32 s0, s7;
	s21 =	spop (v2sf)  }
0x226: {  	s7 =	sadd.s32 s3, s21  }
0x227: {  	s0 =	sadd.s32 $0xF, s7  }
0x228: {  	s8 =	sand.u32 $0xF, s0  }
0x229: {  	s9 =	sshra.s32 s0, $0x1F;
	p3 =	slt.s32 s0, $0x1;
	p4 =	sne.s32 s8, $0x0  }
0x22a: {  	s29 =	sshrl.u32 s9, $0x1C;
	p3 =	por !p3, !p4  }
0x22b: {  	s8 =	simm.s32 $0x1;
	s0 =	sadd.s32 s29, s0;
	p3 =	por !p3, !p3  }
0x22c: {  	s0 =	sshra.s32 s0, $0x4;
	s8 =	simm.s32 @!p3 $0x0  }
0x22d: {  	v6 =	vld [tilespmem:s2+$0x11900];
	s9 =	ssub.s32 s0, s8  }
0x22e: {  	s8 =	sadd.s32 $0x1FFF, s3;
	s10 =	sadd.s32 $0x3, s9  }
0x22f: {  	s11 =	sadd.s32 $0x2000, s7;
	v5 =	vadd.s32 s8, v5;
	s12 =	sand.u32 $0x3, s10  }
0x230: {  	v7 =	vadd.s32 s11, v3;
	p6 =	slt.s32 s9, $0xFFFFFFFE;
	p5 =	sne.s32 s12, $0x0  }
0x231: {  	s14 =	sshrl.u32 s10, $0x1E;
	p4 =	por !p6, !p5  }
0x232: {  	v6 =	vshll.u32 v6, $0x9;
	s3 =	simm.s32 $0x1;
	s2 =	sadd.s32 s14, s10;
	p4 =	por !p4, !p4  }
0x233: {  	v4 =	vadd.s32 v4, v6;
	s2 =	sshra.s32 s2, $0x2;
	s3 =	simm.s32 @!p4 $0x0  }
0x234: {  	[tilespmem:v5+s17+$0x0] =	vst.idx.msk vm0, v4;
	s30 =	ssub.s32 s2, s3  }
0x235: {  	[tilespmem:v7+s17+$0x0] =	vst.idx.msk $0xffff, v1;
	p4 =	slt.s32 s30, $0x1  }
0x236: {  	v4 =	vld @!p4 [tilespmem:$0x110C0]  }
0x237: {  	v5 =	vld @!p4 [tilespmem:$0x110D0]  }
0x238: {  	v6 =	vld @!p4 [tilespmem:$0x110E0]  }
0x239: {  	v7 =	vld @!p4 [tilespmem:$0x110F0];
	_ =	sdelay $0x1  }
0x23a: {  	v4 =	vshra.s32 @!p4 v4, $0x9  }
0x23b: {  	[tilespmem:$0x19840] =	vst @!p4 v4;
	v4 =	vshra.s32 @!p4 v5, $0x9  }
0x23c: {  	s15 =	sadd.s32 $0x1, s30;
	[tilespmem:$0x19850] =	vst @!p4 v4;
	v4 =	vshra.s32 @!p4 v6, $0x9  }
0x23d: {  	p5 =	slt.s32 s30, $0x0;
	s2 =	simm.s32 @!p4 $0x40;
	s21 =	sand.u32 $0x1, s15;
	[tilespmem:$0x19860] =	vst @!p4 v4;
	v4 =	vshra.s32 @!p4 v7, $0x9  }
0x23e: {  	s3 =	simm.s32 @!p4 $0x19840;
	s7 =	simm.s32 @!p4 $0x13840;
	p6 =	seq.s32 s21, $0x1;
	[tilespmem:$0x19870] =	vst @!p4 v4  }
0x23f: {  	[tilespmem:s7], [sflag:$0x1] =	stream.indirect.gather @!p4 [hbm4b:s1+s2], $0xC0, s3, s2, $0xb8;
	[tilespmem:$0x198C0] =	vst v63  }
0x240: {  	s29 =	sshrl.u32 s15, $0x1F;
	p4 =	por !p5, !p6  }
0x241: {  	s2 =	sadd.s32 s29, s15;
	s3 =	simm.s32 $0x1;
	p4 =	por !p4, !p4  }
0x242: {  	s2 =	sshra.s32 s2, $0x1;
	s3 =	simm.s32 @!p4 $0x0  }
0x243: {  	s31 =	ssub.s32 s2, s3  }
0x244: {  	p4 =	slt.s32 s31, $0x1  }
.Ltmp26:
0x245: {  	_ = 	snop;
	(pc) =	sbr.rel @p4 .LBB2_46-.Ltmp26, $1  }
0x246: {  	_ =	sdelay $0x3  }
.Ltmp27:
0x247: {  	(pc) =	sbr.rel .LBB2_31-.Ltmp27, $4  }
0x248: {  	s2 =	simm.s32 $0xFFFFFFFF  }
0x249: {  	s2 =	simm.s32 @!p3 $0x0  }
0x24a: {  	s7 =	simm.s32 $0x110C0;
	s8 =	simm.s32 $0x11100;
	s0 =	sadd.s32 s2, s0  }
0x24b: {  	s29 =	smov.u32 s9;
	s2 =	simm.s32 $0x0;
	s0 =	sadd.s32 $0xFFFFFFFC, s0  }
.LBB2_40:
0x24c: {  	s3 =	smov.u32 s10  }
.LBB2_44:
0x24d: {  	(v2sf) =	vpush v4, $0x0;
	_ =	sdelay $0x9  }
0x24e: {  	s3 =	sadd.s32 @p3 $0xC0, s3  }
0x24f: {  	s10 =	smov.u32 @p3 s3  }
0x250: {  	v4 =	vld [tilespmem:s10+$0x50]  }
0x251: {  	v5 =	vld [tilespmem:s10+$0x40]  }
0x252: {  	v6 =	vld [tilespmem:s10+$0x30]  }
0x253: {  	v7 =	vld [tilespmem:s10+$0x20];
	s21 =	spop (v2sf)  }
0x254: {  	v8 =	vld [tilespmem:s10+$0x10];
	s11 =	sshra.s32 s21, $0x1F  }
0x255: {  	v9 =	vld [tilespmem:s10+$0x0];
	s11 =	sshrl.u32 s11, $0x17  }
0x256: {  	v10 =	vld [tilespmem:s10+$0xFFFFFFF0];
	s11 =	sadd.s32 s11, s21  }
0x257: {  	v11 =	vld [tilespmem:s10+$0xFFFFFFE0];
	s11 =	sand.u32 $0xFFFE00, s11  }
0x258: {  	v12 =	vld [tilespmem:s10+$0xFFFFFFD0];
	s3 =	ssub.s32 s21, s11  }
0x259: {  	v13 =	vld [tilespmem:s10+$0xFFFFFFC0];
	s3 =	smul.u32 $0x300, s3  }
0x25a: {  	v14 =	vld [tilespmem:s10+$0xFFFFFFB0]  }
0x25b: {  	v15 =	vld [tilespmem:s10+$0xFFFFFFA0];
	s3 =	sshra.s32 s3, $0x2  }
0x25c: {  	v16 =	vld [tilespmem:s3+$0x0]  }
0x25d: {  	v17 =	vld [tilespmem:s3+$0x10]  }
0x25e: {  	v18 =	vld [tilespmem:s3+$0x20]  }
0x25f: {  	v19 =	vld [tilespmem:s3+$0x30]  }
0x260: {  	v20 =	vld [tilespmem:s3+$0x40]  }
0x261: {  	v57 =	vld [tilespmem:s3+$0x50];
	v15 =	vmax.bf16 v16, v15  }
0x262: {  	v58 =	vld [tilespmem:s3+$0x60];
	v14 =	vmax.bf16 v17, v14;
	[tilespmem:s3+$0x0] =	vst v15  }
0x263: {  	v59 =	vld [tilespmem:s3+$0x70];
	v13 =	vmax.bf16 v18, v13;
	[tilespmem:s3+$0x10] =	vst v14  }
0x264: {  	v60 =	vld [tilespmem:s3+$0x80];
	v12 =	vmax.bf16 v19, v12;
	[tilespmem:s3+$0x20] =	vst v13  }
0x265: {  	v61 =	vld [tilespmem:s3+$0x90];
	v11 =	vmax.bf16 v20, v11;
	[tilespmem:s3+$0x30] =	vst v12  }
0x266: {  	v62 =	vld [tilespmem:s3+$0xA0];
	v10 =	vmax.bf16 v57, v10;
	[tilespmem:s3+$0x40] =	vst v11  }
0x267: {  	v63 =	vld [tilespmem:s3+$0xB0];
	v9 =	vmax.bf16 v58, v9;
	[tilespmem:s3+$0x50] =	vst v10  }
0x268: {  	v8 =	vmax.bf16 v59, v8;
	[tilespmem:s3+$0x60] =	vst v9  }
0x269: {  	v7 =	vmax.bf16 v60, v7;
	[tilespmem:s3+$0x70] =	vst v8  }
0x26a: {  	v6 =	vmax.bf16 v61, v6;
	[tilespmem:s3+$0x80] =	vst v7  }
0x26b: {  	v5 =	vmax.bf16 v62, v5;
	[tilespmem:s3+$0x90] =	vst v6  }
0x26c: {  	v4 =	vmax.bf16 v63, v4;
	[tilespmem:s3+$0xA0] =	vst v5  }
0x26d: {  	[tilespmem:s3+$0xB0] =	vst v4  }
.LBB2_45:
0x26e: {  	s2 =	sadd.s32 $0x1, s2  }
0x26f: {  	p3 =	sne.s32 s2, s31  }
.Ltmp28:
0x270: {  	_ = 	snop;
	(pc) =	sbr.rel @!p3 .LBB2_46-.Ltmp28, $3  }
0x271: {  	_ =	sdelay $0x1  }
0x272: {  	s29 =	sadd.s32 $0xFFFFFFF8, s29  }
0x273: {  	s0 =	sadd.s32 $0xFFFFFFF8, s0;
	s7 =	sadd.s32 $0x80, s7;
	s8 =	sadd.s32 $0x80, s8  }
.LBB2_31:
0x274: {  	s10 =	sshllo.u32 s2, $0x1  }
0x275: {  	p3 =	sge.s32 s10, s30  }
0x276: {  	s3 =	sshll.u32 @!p3 s10, $0x8  }
0x277: {  	s3 =	sshra.s32 @!p3 s3, $0x2  }
0x278: {  	v4 =	vld @!p3 [tilespmem:s3+$0x110C0];
	_ =	sdelay $0x4  }
0x279: {  	v4 =	vshra.s32 @!p3 v4, $0x9  }
0x27a: {  	[tilespmem:$0x19880] =	vst @!p3 v4  }
0x27b: {  	v4 =	vld @!p3 [tilespmem:s3+$0x110D0];
	_ =	sdelay $0x4  }
0x27c: {  	v4 =	vshra.s32 @!p3 v4, $0x9  }
0x27d: {  	[tilespmem:$0x19890] =	vst @!p3 v4  }
0x27e: {  	v4 =	vld @!p3 [tilespmem:s3+$0x110E0];
	_ =	sdelay $0x4  }
0x27f: {  	v4 =	vshra.s32 @!p3 v4, $0x9  }
0x280: {  	[tilespmem:$0x198A0] =	vst @!p3 v4  }
0x281: {  	v4 =	vld @!p3 [tilespmem:s3+$0x110F0];
	_ =	sdelay $0x4  }
0x282: {  	s21 =	sshll.u32 s2, $0x3;
	v4 =	vshra.s32 @!p3 v4, $0x9  }
0x283: {  	s11 =	simm.s32 @!p3 $0x19880;
	s14 =	simm.s32 @!p3 $0x16840;
	s3 =	simm.s32 @!p3 $0x40;
	[tilespmem:$0x198B0] =	vst @!p3 v4  }
0x284: {  	[tilespmem:s14], [sflag:$0x2] =	stream.indirect.gather @!p3 [hbm4b:s1+s3], $0xC0, s11, s3, $0xb8;
	[tilespmem:$0x198C0] =	vst v63  }
0x285: {  	s3 =	ssub.s32 s9, s21  }
0x286: {  	p4 =	slt.s32 s3, $0x4  }
0x287: {  	s3 =	simm.s32 @!p4 $0x4  }
0x288: {  	s3 =	sshll.u32 s3, $0x4  }
0x289: {  	p4 =	slt.s32 s3, $0x1  }
.Ltmp29:
0x28a: {  	_ = 	snop;
	(pc) =	sbr.rel @p4 .LBB2_38-.Ltmp29, $4  }
0x28b: {  	_ = 	snop  }
0x28c: {  	_ =	swait.ge [sflag:s19], $0x3000  }
0x28d: {  	[sflag:s19] =	ssyncset.done $0x0  }
0x28e: {  	[sflag:s19] =	ssyncadd.s32 $0xFFFFD000  }
0x28f: {  	p4 =	slt.s32 s29, $0x4;
	s3 =	smov.u32 s29  }
0x290: {  	s3 =	simm.s32 @!p4 $0x4  }
0x291: {  	s3 =	sshll.u32 s3, $0x4  }
0x292: {  	p5 =	sne.s32 s3, $0x1  }
.Ltmp30:
0x293: {  	_ = 	snop;
	(pc) =	sbr.rel @!p5 .LBB2_33-.Ltmp30, $2  }
0x294: {  	_ =	sdelay $0x2  }
0x295: {  	s11 =	simm.s32 $0x138A0;
	v4 =	vld [tilespmem:s7+$0x0];
	p4 =	por $0x0, $0x0;
	s3 =	sadd.s32 $0xFFFFFFFF, s3  }
0x296: {  	_ =	sdelay $0x3  }
0x297: {  	(v2sf) =	vpush v4, $0x0;
	_ =	sdelay $0xb  }
0x298: {  	v5 =	vld [tilespmem:s11+$0x40]  }
0x299: {  	v6 =	vld [tilespmem:s11+$0x30]  }
0x29a: {  	v7 =	vld [tilespmem:s11+$0x20]  }
0x29b: {  	v8 =	vld [tilespmem:s11+$0x10];
	s14 =	spop (v2sf)  }
0x29c: {  	v9 =	vld [tilespmem:s11+$0x0];
	s21 =	sshra.s32 s14, $0x1F  }
0x29d: {  	v10 =	vld [tilespmem:s11+$0xFFFFFFF0];
	s21 =	sshrl.u32 s21, $0x17  }
0x29e: {  	v11 =	vld [tilespmem:s11+$0xFFFFFFE0];
	s21 =	sadd.s32 s21, s14  }
0x29f: {  	v12 =	vld [tilespmem:s11+$0xFFFFFFD0];
	s21 =	sand.u32 $0xFFFE00, s21  }
0x2a0: {  	v13 =	vld [tilespmem:s11+$0xFFFFFFC0];
	s14 =	ssub.s32 s14, s21  }
0x2a1: {  	v14 =	vld [tilespmem:s11+$0xFFFFFFB0];
	s14 =	smul.u32 $0x300, s14  }
0x2a2: {  	v15 =	vld [tilespmem:s11+$0xFFFFFFA0]  }
0x2a3: {  	v4 =	vld [tilespmem:s11+$0x50];
	s14 =	sshra.s32 s14, $0x2  }
0x2a4: {  	v16 =	vld [tilespmem:s14+$0x0]  }
0x2a5: {  	v17 =	vld [tilespmem:s14+$0x10]  }
0x2a6: {  	v18 =	vld [tilespmem:s14+$0x20]  }
0x2a7: {  	v19 =	vld [tilespmem:s14+$0x30]  }
0x2a8: {  	v20 =	vld [tilespmem:s14+$0x40]  }
0x2a9: {  	v57 =	vld [tilespmem:s14+$0x50];
	v15 =	vmax.bf16 v16, v15  }
0x2aa: {  	v58 =	vld [tilespmem:s14+$0x60];
	v14 =	vmax.bf16 v17, v14;
	[tilespmem:s14+$0x0] =	vst v15  }
0x2ab: {  	v59 =	vld [tilespmem:s14+$0x70];
	v13 =	vmax.bf16 v18, v13;
	[tilespmem:s14+$0x10] =	vst v14  }
0x2ac: {  	v60 =	vld [tilespmem:s14+$0x80];
	v12 =	vmax.bf16 v19, v12;
	[tilespmem:s14+$0x20] =	vst v13  }
0x2ad: {  	v61 =	vld [tilespmem:s14+$0x90];
	v11 =	vmax.bf16 v20, v11;
	[tilespmem:s14+$0x30] =	vst v12  }
0x2ae: {  	v62 =	vld [tilespmem:s14+$0xA0];
	v10 =	vmax.bf16 v57, v10;
	[tilespmem:s14+$0x40] =	vst v11  }
0x2af: {  	v63 =	vld [tilespmem:s14+$0xB0];
	v9 =	vmax.bf16 v58, v9;
	[tilespmem:s14+$0x50] =	vst v10  }
0x2b0: {  	v8 =	vmax.bf16 v59, v8;
	[tilespmem:s14+$0x60] =	vst v9  }
0x2b1: {  	p5 =	sne.s32 s3, $0x1;
	v7 =	vmax.bf16 v60, v7;
	[tilespmem:s14+$0x70] =	vst v8  }
.Ltmp31:
0x2b2: {  	v6 =	vmax.bf16 v61, v6;
	[tilespmem:s14+$0x80] =	vst v7;
	(pc) =	sbr.rel @!p5 .LBB2_35-.Ltmp31, $4  }
0x2b3: {  	v5 =	vmax.bf16 v62, v5;
	[tilespmem:s14+$0x90] =	vst v6  }
0x2b4: {  	v4 =	vmax.bf16 v63, v4;
	[tilespmem:s14+$0xA0] =	vst v5  }
0x2b5: {  	s21 =	sadd.s32 $0x1, s7;
	[tilespmem:s14+$0xB0] =	vst v4  }
0x2b6: {  	p4 =	por $0x1, $0x1;
	s14 =	sadd.s32 $0xFFFFFFFF, s3;
	s3 =	simm.s32 $0x138A0;
	v4 =	vld [tilespmem:s21+$0x0]  }
.LBB2_36:
0x2b7: {  	p5 =	sne.s32 s14, $0x1;
	_ =	sdelay $0x3  }
0x2b8: {  	(v2sf) =	vpush v4, $0x0;
	_ =	sdelay $0xa  }
0x2b9: {  	s3 =	sadd.s32 $0xC0, s3  }
0x2ba: {  	v4 =	vld [tilespmem:s3+$0x50]  }
0x2bb: {  	v5 =	vld [tilespmem:s3+$0x40]  }
0x2bc: {  	v6 =	vld [tilespmem:s3+$0x30]  }
0x2bd: {  	v7 =	vld [tilespmem:s3+$0x20];
	s15 =	spop (v2sf)  }
0x2be: {  	s12 =	sshra.s32 s15, $0x1F;
	v8 =	vld [tilespmem:s3+$0x10]  }
0x2bf: {  	s12 =	sshrl.u32 s12, $0x17;
	v9 =	vld [tilespmem:s3+$0x0]  }
0x2c0: {  	s12 =	sadd.s32 s12, s15;
	v10 =	vld [tilespmem:s3+$0xFFFFFFF0]  }
0x2c1: {  	s12 =	sand.u32 $0xFFFE00, s12;
	v11 =	vld [tilespmem:s3+$0xFFFFFFE0]  }
0x2c2: {  	s12 =	ssub.s32 s15, s12;
	v12 =	vld [tilespmem:s3+$0xFFFFFFD0]  }
0x2c3: {  	s12 =	smul.u32 $0x300, s12;
	v13 =	vld [tilespmem:s3+$0xFFFFFFC0]  }
0x2c4: {  	v14 =	vld [tilespmem:s3+$0xFFFFFFB0]  }
0x2c5: {  	s12 =	sshra.s32 s12, $0x2;
	v15 =	vld [tilespmem:s3+$0xFFFFFFA0]  }
0x2c6: {  	v16 =	vld [tilespmem:s12+$0x0]  }
0x2c7: {  	v17 =	vld [tilespmem:s12+$0x10]  }
0x2c8: {  	v18 =	vld [tilespmem:s12+$0x20]  }
0x2c9: {  	v19 =	vld [tilespmem:s12+$0x30]  }
0x2ca: {  	v20 =	vld [tilespmem:s12+$0x40]  }
0x2cb: {  	v15 =	vmax.bf16 v16, v15;
	v16 =	vld [tilespmem:s12+$0x50]  }
0x2cc: {  	[tilespmem:s12+$0x0] =	vst v15;
	v14 =	vmax.bf16 v17, v14;
	v15 =	vld [tilespmem:s12+$0x60]  }
0x2cd: {  	[tilespmem:s12+$0x10] =	vst v14;
	v13 =	vmax.bf16 v18, v13;
	v14 =	vld [tilespmem:s12+$0x70]  }
0x2ce: {  	[tilespmem:s12+$0x20] =	vst v13;
	v12 =	vmax.bf16 v19, v12;
	v13 =	vld [tilespmem:s12+$0x80]  }
0x2cf: {  	[tilespmem:s12+$0x30] =	vst v12;
	v11 =	vmax.bf16 v20, v11;
	v12 =	vld [tilespmem:s12+$0x90]  }
0x2d0: {  	[tilespmem:s12+$0x40] =	vst v11;
	v10 =	vmax.bf16 v16, v10;
	v11 =	vld [tilespmem:s12+$0xA0]  }
0x2d1: {  	[tilespmem:s12+$0x50] =	vst v10;
	v9 =	vmax.bf16 v15, v9;
	v10 =	vld [tilespmem:s12+$0xB0]  }
0x2d2: {  	[tilespmem:s12+$0x60] =	vst v9;
	v8 =	vmax.bf16 v14, v8  }
0x2d3: {  	[tilespmem:s12+$0x70] =	vst v8;
	v7 =	vmax.bf16 v13, v7  }
.Ltmp32:
0x2d4: {  	[tilespmem:s12+$0x80] =	vst v7;
	v6 =	vmax.bf16 v12, v6;
	(pc) =	sbr.rel @p5 .LBB2_36-.Ltmp32, $4  }
0x2d5: {  	[tilespmem:s12+$0x90] =	vst v6;
	v5 =	vmax.bf16 v11, v5  }
0x2d6: {  	[tilespmem:s12+$0xA0] =	vst v5;
	v4 =	vmax.bf16 v10, v4  }
0x2d7: {  	s21 =	sadd.s32 $0x1, s21;
	[tilespmem:s12+$0xB0] =	vst v4  }
0x2d8: {  	s14 =	sadd.s32 $0xFFFFFFFF, s14;
	v4 =	vld [tilespmem:s21+$0x0]  }
.LBB2_37:
0x2d9: {  	_ =	sdelay $0x3  }
0x2da: {  	(v2sf) =	vpush v4, $0x0;
	_ =	sdelay $0x9  }
0x2db: {  	s3 =	sadd.s32 @p4 $0xC0, s3  }
0x2dc: {  	s11 =	smov.u32 @p4 s3  }
0x2dd: {  	v5 =	vld [tilespmem:s11+$0x40]  }
0x2de: {  	v6 =	vld [tilespmem:s11+$0x30]  }
0x2df: {  	v7 =	vld [tilespmem:s11+$0x20]  }
0x2e0: {  	v8 =	vld [tilespmem:s11+$0x10];
	s21 =	spop (v2sf)  }
0x2e1: {  	v9 =	vld [tilespmem:s11+$0x0];
	s12 =	sshra.s32 s21, $0x1F  }
0x2e2: {  	v10 =	vld [tilespmem:s11+$0xFFFFFFF0];
	s12 =	sshrl.u32 s12, $0x17  }
0x2e3: {  	v11 =	vld [tilespmem:s11+$0xFFFFFFE0];
	s12 =	sadd.s32 s12, s21  }
0x2e4: {  	v12 =	vld [tilespmem:s11+$0xFFFFFFD0];
	s12 =	sand.u32 $0xFFFE00, s12  }
0x2e5: {  	v13 =	vld [tilespmem:s11+$0xFFFFFFC0];
	s3 =	ssub.s32 s21, s12  }
0x2e6: {  	v14 =	vld [tilespmem:s11+$0xFFFFFFB0];
	s3 =	smul.u32 $0x300, s3  }
0x2e7: {  	v15 =	vld [tilespmem:s11+$0xFFFFFFA0]  }
0x2e8: {  	v4 =	vld [tilespmem:s11+$0x50];
	s3 =	sshra.s32 s3, $0x2  }
0x2e9: {  	v16 =	vld [tilespmem:s3+$0x0]  }
0x2ea: {  	v17 =	vld [tilespmem:s3+$0x10]  }
0x2eb: {  	v18 =	vld [tilespmem:s3+$0x20]  }
0x2ec: {  	v19 =	vld [tilespmem:s3+$0x30]  }
0x2ed: {  	v20 =	vld [tilespmem:s3+$0x40]  }
0x2ee: {  	v57 =	vld [tilespmem:s3+$0x50];
	v15 =	vmax.bf16 v16, v15  }
0x2ef: {  	v58 =	vld [tilespmem:s3+$0x60];
	v14 =	vmax.bf16 v17, v14;
	[tilespmem:s3+$0x0] =	vst v15  }
0x2f0: {  	v59 =	vld [tilespmem:s3+$0x70];
	v13 =	vmax.bf16 v18, v13;
	[tilespmem:s3+$0x10] =	vst v14  }
0x2f1: {  	v60 =	vld [tilespmem:s3+$0x80];
	v12 =	vmax.bf16 v19, v12;
	[tilespmem:s3+$0x20] =	vst v13  }
0x2f2: {  	v61 =	vld [tilespmem:s3+$0x90];
	v11 =	vmax.bf16 v20, v11;
	[tilespmem:s3+$0x30] =	vst v12  }
0x2f3: {  	v62 =	vld [tilespmem:s3+$0xA0];
	v10 =	vmax.bf16 v57, v10;
	[tilespmem:s3+$0x40] =	vst v11  }
0x2f4: {  	v63 =	vld [tilespmem:s3+$0xB0];
	v9 =	vmax.bf16 v58, v9;
	[tilespmem:s3+$0x50] =	vst v10  }
0x2f5: {  	v8 =	vmax.bf16 v59, v8;
	[tilespmem:s3+$0x60] =	vst v9  }
0x2f6: {  	v7 =	vmax.bf16 v60, v7;
	[tilespmem:s3+$0x70] =	vst v8  }
0x2f7: {  	v6 =	vmax.bf16 v61, v6;
	[tilespmem:s3+$0x80] =	vst v7  }
0x2f8: {  	v5 =	vmax.bf16 v62, v5;
	[tilespmem:s3+$0x90] =	vst v6  }
0x2f9: {  	v4 =	vmax.bf16 v63, v4;
	[tilespmem:s3+$0xA0] =	vst v5  }
0x2fa: {  	[tilespmem:s3+$0xB0] =	vst v4  }
.LBB2_38:
0x2fb: {  	s3 =	sshll.u32 s2, $0x1  }
0x2fc: {  	s3 =	sadd.s32 $0x2, s3  }
0x2fd: {  	p4 =	sge.s32 s3, s30  }
0x2fe: {  	s3 =	sshll.u32 @!p4 s3, $0x8  }
0x2ff: {  	s3 =	sshra.s32 @!p4 s3, $0x2  }
0x300: {  	v4 =	vld @!p4 [tilespmem:s3+$0x110C0];
	_ =	sdelay $0x4  }
0x301: {  	v4 =	vshra.s32 @!p4 v4, $0x9  }
0x302: {  	[tilespmem:$0x19840] =	vst @!p4 v4  }
0x303: {  	v4 =	vld @!p4 [tilespmem:s3+$0x110D0];
	_ =	sdelay $0x4  }
0x304: {  	v4 =	vshra.s32 @!p4 v4, $0x9  }
0x305: {  	[tilespmem:$0x19850] =	vst @!p4 v4  }
0x306: {  	v4 =	vld @!p4 [tilespmem:s3+$0x110E0];
	_ =	sdelay $0x4  }
0x307: {  	v4 =	vshra.s32 @!p4 v4, $0x9  }
0x308: {  	[tilespmem:$0x19860] =	vst @!p4 v4  }
0x309: {  	v4 =	vld @!p4 [tilespmem:s3+$0x110F0];
	_ =	sdelay $0x4  }
0x30a: {  	v4 =	vshra.s32 @!p4 v4, $0x9  }
0x30b: {  	s11 =	simm.s32 @!p4 $0x19840;
	s12 =	simm.s32 @!p4 $0x13840;
	s3 =	simm.s32 @!p4 $0x40;
	[tilespmem:$0x19870] =	vst @!p4 v4  }
0x30c: {  	[tilespmem:s12], [sflag:$0x1] =	stream.indirect.gather @!p4 [hbm4b:s1+s3], $0xC0, s11, s3, $0xb8;
	[tilespmem:$0x198C0] =	vst v63  }
0x30d: {  	s3 =	sshll.u32 @!p3 s10, $0x2  }
0x30e: {  	s3 =	ssub.s32 @!p3 s9, s3  }
0x30f: {  	p4 =	slt.s32 @!p3 s3, $0x4  }
0x310: {  	p4 =	por !p4, p3  }
0x311: {  	s3 =	simm.s32 @p4 $0x4  }
0x312: {  	s3 =	sshll.u32 @!p3 s3, $0x4  }
0x313: {  	p4 =	slt.s32 @!p3 s3, $0x1  }
0x314: {  	p4 =	por p3, p4  }
.Ltmp33:
0x315: {  	_ = 	snop;
	(pc) =	sbr.rel @p4 .LBB2_45-.Ltmp33, $4  }
0x316: {  	s10 =	simm.s32 @!p3 $0x2  }
0x317: {  	_ =	swait.ge @!p3 [sflag:s10], $0x3000  }
0x318: {  	[sflag:s10] =	ssyncset.done @!p3 $0x0  }
0x319: {  	[sflag:s10] =	ssyncadd.s32 @!p3 $0xFFFFD000  }
0x31a: {  	p4 =	slt.s32 s0, $0x4;
	s3 =	smov.u32 s0  }
0x31b: {  	s3 =	simm.s32 @!p4 $0x4  }
0x31c: {  	s3 =	sshll.u32 s3, $0x4  }
0x31d: {  	p4 =	sne.s32 s3, $0x1  }
.Ltmp34:
0x31e: {  	v4 =	vld [tilespmem:s8+$0x0];
	(pc) =	sbr.rel @!p4 .LBB2_40-.Ltmp34, $2  }
0x31f: {  	_ =	sdelay $0x2  }
0x320: {  	s10 =	simm.s32 @!p3 $0x168A0;
	p3 =	por $0x0, $0x0;
	s3 =	sadd.s32 $0xFFFFFFFF, s3  }
0x321: {  	(v2sf) =	vpush v4, $0x0;
	_ =	sdelay $0xb  }
0x322: {  	v4 =	vld [tilespmem:s10+$0x50]  }
0x323: {  	v5 =	vld [tilespmem:s10+$0x40]  }
0x324: {  	v6 =	vld [tilespmem:s10+$0x30]  }
0x325: {  	v7 =	vld [tilespmem:s10+$0x20];
	s11 =	spop (v2sf)  }
0x326: {  	v8 =	vld [tilespmem:s10+$0x10];
	s12 =	sshra.s32 s11, $0x1F  }
0x327: {  	v9 =	vld [tilespmem:s10+$0x0];
	s12 =	sshrl.u32 s12, $0x17  }
0x328: {  	v10 =	vld [tilespmem:s10+$0xFFFFFFF0];
	s12 =	sadd.s32 s12, s11  }
0x329: {  	v11 =	vld [tilespmem:s10+$0xFFFFFFE0];
	s12 =	sand.u32 $0xFFFE00, s12  }
0x32a: {  	v12 =	vld [tilespmem:s10+$0xFFFFFFD0];
	s11 =	ssub.s32 s11, s12  }
0x32b: {  	v13 =	vld [tilespmem:s10+$0xFFFFFFC0];
	s11 =	smul.u32 $0x300, s11  }
0x32c: {  	v14 =	vld [tilespmem:s10+$0xFFFFFFB0]  }
0x32d: {  	v15 =	vld [tilespmem:s10+$0xFFFFFFA0];
	s11 =	sshra.s32 s11, $0x2  }
0x32e: {  	v16 =	vld [tilespmem:s11+$0x0]  }
0x32f: {  	v17 =	vld [tilespmem:s11+$0x10]  }
0x330: {  	v18 =	vld [tilespmem:s11+$0x20]  }
0x331: {  	v19 =	vld [tilespmem:s11+$0x30]  }
0x332: {  	v20 =	vld [tilespmem:s11+$0x40]  }
0x333: {  	v57 =	vld [tilespmem:s11+$0x50];
	v15 =	vmax.bf16 v16, v15  }
0x334: {  	v58 =	vld [tilespmem:s11+$0x60];
	v14 =	vmax.bf16 v17, v14;
	[tilespmem:s11+$0x0] =	vst v15  }
0x335: {  	v59 =	vld [tilespmem:s11+$0x70];
	v13 =	vmax.bf16 v18, v13;
	[tilespmem:s11+$0x10] =	vst v14  }
0x336: {  	v60 =	vld [tilespmem:s11+$0x80];
	v12 =	vmax.bf16 v19, v12;
	[tilespmem:s11+$0x20] =	vst v13  }
0x337: {  	v61 =	vld [tilespmem:s11+$0x90];
	v11 =	vmax.bf16 v20, v11;
	[tilespmem:s11+$0x30] =	vst v12  }
0x338: {  	v62 =	vld [tilespmem:s11+$0xA0];
	v10 =	vmax.bf16 v57, v10;
	[tilespmem:s11+$0x40] =	vst v11  }
0x339: {  	v63 =	vld [tilespmem:s11+$0xB0];
	v9 =	vmax.bf16 v58, v9;
	[tilespmem:s11+$0x50] =	vst v10  }
0x33a: {  	v8 =	vmax.bf16 v59, v8;
	[tilespmem:s11+$0x60] =	vst v9  }
0x33b: {  	v7 =	vmax.bf16 v60, v7;
	[tilespmem:s11+$0x70] =	vst v8  }
0x33c: {  	v6 =	vmax.bf16 v61, v6;
	[tilespmem:s11+$0x80] =	vst v7  }
0x33d: {  	v5 =	vmax.bf16 v62, v5;
	[tilespmem:s11+$0x90] =	vst v6  }
0x33e: {  	v4 =	vmax.bf16 v63, v4;
	[tilespmem:s11+$0xA0] =	vst v5  }
0x33f: {  	p4 =	sne.s32 s3, $0x1;
	[tilespmem:s11+$0xB0] =	vst v4;
	s11 =	sadd.s32 $0x1, s8  }
.Ltmp35:
0x340: {  	v4 =	vld [tilespmem:s11+$0x0];
	(pc) =	sbr.rel @!p4 .LBB2_42-.Ltmp35, $2  }
0x341: {  	_ =	sdelay $0x2  }
0x342: {  	s14 =	sadd.s32 $0xFFFFFFFF, s3;
	p3 =	por $0x1, $0x1;
	s3 =	smov.u32 s10  }
.LBB2_43:
0x343: {  	p4 =	sne.s32 s14, $0x1;
	_ =	sdelay $0x3  }
0x344: {  	(v2sf) =	vpush v4, $0x0;
	_ =	sdelay $0xa  }
0x345: {  	s3 =	sadd.s32 $0xC0, s3  }
0x346: {  	v4 =	vld [tilespmem:s3+$0x50]  }
0x347: {  	v5 =	vld [tilespmem:s3+$0x40]  }
0x348: {  	v6 =	vld [tilespmem:s3+$0x30]  }
0x349: {  	v7 =	vld [tilespmem:s3+$0x20];
	s12 =	spop (v2sf)  }
0x34a: {  	s15 =	sshra.s32 s12, $0x1F;
	v8 =	vld [tilespmem:s3+$0x10]  }
0x34b: {  	s15 =	sshrl.u32 s15, $0x17;
	v9 =	vld [tilespmem:s3+$0x0]  }
0x34c: {  	s15 =	sadd.s32 s15, s12;
	v10 =	vld [tilespmem:s3+$0xFFFFFFF0]  }
0x34d: {  	s15 =	sand.u32 $0xFFFE00, s15;
	v11 =	vld [tilespmem:s3+$0xFFFFFFE0]  }
0x34e: {  	s12 =	ssub.s32 s12, s15;
	v12 =	vld [tilespmem:s3+$0xFFFFFFD0]  }
0x34f: {  	s12 =	smul.u32 $0x300, s12;
	v13 =	vld [tilespmem:s3+$0xFFFFFFC0]  }
0x350: {  	v14 =	vld [tilespmem:s3+$0xFFFFFFB0]  }
0x351: {  	s12 =	sshra.s32 s12, $0x2;
	v15 =	vld [tilespmem:s3+$0xFFFFFFA0]  }
0x352: {  	v16 =	vld [tilespmem:s12+$0x0]  }
0x353: {  	v17 =	vld [tilespmem:s12+$0x10]  }
0x354: {  	v18 =	vld [tilespmem:s12+$0x20]  }
0x355: {  	v19 =	vld [tilespmem:s12+$0x30]  }
0x356: {  	v20 =	vld [tilespmem:s12+$0x40]  }
0x357: {  	v15 =	vmax.bf16 v16, v15;
	v16 =	vld [tilespmem:s12+$0x50]  }
0x358: {  	[tilespmem:s12+$0x0] =	vst v15;
	v14 =	vmax.bf16 v17, v14;
	v15 =	vld [tilespmem:s12+$0x60]  }
0x359: {  	[tilespmem:s12+$0x10] =	vst v14;
	v13 =	vmax.bf16 v18, v13;
	v14 =	vld [tilespmem:s12+$0x70]  }
0x35a: {  	[tilespmem:s12+$0x20] =	vst v13;
	v12 =	vmax.bf16 v19, v12;
	v13 =	vld [tilespmem:s12+$0x80]  }
0x35b: {  	[tilespmem:s12+$0x30] =	vst v12;
	v11 =	vmax.bf16 v20, v11;
	v12 =	vld [tilespmem:s12+$0x90]  }
0x35c: {  	[tilespmem:s12+$0x40] =	vst v11;
	v10 =	vmax.bf16 v16, v10;
	v11 =	vld [tilespmem:s12+$0xA0]  }
0x35d: {  	[tilespmem:s12+$0x50] =	vst v10;
	v9 =	vmax.bf16 v15, v9;
	v10 =	vld [tilespmem:s12+$0xB0]  }
0x35e: {  	[tilespmem:s12+$0x60] =	vst v9;
	v8 =	vmax.bf16 v14, v8  }
0x35f: {  	[tilespmem:s12+$0x70] =	vst v8;
	v7 =	vmax.bf16 v13, v7  }
.Ltmp36:
0x360: {  	[tilespmem:s12+$0x80] =	vst v7;
	v6 =	vmax.bf16 v12, v6;
	(pc) =	sbr.rel @p4 .LBB2_43-.Ltmp36, $4  }
0x361: {  	[tilespmem:s12+$0x90] =	vst v6;
	v5 =	vmax.bf16 v11, v5  }
0x362: {  	[tilespmem:s12+$0xA0] =	vst v5;
	v4 =	vmax.bf16 v10, v4  }
0x363: {  	s11 =	sadd.s32 $0x1, s11;
	[tilespmem:s12+$0xB0] =	vst v4  }
0x364: {  	s14 =	sadd.s32 $0xFFFFFFFF, s14;
	v4 =	vld [tilespmem:s11+$0x0]  }
.Ltmp37:
0x365: {  	_ = 	snop;
	(pc) =	sbr.rel .LBB2_44-.Ltmp37, $1  }
0x366: {  	_ =	sdelay $0x3  }
.LBB2_33:
.Ltmp38:
0x367: {  	(pc) =	sbr.rel .LBB2_37-.Ltmp38, $2  }
0x368: {  	_ =	sdelay $0x2  }
0x369: {  	s3 =	simm.s32 $0x138A0  }
.LBB2_35:
.Ltmp39:
0x36a: {  	(pc) =	sbr.rel .LBB2_37-.Ltmp39, $2  }
0x36b: {  	_ =	sdelay $0x2  }
0x36c: {  	s3 =	simm.s32 $0x138A0  }
.LBB2_42:
.Ltmp40:
0x36d: {  	(pc) =	sbr.rel .LBB2_44-.Ltmp40, $2  }
0x36e: {  	_ =	sdelay $0x2  }
0x36f: {  	s3 =	smov.u32 s10  }
.LBB2_58:
0x370: {  	s3 =	smov.u32 s9  }
.LBB2_62:
0x371: {  	(v2sf) =	vpush v4, $0x0;
	_ =	sdelay $0x9  }
0x372: {  	s3 =	sadd.s32 @p0 $0xC0, s3  }
0x373: {  	s9 =	smov.u32 @p0 s3  }
0x374: {  	v4 =	vld [tilespmem:s9+$0x50]  }
0x375: {  	v5 =	vld [tilespmem:s9+$0x40]  }
0x376: {  	v6 =	vld [tilespmem:s9+$0x30]  }
0x377: {  	v7 =	vld [tilespmem:s9+$0x20];
	s31 =	spop (v2sf)  }
0x378: {  	v8 =	vld [tilespmem:s9+$0x10];
	s10 =	sshra.s32 s31, $0x1F  }
0x379: {  	v9 =	vld [tilespmem:s9+$0x0];
	s10 =	sshrl.u32 s10, $0x17  }
0x37a: {  	v10 =	vld [tilespmem:s9+$0xFFFFFFF0];
	s10 =	sadd.s32 s10, s31  }
0x37b: {  	v11 =	vld [tilespmem:s9+$0xFFFFFFE0];
	s10 =	sand.u32 $0xFFFE00, s10  }
0x37c: {  	v12 =	vld [tilespmem:s9+$0xFFFFFFD0];
	s3 =	ssub.s32 s31, s10  }
0x37d: {  	v13 =	vld [tilespmem:s9+$0xFFFFFFC0];
	s3 =	smul.u32 $0x300, s3  }
0x37e: {  	v14 =	vld [tilespmem:s9+$0xFFFFFFB0]  }
0x37f: {  	v15 =	vld [tilespmem:s9+$0xFFFFFFA0];
	s3 =	sshra.s32 s3, $0x2  }
0x380: {  	v16 =	vld [tilespmem:s3+$0x0]  }
0x381: {  	v17 =	vld [tilespmem:s3+$0x10]  }
0x382: {  	v18 =	vld [tilespmem:s3+$0x20]  }
0x383: {  	v19 =	vld [tilespmem:s3+$0x30]  }
0x384: {  	v20 =	vld [tilespmem:s3+$0x40]  }
0x385: {  	v57 =	vld [tilespmem:s3+$0x50];
	v15 =	vmax.bf16 v16, v15  }
0x386: {  	v58 =	vld [tilespmem:s3+$0x60];
	v14 =	vmax.bf16 v17, v14;
	[tilespmem:s3+$0x0] =	vst v15  }
0x387: {  	v59 =	vld [tilespmem:s3+$0x70];
	v13 =	vmax.bf16 v18, v13;
	[tilespmem:s3+$0x10] =	vst v14  }
0x388: {  	v60 =	vld [tilespmem:s3+$0x80];
	v12 =	vmax.bf16 v19, v12;
	[tilespmem:s3+$0x20] =	vst v13  }
0x389: {  	v61 =	vld [tilespmem:s3+$0x90];
	v11 =	vmax.bf16 v20, v11;
	[tilespmem:s3+$0x30] =	vst v12  }
0x38a: {  	v62 =	vld [tilespmem:s3+$0xA0];
	v10 =	vmax.bf16 v57, v10;
	[tilespmem:s3+$0x40] =	vst v11  }
0x38b: {  	v63 =	vld [tilespmem:s3+$0xB0];
	v9 =	vmax.bf16 v58, v9;
	[tilespmem:s3+$0x50] =	vst v10  }
0x38c: {  	v8 =	vmax.bf16 v59, v8;
	[tilespmem:s3+$0x60] =	vst v9  }
0x38d: {  	v7 =	vmax.bf16 v60, v7;
	[tilespmem:s3+$0x70] =	vst v8  }
0x38e: {  	v6 =	vmax.bf16 v61, v6;
	[tilespmem:s3+$0x80] =	vst v7  }
0x38f: {  	v5 =	vmax.bf16 v62, v5;
	[tilespmem:s3+$0x90] =	vst v6  }
0x390: {  	v4 =	vmax.bf16 v63, v4;
	[tilespmem:s3+$0xA0] =	vst v5  }
0x391: {  	[tilespmem:s3+$0xB0] =	vst v4  }
.LBB2_63:
0x392: {  	s0 =	sadd.s32 $0x1, s0  }
0x393: {  	p0 =	seq.s32 s0, s25  }
.Ltmp41:
0x394: {  	_ = 	snop;
	(pc) =	sbr.rel @p0 .LBB2_64-.Ltmp41, $3  }
0x395: {  	_ =	sdelay $0x1  }
0x396: {  	s8 =	sadd.s32 $0xFFFFFFF8, s8  }
0x397: {  	s26 =	sadd.s32 $0xFFFFFFF8, s26;
	s2 =	sadd.s32 $0x80, s2;
	s7 =	sadd.s32 $0x80, s7  }
.LBB2_49:
0x398: {  	s9 =	sshllo.u32 s0, $0x1  }
0x399: {  	p0 =	sge.s32 s9, s24  }
0x39a: {  	s3 =	sshll.u32 @!p0 s9, $0x8  }
0x39b: {  	s3 =	sshra.s32 @!p0 s3, $0x2  }
0x39c: {  	v4 =	vld @!p0 [tilespmem:s3+$0xF0C0];
	_ =	sdelay $0x4  }
0x39d: {  	v4 =	vshra.s32 @!p0 v4, $0x9  }
0x39e: {  	[tilespmem:$0x19880] =	vst @!p0 v4  }
0x39f: {  	v4 =	vld @!p0 [tilespmem:s3+$0xF0D0];
	_ =	sdelay $0x4  }
0x3a0: {  	v4 =	vshra.s32 @!p0 v4, $0x9  }
0x3a1: {  	[tilespmem:$0x19890] =	vst @!p0 v4  }
0x3a2: {  	v4 =	vld @!p0 [tilespmem:s3+$0xF0E0];
	_ =	sdelay $0x4  }
0x3a3: {  	v4 =	vshra.s32 @!p0 v4, $0x9  }
0x3a4: {  	[tilespmem:$0x198A0] =	vst @!p0 v4  }
0x3a5: {  	v4 =	vld @!p0 [tilespmem:s3+$0xF0F0];
	_ =	sdelay $0x4  }
0x3a6: {  	s31 =	sshll.u32 s0, $0x3;
	v4 =	vshra.s32 @!p0 v4, $0x9  }
0x3a7: {  	s10 =	simm.s32 @!p0 $0x19880;
	s11 =	simm.s32 @!p0 $0x16840;
	s3 =	simm.s32 @!p0 $0x40;
	[tilespmem:$0x198B0] =	vst @!p0 v4  }
0x3a8: {  	[tilespmem:s11], [sflag:$0x2] =	stream.indirect.gather @!p0 [hbm4b:s4+s3], $0xC0, s10, s3, $0xb8;
	[tilespmem:$0x198C0] =	vst v63  }
0x3a9: {  	s3 =	ssub.s32 s23, s31  }
0x3aa: {  	p1 =	slt.s32 s3, $0x4  }
0x3ab: {  	s3 =	simm.s32 @!p1 $0x4  }
0x3ac: {  	s3 =	sshll.u32 s3, $0x4  }
0x3ad: {  	p1 =	slt.s32 s3, $0x1  }
.Ltmp42:
0x3ae: {  	_ = 	snop;
	(pc) =	sbr.rel @p1 .LBB2_56-.Ltmp42, $4  }
0x3af: {  	_ = 	snop  }
0x3b0: {  	_ =	swait.ge [sflag:s19], $0x3000  }
0x3b1: {  	[sflag:s19] =	ssyncset.done $0x0  }
0x3b2: {  	[sflag:s19] =	ssyncadd.s32 $0xFFFFD000  }
0x3b3: {  	p1 =	slt.s32 s8, $0x4;
	s3 =	smov.u32 s8  }
0x3b4: {  	s3 =	simm.s32 @!p1 $0x4  }
0x3b5: {  	s3 =	sshll.u32 s3, $0x4  }
0x3b6: {  	p3 =	sne.s32 s3, $0x1  }
.Ltmp43:
0x3b7: {  	_ = 	snop;
	(pc) =	sbr.rel @!p3 .LBB2_51-.Ltmp43, $2  }
0x3b8: {  	_ =	sdelay $0x2  }
0x3b9: {  	s10 =	simm.s32 $0x138A0;
	v4 =	vld [tilespmem:s2+$0x0];
	p1 =	por $0x0, $0x0;
	s3 =	sadd.s32 $0xFFFFFFFF, s3  }
0x3ba: {  	_ =	sdelay $0x3  }
0x3bb: {  	(v2sf) =	vpush v4, $0x0;
	_ =	sdelay $0xb  }
0x3bc: {  	v5 =	vld [tilespmem:s10+$0x40]  }
0x3bd: {  	v6 =	vld [tilespmem:s10+$0x30]  }
0x3be: {  	v7 =	vld [tilespmem:s10+$0x20]  }
0x3bf: {  	v8 =	vld [tilespmem:s10+$0x10];
	s11 =	spop (v2sf)  }
0x3c0: {  	v9 =	vld [tilespmem:s10+$0x0];
	s12 =	sshra.s32 s11, $0x1F  }
0x3c1: {  	v10 =	vld [tilespmem:s10+$0xFFFFFFF0];
	s12 =	sshrl.u32 s12, $0x17  }
0x3c2: {  	v11 =	vld [tilespmem:s10+$0xFFFFFFE0];
	s12 =	sadd.s32 s12, s11  }
0x3c3: {  	v12 =	vld [tilespmem:s10+$0xFFFFFFD0];
	s12 =	sand.u32 $0xFFFE00, s12  }
0x3c4: {  	v13 =	vld [tilespmem:s10+$0xFFFFFFC0];
	s11 =	ssub.s32 s11, s12  }
0x3c5: {  	v14 =	vld [tilespmem:s10+$0xFFFFFFB0];
	s11 =	smul.u32 $0x300, s11  }
0x3c6: {  	v15 =	vld [tilespmem:s10+$0xFFFFFFA0]  }
0x3c7: {  	v4 =	vld [tilespmem:s10+$0x50];
	s11 =	sshra.s32 s11, $0x2  }
0x3c8: {  	v16 =	vld [tilespmem:s11+$0x0]  }
0x3c9: {  	v17 =	vld [tilespmem:s11+$0x10]  }
0x3ca: {  	v18 =	vld [tilespmem:s11+$0x20]  }
0x3cb: {  	v19 =	vld [tilespmem:s11+$0x30]  }
0x3cc: {  	v20 =	vld [tilespmem:s11+$0x40]  }
0x3cd: {  	v57 =	vld [tilespmem:s11+$0x50];
	v15 =	vmax.bf16 v16, v15  }
0x3ce: {  	v58 =	vld [tilespmem:s11+$0x60];
	v14 =	vmax.bf16 v17, v14;
	[tilespmem:s11+$0x0] =	vst v15  }
0x3cf: {  	v59 =	vld [tilespmem:s11+$0x70];
	v13 =	vmax.bf16 v18, v13;
	[tilespmem:s11+$0x10] =	vst v14  }
0x3d0: {  	v60 =	vld [tilespmem:s11+$0x80];
	v12 =	vmax.bf16 v19, v12;
	[tilespmem:s11+$0x20] =	vst v13  }
0x3d1: {  	v61 =	vld [tilespmem:s11+$0x90];
	v11 =	vmax.bf16 v20, v11;
	[tilespmem:s11+$0x30] =	vst v12  }
0x3d2: {  	v62 =	vld [tilespmem:s11+$0xA0];
	v10 =	vmax.bf16 v57, v10;
	[tilespmem:s11+$0x40] =	vst v11  }
0x3d3: {  	v63 =	vld [tilespmem:s11+$0xB0];
	v9 =	vmax.bf16 v58, v9;
	[tilespmem:s11+$0x50] =	vst v10  }
0x3d4: {  	v8 =	vmax.bf16 v59, v8;
	[tilespmem:s11+$0x60] =	vst v9  }
0x3d5: {  	p3 =	sne.s32 s3, $0x1;
	v7 =	vmax.bf16 v60, v7;
	[tilespmem:s11+$0x70] =	vst v8  }
.Ltmp44:
0x3d6: {  	v6 =	vmax.bf16 v61, v6;
	[tilespmem:s11+$0x80] =	vst v7;
	(pc) =	sbr.rel @!p3 .LBB2_53-.Ltmp44, $4  }
0x3d7: {  	v5 =	vmax.bf16 v62, v5;
	[tilespmem:s11+$0x90] =	vst v6  }
0x3d8: {  	v4 =	vmax.bf16 v63, v4;
	[tilespmem:s11+$0xA0] =	vst v5  }
0x3d9: {  	[tilespmem:s11+$0xB0] =	vst v4;
	s11 =	sadd.s32 $0x1, s2  }
0x3da: {  	s14 =	sadd.s32 $0xFFFFFFFF, s3;
	p1 =	por $0x1, $0x1;
	s3 =	simm.s32 $0x138A0;
	v4 =	vld [tilespmem:s11+$0x0]  }
.LBB2_54:
0x3db: {  	p3 =	sne.s32 s14, $0x1;
	_ =	sdelay $0x3  }
0x3dc: {  	(v2sf) =	vpush v4, $0x0;
	_ =	sdelay $0xa  }
0x3dd: {  	s3 =	sadd.s32 $0xC0, s3  }
0x3de: {  	v4 =	vld [tilespmem:s3+$0x50]  }
0x3df: {  	v5 =	vld [tilespmem:s3+$0x40]  }
0x3e0: {  	v6 =	vld [tilespmem:s3+$0x30]  }
0x3e1: {  	v7 =	vld [tilespmem:s3+$0x20];
	s12 =	spop (v2sf)  }
0x3e2: {  	s15 =	sshra.s32 s12, $0x1F;
	v8 =	vld [tilespmem:s3+$0x10]  }
0x3e3: {  	s15 =	sshrl.u32 s15, $0x17;
	v9 =	vld [tilespmem:s3+$0x0]  }
0x3e4: {  	s15 =	sadd.s32 s15, s12;
	v10 =	vld [tilespmem:s3+$0xFFFFFFF0]  }
0x3e5: {  	s15 =	sand.u32 $0xFFFE00, s15;
	v11 =	vld [tilespmem:s3+$0xFFFFFFE0]  }
0x3e6: {  	s12 =	ssub.s32 s12, s15;
	v12 =	vld [tilespmem:s3+$0xFFFFFFD0]  }
0x3e7: {  	s12 =	smul.u32 $0x300, s12;
	v13 =	vld [tilespmem:s3+$0xFFFFFFC0]  }
0x3e8: {  	v14 =	vld [tilespmem:s3+$0xFFFFFFB0]  }
0x3e9: {  	s12 =	sshra.s32 s12, $0x2;
	v15 =	vld [tilespmem:s3+$0xFFFFFFA0]  }
0x3ea: {  	v16 =	vld [tilespmem:s12+$0x0]  }
0x3eb: {  	v17 =	vld [tilespmem:s12+$0x10]  }
0x3ec: {  	v18 =	vld [tilespmem:s12+$0x20]  }
0x3ed: {  	v19 =	vld [tilespmem:s12+$0x30]  }
0x3ee: {  	v20 =	vld [tilespmem:s12+$0x40]  }
0x3ef: {  	v15 =	vmax.bf16 v16, v15;
	v16 =	vld [tilespmem:s12+$0x50]  }
0x3f0: {  	[tilespmem:s12+$0x0] =	vst v15;
	v14 =	vmax.bf16 v17, v14;
	v15 =	vld [tilespmem:s12+$0x60]  }
0x3f1: {  	[tilespmem:s12+$0x10] =	vst v14;
	v13 =	vmax.bf16 v18, v13;
	v14 =	vld [tilespmem:s12+$0x70]  }
0x3f2: {  	[tilespmem:s12+$0x20] =	vst v13;
	v12 =	vmax.bf16 v19, v12;
	v13 =	vld [tilespmem:s12+$0x80]  }
0x3f3: {  	[tilespmem:s12+$0x30] =	vst v12;
	v11 =	vmax.bf16 v20, v11;
	v12 =	vld [tilespmem:s12+$0x90]  }
0x3f4: {  	[tilespmem:s12+$0x40] =	vst v11;
	v10 =	vmax.bf16 v16, v10;
	v11 =	vld [tilespmem:s12+$0xA0]  }
0x3f5: {  	[tilespmem:s12+$0x50] =	vst v10;
	v9 =	vmax.bf16 v15, v9;
	v10 =	vld [tilespmem:s12+$0xB0]  }
0x3f6: {  	[tilespmem:s12+$0x60] =	vst v9;
	v8 =	vmax.bf16 v14, v8  }
0x3f7: {  	[tilespmem:s12+$0x70] =	vst v8;
	v7 =	vmax.bf16 v13, v7  }
.Ltmp45:
0x3f8: {  	[tilespmem:s12+$0x80] =	vst v7;
	v6 =	vmax.bf16 v12, v6;
	(pc) =	sbr.rel @p3 .LBB2_54-.Ltmp45, $4  }
0x3f9: {  	[tilespmem:s12+$0x90] =	vst v6;
	v5 =	vmax.bf16 v11, v5  }
0x3fa: {  	[tilespmem:s12+$0xA0] =	vst v5;
	v4 =	vmax.bf16 v10, v4  }
0x3fb: {  	s11 =	sadd.s32 $0x1, s11;
	[tilespmem:s12+$0xB0] =	vst v4  }
0x3fc: {  	s14 =	sadd.s32 $0xFFFFFFFF, s14;
	v4 =	vld [tilespmem:s11+$0x0]  }
.LBB2_55:
0x3fd: {  	_ =	sdelay $0x3  }
0x3fe: {  	(v2sf) =	vpush v4, $0x0;
	_ =	sdelay $0x9  }
0x3ff: {  	s3 =	sadd.s32 @p1 $0xC0, s3  }
0x400: {  	s10 =	smov.u32 @p1 s3  }
0x401: {  	v5 =	vld [tilespmem:s10+$0x40]  }
0x402: {  	v6 =	vld [tilespmem:s10+$0x30]  }
0x403: {  	v7 =	vld [tilespmem:s10+$0x20]  }
0x404: {  	v8 =	vld [tilespmem:s10+$0x10];
	s31 =	spop (v2sf)  }
0x405: {  	v9 =	vld [tilespmem:s10+$0x0];
	s11 =	sshra.s32 s31, $0x1F  }
0x406: {  	v10 =	vld [tilespmem:s10+$0xFFFFFFF0];
	s11 =	sshrl.u32 s11, $0x17  }
0x407: {  	v11 =	vld [tilespmem:s10+$0xFFFFFFE0];
	s11 =	sadd.s32 s11, s31  }
0x408: {  	v12 =	vld [tilespmem:s10+$0xFFFFFFD0];
	s11 =	sand.u32 $0xFFFE00, s11  }
0x409: {  	v13 =	vld [tilespmem:s10+$0xFFFFFFC0];
	s3 =	ssub.s32 s31, s11  }
0x40a: {  	v14 =	vld [tilespmem:s10+$0xFFFFFFB0];
	s3 =	smul.u32 $0x300, s3  }
0x40b: {  	v15 =	vld [tilespmem:s10+$0xFFFFFFA0]  }
0x40c: {  	v4 =	vld [tilespmem:s10+$0x50];
	s3 =	sshra.s32 s3, $0x2  }
0x40d: {  	v16 =	vld [tilespmem:s3+$0x0]  }
0x40e: {  	v17 =	vld [tilespmem:s3+$0x10]  }
0x40f: {  	v18 =	vld [tilespmem:s3+$0x20]  }
0x410: {  	v19 =	vld [tilespmem:s3+$0x30]  }
0x411: {  	v20 =	vld [tilespmem:s3+$0x40]  }
0x412: {  	v57 =	vld [tilespmem:s3+$0x50];
	v15 =	vmax.bf16 v16, v15  }
0x413: {  	v58 =	vld [tilespmem:s3+$0x60];
	v14 =	vmax.bf16 v17, v14;
	[tilespmem:s3+$0x0] =	vst v15  }
0x414: {  	v59 =	vld [tilespmem:s3+$0x70];
	v13 =	vmax.bf16 v18, v13;
	[tilespmem:s3+$0x10] =	vst v14  }
0x415: {  	v60 =	vld [tilespmem:s3+$0x80];
	v12 =	vmax.bf16 v19, v12;
	[tilespmem:s3+$0x20] =	vst v13  }
0x416: {  	v61 =	vld [tilespmem:s3+$0x90];
	v11 =	vmax.bf16 v20, v11;
	[tilespmem:s3+$0x30] =	vst v12  }
0x417: {  	v62 =	vld [tilespmem:s3+$0xA0];
	v10 =	vmax.bf16 v57, v10;
	[tilespmem:s3+$0x40] =	vst v11  }
0x418: {  	v63 =	vld [tilespmem:s3+$0xB0];
	v9 =	vmax.bf16 v58, v9;
	[tilespmem:s3+$0x50] =	vst v10  }
0x419: {  	v8 =	vmax.bf16 v59, v8;
	[tilespmem:s3+$0x60] =	vst v9  }
0x41a: {  	v7 =	vmax.bf16 v60, v7;
	[tilespmem:s3+$0x70] =	vst v8  }
0x41b: {  	v6 =	vmax.bf16 v61, v6;
	[tilespmem:s3+$0x80] =	vst v7  }
0x41c: {  	v5 =	vmax.bf16 v62, v5;
	[tilespmem:s3+$0x90] =	vst v6  }
0x41d: {  	v4 =	vmax.bf16 v63, v4;
	[tilespmem:s3+$0xA0] =	vst v5  }
0x41e: {  	[tilespmem:s3+$0xB0] =	vst v4  }
.LBB2_56:
0x41f: {  	s3 =	sshll.u32 s0, $0x1  }
0x420: {  	s3 =	sadd.s32 $0x2, s3  }
0x421: {  	p1 =	sge.s32 s3, s24  }
0x422: {  	s3 =	sshll.u32 @!p1 s3, $0x8  }
0x423: {  	s3 =	sshra.s32 @!p1 s3, $0x2  }
0x424: {  	v4 =	vld @!p1 [tilespmem:s3+$0xF0C0];
	_ =	sdelay $0x4  }
0x425: {  	v4 =	vshra.s32 @!p1 v4, $0x9  }
0x426: {  	[tilespmem:$0x19840] =	vst @!p1 v4  }
0x427: {  	v4 =	vld @!p1 [tilespmem:s3+$0xF0D0];
	_ =	sdelay $0x4  }
0x428: {  	v4 =	vshra.s32 @!p1 v4, $0x9  }
0x429: {  	[tilespmem:$0x19850] =	vst @!p1 v4  }
0x42a: {  	v4 =	vld @!p1 [tilespmem:s3+$0xF0E0];
	_ =	sdelay $0x4  }
0x42b: {  	v4 =	vshra.s32 @!p1 v4, $0x9  }
0x42c: {  	[tilespmem:$0x19860] =	vst @!p1 v4  }
0x42d: {  	v4 =	vld @!p1 [tilespmem:s3+$0xF0F0];
	_ =	sdelay $0x4  }
0x42e: {  	v4 =	vshra.s32 @!p1 v4, $0x9  }
0x42f: {  	s10 =	simm.s32 @!p1 $0x19840;
	s11 =	simm.s32 @!p1 $0x13840;
	s3 =	simm.s32 @!p1 $0x40;
	[tilespmem:$0x19870] =	vst @!p1 v4  }
0x430: {  	[tilespmem:s11], [sflag:$0x1] =	stream.indirect.gather @!p1 [hbm4b:s4+s3], $0xC0, s10, s3, $0xb8;
	[tilespmem:$0x198C0] =	vst v63  }
0x431: {  	s3 =	sshll.u32 @!p0 s9, $0x2  }
0x432: {  	s3 =	ssub.s32 @!p0 s23, s3  }
0x433: {  	p1 =	slt.s32 @!p0 s3, $0x4  }
0x434: {  	p1 =	por !p1, p0  }
0x435: {  	s3 =	simm.s32 @p1 $0x4  }
0x436: {  	s3 =	sshll.u32 @!p0 s3, $0x4  }
0x437: {  	p1 =	slt.s32 @!p0 s3, $0x1  }
0x438: {  	p1 =	por p0, p1  }
.Ltmp46:
0x439: {  	_ = 	snop;
	(pc) =	sbr.rel @p1 .LBB2_63-.Ltmp46, $4  }
0x43a: {  	s9 =	simm.s32 @!p0 $0x2  }
0x43b: {  	_ =	swait.ge @!p0 [sflag:s9], $0x3000  }
0x43c: {  	[sflag:s9] =	ssyncset.done @!p0 $0x0  }
0x43d: {  	[sflag:s9] =	ssyncadd.s32 @!p0 $0xFFFFD000  }
0x43e: {  	p1 =	slt.s32 s26, $0x4;
	s3 =	smov.u32 s26  }
0x43f: {  	s3 =	simm.s32 @!p1 $0x4  }
0x440: {  	s3 =	sshll.u32 s3, $0x4  }
0x441: {  	p1 =	sne.s32 s3, $0x1  }
.Ltmp47:
0x442: {  	v4 =	vld [tilespmem:s7+$0x0];
	(pc) =	sbr.rel @!p1 .LBB2_58-.Ltmp47, $2  }
0x443: {  	_ =	sdelay $0x2  }
0x444: {  	s9 =	simm.s32 @!p0 $0x168A0;
	p0 =	por $0x0, $0x0;
	s3 =	sadd.s32 $0xFFFFFFFF, s3  }
0x445: {  	(v2sf) =	vpush v4, $0x0;
	_ =	sdelay $0xb  }
0x446: {  	v4 =	vld [tilespmem:s9+$0x50]  }
0x447: {  	v5 =	vld [tilespmem:s9+$0x40]  }
0x448: {  	v6 =	vld [tilespmem:s9+$0x30]  }
0x449: {  	v7 =	vld [tilespmem:s9+$0x20];
	s10 =	spop (v2sf)  }
0x44a: {  	v8 =	vld [tilespmem:s9+$0x10];
	s11 =	sshra.s32 s10, $0x1F  }
0x44b: {  	v9 =	vld [tilespmem:s9+$0x0];
	s11 =	sshrl.u32 s11, $0x17  }
0x44c: {  	v10 =	vld [tilespmem:s9+$0xFFFFFFF0];
	s11 =	sadd.s32 s11, s10  }
0x44d: {  	v11 =	vld [tilespmem:s9+$0xFFFFFFE0];
	s11 =	sand.u32 $0xFFFE00, s11  }
0x44e: {  	v12 =	vld [tilespmem:s9+$0xFFFFFFD0];
	s10 =	ssub.s32 s10, s11  }
0x44f: {  	v13 =	vld [tilespmem:s9+$0xFFFFFFC0];
	s10 =	smul.u32 $0x300, s10  }
0x450: {  	v14 =	vld [tilespmem:s9+$0xFFFFFFB0]  }
0x451: {  	v15 =	vld [tilespmem:s9+$0xFFFFFFA0];
	s10 =	sshra.s32 s10, $0x2  }
0x452: {  	v16 =	vld [tilespmem:s10+$0x0]  }
0x453: {  	v17 =	vld [tilespmem:s10+$0x10]  }
0x454: {  	v18 =	vld [tilespmem:s10+$0x20]  }
0x455: {  	v19 =	vld [tilespmem:s10+$0x30]  }
0x456: {  	v20 =	vld [tilespmem:s10+$0x40]  }
0x457: {  	v57 =	vld [tilespmem:s10+$0x50];
	v15 =	vmax.bf16 v16, v15  }
0x458: {  	v58 =	vld [tilespmem:s10+$0x60];
	v14 =	vmax.bf16 v17, v14;
	[tilespmem:s10+$0x0] =	vst v15  }
0x459: {  	v59 =	vld [tilespmem:s10+$0x70];
	v13 =	vmax.bf16 v18, v13;
	[tilespmem:s10+$0x10] =	vst v14  }
0x45a: {  	v60 =	vld [tilespmem:s10+$0x80];
	v12 =	vmax.bf16 v19, v12;
	[tilespmem:s10+$0x20] =	vst v13  }
0x45b: {  	v61 =	vld [tilespmem:s10+$0x90];
	v11 =	vmax.bf16 v20, v11;
	[tilespmem:s10+$0x30] =	vst v12  }
0x45c: {  	v62 =	vld [tilespmem:s10+$0xA0];
	v10 =	vmax.bf16 v57, v10;
	[tilespmem:s10+$0x40] =	vst v11  }
0x45d: {  	v63 =	vld [tilespmem:s10+$0xB0];
	v9 =	vmax.bf16 v58, v9;
	[tilespmem:s10+$0x50] =	vst v10  }
0x45e: {  	v8 =	vmax.bf16 v59, v8;
	[tilespmem:s10+$0x60] =	vst v9  }
0x45f: {  	v7 =	vmax.bf16 v60, v7;
	[tilespmem:s10+$0x70] =	vst v8  }
0x460: {  	v6 =	vmax.bf16 v61, v6;
	[tilespmem:s10+$0x80] =	vst v7  }
0x461: {  	v5 =	vmax.bf16 v62, v5;
	[tilespmem:s10+$0x90] =	vst v6  }
0x462: {  	v4 =	vmax.bf16 v63, v4;
	[tilespmem:s10+$0xA0] =	vst v5  }
0x463: {  	p1 =	sne.s32 s3, $0x1;
	[tilespmem:s10+$0xB0] =	vst v4;
	s10 =	sadd.s32 $0x1, s7  }
.Ltmp48:
0x464: {  	v4 =	vld [tilespmem:s10+$0x0];
	(pc) =	sbr.rel @!p1 .LBB2_60-.Ltmp48, $2  }
0x465: {  	_ =	sdelay $0x2  }
0x466: {  	p0 =	por $0x1, $0x1;
	s11 =	sadd.s32 $0xFFFFFFFF, s3;
	s3 =	smov.u32 s9  }
.LBB2_61:
0x467: {  	p1 =	sne.s32 s11, $0x1;
	_ =	sdelay $0x3  }
0x468: {  	(v2sf) =	vpush v4, $0x0;
	_ =	sdelay $0xa  }
0x469: {  	s3 =	sadd.s32 $0xC0, s3  }
0x46a: {  	v4 =	vld [tilespmem:s3+$0x50]  }
0x46b: {  	v5 =	vld [tilespmem:s3+$0x40]  }
0x46c: {  	v6 =	vld [tilespmem:s3+$0x30]  }
0x46d: {  	v7 =	vld [tilespmem:s3+$0x20];
	s12 =	spop (v2sf)  }
0x46e: {  	s14 =	sshra.s32 s12, $0x1F;
	v8 =	vld [tilespmem:s3+$0x10]  }
0x46f: {  	s14 =	sshrl.u32 s14, $0x17;
	v9 =	vld [tilespmem:s3+$0x0]  }
0x470: {  	s14 =	sadd.s32 s14, s12;
	v10 =	vld [tilespmem:s3+$0xFFFFFFF0]  }
0x471: {  	s14 =	sand.u32 $0xFFFE00, s14;
	v11 =	vld [tilespmem:s3+$0xFFFFFFE0]  }
0x472: {  	s12 =	ssub.s32 s12, s14;
	v12 =	vld [tilespmem:s3+$0xFFFFFFD0]  }
0x473: {  	s12 =	smul.u32 $0x300, s12;
	v13 =	vld [tilespmem:s3+$0xFFFFFFC0]  }
0x474: {  	v14 =	vld [tilespmem:s3+$0xFFFFFFB0]  }
0x475: {  	s12 =	sshra.s32 s12, $0x2;
	v15 =	vld [tilespmem:s3+$0xFFFFFFA0]  }
0x476: {  	v16 =	vld [tilespmem:s12+$0x0]  }
0x477: {  	v17 =	vld [tilespmem:s12+$0x10]  }
0x478: {  	v18 =	vld [tilespmem:s12+$0x20]  }
0x479: {  	v19 =	vld [tilespmem:s12+$0x30]  }
0x47a: {  	v20 =	vld [tilespmem:s12+$0x40]  }
0x47b: {  	v15 =	vmax.bf16 v16, v15;
	v16 =	vld [tilespmem:s12+$0x50]  }
0x47c: {  	[tilespmem:s12+$0x0] =	vst v15;
	v14 =	vmax.bf16 v17, v14;
	v15 =	vld [tilespmem:s12+$0x60]  }
0x47d: {  	[tilespmem:s12+$0x10] =	vst v14;
	v13 =	vmax.bf16 v18, v13;
	v14 =	vld [tilespmem:s12+$0x70]  }
0x47e: {  	[tilespmem:s12+$0x20] =	vst v13;
	v12 =	vmax.bf16 v19, v12;
	v13 =	vld [tilespmem:s12+$0x80]  }
0x47f: {  	[tilespmem:s12+$0x30] =	vst v12;
	v11 =	vmax.bf16 v20, v11;
	v12 =	vld [tilespmem:s12+$0x90]  }
0x480: {  	[tilespmem:s12+$0x40] =	vst v11;
	v10 =	vmax.bf16 v16, v10;
	v11 =	vld [tilespmem:s12+$0xA0]  }
0x481: {  	[tilespmem:s12+$0x50] =	vst v10;
	v9 =	vmax.bf16 v15, v9;
	v10 =	vld [tilespmem:s12+$0xB0]  }
0x482: {  	[tilespmem:s12+$0x60] =	vst v9;
	v8 =	vmax.bf16 v14, v8  }
0x483: {  	[tilespmem:s12+$0x70] =	vst v8;
	v7 =	vmax.bf16 v13, v7  }
.Ltmp49:
0x484: {  	[tilespmem:s12+$0x80] =	vst v7;
	v6 =	vmax.bf16 v12, v6;
	(pc) =	sbr.rel @p1 .LBB2_61-.Ltmp49, $4  }
0x485: {  	[tilespmem:s12+$0x90] =	vst v6;
	v5 =	vmax.bf16 v11, v5  }
0x486: {  	[tilespmem:s12+$0xA0] =	vst v5;
	v4 =	vmax.bf16 v10, v4  }
0x487: {  	s10 =	sadd.s32 $0x1, s10;
	[tilespmem:s12+$0xB0] =	vst v4  }
0x488: {  	s11 =	sadd.s32 $0xFFFFFFFF, s11;
	v4 =	vld [tilespmem:s10+$0x0]  }
.Ltmp50:
0x489: {  	_ = 	snop;
	(pc) =	sbr.rel .LBB2_62-.Ltmp50, $1  }
0x48a: {  	_ =	sdelay $0x3  }
.LBB2_51:
.Ltmp51:
0x48b: {  	(pc) =	sbr.rel .LBB2_55-.Ltmp51, $2  }
0x48c: {  	_ =	sdelay $0x2  }
0x48d: {  	s3 =	simm.s32 $0x138A0  }
.LBB2_53:
.Ltmp52:
0x48e: {  	(pc) =	sbr.rel .LBB2_55-.Ltmp52, $2  }
0x48f: {  	_ =	sdelay $0x2  }
0x490: {  	s3 =	simm.s32 $0x138A0  }
.LBB2_60:
.Ltmp53:
0x491: {  	(pc) =	sbr.rel .LBB2_62-.Ltmp53, $2  }
0x492: {  	_ =	sdelay $0x2  }
0x493: {  	s3 =	smov.u32 s9  }
.LBB2_64:
.Ltmp54:
0x494: {  	(pc) =	sbr.rel @!p2 .LBB2_85-.Ltmp54, $4  }
.Ltmp55:
0x495: {  	(pc) =	sbr.rel @p2 .LBB2_65-.Ltmp55, $4  }
0x496: {  	_ = 	snop  }
0x497: {  	_ = 	snop  }
0x498: {  	_ = 	snop  }
0x499: {  	_ = 	snop  }
.LBB2_84:
0x49a: {  	s22 =	sadd.s32 $0x1, s22  }
0x49b: {  	p0 =	sne.s32 s22, $0x50  }
.Ltmp56:
0x49c: {  	_ = 	snop;
	(pc) =	sbr.rel @!p0 .LBB2_85-.Ltmp56, $1  }
0x49d: {  	_ =	sdelay $0x3  }
.LBB2_65:
0x49e: {  	s0 =	smul.u32 $0x7D0, s22;
	_ =	sdelay $0x1  }
0x49f: {  	s2 =	sshrl.u32 s0, $0x3  }
0x4a0: {  	s0 =	simm.s32 $0x0;
	s3 =	sadd.s32 s5, s2  }
0x4a1: {  	[tilespmem:s30], [sflag:$0x5] =	stream.linear.gather [hbm4b:s3+s0], $0x7D0, $0x38;
	[tilespmem:$0x198C0] =	vst v63  }
0x4a2: {  	_ =	swait.ge [sflag:s20], $0x7D0  }
0x4a3: {  	[sflag:s20] =	ssyncset.done $0x0  }
0x4a4: {  	s2 =	sadd.s32 s6, s2;
	[sflag:s20] =	ssyncadd.s32 $0xFFFFF830  }
0x4a5: {  	[tilespmem:s13], [sflag:$0x5] =	stream.linear.gather [hbm4b:s2+s0], $0x7D0, $0x38;
	[tilespmem:$0x198C0] =	vst v63  }
0x4a6: {  	_ =	swait.ge [sflag:s20], $0x7D0  }
0x4a7: {  	[sflag:s20] =	ssyncset.done $0x0  }
0x4a8: {  	s29 =	simm.s32 $0x0;
	[sflag:s20] =	ssyncadd.s32 $0xFFFFF830  }
0x4a9: {  	v4 =	vld [tilespmem:s29+$0x120D0];
	_ =	sdelay $0x4  }
0x4aa: {  	v4 =	vsub.s32 v4, v0  }
0x4ab: {  	vm0 =	vlt.u32 v4, $0x140  }
0x4ac: {  	v5 =	vsel vm0, $0x1, v2  }
0x4ad: {  	(xrf0) =	vadd.scan.msk.s32 $0xffff, v5;
	_ =	sdelay $0x5  }
0x4ae: {  	v5 =	vld [tilespmem:s29+$0x11900];
	v6, _, _ =	vpop (xrf0)  }
0x4af: {  	s31 =	simm.s32 $0x1FFF;
	(v2sf) =	vpush v6, $0xF  }
0x4b0: {  	v6 =	vadd.s32 s31, v6;
	_ =	sdelay $0x2  }
0x4b1: {  	v5 =	vshll.u32 v5, $0x9  }
0x4b2: {  	v4 =	vadd.s32 v4, v5  }
0x4b3: {  	s2 =	simm.s32 $0x10;
	[tilespmem:v6+s17+$0x0] =	vst.idx.msk vm0, v4  }
0x4b4: {  	v4 =	vld [tilespmem:s2+$0x120D0];
	_ =	sdelay $0x4  }
0x4b5: {  	v4 =	vsub.s32 v4, v0  }
0x4b6: {  	vm0 =	vlt.u32 v4, $0x140  }
0x4b7: {  	v5 =	vsel vm0, $0x1, v2  }
0x4b8: {  	s3 =	simm.s32 $0x80;
	(xrf0) =	vadd.scan.msk.s32 $0xffff, v5;
	s7 =	spop (v2sf)  }
.LBB2_66:
0x4b9: {  	p0 =	sne.s32 s3, $0x1F00  }
0x4ba: {  	s0 =	sadd.s32 s0, s7;
	s7 =	smov.u32 s3;
	s3 =	sadd.s32 $0x40, s3  }
0x4bb: {  	_ =	sdelay $0x1  }
0x4bc: {  	v5 =	vld [tilespmem:s2+$0x11900]  }
0x4bd: {  	s2 =	sadd.s32 $0x1FFF, s0;
	v6, _, _ =	vpop (xrf0)  }
0x4be: {  	v7 =	vadd.s32 s2, v6;
	(v2sf) =	vpush v6, $0xF;
	_ =	sdelay $0x2  }
0x4bf: {  	v5 =	vshll.u32 v5, $0x9  }
0x4c0: {  	v4 =	vadd.s32 v4, v5  }
0x4c1: {  	s2 =	sshra.s32 s7, $0x2;
	[tilespmem:v7+s17+$0x0] =	vst.idx.msk vm0, v4  }
0x4c2: {  	v4 =	vld [tilespmem:s2+$0x120D0];
	_ =	sdelay $0x4  }
.Ltmp57:
0x4c3: {  	v4 =	vsub.s32 v4, v0;
	(pc) =	sbr.rel @p0 .LBB2_66-.Ltmp57, $4  }
0x4c4: {  	vm0 =	vlt.u32 v4, $0x140  }
0x4c5: {  	v5 =	vsel vm0, $0x1, v2  }
0x4c6: {  	(xrf0) =	vadd.scan.msk.s32 $0xffff, v5  }
0x4c7: {  	s7 =	spop (v2sf)  }
0x4c8: {  	_ =	sdelay $0x3  }
0x4c9: {  	v5, _, _ =	vpop (xrf0)  }
0x4ca: {  	(v2sf) =	vpush v5, $0xF;
	_ =	sdelay $0xe  }
0x4cb: {  	s3 =	sadd.s32 s0, s7;
	s11 =	spop (v2sf)  }
0x4cc: {  	s7 =	sadd.s32 s3, s11  }
0x4cd: {  	s0 =	sadd.s32 $0xF, s7  }
0x4ce: {  	s8 =	sand.u32 $0xF, s0  }
0x4cf: {  	s9 =	sshra.s32 s0, $0x1F;
	p0 =	slt.s32 s0, $0x1;
	p1 =	sne.s32 s8, $0x0  }
0x4d0: {  	s12 =	sshrl.u32 s9, $0x1C;
	p0 =	por !p0, !p1  }
0x4d1: {  	s8 =	simm.s32 $0x1;
	s0 =	sadd.s32 s12, s0;
	p0 =	por !p0, !p0  }
0x4d2: {  	s0 =	sshra.s32 s0, $0x4;
	s8 =	simm.s32 @!p0 $0x0  }
0x4d3: {  	v6 =	vld [tilespmem:s2+$0x11900];
	s23 =	ssub.s32 s0, s8  }
0x4d4: {  	s14 =	sadd.s32 $0x1FFF, s3;
	s15 =	sadd.s32 $0x3, s23  }
0x4d5: {  	v5 =	vadd.s32 s14, v5;
	s21 =	sadd.s32 $0x2000, s7;
	s24 =	sand.u32 $0x3, s15  }
0x4d6: {  	v7 =	vadd.s32 s21, v3;
	p4 =	slt.s32 s23, $0xFFFFFFFE;
	p2 =	sne.s32 s24, $0x0  }
0x4d7: {  	s25 =	sshrl.u32 s15, $0x1E;
	p1 =	por !p4, !p2  }
0x4d8: {  	v6 =	vshll.u32 v6, $0x9;
	s3 =	simm.s32 $0x1;
	s2 =	sadd.s32 s25, s15;
	p1 =	por !p1, !p1  }
0x4d9: {  	v4 =	vadd.s32 v4, v6;
	s2 =	sshra.s32 s2, $0x2;
	s3 =	simm.s32 @!p1 $0x0  }
0x4da: {  	[tilespmem:v5+s17+$0x0] =	vst.idx.msk vm0, v4;
	s24 =	ssub.s32 s2, s3  }
0x4db: {  	[tilespmem:v7+s17+$0x0] =	vst.idx.msk $0xffff, v1;
	p1 =	slt.s32 s24, $0x1  }
0x4dc: {  	v4 =	vld @!p1 [tilespmem:$0x110C0]  }
0x4dd: {  	v5 =	vld @!p1 [tilespmem:$0x110D0]  }
0x4de: {  	v6 =	vld @!p1 [tilespmem:$0x110E0]  }
0x4df: {  	v7 =	vld @!p1 [tilespmem:$0x110F0];
	_ =	sdelay $0x1  }
0x4e0: {  	v4 =	vshra.s32 @!p1 v4, $0x9  }
0x4e1: {  	[tilespmem:$0x19840] =	vst @!p1 v4;
	v4 =	vshra.s32 @!p1 v5, $0x9  }
0x4e2: {  	s26 =	sadd.s32 $0x1, s24;
	[tilespmem:$0x19850] =	vst @!p1 v4;
	v4 =	vshra.s32 @!p1 v6, $0x9  }
0x4e3: {  	p5 =	slt.s32 s24, $0x0;
	s2 =	simm.s32 @!p1 $0x40;
	s29 =	sand.u32 $0x1, s26;
	[tilespmem:$0x19860] =	vst @!p1 v4;
	v4 =	vshra.s32 @!p1 v7, $0x9  }
0x4e4: {  	s3 =	simm.s32 @!p1 $0x19840;
	s7 =	simm.s32 @!p1 $0x13840;
	p6 =	seq.s32 s29, $0x1;
	[tilespmem:$0x19870] =	vst @!p1 v4  }
0x4e5: {  	[tilespmem:s7], [sflag:$0x1] =	stream.indirect.gather @!p1 [hbm4b:s4+s2], $0xC0, s3, s2, $0xb8;
	[tilespmem:$0x198C0] =	vst v63  }
0x4e6: {  	s31 =	sshrl.u32 s26, $0x1F;
	p1 =	por !p5, !p6  }
0x4e7: {  	s2 =	sadd.s32 s31, s26;
	s3 =	simm.s32 $0x1;
	p1 =	por !p1, !p1  }
0x4e8: {  	s2 =	sshra.s32 s2, $0x1;
	s3 =	simm.s32 @!p1 $0x0  }
0x4e9: {  	s25 =	ssub.s32 s2, s3  }
0x4ea: {  	p1 =	slt.s32 s25, $0x1  }
.Ltmp58:
0x4eb: {  	_ = 	snop;
	(pc) =	sbr.rel @p1 .LBB2_84-.Ltmp58, $1  }
0x4ec: {  	_ =	sdelay $0x3  }
.Ltmp59:
0x4ed: {  	(pc) =	sbr.rel .LBB2_69-.Ltmp59, $4  }
0x4ee: {  	s2 =	simm.s32 $0xFFFFFFFF  }
0x4ef: {  	s2 =	simm.s32 @!p0 $0x0  }
0x4f0: {  	s7 =	simm.s32 $0x110C0;
	s8 =	simm.s32 $0x11100;
	s0 =	sadd.s32 s2, s0  }
0x4f1: {  	s9 =	smov.u32 s23;
	s2 =	simm.s32 $0x0;
	s0 =	sadd.s32 $0xFFFFFFFC, s0  }
.LBB2_78:
0x4f2: {  	s3 =	smov.u32 s10  }
.LBB2_82:
0x4f3: {  	(v2sf) =	vpush v4, $0x0;
	_ =	sdelay $0x9  }
0x4f4: {  	s3 =	sadd.s32 @p0 $0xC0, s3  }
0x4f5: {  	s10 =	smov.u32 @p0 s3  }
0x4f6: {  	v4 =	vld [tilespmem:s10+$0x50]  }
0x4f7: {  	v5 =	vld [tilespmem:s10+$0x40]  }
0x4f8: {  	v6 =	vld [tilespmem:s10+$0x30]  }
0x4f9: {  	v7 =	vld [tilespmem:s10+$0x20];
	s31 =	spop (v2sf)  }
0x4fa: {  	v8 =	vld [tilespmem:s10+$0x10];
	s11 =	sshra.s32 s31, $0x1F  }
0x4fb: {  	v9 =	vld [tilespmem:s10+$0x0];
	s11 =	sshrl.u32 s11, $0x17  }
0x4fc: {  	v10 =	vld [tilespmem:s10+$0xFFFFFFF0];
	s11 =	sadd.s32 s11, s31  }
0x4fd: {  	v11 =	vld [tilespmem:s10+$0xFFFFFFE0];
	s11 =	sand.u32 $0xFFFE00, s11  }
0x4fe: {  	v12 =	vld [tilespmem:s10+$0xFFFFFFD0];
	s3 =	ssub.s32 s31, s11  }
0x4ff: {  	v13 =	vld [tilespmem:s10+$0xFFFFFFC0];
	s3 =	smul.u32 $0x300, s3  }
0x500: {  	v14 =	vld [tilespmem:s10+$0xFFFFFFB0]  }
0x501: {  	v15 =	vld [tilespmem:s10+$0xFFFFFFA0];
	s3 =	sshra.s32 s3, $0x2  }
0x502: {  	v16 =	vld [tilespmem:s3+$0x0]  }
0x503: {  	v17 =	vld [tilespmem:s3+$0x10]  }
0x504: {  	v18 =	vld [tilespmem:s3+$0x20]  }
0x505: {  	v19 =	vld [tilespmem:s3+$0x30]  }
0x506: {  	v20 =	vld [tilespmem:s3+$0x40]  }
0x507: {  	v57 =	vld [tilespmem:s3+$0x50];
	v15 =	vmax.bf16 v16, v15  }
0x508: {  	v58 =	vld [tilespmem:s3+$0x60];
	v14 =	vmax.bf16 v17, v14;
	[tilespmem:s3+$0x0] =	vst v15  }
0x509: {  	v59 =	vld [tilespmem:s3+$0x70];
	v13 =	vmax.bf16 v18, v13;
	[tilespmem:s3+$0x10] =	vst v14  }
0x50a: {  	v60 =	vld [tilespmem:s3+$0x80];
	v12 =	vmax.bf16 v19, v12;
	[tilespmem:s3+$0x20] =	vst v13  }
0x50b: {  	v61 =	vld [tilespmem:s3+$0x90];
	v11 =	vmax.bf16 v20, v11;
	[tilespmem:s3+$0x30] =	vst v12  }
0x50c: {  	v62 =	vld [tilespmem:s3+$0xA0];
	v10 =	vmax.bf16 v57, v10;
	[tilespmem:s3+$0x40] =	vst v11  }
0x50d: {  	v63 =	vld [tilespmem:s3+$0xB0];
	v9 =	vmax.bf16 v58, v9;
	[tilespmem:s3+$0x50] =	vst v10  }
0x50e: {  	v8 =	vmax.bf16 v59, v8;
	[tilespmem:s3+$0x60] =	vst v9  }
0x50f: {  	v7 =	vmax.bf16 v60, v7;
	[tilespmem:s3+$0x70] =	vst v8  }
0x510: {  	v6 =	vmax.bf16 v61, v6;
	[tilespmem:s3+$0x80] =	vst v7  }
0x511: {  	v5 =	vmax.bf16 v62, v5;
	[tilespmem:s3+$0x90] =	vst v6  }
0x512: {  	v4 =	vmax.bf16 v63, v4;
	[tilespmem:s3+$0xA0] =	vst v5  }
0x513: {  	[tilespmem:s3+$0xB0] =	vst v4  }
.LBB2_83:
0x514: {  	s2 =	sadd.s32 $0x1, s2  }
0x515: {  	p0 =	sne.s32 s2, s25  }
.Ltmp60:
0x516: {  	_ = 	snop;
	(pc) =	sbr.rel @!p0 .LBB2_84-.Ltmp60, $3  }
0x517: {  	_ =	sdelay $0x1  }
0x518: {  	s9 =	sadd.s32 $0xFFFFFFF8, s9  }
0x519: {  	s0 =	sadd.s32 $0xFFFFFFF8, s0;
	s7 =	sadd.s32 $0x80, s7;
	s8 =	sadd.s32 $0x80, s8  }
.LBB2_69:
0x51a: {  	s10 =	sshllo.u32 s2, $0x1  }
0x51b: {  	p0 =	sge.s32 s10, s24  }
0x51c: {  	s3 =	sshll.u32 @!p0 s10, $0x8  }
0x51d: {  	s3 =	sshra.s32 @!p0 s3, $0x2  }
0x51e: {  	v4 =	vld @!p0 [tilespmem:s3+$0x110C0];
	_ =	sdelay $0x4  }
0x51f: {  	v4 =	vshra.s32 @!p0 v4, $0x9  }
0x520: {  	[tilespmem:$0x19880] =	vst @!p0 v4  }
0x521: {  	v4 =	vld @!p0 [tilespmem:s3+$0x110D0];
	_ =	sdelay $0x4  }
0x522: {  	v4 =	vshra.s32 @!p0 v4, $0x9  }
0x523: {  	[tilespmem:$0x19890] =	vst @!p0 v4  }
0x524: {  	v4 =	vld @!p0 [tilespmem:s3+$0x110E0];
	_ =	sdelay $0x4  }
0x525: {  	v4 =	vshra.s32 @!p0 v4, $0x9  }
0x526: {  	[tilespmem:$0x198A0] =	vst @!p0 v4  }
0x527: {  	v4 =	vld @!p0 [tilespmem:s3+$0x110F0];
	_ =	sdelay $0x4  }
0x528: {  	s31 =	sshll.u32 s2, $0x3;
	v4 =	vshra.s32 @!p0 v4, $0x9  }
0x529: {  	s11 =	simm.s32 @!p0 $0x19880;
	s12 =	simm.s32 @!p0 $0x16840;
	s3 =	simm.s32 @!p0 $0x40;
	[tilespmem:$0x198B0] =	vst @!p0 v4  }
0x52a: {  	[tilespmem:s12], [sflag:$0x2] =	stream.indirect.gather @!p0 [hbm4b:s4+s3], $0xC0, s11, s3, $0xb8;
	[tilespmem:$0x198C0] =	vst v63  }
0x52b: {  	s3 =	ssub.s32 s23, s31  }
0x52c: {  	p1 =	slt.s32 s3, $0x4  }
0x52d: {  	s3 =	simm.s32 @!p1 $0x4  }
0x52e: {  	s3 =	sshll.u32 s3, $0x4  }
0x52f: {  	p1 =	slt.s32 s3, $0x1  }
.Ltmp61:
0x530: {  	_ = 	snop;
	(pc) =	sbr.rel @p1 .LBB2_76-.Ltmp61, $4  }
0x531: {  	_ = 	snop  }
0x532: {  	_ =	swait.ge [sflag:s19], $0x3000  }
0x533: {  	[sflag:s19] =	ssyncset.done $0x0  }
0x534: {  	[sflag:s19] =	ssyncadd.s32 $0xFFFFD000  }
0x535: {  	p1 =	slt.s32 s9, $0x4;
	s3 =	smov.u32 s9  }
0x536: {  	s3 =	simm.s32 @!p1 $0x4  }
0x537: {  	s3 =	sshll.u32 s3, $0x4  }
0x538: {  	p2 =	sne.s32 s3, $0x1  }
.Ltmp62:
0x539: {  	_ = 	snop;
	(pc) =	sbr.rel @!p2 .LBB2_71-.Ltmp62, $2  }
0x53a: {  	_ =	sdelay $0x2  }
0x53b: {  	s11 =	simm.s32 $0x138A0;
	v4 =	vld [tilespmem:s7+$0x0];
	p1 =	por $0x0, $0x0;
	s3 =	sadd.s32 $0xFFFFFFFF, s3  }
0x53c: {  	_ =	sdelay $0x3  }
0x53d: {  	(v2sf) =	vpush v4, $0x0;
	_ =	sdelay $0xb  }
0x53e: {  	v5 =	vld [tilespmem:s11+$0x40]  }
0x53f: {  	v6 =	vld [tilespmem:s11+$0x30]  }
0x540: {  	v7 =	vld [tilespmem:s11+$0x20]  }
0x541: {  	v8 =	vld [tilespmem:s11+$0x10];
	s12 =	spop (v2sf)  }
0x542: {  	v9 =	vld [tilespmem:s11+$0x0];
	s14 =	sshra.s32 s12, $0x1F  }
0x543: {  	v10 =	vld [tilespmem:s11+$0xFFFFFFF0];
	s14 =	sshrl.u32 s14, $0x17  }
0x544: {  	v11 =	vld [tilespmem:s11+$0xFFFFFFE0];
	s14 =	sadd.s32 s14, s12  }
0x545: {  	v12 =	vld [tilespmem:s11+$0xFFFFFFD0];
	s14 =	sand.u32 $0xFFFE00, s14  }
0x546: {  	v13 =	vld [tilespmem:s11+$0xFFFFFFC0];
	s12 =	ssub.s32 s12, s14  }
0x547: {  	v14 =	vld [tilespmem:s11+$0xFFFFFFB0];
	s12 =	smul.u32 $0x300, s12  }
0x548: {  	v15 =	vld [tilespmem:s11+$0xFFFFFFA0]  }
0x549: {  	v4 =	vld [tilespmem:s11+$0x50];
	s12 =	sshra.s32 s12, $0x2  }
0x54a: {  	v16 =	vld [tilespmem:s12+$0x0]  }
0x54b: {  	v17 =	vld [tilespmem:s12+$0x10]  }
0x54c: {  	v18 =	vld [tilespmem:s12+$0x20]  }
0x54d: {  	v19 =	vld [tilespmem:s12+$0x30]  }
0x54e: {  	v20 =	vld [tilespmem:s12+$0x40]  }
0x54f: {  	v57 =	vld [tilespmem:s12+$0x50];
	v15 =	vmax.bf16 v16, v15  }
0x550: {  	v58 =	vld [tilespmem:s12+$0x60];
	v14 =	vmax.bf16 v17, v14;
	[tilespmem:s12+$0x0] =	vst v15  }
0x551: {  	v59 =	vld [tilespmem:s12+$0x70];
	v13 =	vmax.bf16 v18, v13;
	[tilespmem:s12+$0x10] =	vst v14  }
0x552: {  	v60 =	vld [tilespmem:s12+$0x80];
	v12 =	vmax.bf16 v19, v12;
	[tilespmem:s12+$0x20] =	vst v13  }
0x553: {  	v61 =	vld [tilespmem:s12+$0x90];
	v11 =	vmax.bf16 v20, v11;
	[tilespmem:s12+$0x30] =	vst v12  }
0x554: {  	v62 =	vld [tilespmem:s12+$0xA0];
	v10 =	vmax.bf16 v57, v10;
	[tilespmem:s12+$0x40] =	vst v11  }
0x555: {  	v63 =	vld [tilespmem:s12+$0xB0];
	v9 =	vmax.bf16 v58, v9;
	[tilespmem:s12+$0x50] =	vst v10  }
0x556: {  	v8 =	vmax.bf16 v59, v8;
	[tilespmem:s12+$0x60] =	vst v9  }
0x557: {  	p2 =	sne.s32 s3, $0x1;
	v7 =	vmax.bf16 v60, v7;
	[tilespmem:s12+$0x70] =	vst v8  }
.Ltmp63:
0x558: {  	v6 =	vmax.bf16 v61, v6;
	[tilespmem:s12+$0x80] =	vst v7;
	(pc) =	sbr.rel @!p2 .LBB2_73-.Ltmp63, $4  }
0x559: {  	v5 =	vmax.bf16 v62, v5;
	[tilespmem:s12+$0x90] =	vst v6  }
0x55a: {  	v4 =	vmax.bf16 v63, v4;
	[tilespmem:s12+$0xA0] =	vst v5  }
0x55b: {  	s21 =	sadd.s32 $0x1, s7;
	[tilespmem:s12+$0xB0] =	vst v4  }
0x55c: {  	p1 =	por $0x1, $0x1;
	s14 =	sadd.s32 $0xFFFFFFFF, s3;
	s3 =	simm.s32 $0x138A0;
	v4 =	vld [tilespmem:s21+$0x0]  }
.LBB2_74:
0x55d: {  	p2 =	sne.s32 s14, $0x1;
	_ =	sdelay $0x3  }
0x55e: {  	(v2sf) =	vpush v4, $0x0;
	_ =	sdelay $0xa  }
0x55f: {  	s3 =	sadd.s32 $0xC0, s3  }
0x560: {  	v4 =	vld [tilespmem:s3+$0x50]  }
0x561: {  	v5 =	vld [tilespmem:s3+$0x40]  }
0x562: {  	v6 =	vld [tilespmem:s3+$0x30]  }
0x563: {  	v7 =	vld [tilespmem:s3+$0x20];
	s12 =	spop (v2sf)  }
0x564: {  	s15 =	sshra.s32 s12, $0x1F;
	v8 =	vld [tilespmem:s3+$0x10]  }
0x565: {  	s15 =	sshrl.u32 s15, $0x17;
	v9 =	vld [tilespmem:s3+$0x0]  }
0x566: {  	s15 =	sadd.s32 s15, s12;
	v10 =	vld [tilespmem:s3+$0xFFFFFFF0]  }
0x567: {  	s15 =	sand.u32 $0xFFFE00, s15;
	v11 =	vld [tilespmem:s3+$0xFFFFFFE0]  }
0x568: {  	s12 =	ssub.s32 s12, s15;
	v12 =	vld [tilespmem:s3+$0xFFFFFFD0]  }
0x569: {  	s12 =	smul.u32 $0x300, s12;
	v13 =	vld [tilespmem:s3+$0xFFFFFFC0]  }
0x56a: {  	v14 =	vld [tilespmem:s3+$0xFFFFFFB0]  }
0x56b: {  	s12 =	sshra.s32 s12, $0x2;
	v15 =	vld [tilespmem:s3+$0xFFFFFFA0]  }
0x56c: {  	v16 =	vld [tilespmem:s12+$0x0]  }
0x56d: {  	v17 =	vld [tilespmem:s12+$0x10]  }
0x56e: {  	v18 =	vld [tilespmem:s12+$0x20]  }
0x56f: {  	v19 =	vld [tilespmem:s12+$0x30]  }
0x570: {  	v20 =	vld [tilespmem:s12+$0x40]  }
0x571: {  	v15 =	vmax.bf16 v16, v15;
	v16 =	vld [tilespmem:s12+$0x50]  }
0x572: {  	[tilespmem:s12+$0x0] =	vst v15;
	v14 =	vmax.bf16 v17, v14;
	v15 =	vld [tilespmem:s12+$0x60]  }
0x573: {  	[tilespmem:s12+$0x10] =	vst v14;
	v13 =	vmax.bf16 v18, v13;
	v14 =	vld [tilespmem:s12+$0x70]  }
0x574: {  	[tilespmem:s12+$0x20] =	vst v13;
	v12 =	vmax.bf16 v19, v12;
	v13 =	vld [tilespmem:s12+$0x80]  }
0x575: {  	[tilespmem:s12+$0x30] =	vst v12;
	v11 =	vmax.bf16 v20, v11;
	v12 =	vld [tilespmem:s12+$0x90]  }
0x576: {  	[tilespmem:s12+$0x40] =	vst v11;
	v10 =	vmax.bf16 v16, v10;
	v11 =	vld [tilespmem:s12+$0xA0]  }
0x577: {  	[tilespmem:s12+$0x50] =	vst v10;
	v9 =	vmax.bf16 v15, v9;
	v10 =	vld [tilespmem:s12+$0xB0]  }
0x578: {  	[tilespmem:s12+$0x60] =	vst v9;
	v8 =	vmax.bf16 v14, v8  }
0x579: {  	[tilespmem:s12+$0x70] =	vst v8;
	v7 =	vmax.bf16 v13, v7  }
.Ltmp64:
0x57a: {  	[tilespmem:s12+$0x80] =	vst v7;
	v6 =	vmax.bf16 v12, v6;
	(pc) =	sbr.rel @p2 .LBB2_74-.Ltmp64, $4  }
0x57b: {  	[tilespmem:s12+$0x90] =	vst v6;
	v5 =	vmax.bf16 v11, v5  }
0x57c: {  	[tilespmem:s12+$0xA0] =	vst v5;
	v4 =	vmax.bf16 v10, v4  }
0x57d: {  	s21 =	sadd.s32 $0x1, s21;
	[tilespmem:s12+$0xB0] =	vst v4  }
0x57e: {  	s14 =	sadd.s32 $0xFFFFFFFF, s14;
	v4 =	vld [tilespmem:s21+$0x0]  }
.LBB2_75:
0x57f: {  	_ =	sdelay $0x3  }
0x580: {  	(v2sf) =	vpush v4, $0x0;
	_ =	sdelay $0x9  }
0x581: {  	s3 =	sadd.s32 @p1 $0xC0, s3  }
0x582: {  	s11 =	smov.u32 @p1 s3  }
0x583: {  	v5 =	vld [tilespmem:s11+$0x40]  }
0x584: {  	v6 =	vld [tilespmem:s11+$0x30]  }
0x585: {  	v7 =	vld [tilespmem:s11+$0x20]  }
0x586: {  	v8 =	vld [tilespmem:s11+$0x10];
	s31 =	spop (v2sf)  }
0x587: {  	v9 =	vld [tilespmem:s11+$0x0];
	s12 =	sshra.s32 s31, $0x1F  }
0x588: {  	v10 =	vld [tilespmem:s11+$0xFFFFFFF0];
	s12 =	sshrl.u32 s12, $0x17  }
0x589: {  	v11 =	vld [tilespmem:s11+$0xFFFFFFE0];
	s12 =	sadd.s32 s12, s31  }
0x58a: {  	v12 =	vld [tilespmem:s11+$0xFFFFFFD0];
	s12 =	sand.u32 $0xFFFE00, s12  }
0x58b: {  	v13 =	vld [tilespmem:s11+$0xFFFFFFC0];
	s3 =	ssub.s32 s31, s12  }
0x58c: {  	v14 =	vld [tilespmem:s11+$0xFFFFFFB0];
	s3 =	smul.u32 $0x300, s3  }
0x58d: {  	v15 =	vld [tilespmem:s11+$0xFFFFFFA0]  }
0x58e: {  	v4 =	vld [tilespmem:s11+$0x50];
	s3 =	sshra.s32 s3, $0x2  }
0x58f: {  	v16 =	vld [tilespmem:s3+$0x0]  }
0x590: {  	v17 =	vld [tilespmem:s3+$0x10]  }
0x591: {  	v18 =	vld [tilespmem:s3+$0x20]  }
0x592: {  	v19 =	vld [tilespmem:s3+$0x30]  }
0x593: {  	v20 =	vld [tilespmem:s3+$0x40]  }
0x594: {  	v57 =	vld [tilespmem:s3+$0x50];
	v15 =	vmax.bf16 v16, v15  }
0x595: {  	v58 =	vld [tilespmem:s3+$0x60];
	v14 =	vmax.bf16 v17, v14;
	[tilespmem:s3+$0x0] =	vst v15  }
0x596: {  	v59 =	vld [tilespmem:s3+$0x70];
	v13 =	vmax.bf16 v18, v13;
	[tilespmem:s3+$0x10] =	vst v14  }
0x597: {  	v60 =	vld [tilespmem:s3+$0x80];
	v12 =	vmax.bf16 v19, v12;
	[tilespmem:s3+$0x20] =	vst v13  }
0x598: {  	v61 =	vld [tilespmem:s3+$0x90];
	v11 =	vmax.bf16 v20, v11;
	[tilespmem:s3+$0x30] =	vst v12  }
0x599: {  	v62 =	vld [tilespmem:s3+$0xA0];
	v10 =	vmax.bf16 v57, v10;
	[tilespmem:s3+$0x40] =	vst v11  }
0x59a: {  	v63 =	vld [tilespmem:s3+$0xB0];
	v9 =	vmax.bf16 v58, v9;
	[tilespmem:s3+$0x50] =	vst v10  }
0x59b: {  	v8 =	vmax.bf16 v59, v8;
	[tilespmem:s3+$0x60] =	vst v9  }
0x59c: {  	v7 =	vmax.bf16 v60, v7;
	[tilespmem:s3+$0x70] =	vst v8  }
0x59d: {  	v6 =	vmax.bf16 v61, v6;
	[tilespmem:s3+$0x80] =	vst v7  }
0x59e: {  	v5 =	vmax.bf16 v62, v5;
	[tilespmem:s3+$0x90] =	vst v6  }
0x59f: {  	v4 =	vmax.bf16 v63, v4;
	[tilespmem:s3+$0xA0] =	vst v5  }
0x5a0: {  	[tilespmem:s3+$0xB0] =	vst v4  }
.LBB2_76:
0x5a1: {  	s3 =	sshll.u32 s2, $0x1  }
0x5a2: {  	s3 =	sadd.s32 $0x2, s3  }
0x5a3: {  	p1 =	sge.s32 s3, s24  }
0x5a4: {  	s3 =	sshll.u32 @!p1 s3, $0x8  }
0x5a5: {  	s3 =	sshra.s32 @!p1 s3, $0x2  }
0x5a6: {  	v4 =	vld @!p1 [tilespmem:s3+$0x110C0];
	_ =	sdelay $0x4  }
0x5a7: {  	v4 =	vshra.s32 @!p1 v4, $0x9  }
0x5a8: {  	[tilespmem:$0x19840] =	vst @!p1 v4  }
0x5a9: {  	v4 =	vld @!p1 [tilespmem:s3+$0x110D0];
	_ =	sdelay $0x4  }
0x5aa: {  	v4 =	vshra.s32 @!p1 v4, $0x9  }
0x5ab: {  	[tilespmem:$0x19850] =	vst @!p1 v4  }
0x5ac: {  	v4 =	vld @!p1 [tilespmem:s3+$0x110E0];
	_ =	sdelay $0x4  }
0x5ad: {  	v4 =	vshra.s32 @!p1 v4, $0x9  }
0x5ae: {  	[tilespmem:$0x19860] =	vst @!p1 v4  }
0x5af: {  	v4 =	vld @!p1 [tilespmem:s3+$0x110F0];
	_ =	sdelay $0x4  }
0x5b0: {  	v4 =	vshra.s32 @!p1 v4, $0x9  }
0x5b1: {  	s11 =	simm.s32 @!p1 $0x19840;
	s12 =	simm.s32 @!p1 $0x13840;
	s3 =	simm.s32 @!p1 $0x40;
	[tilespmem:$0x19870] =	vst @!p1 v4  }
0x5b2: {  	[tilespmem:s12], [sflag:$0x1] =	stream.indirect.gather @!p1 [hbm4b:s4+s3], $0xC0, s11, s3, $0xb8;
	[tilespmem:$0x198C0] =	vst v63  }
0x5b3: {  	s3 =	sshll.u32 @!p0 s10, $0x2  }
0x5b4: {  	s3 =	ssub.s32 @!p0 s23, s3  }
0x5b5: {  	p1 =	slt.s32 @!p0 s3, $0x4  }
0x5b6: {  	p1 =	por !p1, p0  }
0x5b7: {  	s3 =	simm.s32 @p1 $0x4  }
0x5b8: {  	s3 =	sshll.u32 @!p0 s3, $0x4  }
0x5b9: {  	p1 =	slt.s32 @!p0 s3, $0x1  }
0x5ba: {  	p1 =	por p0, p1  }
.Ltmp65:
0x5bb: {  	_ = 	snop;
	(pc) =	sbr.rel @p1 .LBB2_83-.Ltmp65, $4  }
0x5bc: {  	s10 =	simm.s32 @!p0 $0x2  }
0x5bd: {  	_ =	swait.ge @!p0 [sflag:s10], $0x3000  }
0x5be: {  	[sflag:s10] =	ssyncset.done @!p0 $0x0  }
0x5bf: {  	[sflag:s10] =	ssyncadd.s32 @!p0 $0xFFFFD000  }
0x5c0: {  	p1 =	slt.s32 s0, $0x4;
	s3 =	smov.u32 s0  }
0x5c1: {  	s3 =	simm.s32 @!p1 $0x4  }
0x5c2: {  	s3 =	sshll.u32 s3, $0x4  }
0x5c3: {  	p1 =	sne.s32 s3, $0x1  }
.Ltmp66:
0x5c4: {  	v4 =	vld [tilespmem:s8+$0x0];
	(pc) =	sbr.rel @!p1 .LBB2_78-.Ltmp66, $2  }
0x5c5: {  	_ =	sdelay $0x2  }
0x5c6: {  	s10 =	simm.s32 @!p0 $0x168A0;
	p0 =	por $0x0, $0x0;
	s3 =	sadd.s32 $0xFFFFFFFF, s3  }
0x5c7: {  	(v2sf) =	vpush v4, $0x0;
	_ =	sdelay $0xb  }
0x5c8: {  	v4 =	vld [tilespmem:s10+$0x50]  }
0x5c9: {  	v5 =	vld [tilespmem:s10+$0x40]  }
0x5ca: {  	v6 =	vld [tilespmem:s10+$0x30]  }
0x5cb: {  	v7 =	vld [tilespmem:s10+$0x20];
	s11 =	spop (v2sf)  }
0x5cc: {  	v8 =	vld [tilespmem:s10+$0x10];
	s12 =	sshra.s32 s11, $0x1F  }
0x5cd: {  	v9 =	vld [tilespmem:s10+$0x0];
	s12 =	sshrl.u32 s12, $0x17  }
0x5ce: {  	v10 =	vld [tilespmem:s10+$0xFFFFFFF0];
	s12 =	sadd.s32 s12, s11  }
0x5cf: {  	v11 =	vld [tilespmem:s10+$0xFFFFFFE0];
	s12 =	sand.u32 $0xFFFE00, s12  }
0x5d0: {  	v12 =	vld [tilespmem:s10+$0xFFFFFFD0];
	s11 =	ssub.s32 s11, s12  }
0x5d1: {  	v13 =	vld [tilespmem:s10+$0xFFFFFFC0];
	s11 =	smul.u32 $0x300, s11  }
0x5d2: {  	v14 =	vld [tilespmem:s10+$0xFFFFFFB0]  }
0x5d3: {  	v15 =	vld [tilespmem:s10+$0xFFFFFFA0];
	s11 =	sshra.s32 s11, $0x2  }
0x5d4: {  	v16 =	vld [tilespmem:s11+$0x0]  }
0x5d5: {  	v17 =	vld [tilespmem:s11+$0x10]  }
0x5d6: {  	v18 =	vld [tilespmem:s11+$0x20]  }
0x5d7: {  	v19 =	vld [tilespmem:s11+$0x30]  }
0x5d8: {  	v20 =	vld [tilespmem:s11+$0x40]  }
0x5d9: {  	v57 =	vld [tilespmem:s11+$0x50];
	v15 =	vmax.bf16 v16, v15  }
0x5da: {  	v58 =	vld [tilespmem:s11+$0x60];
	v14 =	vmax.bf16 v17, v14;
	[tilespmem:s11+$0x0] =	vst v15  }
0x5db: {  	v59 =	vld [tilespmem:s11+$0x70];
	v13 =	vmax.bf16 v18, v13;
	[tilespmem:s11+$0x10] =	vst v14  }
0x5dc: {  	v60 =	vld [tilespmem:s11+$0x80];
	v12 =	vmax.bf16 v19, v12;
	[tilespmem:s11+$0x20] =	vst v13  }
0x5dd: {  	v61 =	vld [tilespmem:s11+$0x90];
	v11 =	vmax.bf16 v20, v11;
	[tilespmem:s11+$0x30] =	vst v12  }
0x5de: {  	v62 =	vld [tilespmem:s11+$0xA0];
	v10 =	vmax.bf16 v57, v10;
	[tilespmem:s11+$0x40] =	vst v11  }
0x5df: {  	v63 =	vld [tilespmem:s11+$0xB0];
	v9 =	vmax.bf16 v58, v9;
	[tilespmem:s11+$0x50] =	vst v10  }
0x5e0: {  	v8 =	vmax.bf16 v59, v8;
	[tilespmem:s11+$0x60] =	vst v9  }
0x5e1: {  	v7 =	vmax.bf16 v60, v7;
	[tilespmem:s11+$0x70] =	vst v8  }
0x5e2: {  	v6 =	vmax.bf16 v61, v6;
	[tilespmem:s11+$0x80] =	vst v7  }
0x5e3: {  	v5 =	vmax.bf16 v62, v5;
	[tilespmem:s11+$0x90] =	vst v6  }
0x5e4: {  	v4 =	vmax.bf16 v63, v4;
	[tilespmem:s11+$0xA0] =	vst v5  }
0x5e5: {  	p1 =	sne.s32 s3, $0x1;
	[tilespmem:s11+$0xB0] =	vst v4;
	s11 =	sadd.s32 $0x1, s8  }
.Ltmp67:
0x5e6: {  	v4 =	vld [tilespmem:s11+$0x0];
	(pc) =	sbr.rel @!p1 .LBB2_80-.Ltmp67, $2  }
0x5e7: {  	_ =	sdelay $0x2  }
0x5e8: {  	s14 =	sadd.s32 $0xFFFFFFFF, s3;
	p0 =	por $0x1, $0x1;
	s3 =	smov.u32 s10  }
.LBB2_81:
0x5e9: {  	p1 =	sne.s32 s14, $0x1;
	_ =	sdelay $0x3  }
0x5ea: {  	(v2sf) =	vpush v4, $0x0;
	_ =	sdelay $0xa  }
0x5eb: {  	s3 =	sadd.s32 $0xC0, s3  }
0x5ec: {  	v4 =	vld [tilespmem:s3+$0x50]  }
0x5ed: {  	v5 =	vld [tilespmem:s3+$0x40]  }
0x5ee: {  	v6 =	vld [tilespmem:s3+$0x30]  }
0x5ef: {  	v7 =	vld [tilespmem:s3+$0x20];
	s12 =	spop (v2sf)  }
0x5f0: {  	s15 =	sshra.s32 s12, $0x1F;
	v8 =	vld [tilespmem:s3+$0x10]  }
0x5f1: {  	s15 =	sshrl.u32 s15, $0x17;
	v9 =	vld [tilespmem:s3+$0x0]  }
0x5f2: {  	s15 =	sadd.s32 s15, s12;
	v10 =	vld [tilespmem:s3+$0xFFFFFFF0]  }
0x5f3: {  	s15 =	sand.u32 $0xFFFE00, s15;
	v11 =	vld [tilespmem:s3+$0xFFFFFFE0]  }
0x5f4: {  	s12 =	ssub.s32 s12, s15;
	v12 =	vld [tilespmem:s3+$0xFFFFFFD0]  }
0x5f5: {  	s12 =	smul.u32 $0x300, s12;
	v13 =	vld [tilespmem:s3+$0xFFFFFFC0]  }
0x5f6: {  	v14 =	vld [tilespmem:s3+$0xFFFFFFB0]  }
0x5f7: {  	s12 =	sshra.s32 s12, $0x2;
	v15 =	vld [tilespmem:s3+$0xFFFFFFA0]  }
0x5f8: {  	v16 =	vld [tilespmem:s12+$0x0]  }
0x5f9: {  	v17 =	vld [tilespmem:s12+$0x10]  }
0x5fa: {  	v18 =	vld [tilespmem:s12+$0x20]  }
0x5fb: {  	v19 =	vld [tilespmem:s12+$0x30]  }
0x5fc: {  	v20 =	vld [tilespmem:s12+$0x40]  }
0x5fd: {  	v15 =	vmax.bf16 v16, v15;
	v16 =	vld [tilespmem:s12+$0x50]  }
0x5fe: {  	[tilespmem:s12+$0x0] =	vst v15;
	v14 =	vmax.bf16 v17, v14;
	v15 =	vld [tilespmem:s12+$0x60]  }
0x5ff: {  	[tilespmem:s12+$0x10] =	vst v14;
	v13 =	vmax.bf16 v18, v13;
	v14 =	vld [tilespmem:s12+$0x70]  }
0x600: {  	[tilespmem:s12+$0x20] =	vst v13;
	v12 =	vmax.bf16 v19, v12;
	v13 =	vld [tilespmem:s12+$0x80]  }
0x601: {  	[tilespmem:s12+$0x30] =	vst v12;
	v11 =	vmax.bf16 v20, v11;
	v12 =	vld [tilespmem:s12+$0x90]  }
0x602: {  	[tilespmem:s12+$0x40] =	vst v11;
	v10 =	vmax.bf16 v16, v10;
	v11 =	vld [tilespmem:s12+$0xA0]  }
0x603: {  	[tilespmem:s12+$0x50] =	vst v10;
	v9 =	vmax.bf16 v15, v9;
	v10 =	vld [tilespmem:s12+$0xB0]  }
0x604: {  	[tilespmem:s12+$0x60] =	vst v9;
	v8 =	vmax.bf16 v14, v8  }
0x605: {  	[tilespmem:s12+$0x70] =	vst v8;
	v7 =	vmax.bf16 v13, v7  }
.Ltmp68:
0x606: {  	[tilespmem:s12+$0x80] =	vst v7;
	v6 =	vmax.bf16 v12, v6;
	(pc) =	sbr.rel @p1 .LBB2_81-.Ltmp68, $4  }
0x607: {  	[tilespmem:s12+$0x90] =	vst v6;
	v5 =	vmax.bf16 v11, v5  }
0x608: {  	[tilespmem:s12+$0xA0] =	vst v5;
	v4 =	vmax.bf16 v10, v4  }
0x609: {  	s11 =	sadd.s32 $0x1, s11;
	[tilespmem:s12+$0xB0] =	vst v4  }
0x60a: {  	s14 =	sadd.s32 $0xFFFFFFFF, s14;
	v4 =	vld [tilespmem:s11+$0x0]  }
.Ltmp69:
0x60b: {  	_ = 	snop;
	(pc) =	sbr.rel .LBB2_82-.Ltmp69, $1  }
0x60c: {  	_ =	sdelay $0x3  }
.LBB2_71:
.Ltmp70:
0x60d: {  	(pc) =	sbr.rel .LBB2_75-.Ltmp70, $2  }
0x60e: {  	_ =	sdelay $0x2  }
0x60f: {  	s3 =	simm.s32 $0x138A0  }
.LBB2_73:
.Ltmp71:
0x610: {  	(pc) =	sbr.rel .LBB2_75-.Ltmp71, $2  }
0x611: {  	_ =	sdelay $0x2  }
0x612: {  	s3 =	simm.s32 $0x138A0  }
.LBB2_80:
.Ltmp72:
0x613: {  	(pc) =	sbr.rel .LBB2_82-.Ltmp72, $2  }
0x614: {  	_ =	sdelay $0x2  }
0x615: {  	s3 =	smov.u32 s10  }
.LBB2_86:
0x616: {  	_ =	sfence.sel $0x180000  }
0x617: {  	[bflag:$0x0] =	sbarrier.arrive $0xFFFF  }
0x618: {  	_ =	strace $0x90000047  }
0x619: {  	s0 =	stileid.u32;
	[bflag:$0x2] =	sbarrier.arrive $0xFFFF  }
0x61a: {  	p0 =	sne.s32 s0, $0x0;
	s0 =	rddreg [dreg:$0x2]  }
0x61b: {  	s0 =	sadd.s32 @!p0 $0x100000, s0  }
0x61c: {  	[sflag:s0] =	ssyncadd.tile.s32 @!p0 $0x1;
	_ =	shalt  }
.Lfunc_end2:
_tile_overlayer_lowered:
.L_overlay_start_2:
0x61d: {  	(tag) =	ssettag $0x2  }
0x61e: {  	s0 =	rddreg [dreg:$0x0];
	s2 =	stileid.u32  }
0x61f: {  	s1 =	rddreg [dreg:$0x1];
	p0 =	sne.s32 s2, $0x0  }
0x620: {  	s3 =	rddreg [dreg:$0x2];
	[bflag:$0x3] =	sbarrier.arrive $0xFFFF;
	s2 =	simm.s32 @!p0 $0x1C05  }
0x621: {  	[timem:s3], [sflag:s2] =	dma.local @!p0 [hbm:s0], s1  }
0x622: {  	s0 =	simm.s32 @!p0 $0x5  }
0x623: {  	_ =	swait.ge @!p0 [sflag:s0], s1  }
0x624: {  	s1 =	ssub.s32 @!p0 $0x0, s1;
	[sflag:s0] =	ssyncset.done @!p0 $0x0  }
0x625: {  	[sflag:s0] =	ssyncadd.s32 @!p0 s1  }
0x626: {  	[bflag:$0x3] =	sbarrier.arrive $0xFFFF  }
0x627: {  	_ =	shalt  }

</sc_bundles>
